<compile_context>
chip_gen: v7x
topology: tpu7x:2x2x1
jax: 0.10.2.dev20260603
libtpu: 0.0.44.dev20260713+nightly
codegen_flags: <defaults>
</compile_context>

<pallas_src>
import functools

import jax
import jax.numpy as jnp
from jax import lax
from jax.experimental import pallas as pl
from jax.experimental.pallas import tpu as pltpu
from jax.experimental.pallas import tpu_sc as plsc

N = 10000
E = 320000
D = 128
NP = 10240
NW = 32
NS = 16
CHUNK = 128
NCHUNK = 80
EPW = CHUNK * NCHUNK
EPAD = EPW * NW
RPT = NP // NS

_MESH = plsc.VectorSubcoreMesh(core_axis_name="c", subcore_axis_name="s")


@functools.partial(
    pl.kernel,
    mesh=_MESH,
    out_type=jax.ShapeDtypeStruct((2, NP), jnp.float32),
    scratch_types=[
        pltpu.VMEM((NCHUNK, CHUNK), jnp.int32),
        pltpu.VMEM((CHUNK,), jnp.float32),
        pltpu.VMEM_SHARED((NP,), jnp.float32),
    ],
)
def _sc_degree(dst_hbm, ones_hbm, zcol_hbm, out_hbm, dst_v, ones_v, deg_sh):
    c = lax.axis_index("c")
    s = lax.axis_index("s")
    wid = s * 2 + c
    pltpu.sync_copy(zcol_hbm, deg_sh.at[pl.ds(s * RPT, RPT)])
    pltpu.sync_copy(dst_hbm.at[pl.ds(wid * NCHUNK, NCHUNK)], dst_v)
    pltpu.sync_copy(ones_hbm, ones_v)
    plsc.subcore_barrier()

    def chunk(j, carry):
        pltpu.sync_copy(ones_v, deg_sh.at[dst_v.at[j]], add=True)
        return carry

    lax.fori_loop(0, NCHUNK, chunk, 0)
    plsc.subcore_barrier()
    pltpu.sync_copy(deg_sh.at[pl.ds(s * RPT, RPT)],
                    out_hbm.at[c, pl.ds(s * RPT, RPT)])


NB = 2
ST = 16
NSTEP = ST // NB
TCHUNKS = EPAD // CHUNK
CA = TCHUNKS // NW
SA = CA // ST
assert CA % ST == 0


@functools.partial(
    pl.kernel,
    mesh=_MESH,
    out_type=jax.ShapeDtypeStruct((2, NP, D), jnp.float32),
    scratch_types=[
        pltpu.VMEM((ST, CHUNK), jnp.int32),
        pltpu.VMEM((ST, CHUNK), jnp.int32),
        pltpu.VMEM_SHARED((NP, D), jnp.float32),
    ] + [pltpu.VMEM((CHUNK, D), jnp.float32)] * NB
      + [pltpu.SemaphoreType.DMA] * (2 * NB),
)
def _sc_scatter(y_hbm, src_hbm, dst_hbm, zrows_hbm, out_hbm,
                src_v, dst_v, acc_sh, *bufs_sems):
    rows = bufs_sems[:NB]
    gsem = bufs_sems[NB:2 * NB]
    ssem = bufs_sems[2 * NB:]
    c = lax.axis_index("c")
    s = lax.axis_index("s")

    def gwait(b, j):
        pltpu.make_async_copy(y_hbm.at[src_v.at[j]], rows[b], gsem[b]).wait()

    def swait(b):
        pltpu.make_async_copy(rows[b], acc_sh.at[dst_v.at[0]], ssem[b]).wait()

    pltpu.sync_copy(zrows_hbm, acc_sh.at[pl.ds(s * RPT, RPT)])
    plsc.subcore_barrier()

    wid = s * 2 + c
    if True:
        for stage in range(SA):
            coff = wid * CA + stage * ST
            pltpu.sync_copy(src_hbm.at[pl.ds(coff, ST)], src_v)
            pltpu.sync_copy(dst_hbm.at[pl.ds(coff, ST)], dst_v)
            pltpu.async_copy(y_hbm.at[src_v.at[0]], rows[0], gsem[0])

            def step(g, carry):
                for b in range(NB):
                    j = g * NB + b
                    b2 = 1 - b
                    if b == 0:
                        @pl.when(g > 0)
                        def _():
                            swait(b2)
                    else:
                        swait(b2)

                    @pl.when(j + 1 < ST)
                    def _():
                        pltpu.async_copy(y_hbm.at[src_v.at[j + 1]], rows[b2],
                                         gsem[b2])
                    gwait(b, j)
                    pltpu.async_copy(rows[b], acc_sh.at[dst_v.at[j]],
                                     ssem[b], add=True)
                return carry

            lax.fori_loop(0, NSTEP, step, 0)
            swait(1)

    plsc.subcore_barrier()
    pltpu.sync_copy(acc_sh.at[pl.ds(s * RPT, RPT)],
                    out_hbm.at[c, pl.ds(s * RPT, RPT)])


_BLK = 1024
_GRID = NP // _BLK


def _t1_body(x_ref, w_ref, deg_ref, y_ref, dinv_ref):
    i = pl.program_id(0)
    xw = jnp.dot(x_ref[...], w_ref[...], preferred_element_type=jnp.float32)
    deg = deg_ref[0] + deg_ref[1] + 1.0
    rows = lax.broadcasted_iota(jnp.int32, (_BLK, 1), 0) + i * _BLK
    dinv = jnp.where(rows < N, lax.rsqrt(deg), 0.0)
    y_ref[...] = xw * dinv
    dinv_ref[...] = dinv


def _t2_body(a_ref, y_ref, d_ref, b_ref, w_ref, o_ref):
    d = d_ref[...]
    h = jnp.maximum(d * (a_ref[0] + a_ref[1] + y_ref[...]) + b_ref[...], 0.0)
    o_ref[...] = jnp.dot(h, w_ref[...], preferred_element_type=jnp.float32) * d


def _t3_body(a_ref, y_ref, d_ref, b_ref, o_ref):
    o_ref[...] = (d_ref[...] * (a_ref[0] + a_ref[1] + y_ref[...])
                  + b_ref[...])


_acc_spec = pl.BlockSpec((2, _BLK, D), lambda i: (0, i, 0))
_row_spec = pl.BlockSpec((_BLK, D), lambda i: (i, 0))
_col_spec = pl.BlockSpec((_BLK, 1), lambda i: (i, 0))
_w_spec = pl.BlockSpec((D, D), lambda i: (0, 0))
_b_spec = pl.BlockSpec((1, D), lambda i: (0, 0))
_deg_spec = pl.BlockSpec((2, _BLK, 1), lambda i: (0, i, 0))

_t1 = pl.pallas_call(
    _t1_body,
    grid=(_GRID,),
    in_specs=[_row_spec, _w_spec, _deg_spec],
    out_specs=[_row_spec, _col_spec],
    out_shape=[jax.ShapeDtypeStruct((NP, D), jnp.float32),
               jax.ShapeDtypeStruct((NP, 1), jnp.float32)],
)

_t2 = pl.pallas_call(
    _t2_body,
    grid=(_GRID,),
    in_specs=[_acc_spec, _row_spec, _col_spec, _b_spec, _w_spec],
    out_specs=_row_spec,
    out_shape=jax.ShapeDtypeStruct((NP, D), jnp.float32),
)

_t3 = pl.pallas_call(
    _t3_body,
    grid=(_GRID,),
    in_specs=[_acc_spec, _row_spec, _col_spec, _b_spec],
    out_specs=_row_spec,
    out_shape=jax.ShapeDtypeStruct((NP, D), jnp.float32),
)


def kernel(x, edge_index, W1, b1, W2, b2):
    src = edge_index[0].astype(jnp.int32)
    dst = edge_index[1].astype(jnp.int32)
    pad_src = jnp.full((EPAD - E,), NP - 1, jnp.int32)
    pad_dst = N + jnp.arange(EPAD - E, dtype=jnp.int32) % (NP - N)
    src_r = jnp.concatenate([src, pad_src]).reshape(TCHUNKS, CHUNK)
    dst_r = jnp.concatenate([dst, pad_dst]).reshape(TCHUNKS, CHUNK)
    x_pad = jnp.pad(x, ((0, NP - N), (0, 0)))
    ones_col = jnp.ones((CHUNK,), jnp.float32)
    zeros_col = jnp.zeros((RPT,), jnp.float32)
    zeros_rows = jnp.zeros((RPT, D), jnp.float32)
    b1r = b1.reshape(1, D)
    b2r = b2.reshape(1, D)

    deg = _sc_degree(dst_r, ones_col, zeros_col).reshape(2, NP, 1)
    y1, dinv = _t1(x_pad, W1, deg)
    acc1 = _sc_scatter(y1, src_r, dst_r, zeros_rows)
    y2 = _t2(acc1, y1, dinv, b1r, W2)
    acc2 = _sc_scatter(y2, src_r, dst_r, zeros_rows)
    out = _t3(acc2, y2, dinv, b2r)
    return out[:N]

# --- scband reference (transcript-rebuilt; emitter-appended) ---
"""Pipeline reference for scband-gnn-8881992368566 (READ-ONLY COPY).

The authoritative reference and input builder live on the scoring server;
editing this copy changes nothing except your own understanding.
"""

import jax, jax.numpy as jnp
import numpy as np

N_NODES = 10000
N_EDGES = 320000
D_IN = 128
D_HID = 128
D_OUT = 128


def gcn_conv(x, edge_index, W, b):
    # Faithful GCNConv: add self-loops, symmetric normalization, linear transform, scatter-add aggregation.
    N = x.shape[0]
    src = edge_index[0]
    dst = edge_index[1]
    sl = jnp.arange(N, dtype=edge_index.dtype)
    src = jnp.concatenate([src, sl])
    dst = jnp.concatenate([dst, sl])
    xw = x @ W
    deg = jnp.zeros((N,), dtype=x.dtype).at[dst].add(1.0)
    dinv = jnp.where(deg > 0, deg ** -0.5, 0.0)
    norm = dinv[src] * dinv[dst]
    msgs = jnp.take(xw, src, axis=0) * norm[:, None]
    out = jnp.zeros((N, W.shape[1]), dtype=x.dtype).at[dst].add(msgs)
    return out + b


def setup_inputs(seed: int = 0) -> dict:
    key = jax.random.key(seed)
    k1, k2, k3, k4, k5, k6 = jax.random.split(key, 6)
    x = jax.random.normal(k1, (N_NODES, D_IN), dtype=jnp.float32)
    edge_index = jax.random.randint(k2, (2, N_EDGES), 0, N_NODES, dtype=jnp.int64)
    g1 = (1.0 / np.sqrt(D_IN)).astype(np.float32) if isinstance(np.sqrt(D_IN), np.ndarray) else np.float32(1.0 / np.sqrt(D_IN))
    g2 = np.float32(1.0 / np.sqrt(D_HID))
    W1 = jax.random.uniform(k3, (D_IN, D_HID), dtype=jnp.float32, minval=-g1, maxval=g1)
    b1 = jnp.zeros((D_HID,), dtype=jnp.float32)
    W2 = jax.random.uniform(k4, (D_HID, D_OUT), dtype=jnp.float32, minval=-g2, maxval=g2)
    b2 = jnp.zeros((D_OUT,), dtype=jnp.float32)
    return {"x": x, "edge_index": edge_index, "W1": W1, "b1": b1, "W2": W2, "b2": b2}


def reference(x, edge_index, W1, b1, W2, b2):
    # encoder -> relu -> dropout (eval mode: identity) -> decoder
    h = gcn_conv(x, edge_index, W1, b1)
    h = jax.nn.relu(h)
    out = gcn_conv(h, edge_index, W2, b2)
    return out

if __name__ == "__main__":
    import jax
    _d = setup_inputs()
    print(jax.jit(kernel)(*tuple(_d.values())))

</pallas_src>

<mosaic_0001>
#map = affine_map<(d0, d1) -> (0, 0)>
#map1 = affine_map<(d0, d1) -> (0, 0, 0)>
module attributes {stable_mosaic.version = 14 : i64} {
  func.func @_sc_scatter(%arg0: i32, %arg1: i32, %arg2: memref<10240x128xf32, #tpu.memory_space<hbm>>, %arg3: memref<2560x128xi32, #tpu.memory_space<hbm>>, %arg4: memref<2560x128xi32, #tpu.memory_space<hbm>>, %arg5: memref<640x128xf32, #tpu.memory_space<hbm>>, %arg6: memref<2x10240x128xf32, #tpu.memory_space<hbm>>, %arg7: memref<16x128xi32, #tpu.memory_space<vmem>>, %arg8: memref<16x128xi32, #tpu.memory_space<vmem>>, %arg9: memref<10240x128xf32, #tpu.memory_space<vmem_shared>>, %arg10: memref<128x128xf32, #tpu.memory_space<vmem>>, %arg11: memref<128x128xf32, #tpu.memory_space<vmem>>, %arg12: memref<!tpu.dma_semaphore, #tpu.memory_space<semaphore_mem>>, %arg13: memref<!tpu.dma_semaphore, #tpu.memory_space<semaphore_mem>>, %arg14: memref<!tpu.dma_semaphore, #tpu.memory_space<semaphore_mem>>, %arg15: memref<!tpu.dma_semaphore, #tpu.memory_space<semaphore_mem>>) attributes {dimension_semantics = [#tpu.dimension_semantics<core_parallel>, #tpu.dimension_semantics<subcore_parallel>], iteration_bounds = array<i64: 2, 16>, scalar_prefetch = 0 : i64, scratch_operands = 9 : i64, tpu.core_type = #tpu.core_type<sc_vector_subcore>, window_params = [{transform_indices = #map}, {transform_indices = #map}, {transform_indices = #map}, {transform_indices = #map}, {transform_indices = #map1}]} {
    %mul3A = arith.constant 640 : i32
    %mul3A_0 = arith.muli %arg1, %mul3A : i32
    "tpu.region"() ({
      %run_scoped3A = tpu.sem_alloc : memref<!tpu.dma_semaphore, #tpu.memory_space<semaphore_mem>>
      %dma_start3A_125 = arith.constant 0 : i32
      %dma_start3A_126 = tpu.memref_slice %arg9[%mul3A_0, %dma_start3A_125] : memref<10240x128xf32, #tpu.memory_space<vmem_shared>> -> memref<640x128xf32, #tpu.memory_space<vmem_shared>>
      tpu.enqueue_dma source(%arg5 : memref<640x128xf32, #tpu.memory_space<hbm>>) target(%dma_start3A_126 : memref<640x128xf32, #tpu.memory_space<vmem_shared>>) target_semaphore(%run_scoped3A : memref<!tpu.dma_semaphore, #tpu.memory_space<semaphore_mem>>)
      %dma_wait3A_127 = arith.constant 0 : i32
      %dma_wait3A_128 = tpu.memref_slice %arg9[%mul3A_0, %dma_wait3A_127] : memref<10240x128xf32, #tpu.memory_space<vmem_shared>> -> memref<640x128xf32, #tpu.memory_space<vmem_shared>>
      tpu.wait_dma2 semaphore(%run_scoped3A : memref<!tpu.dma_semaphore, #tpu.memory_space<semaphore_mem>>) src(%arg5 : memref<640x128xf32, #tpu.memory_space<hbm>>) dst(%dma_wait3A_128 : memref<640x128xf32, #tpu.memory_space<vmem_shared>>)
      tpu.yield
    }) : () -> ()
    %barrier3A = arith.constant 0 : index
    tpu.barrier barrier_id(%barrier3A)
    %mul3A_1 = arith.constant 2 : i32
    %mul3A_2 = arith.muli %arg1, %mul3A_1 : i32
    %add3A = arith.addi %mul3A_2, %arg0 : i32
    %mul3A_3 = arith.constant 80 : i32
    %mul3A_4 = arith.muli %add3A, %mul3A_3 : i32
    %add3A_5 = arith.constant 0 : i32
    %add3A_6 = arith.addi %mul3A_4, %add3A_5 : i32
    "tpu.region"() ({
      %run_scoped3A = tpu.sem_alloc : memref<!tpu.dma_semaphore, #tpu.memory_space<semaphore_mem>>
      %dma_start3A_125 = arith.constant 0 : i32
      %dma_start3A_126 = tpu.memref_slice %arg3[%add3A_6, %dma_start3A_125] : memref<2560x128xi32, #tpu.memory_space<hbm>> -> memref<16x128xi32, #tpu.memory_space<hbm>>
      %dma_start3A_127 = arith.constant 0 : i32
      %dma_start3A_128 = tpu.memref_slice %arg3[%add3A_6, %dma_start3A_127] : memref<2560x128xi32, #tpu.memory_space<hbm>> -> memref<16x128xi32, #tpu.memory_space<hbm>>
      tpu.enqueue_dma source(%dma_start3A_128 : memref<16x128xi32, #tpu.memory_space<hbm>>) target(%arg7 : memref<16x128xi32, #tpu.memory_space<vmem>>) target_semaphore(%run_scoped3A : memref<!tpu.dma_semaphore, #tpu.memory_space<semaphore_mem>>)
      %dma_wait3A_129 = arith.constant 0 : i32
      %dma_wait3A_130 = tpu.memref_slice %arg3[%add3A_6, %dma_wait3A_129] : memref<2560x128xi32, #tpu.memory_space<hbm>> -> memref<16x128xi32, #tpu.memory_space<hbm>>
      %dma_wait3A_131 = arith.constant 0 : i32
      %dma_wait3A_132 = tpu.memref_slice %arg3[%add3A_6, %dma_wait3A_131] : memref<2560x128xi32, #tpu.memory_space<hbm>> -> memref<16x128xi32, #tpu.memory_space<hbm>>
      tpu.wait_dma2 semaphore(%run_scoped3A : memref<!tpu.dma_semaphore, #tpu.memory_space<semaphore_mem>>) src(%dma_wait3A_132 : memref<16x128xi32, #tpu.memory_space<hbm>>) dst(%arg7 : memref<16x128xi32, #tpu.memory_space<vmem>>)
      tpu.yield
    }) : () -> ()
    "tpu.region"() ({
      %run_scoped3A = tpu.sem_alloc : memref<!tpu.dma_semaphore, #tpu.memory_space<semaphore_mem>>
      %dma_start3A_125 = arith.constant 0 : i32
      %dma_start3A_126 = tpu.memref_slice %arg4[%add3A_6, %dma_start3A_125] : memref<2560x128xi32, #tpu.memory_space<hbm>> -> memref<16x128xi32, #tpu.memory_space<hbm>>
      %dma_start3A_127 = arith.constant 0 : i32
      %dma_start3A_128 = tpu.memref_slice %arg4[%add3A_6, %dma_start3A_127] : memref<2560x128xi32, #tpu.memory_space<hbm>> -> memref<16x128xi32, #tpu.memory_space<hbm>>
      tpu.enqueue_dma source(%dma_start3A_128 : memref<16x128xi32, #tpu.memory_space<hbm>>) target(%arg8 : memref<16x128xi32, #tpu.memory_space<vmem>>) target_semaphore(%run_scoped3A : memref<!tpu.dma_semaphore, #tpu.memory_space<semaphore_mem>>)
      %dma_wait3A_129 = arith.constant 0 : i32
      %dma_wait3A_130 = tpu.memref_slice %arg4[%add3A_6, %dma_wait3A_129] : memref<2560x128xi32, #tpu.memory_space<hbm>> -> memref<16x128xi32, #tpu.memory_space<hbm>>
      %dma_wait3A_131 = arith.constant 0 : i32
      %dma_wait3A_132 = tpu.memref_slice %arg4[%add3A_6, %dma_wait3A_131] : memref<2560x128xi32, #tpu.memory_space<hbm>> -> memref<16x128xi32, #tpu.memory_space<hbm>>
      tpu.wait_dma2 semaphore(%run_scoped3A : memref<!tpu.dma_semaphore, #tpu.memory_space<semaphore_mem>>) src(%dma_wait3A_132 : memref<16x128xi32, #tpu.memory_space<hbm>>) dst(%arg8 : memref<16x128xi32, #tpu.memory_space<vmem>>)
      tpu.yield
    }) : () -> ()
    %dma_start3A = arith.constant 0 : i32
    %dma_start3A_7 = arith.constant 0 : i32
    %dma_start3A_8 = tpu.memref_slice %arg7[%dma_start3A, %dma_start3A_7] : memref<16x128xi32, #tpu.memory_space<vmem>> -> memref<1x128xi32, #tpu.memory_space<vmem>>
    %dma_start3A_9 = tpu.memref_squeeze %dma_start3A_8 : memref<1x128xi32, #tpu.memory_space<vmem>> -> memref<128xi32, #tpu.memory_space<vmem>>
    %dma_start3A_10 = arith.constant 0 : i32
    %dma_start3A_11 = arith.constant 0 : i32
    %dma_start3A_12 = tpu.memref_slice %arg2[%dma_start3A_10, %dma_start3A_11] : memref<10240x128xf32, #tpu.memory_space<hbm>> -> memref<10240x128xf32, #tpu.memory_space<hbm>>
    tpu.enqueue_indirect_dma source(%dma_start3A_12 : memref<10240x128xf32, #tpu.memory_space<hbm>>) target(%arg10 : memref<128x128xf32, #tpu.memory_space<vmem>>) offsets(%dma_start3A_9 : memref<128xi32, #tpu.memory_space<vmem>>) semaphore(%arg12 : memref<!tpu.dma_semaphore, #tpu.memory_space<semaphore_mem>>)
    %scan3A = arith.constant 0 : i32
    %scan3A_13 = arith.constant 0 : i32
    %scan3A_14 = arith.constant 8 : i32
    %scan3A_15 = arith.addi %scan3A_13, %scan3A_14 : i32
    %scan3A_16 = arith.constant 1 : i32
    scf.for %scan3A_125 = %scan3A_13 to %scan3A_15 step %scan3A_16  : i32 {
      %mul3A_126 = arith.constant 2 : i32
      %mul3A_127 = arith.muli %scan3A_125, %mul3A_126 : i32
      %add3A_128 = arith.constant 0 : i32
      %add3A_129 = arith.addi %mul3A_127, %add3A_128 : i32
      %gt3A = arith.constant 0 : i32
      %gt3A_130 = arith.cmpi sgt, %scan3A_125, %gt3A : i32
      %convert_element_type3A = arith.extui %gt3A_130 : i1 to i32
      %cond3A = arith.constant 0 : i32
      %cond3A_131 = arith.cmpi ne, %convert_element_type3A, %cond3A : i32
      scf.if %cond3A_131 {
        %dma_wait3A_180 = arith.constant 0 : i32
        %dma_wait3A_181 = arith.constant 0 : i32
        %dma_wait3A_182 = tpu.memref_slice %arg8[%dma_wait3A_180, %dma_wait3A_181] : memref<16x128xi32, #tpu.memory_space<vmem>> -> memref<1x128xi32, #tpu.memory_space<vmem>>
        %dma_wait3A_183 = tpu.memref_squeeze %dma_wait3A_182 : memref<1x128xi32, #tpu.memory_space<vmem>> -> memref<128xi32, #tpu.memory_space<vmem>>
        %dma_wait3A_184 = arith.constant 0 : i32
        %dma_wait3A_185 = arith.constant 0 : i32
        %dma_wait3A_186 = tpu.memref_slice %arg9[%dma_wait3A_184, %dma_wait3A_185] : memref<10240x128xf32, #tpu.memory_space<vmem_shared>> -> memref<10240x128xf32, #tpu.memory_space<vmem_shared>>
        tpu.wait_indirect_dma semaphore(%arg15 : memref<!tpu.dma_semaphore, #tpu.memory_space<semaphore_mem>>) src(%arg11 : memref<128x128xf32, #tpu.memory_space<vmem>>) dst(%dma_wait3A_186 : memref<10240x128xf32, #tpu.memory_space<vmem_shared>>)
      } else {
      }
      %add3A_132 = arith.constant 1 : i32
      %add3A_133 = arith.addi %add3A_129, %add3A_132 : i32
      %lt3A = arith.constant 16 : i32
      %lt3A_134 = arith.cmpi slt, %add3A_133, %lt3A : i32
      %convert_element_type3A_135 = arith.extui %lt3A_134 : i1 to i32
      %cond3A_136 = arith.constant 0 : i32
      %cond3A_137 = arith.cmpi ne, %convert_element_type3A_135, %cond3A_136 : i32
      scf.if %cond3A_137 {
        %add3A_180 = arith.constant 1 : i32
        %add3A_181 = arith.addi %add3A_129, %add3A_180 : i32
        %dma_start3A_182 = arith.constant 0 : i32
        %dma_start3A_183 = tpu.memref_slice %arg7[%add3A_181, %dma_start3A_182] : memref<16x128xi32, #tpu.memory_space<vmem>> -> memref<1x128xi32, #tpu.memory_space<vmem>>
        %dma_start3A_184 = tpu.memref_squeeze %dma_start3A_183 : memref<1x128xi32, #tpu.memory_space<vmem>> -> memref<128xi32, #tpu.memory_space<vmem>>
        %dma_start3A_185 = arith.constant 0 : i32
        %dma_start3A_186 = arith.constant 0 : i32
        %dma_start3A_187 = tpu.memref_slice %arg2[%dma_start3A_185, %dma_start3A_186] : memref<10240x128xf32, #tpu.memory_space<hbm>> -> memref<10240x128xf32, #tpu.memory_space<hbm>>
        tpu.enqueue_indirect_dma source(%dma_start3A_187 : memref<10240x128xf32, #tpu.memory_space<hbm>>) target(%arg11 : memref<128x128xf32, #tpu.memory_space<vmem>>) offsets(%dma_start3A_184 : memref<128xi32, #tpu.memory_space<vmem>>) semaphore(%arg13 : memref<!tpu.dma_semaphore, #tpu.memory_space<semaphore_mem>>)
      } else {
      }
      %dma_wait3A_138 = arith.constant 0 : i32
      %dma_wait3A_139 = tpu.memref_slice %arg7[%add3A_129, %dma_wait3A_138] : memref<16x128xi32, #tpu.memory_space<vmem>> -> memref<1x128xi32, #tpu.memory_space<vmem>>
      %dma_wait3A_140 = tpu.memref_squeeze %dma_wait3A_139 : memref<1x128xi32, #tpu.memory_space<vmem>> -> memref<128xi32, #tpu.memory_space<vmem>>
      %dma_wait3A_141 = arith.constant 0 : i32
      %dma_wait3A_142 = arith.constant 0 : i32
      %dma_wait3A_143 = tpu.memref_slice %arg2[%dma_wait3A_141, %dma_wait3A_142] : memref<10240x128xf32, #tpu.memory_space<hbm>> -> memref<10240x128xf32, #tpu.memory_space<hbm>>
      tpu.wait_indirect_dma semaphore(%arg12 : memref<!tpu.dma_semaphore, #tpu.memory_space<semaphore_mem>>) src(%dma_wait3A_143 : memref<10240x128xf32, #tpu.memory_space<hbm>>) dst(%arg10 : memref<128x128xf32, #tpu.memory_space<vmem>>)
      %dma_start3A_144 = arith.constant 0 : i32
      %dma_start3A_145 = tpu.memref_slice %arg8[%add3A_129, %dma_start3A_144] : memref<16x128xi32, #tpu.memory_space<vmem>> -> memref<1x128xi32, #tpu.memory_space<vmem>>
      %dma_start3A_146 = tpu.memref_squeeze %dma_start3A_145 : memref<1x128xi32, #tpu.memory_space<vmem>> -> memref<128xi32, #tpu.memory_space<vmem>>
      %dma_start3A_147 = arith.constant 0 : i32
      %dma_start3A_148 = arith.constant 0 : i32
      %dma_start3A_149 = tpu.memref_slice %arg9[%dma_start3A_147, %dma_start3A_148] : memref<10240x128xf32, #tpu.memory_space<vmem_shared>> -> memref<10240x128xf32, #tpu.memory_space<vmem_shared>>
      tpu.enqueue_indirect_dma source(%arg10 : memref<128x128xf32, #tpu.memory_space<vmem>>) target(%dma_start3A_149 : memref<10240x128xf32, #tpu.memory_space<vmem_shared>>) offsets(%dma_start3A_146 : memref<128xi32, #tpu.memory_space<vmem>>) semaphore(%arg14 : memref<!tpu.dma_semaphore, #tpu.memory_space<semaphore_mem>>) {add = true}
      %mul3A_150 = arith.constant 2 : i32
      %mul3A_151 = arith.muli %scan3A_125, %mul3A_150 : i32
      %add3A_152 = arith.constant 1 : i32
      %add3A_153 = arith.addi %mul3A_151, %add3A_152 : i32
      %dma_wait3A_154 = arith.constant 0 : i32
      %dma_wait3A_155 = arith.constant 0 : i32
      %dma_wait3A_156 = tpu.memref_slice %arg8[%dma_wait3A_154, %dma_wait3A_155] : memref<16x128xi32, #tpu.memory_space<vmem>> -> memref<1x128xi32, #tpu.memory_space<vmem>>
      %dma_wait3A_157 = tpu.memref_squeeze %dma_wait3A_156 : memref<1x128xi32, #tpu.memory_space<vmem>> -> memref<128xi32, #tpu.memory_space<vmem>>
      %dma_wait3A_158 = arith.constant 0 : i32
      %dma_wait3A_159 = arith.constant 0 : i32
      %dma_wait3A_160 = tpu.memref_slice %arg9[%dma_wait3A_158, %dma_wait3A_159] : memref<10240x128xf32, #tpu.memory_space<vmem_shared>> -> memref<10240x128xf32, #tpu.memory_space<vmem_shared>>
      tpu.wait_indirect_dma semaphore(%arg14 : memref<!tpu.dma_semaphore, #tpu.memory_space<semaphore_mem>>) src(%arg10 : memref<128x128xf32, #tpu.memory_space<vmem>>) dst(%dma_wait3A_160 : memref<10240x128xf32, #tpu.memory_space<vmem_shared>>)
      %add3A_161 = arith.constant 1 : i32
      %add3A_162 = arith.addi %add3A_153, %add3A_161 : i32
      %lt3A_163 = arith.constant 16 : i32
      %lt3A_164 = arith.cmpi slt, %add3A_162, %lt3A_163 : i32
      %convert_element_type3A_165 = arith.extui %lt3A_164 : i1 to i32
      %cond3A_166 = arith.constant 0 : i32
      %cond3A_167 = arith.cmpi ne, %convert_element_type3A_165, %cond3A_166 : i32
      scf.if %cond3A_167 {
        %add3A_180 = arith.constant 1 : i32
        %add3A_181 = arith.addi %add3A_153, %add3A_180 : i32
        %dma_start3A_182 = arith.constant 0 : i32
        %dma_start3A_183 = tpu.memref_slice %arg7[%add3A_181, %dma_start3A_182] : memref<16x128xi32, #tpu.memory_space<vmem>> -> memref<1x128xi32, #tpu.memory_space<vmem>>
        %dma_start3A_184 = tpu.memref_squeeze %dma_start3A_183 : memref<1x128xi32, #tpu.memory_space<vmem>> -> memref<128xi32, #tpu.memory_space<vmem>>
        %dma_start3A_185 = arith.constant 0 : i32
        %dma_start3A_186 = arith.constant 0 : i32
        %dma_start3A_187 = tpu.memref_slice %arg2[%dma_start3A_185, %dma_start3A_186] : memref<10240x128xf32, #tpu.memory_space<hbm>> -> memref<10240x128xf32, #tpu.memory_space<hbm>>
        tpu.enqueue_indirect_dma source(%dma_start3A_187 : memref<10240x128xf32, #tpu.memory_space<hbm>>) target(%arg10 : memref<128x128xf32, #tpu.memory_space<vmem>>) offsets(%dma_start3A_184 : memref<128xi32, #tpu.memory_space<vmem>>) semaphore(%arg12 : memref<!tpu.dma_semaphore, #tpu.memory_space<semaphore_mem>>)
      } else {
      }
      %dma_wait3A_168 = arith.constant 0 : i32
      %dma_wait3A_169 = tpu.memref_slice %arg7[%add3A_153, %dma_wait3A_168] : memref<16x128xi32, #tpu.memory_space<vmem>> -> memref<1x128xi32, #tpu.memory_space<vmem>>
      %dma_wait3A_170 = tpu.memref_squeeze %dma_wait3A_169 : memref<1x128xi32, #tpu.memory_space<vmem>> -> memref<128xi32, #tpu.memory_space<vmem>>
      %dma_wait3A_171 = arith.constant 0 : i32
      %dma_wait3A_172 = arith.constant 0 : i32
      %dma_wait3A_173 = tpu.memref_slice %arg2[%dma_wait3A_171, %dma_wait3A_172] : memref<10240x128xf32, #tpu.memory_space<hbm>> -> memref<10240x128xf32, #tpu.memory_space<hbm>>
      tpu.wait_indirect_dma semaphore(%arg13 : memref<!tpu.dma_semaphore, #tpu.memory_space<semaphore_mem>>) src(%dma_wait3A_173 : memref<10240x128xf32, #tpu.memory_space<hbm>>) dst(%arg11 : memref<128x128xf32, #tpu.memory_space<vmem>>)
      %dma_start3A_174 = arith.constant 0 : i32
      %dma_start3A_175 = tpu.memref_slice %arg8[%add3A_153, %dma_start3A_174] : memref<16x128xi32, #tpu.memory_space<vmem>> -> memref<1x128xi32, #tpu.memory_space<vmem>>
      %dma_start3A_176 = tpu.memref_squeeze %dma_start3A_175 : memref<1x128xi32, #tpu.memory_space<vmem>> -> memref<128xi32, #tpu.memory_space<vmem>>
      %dma_start3A_177 = arith.constant 0 : i32
      %dma_start3A_178 = arith.constant 0 : i32
      %dma_start3A_179 = tpu.memref_slice %arg9[%dma_start3A_177, %dma_start3A_178] : memref<10240x128xf32, #tpu.memory_space<vmem_shared>> -> memref<10240x128xf32, #tpu.memory_space<vmem_shared>>
      tpu.enqueue_indirect_dma source(%arg11 : memref<128x128xf32, #tpu.memory_space<vmem>>) target(%dma_start3A_179 : memref<10240x128xf32, #tpu.memory_space<vmem_shared>>) offsets(%dma_start3A_176 : memref<128xi32, #tpu.memory_space<vmem>>) semaphore(%arg15 : memref<!tpu.dma_semaphore, #tpu.memory_space<semaphore_mem>>) {add = true}
    }
    %scan3A_17 = arith.constant 8 : i32
    %dma_wait3A = arith.constant 0 : i32
    %dma_wait3A_18 = arith.constant 0 : i32
    %dma_wait3A_19 = tpu.memref_slice %arg8[%dma_wait3A, %dma_wait3A_18] : memref<16x128xi32, #tpu.memory_space<vmem>> -> memref<1x128xi32, #tpu.memory_space<vmem>>
    %dma_wait3A_20 = tpu.memref_squeeze %dma_wait3A_19 : memref<1x128xi32, #tpu.memory_space<vmem>> -> memref<128xi32, #tpu.memory_space<vmem>>
    %dma_wait3A_21 = arith.constant 0 : i32
    %dma_wait3A_22 = arith.constant 0 : i32
    %dma_wait3A_23 = tpu.memref_slice %arg9[%dma_wait3A_21, %dma_wait3A_22] : memref<10240x128xf32, #tpu.memory_space<vmem_shared>> -> memref<10240x128xf32, #tpu.memory_space<vmem_shared>>
    tpu.wait_indirect_dma semaphore(%arg15 : memref<!tpu.dma_semaphore, #tpu.memory_space<semaphore_mem>>) src(%arg11 : memref<128x128xf32, #tpu.memory_space<vmem>>) dst(%dma_wait3A_23 : memref<10240x128xf32, #tpu.memory_space<vmem_shared>>)
    %mul3A_24 = arith.constant 80 : i32
    %mul3A_25 = arith.muli %add3A, %mul3A_24 : i32
    %add3A_26 = arith.constant 16 : i32
    %add3A_27 = arith.addi %mul3A_25, %add3A_26 : i32
    "tpu.region"() ({
      %run_scoped3A = tpu.sem_alloc : memref<!tpu.dma_semaphore, #tpu.memory_space<semaphore_mem>>
      %dma_start3A_125 = arith.constant 0 : i32
      %dma_start3A_126 = tpu.memref_slice %arg3[%add3A_27, %dma_start3A_125] : memref<2560x128xi32, #tpu.memory_space<hbm>> -> memref<16x128xi32, #tpu.memory_space<hbm>>
      %dma_start3A_127 = arith.constant 0 : i32
      %dma_start3A_128 = tpu.memref_slice %arg3[%add3A_27, %dma_start3A_127] : memref<2560x128xi32, #tpu.memory_space<hbm>> -> memref<16x128xi32, #tpu.memory_space<hbm>>
      tpu.enqueue_dma source(%dma_start3A_128 : memref<16x128xi32, #tpu.memory_space<hbm>>) target(%arg7 : memref<16x128xi32, #tpu.memory_space<vmem>>) target_semaphore(%run_scoped3A : memref<!tpu.dma_semaphore, #tpu.memory_space<semaphore_mem>>)
      %dma_wait3A_129 = arith.constant 0 : i32
      %dma_wait3A_130 = tpu.memref_slice %arg3[%add3A_27, %dma_wait3A_129] : memref<2560x128xi32, #tpu.memory_space<hbm>> -> memref<16x128xi32, #tpu.memory_space<hbm>>
      %dma_wait3A_131 = arith.constant 0 : i32
      %dma_wait3A_132 = tpu.memref_slice %arg3[%add3A_27, %dma_wait3A_131] : memref<2560x128xi32, #tpu.memory_space<hbm>> -> memref<16x128xi32, #tpu.memory_space<hbm>>
      tpu.wait_dma2 semaphore(%run_scoped3A : memref<!tpu.dma_semaphore, #tpu.memory_space<semaphore_mem>>) src(%dma_wait3A_132 : memref<16x128xi32, #tpu.memory_space<hbm>>) dst(%arg7 : memref<16x128xi32, #tpu.memory_space<vmem>>)
      tpu.yield
    }) : () -> ()
    "tpu.region"() ({
      %run_scoped3A = tpu.sem_alloc : memref<!tpu.dma_semaphore, #tpu.memory_space<semaphore_mem>>
      %dma_start3A_125 = arith.constant 0 : i32
      %dma_start3A_126 = tpu.memref_slice %arg4[%add3A_27, %dma_start3A_125] : memref<2560x128xi32, #tpu.memory_space<hbm>> -> memref<16x128xi32, #tpu.memory_space<hbm>>
      %dma_start3A_127 = arith.constant 0 : i32
      %dma_start3A_128 = tpu.memref_slice %arg4[%add3A_27, %dma_start3A_127] : memref<2560x128xi32, #tpu.memory_space<hbm>> -> memref<16x128xi32, #tpu.memory_space<hbm>>
      tpu.enqueue_dma source(%dma_start3A_128 : memref<16x128xi32, #tpu.memory_space<hbm>>) target(%arg8 : memref<16x128xi32, #tpu.memory_space<vmem>>) target_semaphore(%run_scoped3A : memref<!tpu.dma_semaphore, #tpu.memory_space<semaphore_mem>>)
      %dma_wait3A_129 = arith.constant 0 : i32
      %dma_wait3A_130 = tpu.memref_slice %arg4[%add3A_27, %dma_wait3A_129] : memref<2560x128xi32, #tpu.memory_space<hbm>> -> memref<16x128xi32, #tpu.memory_space<hbm>>
      %dma_wait3A_131 = arith.constant 0 : i32
      %dma_wait3A_132 = tpu.memref_slice %arg4[%add3A_27, %dma_wait3A_131] : memref<2560x128xi32, #tpu.memory_space<hbm>> -> memref<16x128xi32, #tpu.memory_space<hbm>>
      tpu.wait_dma2 semaphore(%run_scoped3A : memref<!tpu.dma_semaphore, #tpu.memory_space<semaphore_mem>>) src(%dma_wait3A_132 : memref<16x128xi32, #tpu.memory_space<hbm>>) dst(%arg8 : memref<16x128xi32, #tpu.memory_space<vmem>>)
      tpu.yield
    }) : () -> ()
    %dma_start3A_28 = arith.constant 0 : i32
    %dma_start3A_29 = arith.constant 0 : i32
    %dma_start3A_30 = tpu.memref_slice %arg7[%dma_start3A_28, %dma_start3A_29] : memref<16x128xi32, #tpu.memory_space<vmem>> -> memref<1x128xi32, #tpu.memory_space<vmem>>
    %dma_start3A_31 = tpu.memref_squeeze %dma_start3A_30 : memref<1x128xi32, #tpu.memory_space<vmem>> -> memref<128xi32, #tpu.memory_space<vmem>>
    %dma_start3A_32 = arith.constant 0 : i32
    %dma_start3A_33 = arith.constant 0 : i32
    %dma_start3A_34 = tpu.memref_slice %arg2[%dma_start3A_32, %dma_start3A_33] : memref<10240x128xf32, #tpu.memory_space<hbm>> -> memref<10240x128xf32, #tpu.memory_space<hbm>>
    tpu.enqueue_indirect_dma source(%dma_start3A_34 : memref<10240x128xf32, #tpu.memory_space<hbm>>) target(%arg10 : memref<128x128xf32, #tpu.memory_space<vmem>>) offsets(%dma_start3A_31 : memref<128xi32, #tpu.memory_space<vmem>>) semaphore(%arg12 : memref<!tpu.dma_semaphore, #tpu.memory_space<semaphore_mem>>)
    %scan3A_35 = arith.constant 0 : i32
    %scan3A_36 = arith.constant 0 : i32
    %scan3A_37 = arith.constant 8 : i32
    %scan3A_38 = arith.addi %scan3A_36, %scan3A_37 : i32
    %scan3A_39 = arith.constant 1 : i32
    scf.for %scan3A_125 = %scan3A_36 to %scan3A_38 step %scan3A_39  : i32 {
      %mul3A_126 = arith.constant 2 : i32
      %mul3A_127 = arith.muli %scan3A_125, %mul3A_126 : i32
      %add3A_128 = arith.constant 0 : i32
      %add3A_129 = arith.addi %mul3A_127, %add3A_128 : i32
      %gt3A = arith.constant 0 : i32
      %gt3A_130 = arith.cmpi sgt, %scan3A_125, %gt3A : i32
      %convert_element_type3A = arith.extui %gt3A_130 : i1 to i32
      %cond3A = arith.constant 0 : i32
      %cond3A_131 = arith.cmpi ne, %convert_element_type3A, %cond3A : i32
      scf.if %cond3A_131 {
        %dma_wait3A_180 = arith.constant 0 : i32
        %dma_wait3A_181 = arith.constant 0 : i32
        %dma_wait3A_182 = tpu.memref_slice %arg8[%dma_wait3A_180, %dma_wait3A_181] : memref<16x128xi32, #tpu.memory_space<vmem>> -> memref<1x128xi32, #tpu.memory_space<vmem>>
        %dma_wait3A_183 = tpu.memref_squeeze %dma_wait3A_182 : memref<1x128xi32, #tpu.memory_space<vmem>> -> memref<128xi32, #tpu.memory_space<vmem>>
        %dma_wait3A_184 = arith.constant 0 : i32
        %dma_wait3A_185 = arith.constant 0 : i32
        %dma_wait3A_186 = tpu.memref_slice %arg9[%dma_wait3A_184, %dma_wait3A_185] : memref<10240x128xf32, #tpu.memory_space<vmem_shared>> -> memref<10240x128xf32, #tpu.memory_space<vmem_shared>>
        tpu.wait_indirect_dma semaphore(%arg15 : memref<!tpu.dma_semaphore, #tpu.memory_space<semaphore_mem>>) src(%arg11 : memref<128x128xf32, #tpu.memory_space<vmem>>) dst(%dma_wait3A_186 : memref<10240x128xf32, #tpu.memory_space<vmem_shared>>)
      } else {
      }
      %add3A_132 = arith.constant 1 : i32
      %add3A_133 = arith.addi %add3A_129, %add3A_132 : i32
      %lt3A = arith.constant 16 : i32
      %lt3A_134 = arith.cmpi slt, %add3A_133, %lt3A : i32
      %convert_element_type3A_135 = arith.extui %lt3A_134 : i1 to i32
      %cond3A_136 = arith.constant 0 : i32
      %cond3A_137 = arith.cmpi ne, %convert_element_type3A_135, %cond3A_136 : i32
      scf.if %cond3A_137 {
        %add3A_180 = arith.constant 1 : i32
        %add3A_181 = arith.addi %add3A_129, %add3A_180 : i32
        %dma_start3A_182 = arith.constant 0 : i32
        %dma_start3A_183 = tpu.memref_slice %arg7[%add3A_181, %dma_start3A_182] : memref<16x128xi32, #tpu.memory_space<vmem>> -> memref<1x128xi32, #tpu.memory_space<vmem>>
        %dma_start3A_184 = tpu.memref_squeeze %dma_start3A_183 : memref<1x128xi32, #tpu.memory_space<vmem>> -> memref<128xi32, #tpu.memory_space<vmem>>
        %dma_start3A_185 = arith.constant 0 : i32
        %dma_start3A_186 = arith.constant 0 : i32
        %dma_start3A_187 = tpu.memref_slice %arg2[%dma_start3A_185, %dma_start3A_186] : memref<10240x128xf32, #tpu.memory_space<hbm>> -> memref<10240x128xf32, #tpu.memory_space<hbm>>
        tpu.enqueue_indirect_dma source(%dma_start3A_187 : memref<10240x128xf32, #tpu.memory_space<hbm>>) target(%arg11 : memref<128x128xf32, #tpu.memory_space<vmem>>) offsets(%dma_start3A_184 : memref<128xi32, #tpu.memory_space<vmem>>) semaphore(%arg13 : memref<!tpu.dma_semaphore, #tpu.memory_space<semaphore_mem>>)
      } else {
      }
      %dma_wait3A_138 = arith.constant 0 : i32
      %dma_wait3A_139 = tpu.memref_slice %arg7[%add3A_129, %dma_wait3A_138] : memref<16x128xi32, #tpu.memory_space<vmem>> -> memref<1x128xi32, #tpu.memory_space<vmem>>
      %dma_wait3A_140 = tpu.memref_squeeze %dma_wait3A_139 : memref<1x128xi32, #tpu.memory_space<vmem>> -> memref<128xi32, #tpu.memory_space<vmem>>
      %dma_wait3A_141 = arith.constant 0 : i32
      %dma_wait3A_142 = arith.constant 0 : i32
      %dma_wait3A_143 = tpu.memref_slice %arg2[%dma_wait3A_141, %dma_wait3A_142] : memref<10240x128xf32, #tpu.memory_space<hbm>> -> memref<10240x128xf32, #tpu.memory_space<hbm>>
      tpu.wait_indirect_dma semaphore(%arg12 : memref<!tpu.dma_semaphore, #tpu.memory_space<semaphore_mem>>) src(%dma_wait3A_143 : memref<10240x128xf32, #tpu.memory_space<hbm>>) dst(%arg10 : memref<128x128xf32, #tpu.memory_space<vmem>>)
      %dma_start3A_144 = arith.constant 0 : i32
      %dma_start3A_145 = tpu.memref_slice %arg8[%add3A_129, %dma_start3A_144] : memref<16x128xi32, #tpu.memory_space<vmem>> -> memref<1x128xi32, #tpu.memory_space<vmem>>
      %dma_start3A_146 = tpu.memref_squeeze %dma_start3A_145 : memref<1x128xi32, #tpu.memory_space<vmem>> -> memref<128xi32, #tpu.memory_space<vmem>>
      %dma_start3A_147 = arith.constant 0 : i32
      %dma_start3A_148 = arith.constant 0 : i32
      %dma_start3A_149 = tpu.memref_slice %arg9[%dma_start3A_147, %dma_start3A_148] : memref<10240x128xf32, #tpu.memory_space<vmem_shared>> -> memref<10240x128xf32, #tpu.memory_space<vmem_shared>>
      tpu.enqueue_indirect_dma source(%arg10 : memref<128x128xf32, #tpu.memory_space<vmem>>) target(%dma_start3A_149 : memref<10240x128xf32, #tpu.memory_space<vmem_shared>>) offsets(%dma_start3A_146 : memref<128xi32, #tpu.memory_space<vmem>>) semaphore(%arg14 : memref<!tpu.dma_semaphore, #tpu.memory_space<semaphore_mem>>) {add = true}
      %mul3A_150 = arith.constant 2 : i32
      %mul3A_151 = arith.muli %scan3A_125, %mul3A_150 : i32
      %add3A_152 = arith.constant 1 : i32
      %add3A_153 = arith.addi %mul3A_151, %add3A_152 : i32
      %dma_wait3A_154 = arith.constant 0 : i32
      %dma_wait3A_155 = arith.constant 0 : i32
      %dma_wait3A_156 = tpu.memref_slice %arg8[%dma_wait3A_154, %dma_wait3A_155] : memref<16x128xi32, #tpu.memory_space<vmem>> -> memref<1x128xi32, #tpu.memory_space<vmem>>
      %dma_wait3A_157 = tpu.memref_squeeze %dma_wait3A_156 : memref<1x128xi32, #tpu.memory_space<vmem>> -> memref<128xi32, #tpu.memory_space<vmem>>
      %dma_wait3A_158 = arith.constant 0 : i32
      %dma_wait3A_159 = arith.constant 0 : i32
      %dma_wait3A_160 = tpu.memref_slice %arg9[%dma_wait3A_158, %dma_wait3A_159] : memref<10240x128xf32, #tpu.memory_space<vmem_shared>> -> memref<10240x128xf32, #tpu.memory_space<vmem_shared>>
      tpu.wait_indirect_dma semaphore(%arg14 : memref<!tpu.dma_semaphore, #tpu.memory_space<semaphore_mem>>) src(%arg10 : memref<128x128xf32, #tpu.memory_space<vmem>>) dst(%dma_wait3A_160 : memref<10240x128xf32, #tpu.memory_space<vmem_shared>>)
      %add3A_161 = arith.constant 1 : i32
      %add3A_162 = arith.addi %add3A_153, %add3A_161 : i32
      %lt3A_163 = arith.constant 16 : i32
      %lt3A_164 = arith.cmpi slt, %add3A_162, %lt3A_163 : i32
      %convert_element_type3A_165 = arith.extui %lt3A_164 : i1 to i32
      %cond3A_166 = arith.constant 0 : i32
      %cond3A_167 = arith.cmpi ne, %convert_element_type3A_165, %cond3A_166 : i32
      scf.if %cond3A_167 {
        %add3A_180 = arith.constant 1 : i32
        %add3A_181 = arith.addi %add3A_153, %add3A_180 : i32
        %dma_start3A_182 = arith.constant 0 : i32
        %dma_start3A_183 = tpu.memref_slice %arg7[%add3A_181, %dma_start3A_182] : memref<16x128xi32, #tpu.memory_space<vmem>> -> memref<1x128xi32, #tpu.memory_space<vmem>>
        %dma_start3A_184 = tpu.memref_squeeze %dma_start3A_183 : memref<1x128xi32, #tpu.memory_space<vmem>> -> memref<128xi32, #tpu.memory_space<vmem>>
        %dma_start3A_185 = arith.constant 0 : i32
        %dma_start3A_186 = arith.constant 0 : i32
        %dma_start3A_187 = tpu.memref_slice %arg2[%dma_start3A_185, %dma_start3A_186] : memref<10240x128xf32, #tpu.memory_space<hbm>> -> memref<10240x128xf32, #tpu.memory_space<hbm>>
        tpu.enqueue_indirect_dma source(%dma_start3A_187 : memref<10240x128xf32, #tpu.memory_space<hbm>>) target(%arg10 : memref<128x128xf32, #tpu.memory_space<vmem>>) offsets(%dma_start3A_184 : memref<128xi32, #tpu.memory_space<vmem>>) semaphore(%arg12 : memref<!tpu.dma_semaphore, #tpu.memory_space<semaphore_mem>>)
      } else {
      }
      %dma_wait3A_168 = arith.constant 0 : i32
      %dma_wait3A_169 = tpu.memref_slice %arg7[%add3A_153, %dma_wait3A_168] : memref<16x128xi32, #tpu.memory_space<vmem>> -> memref<1x128xi32, #tpu.memory_space<vmem>>
      %dma_wait3A_170 = tpu.memref_squeeze %dma_wait3A_169 : memref<1x128xi32, #tpu.memory_space<vmem>> -> memref<128xi32, #tpu.memory_space<vmem>>
      %dma_wait3A_171 = arith.constant 0 : i32
      %dma_wait3A_172 = arith.constant 0 : i32
      %dma_wait3A_173 = tpu.memref_slice %arg2[%dma_wait3A_171, %dma_wait3A_172] : memref<10240x128xf32, #tpu.memory_space<hbm>> -> memref<10240x128xf32, #tpu.memory_space<hbm>>
      tpu.wait_indirect_dma semaphore(%arg13 : memref<!tpu.dma_semaphore, #tpu.memory_space<semaphore_mem>>) src(%dma_wait3A_173 : memref<10240x128xf32, #tpu.memory_space<hbm>>) dst(%arg11 : memref<128x128xf32, #tpu.memory_space<vmem>>)
      %dma_start3A_174 = arith.constant 0 : i32
      %dma_start3A_175 = tpu.memref_slice %arg8[%add3A_153, %dma_start3A_174] : memref<16x128xi32, #tpu.memory_space<vmem>> -> memref<1x128xi32, #tpu.memory_space<vmem>>
      %dma_start3A_176 = tpu.memref_squeeze %dma_start3A_175 : memref<1x128xi32, #tpu.memory_space<vmem>> -> memref<128xi32, #tpu.memory_space<vmem>>
      %dma_start3A_177 = arith.constant 0 : i32
      %dma_start3A_178 = arith.constant 0 : i32
      %dma_start3A_179 = tpu.memref_slice %arg9[%dma_start3A_177, %dma_start3A_178] : memref<10240x128xf32, #tpu.memory_space<vmem_shared>> -> memref<10240x128xf32, #tpu.memory_space<vmem_shared>>
      tpu.enqueue_indirect_dma source(%arg11 : memref<128x128xf32, #tpu.memory_space<vmem>>) target(%dma_start3A_179 : memref<10240x128xf32, #tpu.memory_space<vmem_shared>>) offsets(%dma_start3A_176 : memref<128xi32, #tpu.memory_space<vmem>>) semaphore(%arg15 : memref<!tpu.dma_semaphore, #tpu.memory_space<semaphore_mem>>) {add = true}
    }
    %scan3A_40 = arith.constant 8 : i32
    %dma_wait3A_41 = arith.constant 0 : i32
    %dma_wait3A_42 = arith.constant 0 : i32
    %dma_wait3A_43 = tpu.memref_slice %arg8[%dma_wait3A_41, %dma_wait3A_42] : memref<16x128xi32, #tpu.memory_space<vmem>> -> memref<1x128xi32, #tpu.memory_space<vmem>>
    %dma_wait3A_44 = tpu.memref_squeeze %dma_wait3A_43 : memref<1x128xi32, #tpu.memory_space<vmem>> -> memref<128xi32, #tpu.memory_space<vmem>>
    %dma_wait3A_45 = arith.constant 0 : i32
    %dma_wait3A_46 = arith.constant 0 : i32
    %dma_wait3A_47 = tpu.memref_slice %arg9[%dma_wait3A_45, %dma_wait3A_46] : memref<10240x128xf32, #tpu.memory_space<vmem_shared>> -> memref<10240x128xf32, #tpu.memory_space<vmem_shared>>
    tpu.wait_indirect_dma semaphore(%arg15 : memref<!tpu.dma_semaphore, #tpu.memory_space<semaphore_mem>>) src(%arg11 : memref<128x128xf32, #tpu.memory_space<vmem>>) dst(%dma_wait3A_47 : memref<10240x128xf32, #tpu.memory_space<vmem_shared>>)
    %mul3A_48 = arith.constant 80 : i32
    %mul3A_49 = arith.muli %add3A, %mul3A_48 : i32
    %add3A_50 = arith.constant 32 : i32
    %add3A_51 = arith.addi %mul3A_49, %add3A_50 : i32
    "tpu.region"() ({
      %run_scoped3A = tpu.sem_alloc : memref<!tpu.dma_semaphore, #tpu.memory_space<semaphore_mem>>
      %dma_start3A_125 = arith.constant 0 : i32
      %dma_start3A_126 = tpu.memref_slice %arg3[%add3A_51, %dma_start3A_125] : memref<2560x128xi32, #tpu.memory_space<hbm>> -> memref<16x128xi32, #tpu.memory_space<hbm>>
      %dma_start3A_127 = arith.constant 0 : i32
      %dma_start3A_128 = tpu.memref_slice %arg3[%add3A_51, %dma_start3A_127] : memref<2560x128xi32, #tpu.memory_space<hbm>> -> memref<16x128xi32, #tpu.memory_space<hbm>>
      tpu.enqueue_dma source(%dma_start3A_128 : memref<16x128xi32, #tpu.memory_space<hbm>>) target(%arg7 : memref<16x128xi32, #tpu.memory_space<vmem>>) target_semaphore(%run_scoped3A : memref<!tpu.dma_semaphore, #tpu.memory_space<semaphore_mem>>)
      %dma_wait3A_129 = arith.constant 0 : i32
      %dma_wait3A_130 = tpu.memref_slice %arg3[%add3A_51, %dma_wait3A_129] : memref<2560x128xi32, #tpu.memory_space<hbm>> -> memref<16x128xi32, #tpu.memory_space<hbm>>
      %dma_wait3A_131 = arith.constant 0 : i32
      %dma_wait3A_132 = tpu.memref_slice %arg3[%add3A_51, %dma_wait3A_131] : memref<2560x128xi32, #tpu.memory_space<hbm>> -> memref<16x128xi32, #tpu.memory_space<hbm>>
      tpu.wait_dma2 semaphore(%run_scoped3A : memref<!tpu.dma_semaphore, #tpu.memory_space<semaphore_mem>>) src(%dma_wait3A_132 : memref<16x128xi32, #tpu.memory_space<hbm>>) dst(%arg7 : memref<16x128xi32, #tpu.memory_space<vmem>>)
      tpu.yield
    }) : () -> ()
    "tpu.region"() ({
      %run_scoped3A = tpu.sem_alloc : memref<!tpu.dma_semaphore, #tpu.memory_space<semaphore_mem>>
      %dma_start3A_125 = arith.constant 0 : i32
      %dma_start3A_126 = tpu.memref_slice %arg4[%add3A_51, %dma_start3A_125] : memref<2560x128xi32, #tpu.memory_space<hbm>> -> memref<16x128xi32, #tpu.memory_space<hbm>>
      %dma_start3A_127 = arith.constant 0 : i32
      %dma_start3A_128 = tpu.memref_slice %arg4[%add3A_51, %dma_start3A_127] : memref<2560x128xi32, #tpu.memory_space<hbm>> -> memref<16x128xi32, #tpu.memory_space<hbm>>
      tpu.enqueue_dma source(%dma_start3A_128 : memref<16x128xi32, #tpu.memory_space<hbm>>) target(%arg8 : memref<16x128xi32, #tpu.memory_space<vmem>>) target_semaphore(%run_scoped3A : memref<!tpu.dma_semaphore, #tpu.memory_space<semaphore_mem>>)
      %dma_wait3A_129 = arith.constant 0 : i32
      %dma_wait3A_130 = tpu.memref_slice %arg4[%add3A_51, %dma_wait3A_129] : memref<2560x128xi32, #tpu.memory_space<hbm>> -> memref<16x128xi32, #tpu.memory_space<hbm>>
      %dma_wait3A_131 = arith.constant 0 : i32
      %dma_wait3A_132 = tpu.memref_slice %arg4[%add3A_51, %dma_wait3A_131] : memref<2560x128xi32, #tpu.memory_space<hbm>> -> memref<16x128xi32, #tpu.memory_space<hbm>>
      tpu.wait_dma2 semaphore(%run_scoped3A : memref<!tpu.dma_semaphore, #tpu.memory_space<semaphore_mem>>) src(%dma_wait3A_132 : memref<16x128xi32, #tpu.memory_space<hbm>>) dst(%arg8 : memref<16x128xi32, #tpu.memory_space<vmem>>)
      tpu.yield
    }) : () -> ()
    %dma_start3A_52 = arith.constant 0 : i32
    %dma_start3A_53 = arith.constant 0 : i32
    %dma_start3A_54 = tpu.memref_slice %arg7[%dma_start3A_52, %dma_start3A_53] : memref<16x128xi32, #tpu.memory_space<vmem>> -> memref<1x128xi32, #tpu.memory_space<vmem>>
    %dma_start3A_55 = tpu.memref_squeeze %dma_start3A_54 : memref<1x128xi32, #tpu.memory_space<vmem>> -> memref<128xi32, #tpu.memory_space<vmem>>
    %dma_start3A_56 = arith.constant 0 : i32
    %dma_start3A_57 = arith.constant 0 : i32
    %dma_start3A_58 = tpu.memref_slice %arg2[%dma_start3A_56, %dma_start3A_57] : memref<10240x128xf32, #tpu.memory_space<hbm>> -> memref<10240x128xf32, #tpu.memory_space<hbm>>
    tpu.enqueue_indirect_dma source(%dma_start3A_58 : memref<10240x128xf32, #tpu.memory_space<hbm>>) target(%arg10 : memref<128x128xf32, #tpu.memory_space<vmem>>) offsets(%dma_start3A_55 : memref<128xi32, #tpu.memory_space<vmem>>) semaphore(%arg12 : memref<!tpu.dma_semaphore, #tpu.memory_space<semaphore_mem>>)
    %scan3A_59 = arith.constant 0 : i32
    %scan3A_60 = arith.constant 0 : i32
    %scan3A_61 = arith.constant 8 : i32
    %scan3A_62 = arith.addi %scan3A_60, %scan3A_61 : i32
    %scan3A_63 = arith.constant 1 : i32
    scf.for %scan3A_125 = %scan3A_60 to %scan3A_62 step %scan3A_63  : i32 {
      %mul3A_126 = arith.constant 2 : i32
      %mul3A_127 = arith.muli %scan3A_125, %mul3A_126 : i32
      %add3A_128 = arith.constant 0 : i32
      %add3A_129 = arith.addi %mul3A_127, %add3A_128 : i32
      %gt3A = arith.constant 0 : i32
      %gt3A_130 = arith.cmpi sgt, %scan3A_125, %gt3A : i32
      %convert_element_type3A = arith.extui %gt3A_130 : i1 to i32
      %cond3A = arith.constant 0 : i32
      %cond3A_131 = arith.cmpi ne, %convert_element_type3A, %cond3A : i32
      scf.if %cond3A_131 {
        %dma_wait3A_180 = arith.constant 0 : i32
        %dma_wait3A_181 = arith.constant 0 : i32
        %dma_wait3A_182 = tpu.memref_slice %arg8[%dma_wait3A_180, %dma_wait3A_181] : memref<16x128xi32, #tpu.memory_space<vmem>> -> memref<1x128xi32, #tpu.memory_space<vmem>>
        %dma_wait3A_183 = tpu.memref_squeeze %dma_wait3A_182 : memref<1x128xi32, #tpu.memory_space<vmem>> -> memref<128xi32, #tpu.memory_space<vmem>>
        %dma_wait3A_184 = arith.constant 0 : i32
        %dma_wait3A_185 = arith.constant 0 : i32
        %dma_wait3A_186 = tpu.memref_slice %arg9[%dma_wait3A_184, %dma_wait3A_185] : memref<10240x128xf32, #tpu.memory_space<vmem_shared>> -> memref<10240x128xf32, #tpu.memory_space<vmem_shared>>
        tpu.wait_indirect_dma semaphore(%arg15 : memref<!tpu.dma_semaphore, #tpu.memory_space<semaphore_mem>>) src(%arg11 : memref<128x128xf32, #tpu.memory_space<vmem>>) dst(%dma_wait3A_186 : memref<10240x128xf32, #tpu.memory_space<vmem_shared>>)
      } else {
      }
      %add3A_132 = arith.constant 1 : i32
      %add3A_133 = arith.addi %add3A_129, %add3A_132 : i32
      %lt3A = arith.constant 16 : i32
      %lt3A_134 = arith.cmpi slt, %add3A_133, %lt3A : i32
      %convert_element_type3A_135 = arith.extui %lt3A_134 : i1 to i32
      %cond3A_136 = arith.constant 0 : i32
      %cond3A_137 = arith.cmpi ne, %convert_element_type3A_135, %cond3A_136 : i32
      scf.if %cond3A_137 {
        %add3A_180 = arith.constant 1 : i32
        %add3A_181 = arith.addi %add3A_129, %add3A_180 : i32
        %dma_start3A_182 = arith.constant 0 : i32
        %dma_start3A_183 = tpu.memref_slice %arg7[%add3A_181, %dma_start3A_182] : memref<16x128xi32, #tpu.memory_space<vmem>> -> memref<1x128xi32, #tpu.memory_space<vmem>>
        %dma_start3A_184 = tpu.memref_squeeze %dma_start3A_183 : memref<1x128xi32, #tpu.memory_space<vmem>> -> memref<128xi32, #tpu.memory_space<vmem>>
        %dma_start3A_185 = arith.constant 0 : i32
        %dma_start3A_186 = arith.constant 0 : i32
        %dma_start3A_187 = tpu.memref_slice %arg2[%dma_start3A_185, %dma_start3A_186] : memref<10240x128xf32, #tpu.memory_space<hbm>> -> memref<10240x128xf32, #tpu.memory_space<hbm>>
        tpu.enqueue_indirect_dma source(%dma_start3A_187 : memref<10240x128xf32, #tpu.memory_space<hbm>>) target(%arg11 : memref<128x128xf32, #tpu.memory_space<vmem>>) offsets(%dma_start3A_184 : memref<128xi32, #tpu.memory_space<vmem>>) semaphore(%arg13 : memref<!tpu.dma_semaphore, #tpu.memory_space<semaphore_mem>>)
      } else {
      }
      %dma_wait3A_138 = arith.constant 0 : i32
      %dma_wait3A_139 = tpu.memref_slice %arg7[%add3A_129, %dma_wait3A_138] : memref<16x128xi32, #tpu.memory_space<vmem>> -> memref<1x128xi32, #tpu.memory_space<vmem>>
      %dma_wait3A_140 = tpu.memref_squeeze %dma_wait3A_139 : memref<1x128xi32, #tpu.memory_space<vmem>> -> memref<128xi32, #tpu.memory_space<vmem>>
      %dma_wait3A_141 = arith.constant 0 : i32
      %dma_wait3A_142 = arith.constant 0 : i32
      %dma_wait3A_143 = tpu.memref_slice %arg2[%dma_wait3A_141, %dma_wait3A_142] : memref<10240x128xf32, #tpu.memory_space<hbm>> -> memref<10240x128xf32, #tpu.memory_space<hbm>>
      tpu.wait_indirect_dma semaphore(%arg12 : memref<!tpu.dma_semaphore, #tpu.memory_space<semaphore_mem>>) src(%dma_wait3A_143 : memref<10240x128xf32, #tpu.memory_space<hbm>>) dst(%arg10 : memref<128x128xf32, #tpu.memory_space<vmem>>)
      %dma_start3A_144 = arith.constant 0 : i32
      %dma_start3A_145 = tpu.memref_slice %arg8[%add3A_129, %dma_start3A_144] : memref<16x128xi32, #tpu.memory_space<vmem>> -> memref<1x128xi32, #tpu.memory_space<vmem>>
      %dma_start3A_146 = tpu.memref_squeeze %dma_start3A_145 : memref<1x128xi32, #tpu.memory_space<vmem>> -> memref<128xi32, #tpu.memory_space<vmem>>
      %dma_start3A_147 = arith.constant 0 : i32
      %dma_start3A_148 = arith.constant 0 : i32
      %dma_start3A_149 = tpu.memref_slice %arg9[%dma_start3A_147, %dma_start3A_148] : memref<10240x128xf32, #tpu.memory_space<vmem_shared>> -> memref<10240x128xf32, #tpu.memory_space<vmem_shared>>
      tpu.enqueue_indirect_dma source(%arg10 : memref<128x128xf32, #tpu.memory_space<vmem>>) target(%dma_start3A_149 : memref<10240x128xf32, #tpu.memory_space<vmem_shared>>) offsets(%dma_start3A_146 : memref<128xi32, #tpu.memory_space<vmem>>) semaphore(%arg14 : memref<!tpu.dma_semaphore, #tpu.memory_space<semaphore_mem>>) {add = true}
      %mul3A_150 = arith.constant 2 : i32
      %mul3A_151 = arith.muli %scan3A_125, %mul3A_150 : i32
      %add3A_152 = arith.constant 1 : i32
      %add3A_153 = arith.addi %mul3A_151, %add3A_152 : i32
      %dma_wait3A_154 = arith.constant 0 : i32
      %dma_wait3A_155 = arith.constant 0 : i32
      %dma_wait3A_156 = tpu.memref_slice %arg8[%dma_wait3A_154, %dma_wait3A_155] : memref<16x128xi32, #tpu.memory_space<vmem>> -> memref<1x128xi32, #tpu.memory_space<vmem>>
      %dma_wait3A_157 = tpu.memref_squeeze %dma_wait3A_156 : memref<1x128xi32, #tpu.memory_space<vmem>> -> memref<128xi32, #tpu.memory_space<vmem>>
      %dma_wait3A_158 = arith.constant 0 : i32
      %dma_wait3A_159 = arith.constant 0 : i32
      %dma_wait3A_160 = tpu.memref_slice %arg9[%dma_wait3A_158, %dma_wait3A_159] : memref<10240x128xf32, #tpu.memory_space<vmem_shared>> -> memref<10240x128xf32, #tpu.memory_space<vmem_shared>>
      tpu.wait_indirect_dma semaphore(%arg14 : memref<!tpu.dma_semaphore, #tpu.memory_space<semaphore_mem>>) src(%arg10 : memref<128x128xf32, #tpu.memory_space<vmem>>) dst(%dma_wait3A_160 : memref<10240x128xf32, #tpu.memory_space<vmem_shared>>)
      %add3A_161 = arith.constant 1 : i32
      %add3A_162 = arith.addi %add3A_153, %add3A_161 : i32
      %lt3A_163 = arith.constant 16 : i32
      %lt3A_164 = arith.cmpi slt, %add3A_162, %lt3A_163 : i32
      %convert_element_type3A_165 = arith.extui %lt3A_164 : i1 to i32
      %cond3A_166 = arith.constant 0 : i32
      %cond3A_167 = arith.cmpi ne, %convert_element_type3A_165, %cond3A_166 : i32
      scf.if %cond3A_167 {
        %add3A_180 = arith.constant 1 : i32
        %add3A_181 = arith.addi %add3A_153, %add3A_180 : i32
        %dma_start3A_182 = arith.constant 0 : i32
        %dma_start3A_183 = tpu.memref_slice %arg7[%add3A_181, %dma_start3A_182] : memref<16x128xi32, #tpu.memory_space<vmem>> -> memref<1x128xi32, #tpu.memory_space<vmem>>
        %dma_start3A_184 = tpu.memref_squeeze %dma_start3A_183 : memref<1x128xi32, #tpu.memory_space<vmem>> -> memref<128xi32, #tpu.memory_space<vmem>>
        %dma_start3A_185 = arith.constant 0 : i32
        %dma_start3A_186 = arith.constant 0 : i32
        %dma_start3A_187 = tpu.memref_slice %arg2[%dma_start3A_185, %dma_start3A_186] : memref<10240x128xf32, #tpu.memory_space<hbm>> -> memref<10240x128xf32, #tpu.memory_space<hbm>>
        tpu.enqueue_indirect_dma source(%dma_start3A_187 : memref<10240x128xf32, #tpu.memory_space<hbm>>) target(%arg10 : memref<128x128xf32, #tpu.memory_space<vmem>>) offsets(%dma_start3A_184 : memref<128xi32, #tpu.memory_space<vmem>>) semaphore(%arg12 : memref<!tpu.dma_semaphore, #tpu.memory_space<semaphore_mem>>)
      } else {
      }
      %dma_wait3A_168 = arith.constant 0 : i32
      %dma_wait3A_169 = tpu.memref_slice %arg7[%add3A_153, %dma_wait3A_168] : memref<16x128xi32, #tpu.memory_space<vmem>> -> memref<1x128xi32, #tpu.memory_space<vmem>>
      %dma_wait3A_170 = tpu.memref_squeeze %dma_wait3A_169 : memref<1x128xi32, #tpu.memory_space<vmem>> -> memref<128xi32, #tpu.memory_space<vmem>>
      %dma_wait3A_171 = arith.constant 0 : i32
      %dma_wait3A_172 = arith.constant 0 : i32
      %dma_wait3A_173 = tpu.memref_slice %arg2[%dma_wait3A_171, %dma_wait3A_172] : memref<10240x128xf32, #tpu.memory_space<hbm>> -> memref<10240x128xf32, #tpu.memory_space<hbm>>
      tpu.wait_indirect_dma semaphore(%arg13 : memref<!tpu.dma_semaphore, #tpu.memory_space<semaphore_mem>>) src(%dma_wait3A_173 : memref<10240x128xf32, #tpu.memory_space<hbm>>) dst(%arg11 : memref<128x128xf32, #tpu.memory_space<vmem>>)
      %dma_start3A_174 = arith.constant 0 : i32
      %dma_start3A_175 = tpu.memref_slice %arg8[%add3A_153, %dma_start3A_174] : memref<16x128xi32, #tpu.memory_space<vmem>> -> memref<1x128xi32, #tpu.memory_space<vmem>>
      %dma_start3A_176 = tpu.memref_squeeze %dma_start3A_175 : memref<1x128xi32, #tpu.memory_space<vmem>> -> memref<128xi32, #tpu.memory_space<vmem>>
      %dma_start3A_177 = arith.constant 0 : i32
      %dma_start3A_178 = arith.constant 0 : i32
      %dma_start3A_179 = tpu.memref_slice %arg9[%dma_start3A_177, %dma_start3A_178] : memref<10240x128xf32, #tpu.memory_space<vmem_shared>> -> memref<10240x128xf32, #tpu.memory_space<vmem_shared>>
      tpu.enqueue_indirect_dma source(%arg11 : memref<128x128xf32, #tpu.memory_space<vmem>>) target(%dma_start3A_179 : memref<10240x128xf32, #tpu.memory_space<vmem_shared>>) offsets(%dma_start3A_176 : memref<128xi32, #tpu.memory_space<vmem>>) semaphore(%arg15 : memref<!tpu.dma_semaphore, #tpu.memory_space<semaphore_mem>>) {add = true}
    }
    %scan3A_64 = arith.constant 8 : i32
    %dma_wait3A_65 = arith.constant 0 : i32
    %dma_wait3A_66 = arith.constant 0 : i32
    %dma_wait3A_67 = tpu.memref_slice %arg8[%dma_wait3A_65, %dma_wait3A_66] : memref<16x128xi32, #tpu.memory_space<vmem>> -> memref<1x128xi32, #tpu.memory_space<vmem>>
    %dma_wait3A_68 = tpu.memref_squeeze %dma_wait3A_67 : memref<1x128xi32, #tpu.memory_space<vmem>> -> memref<128xi32, #tpu.memory_space<vmem>>
    %dma_wait3A_69 = arith.constant 0 : i32
    %dma_wait3A_70 = arith.constant 0 : i32
    %dma_wait3A_71 = tpu.memref_slice %arg9[%dma_wait3A_69, %dma_wait3A_70] : memref<10240x128xf32, #tpu.memory_space<vmem_shared>> -> memref<10240x128xf32, #tpu.memory_space<vmem_shared>>
    tpu.wait_indirect_dma semaphore(%arg15 : memref<!tpu.dma_semaphore, #tpu.memory_space<semaphore_mem>>) src(%arg11 : memref<128x128xf32, #tpu.memory_space<vmem>>) dst(%dma_wait3A_71 : memref<10240x128xf32, #tpu.memory_space<vmem_shared>>)
    %mul3A_72 = arith.constant 80 : i32
    %mul3A_73 = arith.muli %add3A, %mul3A_72 : i32
    %add3A_74 = arith.constant 48 : i32
    %add3A_75 = arith.addi %mul3A_73, %add3A_74 : i32
    "tpu.region"() ({
      %run_scoped3A = tpu.sem_alloc : memref<!tpu.dma_semaphore, #tpu.memory_space<semaphore_mem>>
      %dma_start3A_125 = arith.constant 0 : i32
      %dma_start3A_126 = tpu.memref_slice %arg3[%add3A_75, %dma_start3A_125] : memref<2560x128xi32, #tpu.memory_space<hbm>> -> memref<16x128xi32, #tpu.memory_space<hbm>>
      %dma_start3A_127 = arith.constant 0 : i32
      %dma_start3A_128 = tpu.memref_slice %arg3[%add3A_75, %dma_start3A_127] : memref<2560x128xi32, #tpu.memory_space<hbm>> -> memref<16x128xi32, #tpu.memory_space<hbm>>
      tpu.enqueue_dma source(%dma_start3A_128 : memref<16x128xi32, #tpu.memory_space<hbm>>) target(%arg7 : memref<16x128xi32, #tpu.memory_space<vmem>>) target_semaphore(%run_scoped3A : memref<!tpu.dma_semaphore, #tpu.memory_space<semaphore_mem>>)
      %dma_wait3A_129 = arith.constant 0 : i32
      %dma_wait3A_130 = tpu.memref_slice %arg3[%add3A_75, %dma_wait3A_129] : memref<2560x128xi32, #tpu.memory_space<hbm>> -> memref<16x128xi32, #tpu.memory_space<hbm>>
      %dma_wait3A_131 = arith.constant 0 : i32
      %dma_wait3A_132 = tpu.memref_slice %arg3[%add3A_75, %dma_wait3A_131] : memref<2560x128xi32, #tpu.memory_space<hbm>> -> memref<16x128xi32, #tpu.memory_space<hbm>>
      tpu.wait_dma2 semaphore(%run_scoped3A : memref<!tpu.dma_semaphore, #tpu.memory_space<semaphore_mem>>) src(%dma_wait3A_132 : memref<16x128xi32, #tpu.memory_space<hbm>>) dst(%arg7 : memref<16x128xi32, #tpu.memory_space<vmem>>)
      tpu.yield
    }) : () -> ()
    "tpu.region"() ({
      %run_scoped3A = tpu.sem_alloc : memref<!tpu.dma_semaphore, #tpu.memory_space<semaphore_mem>>
      %dma_start3A_125 = arith.constant 0 : i32
      %dma_start3A_126 = tpu.memref_slice %arg4[%add3A_75, %dma_start3A_125] : memref<2560x128xi32, #tpu.memory_space<hbm>> -> memref<16x128xi32, #tpu.memory_space<hbm>>
      %dma_start3A_127 = arith.constant 0 : i32
      %dma_start3A_128 = tpu.memref_slice %arg4[%add3A_75, %dma_start3A_127] : memref<2560x128xi32, #tpu.memory_space<hbm>> -> memref<16x128xi32, #tpu.memory_space<hbm>>
      tpu.enqueue_dma source(%dma_start3A_128 : memref<16x128xi32, #tpu.memory_space<hbm>>) target(%arg8 : memref<16x128xi32, #tpu.memory_space<vmem>>) target_semaphore(%run_scoped3A : memref<!tpu.dma_semaphore, #tpu.memory_space<semaphore_mem>>)
      %dma_wait3A_129 = arith.constant 0 : i32
      %dma_wait3A_130 = tpu.memref_slice %arg4[%add3A_75, %dma_wait3A_129] : memref<2560x128xi32, #tpu.memory_space<hbm>> -> memref<16x128xi32, #tpu.memory_space<hbm>>
      %dma_wait3A_131 = arith.constant 0 : i32
      %dma_wait3A_132 = tpu.memref_slice %arg4[%add3A_75, %dma_wait3A_131] : memref<2560x128xi32, #tpu.memory_space<hbm>> -> memref<16x128xi32, #tpu.memory_space<hbm>>
      tpu.wait_dma2 semaphore(%run_scoped3A : memref<!tpu.dma_semaphore, #tpu.memory_space<semaphore_mem>>) src(%dma_wait3A_132 : memref<16x128xi32, #tpu.memory_space<hbm>>) dst(%arg8 : memref<16x128xi32, #tpu.memory_space<vmem>>)
      tpu.yield
    }) : () -> ()
    %dma_start3A_76 = arith.constant 0 : i32
    %dma_start3A_77 = arith.constant 0 : i32
    %dma_start3A_78 = tpu.memref_slice %arg7[%dma_start3A_76, %dma_start3A_77] : memref<16x128xi32, #tpu.memory_space<vmem>> -> memref<1x128xi32, #tpu.memory_space<vmem>>
    %dma_start3A_79 = tpu.memref_squeeze %dma_start3A_78 : memref<1x128xi32, #tpu.memory_space<vmem>> -> memref<128xi32, #tpu.memory_space<vmem>>
    %dma_start3A_80 = arith.constant 0 : i32
    %dma_start3A_81 = arith.constant 0 : i32
    %dma_start3A_82 = tpu.memref_slice %arg2[%dma_start3A_80, %dma_start3A_81] : memref<10240x128xf32, #tpu.memory_space<hbm>> -> memref<10240x128xf32, #tpu.memory_space<hbm>>
    tpu.enqueue_indirect_dma source(%dma_start3A_82 : memref<10240x128xf32, #tpu.memory_space<hbm>>) target(%arg10 : memref<128x128xf32, #tpu.memory_space<vmem>>) offsets(%dma_start3A_79 : memref<128xi32, #tpu.memory_space<vmem>>) semaphore(%arg12 : memref<!tpu.dma_semaphore, #tpu.memory_space<semaphore_mem>>)
    %scan3A_83 = arith.constant 0 : i32
    %scan3A_84 = arith.constant 0 : i32
    %scan3A_85 = arith.constant 8 : i32
    %scan3A_86 = arith.addi %scan3A_84, %scan3A_85 : i32
    %scan3A_87 = arith.constant 1 : i32
    scf.for %scan3A_125 = %scan3A_84 to %scan3A_86 step %scan3A_87  : i32 {
      %mul3A_126 = arith.constant 2 : i32
      %mul3A_127 = arith.muli %scan3A_125, %mul3A_126 : i32
      %add3A_128 = arith.constant 0 : i32
      %add3A_129 = arith.addi %mul3A_127, %add3A_128 : i32
      %gt3A = arith.constant 0 : i32
      %gt3A_130 = arith.cmpi sgt, %scan3A_125, %gt3A : i32
      %convert_element_type3A = arith.extui %gt3A_130 : i1 to i32
      %cond3A = arith.constant 0 : i32
      %cond3A_131 = arith.cmpi ne, %convert_element_type3A, %cond3A : i32
      scf.if %cond3A_131 {
        %dma_wait3A_180 = arith.constant 0 : i32
        %dma_wait3A_181 = arith.constant 0 : i32
        %dma_wait3A_182 = tpu.memref_slice %arg8[%dma_wait3A_180, %dma_wait3A_181] : memref<16x128xi32, #tpu.memory_space<vmem>> -> memref<1x128xi32, #tpu.memory_space<vmem>>
        %dma_wait3A_183 = tpu.memref_squeeze %dma_wait3A_182 : memref<1x128xi32, #tpu.memory_space<vmem>> -> memref<128xi32, #tpu.memory_space<vmem>>
        %dma_wait3A_184 = arith.constant 0 : i32
        %dma_wait3A_185 = arith.constant 0 : i32
        %dma_wait3A_186 = tpu.memref_slice %arg9[%dma_wait3A_184, %dma_wait3A_185] : memref<10240x128xf32, #tpu.memory_space<vmem_shared>> -> memref<10240x128xf32, #tpu.memory_space<vmem_shared>>
        tpu.wait_indirect_dma semaphore(%arg15 : memref<!tpu.dma_semaphore, #tpu.memory_space<semaphore_mem>>) src(%arg11 : memref<128x128xf32, #tpu.memory_space<vmem>>) dst(%dma_wait3A_186 : memref<10240x128xf32, #tpu.memory_space<vmem_shared>>)
      } else {
      }
      %add3A_132 = arith.constant 1 : i32
      %add3A_133 = arith.addi %add3A_129, %add3A_132 : i32
      %lt3A = arith.constant 16 : i32
      %lt3A_134 = arith.cmpi slt, %add3A_133, %lt3A : i32
      %convert_element_type3A_135 = arith.extui %lt3A_134 : i1 to i32
      %cond3A_136 = arith.constant 0 : i32
      %cond3A_137 = arith.cmpi ne, %convert_element_type3A_135, %cond3A_136 : i32
      scf.if %cond3A_137 {
        %add3A_180 = arith.constant 1 : i32
        %add3A_181 = arith.addi %add3A_129, %add3A_180 : i32
        %dma_start3A_182 = arith.constant 0 : i32
        %dma_start3A_183 = tpu.memref_slice %arg7[%add3A_181, %dma_start3A_182] : memref<16x128xi32, #tpu.memory_space<vmem>> -> memref<1x128xi32, #tpu.memory_space<vmem>>
        %dma_start3A_184 = tpu.memref_squeeze %dma_start3A_183 : memref<1x128xi32, #tpu.memory_space<vmem>> -> memref<128xi32, #tpu.memory_space<vmem>>
        %dma_start3A_185 = arith.constant 0 : i32
        %dma_start3A_186 = arith.constant 0 : i32
        %dma_start3A_187 = tpu.memref_slice %arg2[%dma_start3A_185, %dma_start3A_186] : memref<10240x128xf32, #tpu.memory_space<hbm>> -> memref<10240x128xf32, #tpu.memory_space<hbm>>
        tpu.enqueue_indirect_dma source(%dma_start3A_187 : memref<10240x128xf32, #tpu.memory_space<hbm>>) target(%arg11 : memref<128x128xf32, #tpu.memory_space<vmem>>) offsets(%dma_start3A_184 : memref<128xi32, #tpu.memory_space<vmem>>) semaphore(%arg13 : memref<!tpu.dma_semaphore, #tpu.memory_space<semaphore_mem>>)
      } else {
      }
      %dma_wait3A_138 = arith.constant 0 : i32
      %dma_wait3A_139 = tpu.memref_slice %arg7[%add3A_129, %dma_wait3A_138] : memref<16x128xi32, #tpu.memory_space<vmem>> -> memref<1x128xi32, #tpu.memory_space<vmem>>
      %dma_wait3A_140 = tpu.memref_squeeze %dma_wait3A_139 : memref<1x128xi32, #tpu.memory_space<vmem>> -> memref<128xi32, #tpu.memory_space<vmem>>
      %dma_wait3A_141 = arith.constant 0 : i32
      %dma_wait3A_142 = arith.constant 0 : i32
      %dma_wait3A_143 = tpu.memref_slice %arg2[%dma_wait3A_141, %dma_wait3A_142] : memref<10240x128xf32, #tpu.memory_space<hbm>> -> memref<10240x128xf32, #tpu.memory_space<hbm>>
      tpu.wait_indirect_dma semaphore(%arg12 : memref<!tpu.dma_semaphore, #tpu.memory_space<semaphore_mem>>) src(%dma_wait3A_143 : memref<10240x128xf32, #tpu.memory_space<hbm>>) dst(%arg10 : memref<128x128xf32, #tpu.memory_space<vmem>>)
      %dma_start3A_144 = arith.constant 0 : i32
      %dma_start3A_145 = tpu.memref_slice %arg8[%add3A_129, %dma_start3A_144] : memref<16x128xi32, #tpu.memory_space<vmem>> -> memref<1x128xi32, #tpu.memory_space<vmem>>
      %dma_start3A_146 = tpu.memref_squeeze %dma_start3A_145 : memref<1x128xi32, #tpu.memory_space<vmem>> -> memref<128xi32, #tpu.memory_space<vmem>>
      %dma_start3A_147 = arith.constant 0 : i32
      %dma_start3A_148 = arith.constant 0 : i32
      %dma_start3A_149 = tpu.memref_slice %arg9[%dma_start3A_147, %dma_start3A_148] : memref<10240x128xf32, #tpu.memory_space<vmem_shared>> -> memref<10240x128xf32, #tpu.memory_space<vmem_shared>>
      tpu.enqueue_indirect_dma source(%arg10 : memref<128x128xf32, #tpu.memory_space<vmem>>) target(%dma_start3A_149 : memref<10240x128xf32, #tpu.memory_space<vmem_shared>>) offsets(%dma_start3A_146 : memref<128xi32, #tpu.memory_space<vmem>>) semaphore(%arg14 : memref<!tpu.dma_semaphore, #tpu.memory_space<semaphore_mem>>) {add = true}
      %mul3A_150 = arith.constant 2 : i32
      %mul3A_151 = arith.muli %scan3A_125, %mul3A_150 : i32
      %add3A_152 = arith.constant 1 : i32
      %add3A_153 = arith.addi %mul3A_151, %add3A_152 : i32
      %dma_wait3A_154 = arith.constant 0 : i32
      %dma_wait3A_155 = arith.constant 0 : i32
      %dma_wait3A_156 = tpu.memref_slice %arg8[%dma_wait3A_154, %dma_wait3A_155] : memref<16x128xi32, #tpu.memory_space<vmem>> -> memref<1x128xi32, #tpu.memory_space<vmem>>
      %dma_wait3A_157 = tpu.memref_squeeze %dma_wait3A_156 : memref<1x128xi32, #tpu.memory_space<vmem>> -> memref<128xi32, #tpu.memory_space<vmem>>
      %dma_wait3A_158 = arith.constant 0 : i32
      %dma_wait3A_159 = arith.constant 0 : i32
      %dma_wait3A_160 = tpu.memref_slice %arg9[%dma_wait3A_158, %dma_wait3A_159] : memref<10240x128xf32, #tpu.memory_space<vmem_shared>> -> memref<10240x128xf32, #tpu.memory_space<vmem_shared>>
      tpu.wait_indirect_dma semaphore(%arg14 : memref<!tpu.dma_semaphore, #tpu.memory_space<semaphore_mem>>) src(%arg10 : memref<128x128xf32, #tpu.memory_space<vmem>>) dst(%dma_wait3A_160 : memref<10240x128xf32, #tpu.memory_space<vmem_shared>>)
      %add3A_161 = arith.constant 1 : i32
      %add3A_162 = arith.addi %add3A_153, %add3A_161 : i32
      %lt3A_163 = arith.constant 16 : i32
      %lt3A_164 = arith.cmpi slt, %add3A_162, %lt3A_163 : i32
      %convert_element_type3A_165 = arith.extui %lt3A_164 : i1 to i32
      %cond3A_166 = arith.constant 0 : i32
      %cond3A_167 = arith.cmpi ne, %convert_element_type3A_165, %cond3A_166 : i32
      scf.if %cond3A_167 {
        %add3A_180 = arith.constant 1 : i32
        %add3A_181 = arith.addi %add3A_153, %add3A_180 : i32
        %dma_start3A_182 = arith.constant 0 : i32
        %dma_start3A_183 = tpu.memref_slice %arg7[%add3A_181, %dma_start3A_182] : memref<16x128xi32, #tpu.memory_space<vmem>> -> memref<1x128xi32, #tpu.memory_space<vmem>>
        %dma_start3A_184 = tpu.memref_squeeze %dma_start3A_183 : memref<1x128xi32, #tpu.memory_space<vmem>> -> memref<128xi32, #tpu.memory_space<vmem>>
        %dma_start3A_185 = arith.constant 0 : i32
        %dma_start3A_186 = arith.constant 0 : i32
        %dma_start3A_187 = tpu.memref_slice %arg2[%dma_start3A_185, %dma_start3A_186] : memref<10240x128xf32, #tpu.memory_space<hbm>> -> memref<10240x128xf32, #tpu.memory_space<hbm>>
        tpu.enqueue_indirect_dma source(%dma_start3A_187 : memref<10240x128xf32, #tpu.memory_space<hbm>>) target(%arg10 : memref<128x128xf32, #tpu.memory_space<vmem>>) offsets(%dma_start3A_184 : memref<128xi32, #tpu.memory_space<vmem>>) semaphore(%arg12 : memref<!tpu.dma_semaphore, #tpu.memory_space<semaphore_mem>>)
      } else {
      }
      %dma_wait3A_168 = arith.constant 0 : i32
      %dma_wait3A_169 = tpu.memref_slice %arg7[%add3A_153, %dma_wait3A_168] : memref<16x128xi32, #tpu.memory_space<vmem>> -> memref<1x128xi32, #tpu.memory_space<vmem>>
      %dma_wait3A_170 = tpu.memref_squeeze %dma_wait3A_169 : memref<1x128xi32, #tpu.memory_space<vmem>> -> memref<128xi32, #tpu.memory_space<vmem>>
      %dma_wait3A_171 = arith.constant 0 : i32
      %dma_wait3A_172 = arith.constant 0 : i32
      %dma_wait3A_173 = tpu.memref_slice %arg2[%dma_wait3A_171, %dma_wait3A_172] : memref<10240x128xf32, #tpu.memory_space<hbm>> -> memref<10240x128xf32, #tpu.memory_space<hbm>>
      tpu.wait_indirect_dma semaphore(%arg13 : memref<!tpu.dma_semaphore, #tpu.memory_space<semaphore_mem>>) src(%dma_wait3A_173 : memref<10240x128xf32, #tpu.memory_space<hbm>>) dst(%arg11 : memref<128x128xf32, #tpu.memory_space<vmem>>)
      %dma_start3A_174 = arith.constant 0 : i32
      %dma_start3A_175 = tpu.memref_slice %arg8[%add3A_153, %dma_start3A_174] : memref<16x128xi32, #tpu.memory_space<vmem>> -> memref<1x128xi32, #tpu.memory_space<vmem>>
      %dma_start3A_176 = tpu.memref_squeeze %dma_start3A_175 : memref<1x128xi32, #tpu.memory_space<vmem>> -> memref<128xi32, #tpu.memory_space<vmem>>
      %dma_start3A_177 = arith.constant 0 : i32
      %dma_start3A_178 = arith.constant 0 : i32
      %dma_start3A_179 = tpu.memref_slice %arg9[%dma_start3A_177, %dma_start3A_178] : memref<10240x128xf32, #tpu.memory_space<vmem_shared>> -> memref<10240x128xf32, #tpu.memory_space<vmem_shared>>
      tpu.enqueue_indirect_dma source(%arg11 : memref<128x128xf32, #tpu.memory_space<vmem>>) target(%dma_start3A_179 : memref<10240x128xf32, #tpu.memory_space<vmem_shared>>) offsets(%dma_start3A_176 : memref<128xi32, #tpu.memory_space<vmem>>) semaphore(%arg15 : memref<!tpu.dma_semaphore, #tpu.memory_space<semaphore_mem>>) {add = true}
    }
    %scan3A_88 = arith.constant 8 : i32
    %dma_wait3A_89 = arith.constant 0 : i32
    %dma_wait3A_90 = arith.constant 0 : i32
    %dma_wait3A_91 = tpu.memref_slice %arg8[%dma_wait3A_89, %dma_wait3A_90] : memref<16x128xi32, #tpu.memory_space<vmem>> -> memref<1x128xi32, #tpu.memory_space<vmem>>
    %dma_wait3A_92 = tpu.memref_squeeze %dma_wait3A_91 : memref<1x128xi32, #tpu.memory_space<vmem>> -> memref<128xi32, #tpu.memory_space<vmem>>
    %dma_wait3A_93 = arith.constant 0 : i32
    %dma_wait3A_94 = arith.constant 0 : i32
    %dma_wait3A_95 = tpu.memref_slice %arg9[%dma_wait3A_93, %dma_wait3A_94] : memref<10240x128xf32, #tpu.memory_space<vmem_shared>> -> memref<10240x128xf32, #tpu.memory_space<vmem_shared>>
    tpu.wait_indirect_dma semaphore(%arg15 : memref<!tpu.dma_semaphore, #tpu.memory_space<semaphore_mem>>) src(%arg11 : memref<128x128xf32, #tpu.memory_space<vmem>>) dst(%dma_wait3A_95 : memref<10240x128xf32, #tpu.memory_space<vmem_shared>>)
    %mul3A_96 = arith.constant 80 : i32
    %mul3A_97 = arith.muli %add3A, %mul3A_96 : i32
    %add3A_98 = arith.constant 64 : i32
    %add3A_99 = arith.addi %mul3A_97, %add3A_98 : i32
    "tpu.region"() ({
      %run_scoped3A = tpu.sem_alloc : memref<!tpu.dma_semaphore, #tpu.memory_space<semaphore_mem>>
      %dma_start3A_125 = arith.constant 0 : i32
      %dma_start3A_126 = tpu.memref_slice %arg3[%add3A_99, %dma_start3A_125] : memref<2560x128xi32, #tpu.memory_space<hbm>> -> memref<16x128xi32, #tpu.memory_space<hbm>>
      %dma_start3A_127 = arith.constant 0 : i32
      %dma_start3A_128 = tpu.memref_slice %arg3[%add3A_99, %dma_start3A_127] : memref<2560x128xi32, #tpu.memory_space<hbm>> -> memref<16x128xi32, #tpu.memory_space<hbm>>
      tpu.enqueue_dma source(%dma_start3A_128 : memref<16x128xi32, #tpu.memory_space<hbm>>) target(%arg7 : memref<16x128xi32, #tpu.memory_space<vmem>>) target_semaphore(%run_scoped3A : memref<!tpu.dma_semaphore, #tpu.memory_space<semaphore_mem>>)
      %dma_wait3A_129 = arith.constant 0 : i32
      %dma_wait3A_130 = tpu.memref_slice %arg3[%add3A_99, %dma_wait3A_129] : memref<2560x128xi32, #tpu.memory_space<hbm>> -> memref<16x128xi32, #tpu.memory_space<hbm>>
      %dma_wait3A_131 = arith.constant 0 : i32
      %dma_wait3A_132 = tpu.memref_slice %arg3[%add3A_99, %dma_wait3A_131] : memref<2560x128xi32, #tpu.memory_space<hbm>> -> memref<16x128xi32, #tpu.memory_space<hbm>>
      tpu.wait_dma2 semaphore(%run_scoped3A : memref<!tpu.dma_semaphore, #tpu.memory_space<semaphore_mem>>) src(%dma_wait3A_132 : memref<16x128xi32, #tpu.memory_space<hbm>>) dst(%arg7 : memref<16x128xi32, #tpu.memory_space<vmem>>)
      tpu.yield
    }) : () -> ()
    "tpu.region"() ({
      %run_scoped3A = tpu.sem_alloc : memref<!tpu.dma_semaphore, #tpu.memory_space<semaphore_mem>>
      %dma_start3A_125 = arith.constant 0 : i32
      %dma_start3A_126 = tpu.memref_slice %arg4[%add3A_99, %dma_start3A_125] : memref<2560x128xi32, #tpu.memory_space<hbm>> -> memref<16x128xi32, #tpu.memory_space<hbm>>
      %dma_start3A_127 = arith.constant 0 : i32
      %dma_start3A_128 = tpu.memref_slice %arg4[%add3A_99, %dma_start3A_127] : memref<2560x128xi32, #tpu.memory_space<hbm>> -> memref<16x128xi32, #tpu.memory_space<hbm>>
      tpu.enqueue_dma source(%dma_start3A_128 : memref<16x128xi32, #tpu.memory_space<hbm>>) target(%arg8 : memref<16x128xi32, #tpu.memory_space<vmem>>) target_semaphore(%run_scoped3A : memref<!tpu.dma_semaphore, #tpu.memory_space<semaphore_mem>>)
      %dma_wait3A_129 = arith.constant 0 : i32
      %dma_wait3A_130 = tpu.memref_slice %arg4[%add3A_99, %dma_wait3A_129] : memref<2560x128xi32, #tpu.memory_space<hbm>> -> memref<16x128xi32, #tpu.memory_space<hbm>>
      %dma_wait3A_131 = arith.constant 0 : i32
      %dma_wait3A_132 = tpu.memref_slice %arg4[%add3A_99, %dma_wait3A_131] : memref<2560x128xi32, #tpu.memory_space<hbm>> -> memref<16x128xi32, #tpu.memory_space<hbm>>
      tpu.wait_dma2 semaphore(%run_scoped3A : memref<!tpu.dma_semaphore, #tpu.memory_space<semaphore_mem>>) src(%dma_wait3A_132 : memref<16x128xi32, #tpu.memory_space<hbm>>) dst(%arg8 : memref<16x128xi32, #tpu.memory_space<vmem>>)
      tpu.yield
    }) : () -> ()
    %dma_start3A_100 = arith.constant 0 : i32
    %dma_start3A_101 = arith.constant 0 : i32
    %dma_start3A_102 = tpu.memref_slice %arg7[%dma_start3A_100, %dma_start3A_101] : memref<16x128xi32, #tpu.memory_space<vmem>> -> memref<1x128xi32, #tpu.memory_space<vmem>>
    %dma_start3A_103 = tpu.memref_squeeze %dma_start3A_102 : memref<1x128xi32, #tpu.memory_space<vmem>> -> memref<128xi32, #tpu.memory_space<vmem>>
    %dma_start3A_104 = arith.constant 0 : i32
    %dma_start3A_105 = arith.constant 0 : i32
    %dma_start3A_106 = tpu.memref_slice %arg2[%dma_start3A_104, %dma_start3A_105] : memref<10240x128xf32, #tpu.memory_space<hbm>> -> memref<10240x128xf32, #tpu.memory_space<hbm>>
    tpu.enqueue_indirect_dma source(%dma_start3A_106 : memref<10240x128xf32, #tpu.memory_space<hbm>>) target(%arg10 : memref<128x128xf32, #tpu.memory_space<vmem>>) offsets(%dma_start3A_103 : memref<128xi32, #tpu.memory_space<vmem>>) semaphore(%arg12 : memref<!tpu.dma_semaphore, #tpu.memory_space<semaphore_mem>>)
    %scan3A_107 = arith.constant 0 : i32
    %scan3A_108 = arith.constant 0 : i32
    %scan3A_109 = arith.constant 8 : i32
    %scan3A_110 = arith.addi %scan3A_108, %scan3A_109 : i32
    %scan3A_111 = arith.constant 1 : i32
    scf.for %scan3A_125 = %scan3A_108 to %scan3A_110 step %scan3A_111  : i32 {
      %mul3A_126 = arith.constant 2 : i32
      %mul3A_127 = arith.muli %scan3A_125, %mul3A_126 : i32
      %add3A_128 = arith.constant 0 : i32
      %add3A_129 = arith.addi %mul3A_127, %add3A_128 : i32
      %gt3A = arith.constant 0 : i32
      %gt3A_130 = arith.cmpi sgt, %scan3A_125, %gt3A : i32
      %convert_element_type3A = arith.extui %gt3A_130 : i1 to i32
      %cond3A = arith.constant 0 : i32
      %cond3A_131 = arith.cmpi ne, %convert_element_type3A, %cond3A : i32
      scf.if %cond3A_131 {
        %dma_wait3A_180 = arith.constant 0 : i32
        %dma_wait3A_181 = arith.constant 0 : i32
        %dma_wait3A_182 = tpu.memref_slice %arg8[%dma_wait3A_180, %dma_wait3A_181] : memref<16x128xi32, #tpu.memory_space<vmem>> -> memref<1x128xi32, #tpu.memory_space<vmem>>
        %dma_wait3A_183 = tpu.memref_squeeze %dma_wait3A_182 : memref<1x128xi32, #tpu.memory_space<vmem>> -> memref<128xi32, #tpu.memory_space<vmem>>
        %dma_wait3A_184 = arith.constant 0 : i32
        %dma_wait3A_185 = arith.constant 0 : i32
        %dma_wait3A_186 = tpu.memref_slice %arg9[%dma_wait3A_184, %dma_wait3A_185] : memref<10240x128xf32, #tpu.memory_space<vmem_shared>> -> memref<10240x128xf32, #tpu.memory_space<vmem_shared>>
        tpu.wait_indirect_dma semaphore(%arg15 : memref<!tpu.dma_semaphore, #tpu.memory_space<semaphore_mem>>) src(%arg11 : memref<128x128xf32, #tpu.memory_space<vmem>>) dst(%dma_wait3A_186 : memref<10240x128xf32, #tpu.memory_space<vmem_shared>>)
      } else {
      }
      %add3A_132 = arith.constant 1 : i32
      %add3A_133 = arith.addi %add3A_129, %add3A_132 : i32
      %lt3A = arith.constant 16 : i32
      %lt3A_134 = arith.cmpi slt, %add3A_133, %lt3A : i32
      %convert_element_type3A_135 = arith.extui %lt3A_134 : i1 to i32
      %cond3A_136 = arith.constant 0 : i32
      %cond3A_137 = arith.cmpi ne, %convert_element_type3A_135, %cond3A_136 : i32
      scf.if %cond3A_137 {
        %add3A_180 = arith.constant 1 : i32
        %add3A_181 = arith.addi %add3A_129, %add3A_180 : i32
        %dma_start3A_182 = arith.constant 0 : i32
        %dma_start3A_183 = tpu.memref_slice %arg7[%add3A_181, %dma_start3A_182] : memref<16x128xi32, #tpu.memory_space<vmem>> -> memref<1x128xi32, #tpu.memory_space<vmem>>
        %dma_start3A_184 = tpu.memref_squeeze %dma_start3A_183 : memref<1x128xi32, #tpu.memory_space<vmem>> -> memref<128xi32, #tpu.memory_space<vmem>>
        %dma_start3A_185 = arith.constant 0 : i32
        %dma_start3A_186 = arith.constant 0 : i32
        %dma_start3A_187 = tpu.memref_slice %arg2[%dma_start3A_185, %dma_start3A_186] : memref<10240x128xf32, #tpu.memory_space<hbm>> -> memref<10240x128xf32, #tpu.memory_space<hbm>>
        tpu.enqueue_indirect_dma source(%dma_start3A_187 : memref<10240x128xf32, #tpu.memory_space<hbm>>) target(%arg11 : memref<128x128xf32, #tpu.memory_space<vmem>>) offsets(%dma_start3A_184 : memref<128xi32, #tpu.memory_space<vmem>>) semaphore(%arg13 : memref<!tpu.dma_semaphore, #tpu.memory_space<semaphore_mem>>)
      } else {
      }
      %dma_wait3A_138 = arith.constant 0 : i32
      %dma_wait3A_139 = tpu.memref_slice %arg7[%add3A_129, %dma_wait3A_138] : memref<16x128xi32, #tpu.memory_space<vmem>> -> memref<1x128xi32, #tpu.memory_space<vmem>>
      %dma_wait3A_140 = tpu.memref_squeeze %dma_wait3A_139 : memref<1x128xi32, #tpu.memory_space<vmem>> -> memref<128xi32, #tpu.memory_space<vmem>>
      %dma_wait3A_141 = arith.constant 0 : i32
      %dma_wait3A_142 = arith.constant 0 : i32
      %dma_wait3A_143 = tpu.memref_slice %arg2[%dma_wait3A_141, %dma_wait3A_142] : memref<10240x128xf32, #tpu.memory_space<hbm>> -> memref<10240x128xf32, #tpu.memory_space<hbm>>
      tpu.wait_indirect_dma semaphore(%arg12 : memref<!tpu.dma_semaphore, #tpu.memory_space<semaphore_mem>>) src(%dma_wait3A_143 : memref<10240x128xf32, #tpu.memory_space<hbm>>) dst(%arg10 : memref<128x128xf32, #tpu.memory_space<vmem>>)
      %dma_start3A_144 = arith.constant 0 : i32
      %dma_start3A_145 = tpu.memref_slice %arg8[%add3A_129, %dma_start3A_144] : memref<16x128xi32, #tpu.memory_space<vmem>> -> memref<1x128xi32, #tpu.memory_space<vmem>>
      %dma_start3A_146 = tpu.memref_squeeze %dma_start3A_145 : memref<1x128xi32, #tpu.memory_space<vmem>> -> memref<128xi32, #tpu.memory_space<vmem>>
      %dma_start3A_147 = arith.constant 0 : i32
      %dma_start3A_148 = arith.constant 0 : i32
      %dma_start3A_149 = tpu.memref_slice %arg9[%dma_start3A_147, %dma_start3A_148] : memref<10240x128xf32, #tpu.memory_space<vmem_shared>> -> memref<10240x128xf32, #tpu.memory_space<vmem_shared>>
      tpu.enqueue_indirect_dma source(%arg10 : memref<128x128xf32, #tpu.memory_space<vmem>>) target(%dma_start3A_149 : memref<10240x128xf32, #tpu.memory_space<vmem_shared>>) offsets(%dma_start3A_146 : memref<128xi32, #tpu.memory_space<vmem>>) semaphore(%arg14 : memref<!tpu.dma_semaphore, #tpu.memory_space<semaphore_mem>>) {add = true}
      %mul3A_150 = arith.constant 2 : i32
      %mul3A_151 = arith.muli %scan3A_125, %mul3A_150 : i32
      %add3A_152 = arith.constant 1 : i32
      %add3A_153 = arith.addi %mul3A_151, %add3A_152 : i32
      %dma_wait3A_154 = arith.constant 0 : i32
      %dma_wait3A_155 = arith.constant 0 : i32
      %dma_wait3A_156 = tpu.memref_slice %arg8[%dma_wait3A_154, %dma_wait3A_155] : memref<16x128xi32, #tpu.memory_space<vmem>> -> memref<1x128xi32, #tpu.memory_space<vmem>>
      %dma_wait3A_157 = tpu.memref_squeeze %dma_wait3A_156 : memref<1x128xi32, #tpu.memory_space<vmem>> -> memref<128xi32, #tpu.memory_space<vmem>>
      %dma_wait3A_158 = arith.constant 0 : i32
      %dma_wait3A_159 = arith.constant 0 : i32
      %dma_wait3A_160 = tpu.memref_slice %arg9[%dma_wait3A_158, %dma_wait3A_159] : memref<10240x128xf32, #tpu.memory_space<vmem_shared>> -> memref<10240x128xf32, #tpu.memory_space<vmem_shared>>
      tpu.wait_indirect_dma semaphore(%arg14 : memref<!tpu.dma_semaphore, #tpu.memory_space<semaphore_mem>>) src(%arg10 : memref<128x128xf32, #tpu.memory_space<vmem>>) dst(%dma_wait3A_160 : memref<10240x128xf32, #tpu.memory_space<vmem_shared>>)
      %add3A_161 = arith.constant 1 : i32
      %add3A_162 = arith.addi %add3A_153, %add3A_161 : i32
      %lt3A_163 = arith.constant 16 : i32
      %lt3A_164 = arith.cmpi slt, %add3A_162, %lt3A_163 : i32
      %convert_element_type3A_165 = arith.extui %lt3A_164 : i1 to i32
      %cond3A_166 = arith.constant 0 : i32
      %cond3A_167 = arith.cmpi ne, %convert_element_type3A_165, %cond3A_166 : i32
      scf.if %cond3A_167 {
        %add3A_180 = arith.constant 1 : i32
        %add3A_181 = arith.addi %add3A_153, %add3A_180 : i32
        %dma_start3A_182 = arith.constant 0 : i32
        %dma_start3A_183 = tpu.memref_slice %arg7[%add3A_181, %dma_start3A_182] : memref<16x128xi32, #tpu.memory_space<vmem>> -> memref<1x128xi32, #tpu.memory_space<vmem>>
        %dma_start3A_184 = tpu.memref_squeeze %dma_start3A_183 : memref<1x128xi32, #tpu.memory_space<vmem>> -> memref<128xi32, #tpu.memory_space<vmem>>
        %dma_start3A_185 = arith.constant 0 : i32
        %dma_start3A_186 = arith.constant 0 : i32
        %dma_start3A_187 = tpu.memref_slice %arg2[%dma_start3A_185, %dma_start3A_186] : memref<10240x128xf32, #tpu.memory_space<hbm>> -> memref<10240x128xf32, #tpu.memory_space<hbm>>
        tpu.enqueue_indirect_dma source(%dma_start3A_187 : memref<10240x128xf32, #tpu.memory_space<hbm>>) target(%arg10 : memref<128x128xf32, #tpu.memory_space<vmem>>) offsets(%dma_start3A_184 : memref<128xi32, #tpu.memory_space<vmem>>) semaphore(%arg12 : memref<!tpu.dma_semaphore, #tpu.memory_space<semaphore_mem>>)
      } else {
      }
      %dma_wait3A_168 = arith.constant 0 : i32
      %dma_wait3A_169 = tpu.memref_slice %arg7[%add3A_153, %dma_wait3A_168] : memref<16x128xi32, #tpu.memory_space<vmem>> -> memref<1x128xi32, #tpu.memory_space<vmem>>
      %dma_wait3A_170 = tpu.memref_squeeze %dma_wait3A_169 : memref<1x128xi32, #tpu.memory_space<vmem>> -> memref<128xi32, #tpu.memory_space<vmem>>
      %dma_wait3A_171 = arith.constant 0 : i32
      %dma_wait3A_172 = arith.constant 0 : i32
      %dma_wait3A_173 = tpu.memref_slice %arg2[%dma_wait3A_171, %dma_wait3A_172] : memref<10240x128xf32, #tpu.memory_space<hbm>> -> memref<10240x128xf32, #tpu.memory_space<hbm>>
      tpu.wait_indirect_dma semaphore(%arg13 : memref<!tpu.dma_semaphore, #tpu.memory_space<semaphore_mem>>) src(%dma_wait3A_173 : memref<10240x128xf32, #tpu.memory_space<hbm>>) dst(%arg11 : memref<128x128xf32, #tpu.memory_space<vmem>>)
      %dma_start3A_174 = arith.constant 0 : i32
      %dma_start3A_175 = tpu.memref_slice %arg8[%add3A_153, %dma_start3A_174] : memref<16x128xi32, #tpu.memory_space<vmem>> -> memref<1x128xi32, #tpu.memory_space<vmem>>
      %dma_start3A_176 = tpu.memref_squeeze %dma_start3A_175 : memref<1x128xi32, #tpu.memory_space<vmem>> -> memref<128xi32, #tpu.memory_space<vmem>>
      %dma_start3A_177 = arith.constant 0 : i32
      %dma_start3A_178 = arith.constant 0 : i32
      %dma_start3A_179 = tpu.memref_slice %arg9[%dma_start3A_177, %dma_start3A_178] : memref<10240x128xf32, #tpu.memory_space<vmem_shared>> -> memref<10240x128xf32, #tpu.memory_space<vmem_shared>>
      tpu.enqueue_indirect_dma source(%arg11 : memref<128x128xf32, #tpu.memory_space<vmem>>) target(%dma_start3A_179 : memref<10240x128xf32, #tpu.memory_space<vmem_shared>>) offsets(%dma_start3A_176 : memref<128xi32, #tpu.memory_space<vmem>>) semaphore(%arg15 : memref<!tpu.dma_semaphore, #tpu.memory_space<semaphore_mem>>) {add = true}
    }
    %scan3A_112 = arith.constant 8 : i32
    %dma_wait3A_113 = arith.constant 0 : i32
    %dma_wait3A_114 = arith.constant 0 : i32
    %dma_wait3A_115 = tpu.memref_slice %arg8[%dma_wait3A_113, %dma_wait3A_114] : memref<16x128xi32, #tpu.memory_space<vmem>> -> memref<1x128xi32, #tpu.memory_space<vmem>>
    %dma_wait3A_116 = tpu.memref_squeeze %dma_wait3A_115 : memref<1x128xi32, #tpu.memory_space<vmem>> -> memref<128xi32, #tpu.memory_space<vmem>>
    %dma_wait3A_117 = arith.constant 0 : i32
    %dma_wait3A_118 = arith.constant 0 : i32
    %dma_wait3A_119 = tpu.memref_slice %arg9[%dma_wait3A_117, %dma_wait3A_118] : memref<10240x128xf32, #tpu.memory_space<vmem_shared>> -> memref<10240x128xf32, #tpu.memory_space<vmem_shared>>
    tpu.wait_indirect_dma semaphore(%arg15 : memref<!tpu.dma_semaphore, #tpu.memory_space<semaphore_mem>>) src(%arg11 : memref<128x128xf32, #tpu.memory_space<vmem>>) dst(%dma_wait3A_119 : memref<10240x128xf32, #tpu.memory_space<vmem_shared>>)
    %barrier3A_120 = arith.constant 0 : index
    tpu.barrier barrier_id(%barrier3A_120)
    %mul3A_121 = arith.constant 640 : i32
    %mul3A_122 = arith.muli %arg1, %mul3A_121 : i32
    %mul3A_123 = arith.constant 640 : i32
    %mul3A_124 = arith.muli %arg1, %mul3A_123 : i32
    "tpu.region"() ({
      %run_scoped3A = tpu.sem_alloc : memref<!tpu.dma_semaphore, #tpu.memory_space<semaphore_mem>>
      %dma_start3A_125 = arith.constant 0 : i32
      %dma_start3A_126 = tpu.memref_slice %arg6[%arg0, %mul3A_124, %dma_start3A_125] : memref<2x10240x128xf32, #tpu.memory_space<hbm>> -> memref<1x640x128xf32, #tpu.memory_space<hbm>>
      %dma_start3A_127 = tpu.memref_squeeze %dma_start3A_126 : memref<1x640x128xf32, #tpu.memory_space<hbm>> -> memref<640x128xf32, #tpu.memory_space<hbm>>
      %dma_start3A_128 = arith.constant 0 : i32
      %dma_start3A_129 = tpu.memref_slice %arg9[%mul3A_122, %dma_start3A_128] : memref<10240x128xf32, #tpu.memory_space<vmem_shared>> -> memref<640x128xf32, #tpu.memory_space<vmem_shared>>
      tpu.enqueue_dma source(%dma_start3A_129 : memref<640x128xf32, #tpu.memory_space<vmem_shared>>) target(%dma_start3A_127 : memref<640x128xf32, #tpu.memory_space<hbm>>) target_semaphore(%run_scoped3A : memref<!tpu.dma_semaphore, #tpu.memory_space<semaphore_mem>>)
      %dma_wait3A_130 = arith.constant 0 : i32
      %dma_wait3A_131 = tpu.memref_slice %arg6[%arg0, %mul3A_124, %dma_wait3A_130] : memref<2x10240x128xf32, #tpu.memory_space<hbm>> -> memref<1x640x128xf32, #tpu.memory_space<hbm>>
      %dma_wait3A_132 = tpu.memref_squeeze %dma_wait3A_131 : memref<1x640x128xf32, #tpu.memory_space<hbm>> -> memref<640x128xf32, #tpu.memory_space<hbm>>
      %dma_wait3A_133 = arith.constant 0 : i32
      %dma_wait3A_134 = tpu.memref_slice %arg9[%mul3A_122, %dma_wait3A_133] : memref<10240x128xf32, #tpu.memory_space<vmem_shared>> -> memref<640x128xf32, #tpu.memory_space<vmem_shared>>
      tpu.wait_dma2 semaphore(%run_scoped3A : memref<!tpu.dma_semaphore, #tpu.memory_space<semaphore_mem>>) src(%dma_wait3A_134 : memref<640x128xf32, #tpu.memory_space<vmem_shared>>) dst(%dma_wait3A_132 : memref<640x128xf32, #tpu.memory_space<hbm>>)
      tpu.yield
    }) : () -> ()
    return
  }
}

#map = affine_map<(d0, d1) -> (0, 0)>
#map1 = affine_map<(d0, d1) -> (0)>
module attributes {stable_mosaic.version = 14 : i64} {
  func.func @_sc_degree(%arg0: i32, %arg1: i32, %arg2: memref<2560x128xi32, #tpu.memory_space<hbm>>, %arg3: memref<128xf32, #tpu.memory_space<hbm>>, %arg4: memref<640xf32, #tpu.memory_space<hbm>>, %arg5: memref<2x10240xf32, #tpu.memory_space<hbm>>, %arg6: memref<80x128xi32, #tpu.memory_space<vmem>>, %arg7: memref<128xf32, #tpu.memory_space<vmem>>, %arg8: memref<10240xf32, #tpu.memory_space<vmem_shared>>) attributes {dimension_semantics = [#tpu.dimension_semantics<core_parallel>, #tpu.dimension_semantics<subcore_parallel>], iteration_bounds = array<i64: 2, 16>, scalar_prefetch = 0 : i64, scratch_operands = 3 : i64, tpu.core_type = #tpu.core_type<sc_vector_subcore>, window_params = [{transform_indices = #map}, {transform_indices = #map1}, {transform_indices = #map1}, {transform_indices = #map}]} {
    %mul3A = arith.constant 2 : i32
    %mul3A_0 = arith.muli %arg1, %mul3A : i32
    %add3A = arith.addi %mul3A_0, %arg0 : i32
    %mul3A_1 = arith.constant 640 : i32
    %mul3A_2 = arith.muli %arg1, %mul3A_1 : i32
    "tpu.region"() ({
      %run_scoped3A = tpu.sem_alloc : memref<!tpu.dma_semaphore, #tpu.memory_space<semaphore_mem>>
      %dma_start3A = tpu.memref_slice %arg8[%mul3A_2] : memref<10240xf32, #tpu.memory_space<vmem_shared>> -> memref<640xf32, #tpu.memory_space<vmem_shared>>
      tpu.enqueue_dma source(%arg4 : memref<640xf32, #tpu.memory_space<hbm>>) target(%dma_start3A : memref<640xf32, #tpu.memory_space<vmem_shared>>) target_semaphore(%run_scoped3A : memref<!tpu.dma_semaphore, #tpu.memory_space<semaphore_mem>>)
      %dma_wait3A = tpu.memref_slice %arg8[%mul3A_2] : memref<10240xf32, #tpu.memory_space<vmem_shared>> -> memref<640xf32, #tpu.memory_space<vmem_shared>>
      tpu.wait_dma2 semaphore(%run_scoped3A : memref<!tpu.dma_semaphore, #tpu.memory_space<semaphore_mem>>) src(%arg4 : memref<640xf32, #tpu.memory_space<hbm>>) dst(%dma_wait3A : memref<640xf32, #tpu.memory_space<vmem_shared>>)
      tpu.yield
    }) : () -> ()
    %mul3A_3 = arith.constant 80 : i32
    %mul3A_4 = arith.muli %add3A, %mul3A_3 : i32
    "tpu.region"() ({
      %run_scoped3A = tpu.sem_alloc : memref<!tpu.dma_semaphore, #tpu.memory_space<semaphore_mem>>
      %dma_start3A = arith.constant 0 : i32
      %dma_start3A_15 = tpu.memref_slice %arg2[%mul3A_4, %dma_start3A] : memref<2560x128xi32, #tpu.memory_space<hbm>> -> memref<80x128xi32, #tpu.memory_space<hbm>>
      %dma_start3A_16 = arith.constant 0 : i32
      %dma_start3A_17 = tpu.memref_slice %arg2[%mul3A_4, %dma_start3A_16] : memref<2560x128xi32, #tpu.memory_space<hbm>> -> memref<80x128xi32, #tpu.memory_space<hbm>>
      tpu.enqueue_dma source(%dma_start3A_17 : memref<80x128xi32, #tpu.memory_space<hbm>>) target(%arg6 : memref<80x128xi32, #tpu.memory_space<vmem>>) target_semaphore(%run_scoped3A : memref<!tpu.dma_semaphore, #tpu.memory_space<semaphore_mem>>)
      %dma_wait3A = arith.constant 0 : i32
      %dma_wait3A_18 = tpu.memref_slice %arg2[%mul3A_4, %dma_wait3A] : memref<2560x128xi32, #tpu.memory_space<hbm>> -> memref<80x128xi32, #tpu.memory_space<hbm>>
      %dma_wait3A_19 = arith.constant 0 : i32
      %dma_wait3A_20 = tpu.memref_slice %arg2[%mul3A_4, %dma_wait3A_19] : memref<2560x128xi32, #tpu.memory_space<hbm>> -> memref<80x128xi32, #tpu.memory_space<hbm>>
      tpu.wait_dma2 semaphore(%run_scoped3A : memref<!tpu.dma_semaphore, #tpu.memory_space<semaphore_mem>>) src(%dma_wait3A_20 : memref<80x128xi32, #tpu.memory_space<hbm>>) dst(%arg6 : memref<80x128xi32, #tpu.memory_space<vmem>>)
      tpu.yield
    }) : () -> ()
    "tpu.region"() ({
      %run_scoped3A = tpu.sem_alloc : memref<!tpu.dma_semaphore, #tpu.memory_space<semaphore_mem>>
      tpu.enqueue_dma source(%arg3 : memref<128xf32, #tpu.memory_space<hbm>>) target(%arg7 : memref<128xf32, #tpu.memory_space<vmem>>) target_semaphore(%run_scoped3A : memref<!tpu.dma_semaphore, #tpu.memory_space<semaphore_mem>>)
      tpu.wait_dma2 semaphore(%run_scoped3A : memref<!tpu.dma_semaphore, #tpu.memory_space<semaphore_mem>>) src(%arg3 : memref<128xf32, #tpu.memory_space<hbm>>) dst(%arg7 : memref<128xf32, #tpu.memory_space<vmem>>)
      tpu.yield
    }) : () -> ()
    %barrier3A = arith.constant 0 : index
    tpu.barrier barrier_id(%barrier3A)
    %scan3A = arith.constant 0 : i32
    %scan3A_5 = arith.constant 0 : i32
    %scan3A_6 = arith.constant 80 : i32
    %scan3A_7 = arith.addi %scan3A_5, %scan3A_6 : i32
    %scan3A_8 = arith.constant 1 : i32
    scf.for %scan3A_15 = %scan3A_5 to %scan3A_7 step %scan3A_8  : i32 {
      "tpu.region"() ({
        %run_scoped3A = tpu.sem_alloc : memref<!tpu.dma_semaphore, #tpu.memory_space<semaphore_mem>>
        %dma_start3A = arith.constant 0 : i32
        %dma_start3A_16 = tpu.memref_slice %arg6[%scan3A_15, %dma_start3A] : memref<80x128xi32, #tpu.memory_space<vmem>> -> memref<1x128xi32, #tpu.memory_space<vmem>>
        %dma_start3A_17 = tpu.memref_squeeze %dma_start3A_16 : memref<1x128xi32, #tpu.memory_space<vmem>> -> memref<128xi32, #tpu.memory_space<vmem>>
        %dma_start3A_18 = arith.constant 0 : i32
        %dma_start3A_19 = tpu.memref_slice %arg8[%dma_start3A_18] : memref<10240xf32, #tpu.memory_space<vmem_shared>> -> memref<10240xf32, #tpu.memory_space<vmem_shared>>
        tpu.enqueue_indirect_dma source(%arg7 : memref<128xf32, #tpu.memory_space<vmem>>) target(%dma_start3A_19 : memref<10240xf32, #tpu.memory_space<vmem_shared>>) offsets(%dma_start3A_17 : memref<128xi32, #tpu.memory_space<vmem>>) semaphore(%run_scoped3A : memref<!tpu.dma_semaphore, #tpu.memory_space<semaphore_mem>>) {add = true}
        %dma_wait3A = arith.constant 0 : i32
        %dma_wait3A_20 = tpu.memref_slice %arg6[%scan3A_15, %dma_wait3A] : memref<80x128xi32, #tpu.memory_space<vmem>> -> memref<1x128xi32, #tpu.memory_space<vmem>>
        %dma_wait3A_21 = tpu.memref_squeeze %dma_wait3A_20 : memref<1x128xi32, #tpu.memory_space<vmem>> -> memref<128xi32, #tpu.memory_space<vmem>>
        %dma_wait3A_22 = arith.constant 0 : i32
        %dma_wait3A_23 = tpu.memref_slice %arg8[%dma_wait3A_22] : memref<10240xf32, #tpu.memory_space<vmem_shared>> -> memref<10240xf32, #tpu.memory_space<vmem_shared>>
        tpu.wait_indirect_dma semaphore(%run_scoped3A : memref<!tpu.dma_semaphore, #tpu.memory_space<semaphore_mem>>) src(%arg7 : memref<128xf32, #tpu.memory_space<vmem>>) dst(%dma_wait3A_23 : memref<10240xf32, #tpu.memory_space<vmem_shared>>)
        tpu.yield
      }) : () -> ()
    }
    %scan3A_9 = arith.constant 80 : i32
    %barrier3A_10 = arith.constant 0 : index
    tpu.barrier barrier_id(%barrier3A_10)
    %mul3A_11 = arith.constant 640 : i32
    %mul3A_12 = arith.muli %arg1, %mul3A_11 : i32
    %mul3A_13 = arith.constant 640 : i32
    %mul3A_14 = arith.muli %arg1, %mul3A_13 : i32
    "tpu.region"() ({
      %run_scoped3A = tpu.sem_alloc : memref<!tpu.dma_semaphore, #tpu.memory_space<semaphore_mem>>
      %dma_start3A = tpu.memref_slice %arg5[%arg0, %mul3A_14] : memref<2x10240xf32, #tpu.memory_space<hbm>> -> memref<1x640xf32, #tpu.memory_space<hbm>>
      %dma_start3A_15 = tpu.memref_squeeze %dma_start3A : memref<1x640xf32, #tpu.memory_space<hbm>> -> memref<640xf32, #tpu.memory_space<hbm>>
      %dma_start3A_16 = tpu.memref_slice %arg8[%mul3A_12] : memref<10240xf32, #tpu.memory_space<vmem_shared>> -> memref<640xf32, #tpu.memory_space<vmem_shared>>
      tpu.enqueue_dma source(%dma_start3A_16 : memref<640xf32, #tpu.memory_space<vmem_shared>>) target(%dma_start3A_15 : memref<640xf32, #tpu.memory_space<hbm>>) target_semaphore(%run_scoped3A : memref<!tpu.dma_semaphore, #tpu.memory_space<semaphore_mem>>)
      %dma_wait3A = tpu.memref_slice %arg5[%arg0, %mul3A_14] : memref<2x10240xf32, #tpu.memory_space<hbm>> -> memref<1x640xf32, #tpu.memory_space<hbm>>
      %dma_wait3A_17 = tpu.memref_squeeze %dma_wait3A : memref<1x640xf32, #tpu.memory_space<hbm>> -> memref<640xf32, #tpu.memory_space<hbm>>
      %dma_wait3A_18 = tpu.memref_slice %arg8[%mul3A_12] : memref<10240xf32, #tpu.memory_space<vmem_shared>> -> memref<640xf32, #tpu.memory_space<vmem_shared>>
      tpu.wait_dma2 semaphore(%run_scoped3A : memref<!tpu.dma_semaphore, #tpu.memory_space<semaphore_mem>>) src(%dma_wait3A_18 : memref<640xf32, #tpu.memory_space<vmem_shared>>) dst(%dma_wait3A_17 : memref<640xf32, #tpu.memory_space<hbm>>)
      tpu.yield
    }) : () -> ()
    return
  }
}

#map = affine_map<(d0, d1) -> (0, 0)>
#map1 = affine_map<(d0, d1) -> (0, 0, 0)>
module attributes {stable_mosaic.version = 14 : i64} {
  func.func @_sc_scatter(%arg0: i32, %arg1: i32, %arg2: memref<10240x128xf32, #tpu.memory_space<hbm>>, %arg3: memref<2560x128xi32, #tpu.memory_space<hbm>>, %arg4: memref<2560x128xi32, #tpu.memory_space<hbm>>, %arg5: memref<640x128xf32, #tpu.memory_space<hbm>>, %arg6: memref<2x10240x128xf32, #tpu.memory_space<hbm>>, %arg7: memref<16x128xi32, #tpu.memory_space<vmem>>, %arg8: memref<16x128xi32, #tpu.memory_space<vmem>>, %arg9: memref<10240x128xf32, #tpu.memory_space<vmem_shared>>, %arg10: memref<128x128xf32, #tpu.memory_space<vmem>>, %arg11: memref<128x128xf32, #tpu.memory_space<vmem>>, %arg12: memref<!tpu.dma_semaphore, #tpu.memory_space<semaphore_mem>>, %arg13: memref<!tpu.dma_semaphore, #tpu.memory_space<semaphore_mem>>, %arg14: memref<!tpu.dma_semaphore, #tpu.memory_space<semaphore_mem>>, %arg15: memref<!tpu.dma_semaphore, #tpu.memory_space<semaphore_mem>>) attributes {dimension_semantics = [#tpu.dimension_semantics<core_parallel>, #tpu.dimension_semantics<subcore_parallel>], iteration_bounds = array<i64: 2, 16>, scalar_prefetch = 0 : i64, scratch_operands = 9 : i64, tpu.core_type = #tpu.core_type<sc_vector_subcore>, window_params = [{transform_indices = #map}, {transform_indices = #map}, {transform_indices = #map}, {transform_indices = #map}, {transform_indices = #map1}]} {
    %mul3A = arith.constant 640 : i32
    %mul3A_0 = arith.muli %arg1, %mul3A : i32
    "tpu.region"() ({
      %run_scoped3A = tpu.sem_alloc : memref<!tpu.dma_semaphore, #tpu.memory_space<semaphore_mem>>
      %dma_start3A_125 = arith.constant 0 : i32
      %dma_start3A_126 = tpu.memref_slice %arg9[%mul3A_0, %dma_start3A_125] : memref<10240x128xf32, #tpu.memory_space<vmem_shared>> -> memref<640x128xf32, #tpu.memory_space<vmem_shared>>
      tpu.enqueue_dma source(%arg5 : memref<640x128xf32, #tpu.memory_space<hbm>>) target(%dma_start3A_126 : memref<640x128xf32, #tpu.memory_space<vmem_shared>>) target_semaphore(%run_scoped3A : memref<!tpu.dma_semaphore, #tpu.memory_space<semaphore_mem>>)
      %dma_wait3A_127 = arith.constant 0 : i32
      %dma_wait3A_128 = tpu.memref_slice %arg9[%mul3A_0, %dma_wait3A_127] : memref<10240x128xf32, #tpu.memory_space<vmem_shared>> -> memref<640x128xf32, #tpu.memory_space<vmem_shared>>
      tpu.wait_dma2 semaphore(%run_scoped3A : memref<!tpu.dma_semaphore, #tpu.memory_space<semaphore_mem>>) src(%arg5 : memref<640x128xf32, #tpu.memory_space<hbm>>) dst(%dma_wait3A_128 : memref<640x128xf32, #tpu.memory_space<vmem_shared>>)
      tpu.yield
    }) : () -> ()
    %barrier3A = arith.constant 0 : index
    tpu.barrier barrier_id(%barrier3A)
    %mul3A_1 = arith.constant 2 : i32
    %mul3A_2 = arith.muli %arg1, %mul3A_1 : i32
    %add3A = arith.addi %mul3A_2, %arg0 : i32
    %mul3A_3 = arith.constant 80 : i32
    %mul3A_4 = arith.muli %add3A, %mul3A_3 : i32
    %add3A_5 = arith.constant 0 : i32
    %add3A_6 = arith.addi %mul3A_4, %add3A_5 : i32
    "tpu.region"() ({
      %run_scoped3A = tpu.sem_alloc : memref<!tpu.dma_semaphore, #tpu.memory_space<semaphore_mem>>
      %dma_start3A_125 = arith.constant 0 : i32
      %dma_start3A_126 = tpu.memref_slice %arg3[%add3A_6, %dma_start3A_125] : memref<2560x128xi32, #tpu.memory_space<hbm>> -> memref<16x128xi32, #tpu.memory_space<hbm>>
      %dma_start3A_127 = arith.constant 0 : i32
      %dma_start3A_128 = tpu.memref_slice %arg3[%add3A_6, %dma_start3A_127] : memref<2560x128xi32, #tpu.memory_space<hbm>> -> memref<16x128xi32, #tpu.memory_space<hbm>>
      tpu.enqueue_dma source(%dma_start3A_128 : memref<16x128xi32, #tpu.memory_space<hbm>>) target(%arg7 : memref<16x128xi32, #tpu.memory_space<vmem>>) target_semaphore(%run_scoped3A : memref<!tpu.dma_semaphore, #tpu.memory_space<semaphore_mem>>)
      %dma_wait3A_129 = arith.constant 0 : i32
      %dma_wait3A_130 = tpu.memref_slice %arg3[%add3A_6, %dma_wait3A_129] : memref<2560x128xi32, #tpu.memory_space<hbm>> -> memref<16x128xi32, #tpu.memory_space<hbm>>
      %dma_wait3A_131 = arith.constant 0 : i32
      %dma_wait3A_132 = tpu.memref_slice %arg3[%add3A_6, %dma_wait3A_131] : memref<2560x128xi32, #tpu.memory_space<hbm>> -> memref<16x128xi32, #tpu.memory_space<hbm>>
      tpu.wait_dma2 semaphore(%run_scoped3A : memref<!tpu.dma_semaphore, #tpu.memory_space<semaphore_mem>>) src(%dma_wait3A_132 : memref<16x128xi32, #tpu.memory_space<hbm>>) dst(%arg7 : memref<16x128xi32, #tpu.memory_space<vmem>>)
      tpu.yield
    }) : () -> ()
    "tpu.region"() ({
      %run_scoped3A = tpu.sem_alloc : memref<!tpu.dma_semaphore, #tpu.memory_space<semaphore_mem>>
      %dma_start3A_125 = arith.constant 0 : i32
      %dma_start3A_126 = tpu.memref_slice %arg4[%add3A_6, %dma_start3A_125] : memref<2560x128xi32, #tpu.memory_space<hbm>> -> memref<16x128xi32, #tpu.memory_space<hbm>>
      %dma_start3A_127 = arith.constant 0 : i32
      %dma_start3A_128 = tpu.memref_slice %arg4[%add3A_6, %dma_start3A_127] : memref<2560x128xi32, #tpu.memory_space<hbm>> -> memref<16x128xi32, #tpu.memory_space<hbm>>
      tpu.enqueue_dma source(%dma_start3A_128 : memref<16x128xi32, #tpu.memory_space<hbm>>) target(%arg8 : memref<16x128xi32, #tpu.memory_space<vmem>>) target_semaphore(%run_scoped3A : memref<!tpu.dma_semaphore, #tpu.memory_space<semaphore_mem>>)
      %dma_wait3A_129 = arith.constant 0 : i32
      %dma_wait3A_130 = tpu.memref_slice %arg4[%add3A_6, %dma_wait3A_129] : memref<2560x128xi32, #tpu.memory_space<hbm>> -> memref<16x128xi32, #tpu.memory_space<hbm>>
      %dma_wait3A_131 = arith.constant 0 : i32
      %dma_wait3A_132 = tpu.memref_slice %arg4[%add3A_6, %dma_wait3A_131] : memref<2560x128xi32, #tpu.memory_space<hbm>> -> memref<16x128xi32, #tpu.memory_space<hbm>>
      tpu.wait_dma2 semaphore(%run_scoped3A : memref<!tpu.dma_semaphore, #tpu.memory_space<semaphore_mem>>) src(%dma_wait3A_132 : memref<16x128xi32, #tpu.memory_space<hbm>>) dst(%arg8 : memref<16x128xi32, #tpu.memory_space<vmem>>)
      tpu.yield
    }) : () -> ()
    %dma_start3A = arith.constant 0 : i32
    %dma_start3A_7 = arith.constant 0 : i32
    %dma_start3A_8 = tpu.memref_slice %arg7[%dma_start3A, %dma_start3A_7] : memref<16x128xi32, #tpu.memory_space<vmem>> -> memref<1x128xi32, #tpu.memory_space<vmem>>
    %dma_start3A_9 = tpu.memref_squeeze %dma_start3A_8 : memref<1x128xi32, #tpu.memory_space<vmem>> -> memref<128xi32, #tpu.memory_space<vmem>>
    %dma_start3A_10 = arith.constant 0 : i32
    %dma_start3A_11 = arith.constant 0 : i32
    %dma_start3A_12 = tpu.memref_slice %arg2[%dma_start3A_10, %dma_start3A_11] : memref<10240x128xf32, #tpu.memory_space<hbm>> -> memref<10240x128xf32, #tpu.memory_space<hbm>>
    tpu.enqueue_indirect_dma source(%dma_start3A_12 : memref<10240x128xf32, #tpu.memory_space<hbm>>) target(%arg10 : memref<128x128xf32, #tpu.memory_space<vmem>>) offsets(%dma_start3A_9 : memref<128xi32, #tpu.memory_space<vmem>>) semaphore(%arg12 : memref<!tpu.dma_semaphore, #tpu.memory_space<semaphore_mem>>)
    %scan3A = arith.constant 0 : i32
    %scan3A_13 = arith.constant 0 : i32
    %scan3A_14 = arith.constant 8 : i32
    %scan3A_15 = arith.addi %scan3A_13, %scan3A_14 : i32
    %scan3A_16 = arith.constant 1 : i32
    scf.for %scan3A_125 = %scan3A_13 to %scan3A_15 step %scan3A_16  : i32 {
      %mul3A_126 = arith.constant 2 : i32
      %mul3A_127 = arith.muli %scan3A_125, %mul3A_126 : i32
      %add3A_128 = arith.constant 0 : i32
      %add3A_129 = arith.addi %mul3A_127, %add3A_128 : i32
      %gt3A = arith.constant 0 : i32
      %gt3A_130 = arith.cmpi sgt, %scan3A_125, %gt3A : i32
      %convert_element_type3A = arith.extui %gt3A_130 : i1 to i32
      %cond3A = arith.constant 0 : i32
      %cond3A_131 = arith.cmpi ne, %convert_element_type3A, %cond3A : i32
      scf.if %cond3A_131 {
        %dma_wait3A_180 = arith.constant 0 : i32
        %dma_wait3A_181 = arith.constant 0 : i32
        %dma_wait3A_182 = tpu.memref_slice %arg8[%dma_wait3A_180, %dma_wait3A_181] : memref<16x128xi32, #tpu.memory_space<vmem>> -> memref<1x128xi32, #tpu.memory_space<vmem>>
        %dma_wait3A_183 = tpu.memref_squeeze %dma_wait3A_182 : memref<1x128xi32, #tpu.memory_space<vmem>> -> memref<128xi32, #tpu.memory_space<vmem>>
        %dma_wait3A_184 = arith.constant 0 : i32
        %dma_wait3A_185 = arith.constant 0 : i32
        %dma_wait3A_186 = tpu.memref_slice %arg9[%dma_wait3A_184, %dma_wait3A_185] : memref<10240x128xf32, #tpu.memory_space<vmem_shared>> -> memref<10240x128xf32, #tpu.memory_space<vmem_shared>>
        tpu.wait_indirect_dma semaphore(%arg15 : memref<!tpu.dma_semaphore, #tpu.memory_space<semaphore_mem>>) src(%arg11 : memref<128x128xf32, #tpu.memory_space<vmem>>) dst(%dma_wait3A_186 : memref<10240x128xf32, #tpu.memory_space<vmem_shared>>)
      } else {
      }
      %add3A_132 = arith.constant 1 : i32
      %add3A_133 = arith.addi %add3A_129, %add3A_132 : i32
      %lt3A = arith.constant 16 : i32
      %lt3A_134 = arith.cmpi slt, %add3A_133, %lt3A : i32
      %convert_element_type3A_135 = arith.extui %lt3A_134 : i1 to i32
      %cond3A_136 = arith.constant 0 : i32
      %cond3A_137 = arith.cmpi ne, %convert_element_type3A_135, %cond3A_136 : i32
      scf.if %cond3A_137 {
        %add3A_180 = arith.constant 1 : i32
        %add3A_181 = arith.addi %add3A_129, %add3A_180 : i32
        %dma_start3A_182 = arith.constant 0 : i32
        %dma_start3A_183 = tpu.memref_slice %arg7[%add3A_181, %dma_start3A_182] : memref<16x128xi32, #tpu.memory_space<vmem>> -> memref<1x128xi32, #tpu.memory_space<vmem>>
        %dma_start3A_184 = tpu.memref_squeeze %dma_start3A_183 : memref<1x128xi32, #tpu.memory_space<vmem>> -> memref<128xi32, #tpu.memory_space<vmem>>
        %dma_start3A_185 = arith.constant 0 : i32
        %dma_start3A_186 = arith.constant 0 : i32
        %dma_start3A_187 = tpu.memref_slice %arg2[%dma_start3A_185, %dma_start3A_186] : memref<10240x128xf32, #tpu.memory_space<hbm>> -> memref<10240x128xf32, #tpu.memory_space<hbm>>
        tpu.enqueue_indirect_dma source(%dma_start3A_187 : memref<10240x128xf32, #tpu.memory_space<hbm>>) target(%arg11 : memref<128x128xf32, #tpu.memory_space<vmem>>) offsets(%dma_start3A_184 : memref<128xi32, #tpu.memory_space<vmem>>) semaphore(%arg13 : memref<!tpu.dma_semaphore, #tpu.memory_space<semaphore_mem>>)
      } else {
      }
      %dma_wait3A_138 = arith.constant 0 : i32
      %dma_wait3A_139 = tpu.memref_slice %arg7[%add3A_129, %dma_wait3A_138] : memref<16x128xi32, #tpu.memory_space<vmem>> -> memref<1x128xi32, #tpu.memory_space<vmem>>
      %dma_wait3A_140 = tpu.memref_squeeze %dma_wait3A_139 : memref<1x128xi32, #tpu.memory_space<vmem>> -> memref<128xi32, #tpu.memory_space<vmem>>
      %dma_wait3A_141 = arith.constant 0 : i32
      %dma_wait3A_142 = arith.constant 0 : i32
      %dma_wait3A_143 = tpu.memref_slice %arg2[%dma_wait3A_141, %dma_wait3A_142] : memref<10240x128xf32, #tpu.memory_space<hbm>> -> memref<10240x128xf32, #tpu.memory_space<hbm>>
      tpu.wait_indirect_dma semaphore(%arg12 : memref<!tpu.dma_semaphore, #tpu.memory_space<semaphore_mem>>) src(%dma_wait3A_143 : memref<10240x128xf32, #tpu.memory_space<hbm>>) dst(%arg10 : memref<128x128xf32, #tpu.memory_space<vmem>>)
      %dma_start3A_144 = arith.constant 0 : i32
      %dma_start3A_145 = tpu.memref_slice %arg8[%add3A_129, %dma_start3A_144] : memref<16x128xi32, #tpu.memory_space<vmem>> -> memref<1x128xi32, #tpu.memory_space<vmem>>
      %dma_start3A_146 = tpu.memref_squeeze %dma_start3A_145 : memref<1x128xi32, #tpu.memory_space<vmem>> -> memref<128xi32, #tpu.memory_space<vmem>>
      %dma_start3A_147 = arith.constant 0 : i32
      %dma_start3A_148 = arith.constant 0 : i32
      %dma_start3A_149 = tpu.memref_slice %arg9[%dma_start3A_147, %dma_start3A_148] : memref<10240x128xf32, #tpu.memory_space<vmem_shared>> -> memref<10240x128xf32, #tpu.memory_space<vmem_shared>>
      tpu.enqueue_indirect_dma source(%arg10 : memref<128x128xf32, #tpu.memory_space<vmem>>) target(%dma_start3A_149 : memref<10240x128xf32, #tpu.memory_space<vmem_shared>>) offsets(%dma_start3A_146 : memref<128xi32, #tpu.memory_space<vmem>>) semaphore(%arg14 : memref<!tpu.dma_semaphore, #tpu.memory_space<semaphore_mem>>) {add = true}
      %mul3A_150 = arith.constant 2 : i32
      %mul3A_151 = arith.muli %scan3A_125, %mul3A_150 : i32
      %add3A_152 = arith.constant 1 : i32
      %add3A_153 = arith.addi %mul3A_151, %add3A_152 : i32
      %dma_wait3A_154 = arith.constant 0 : i32
      %dma_wait3A_155 = arith.constant 0 : i32
      %dma_wait3A_156 = tpu.memref_slice %arg8[%dma_wait3A_154, %dma_wait3A_155] : memref<16x128xi32, #tpu.memory_space<vmem>> -> memref<1x128xi32, #tpu.memory_space<vmem>>
      %dma_wait3A_157 = tpu.memref_squeeze %dma_wait3A_156 : memref<1x128xi32, #tpu.memory_space<vmem>> -> memref<128xi32, #tpu.memory_space<vmem>>
      %dma_wait3A_158 = arith.constant 0 : i32
      %dma_wait3A_159 = arith.constant 0 : i32
      %dma_wait3A_160 = tpu.memref_slice %arg9[%dma_wait3A_158, %dma_wait3A_159] : memref<10240x128xf32, #tpu.memory_space<vmem_shared>> -> memref<10240x128xf32, #tpu.memory_space<vmem_shared>>
      tpu.wait_indirect_dma semaphore(%arg14 : memref<!tpu.dma_semaphore, #tpu.memory_space<semaphore_mem>>) src(%arg10 : memref<128x128xf32, #tpu.memory_space<vmem>>) dst(%dma_wait3A_160 : memref<10240x128xf32, #tpu.memory_space<vmem_shared>>)
      %add3A_161 = arith.constant 1 : i32
      %add3A_162 = arith.addi %add3A_153, %add3A_161 : i32
      %lt3A_163 = arith.constant 16 : i32
      %lt3A_164 = arith.cmpi slt, %add3A_162, %lt3A_163 : i32
      %convert_element_type3A_165 = arith.extui %lt3A_164 : i1 to i32
      %cond3A_166 = arith.constant 0 : i32
      %cond3A_167 = arith.cmpi ne, %convert_element_type3A_165, %cond3A_166 : i32
      scf.if %cond3A_167 {
        %add3A_180 = arith.constant 1 : i32
        %add3A_181 = arith.addi %add3A_153, %add3A_180 : i32
        %dma_start3A_182 = arith.constant 0 : i32
        %dma_start3A_183 = tpu.memref_slice %arg7[%add3A_181, %dma_start3A_182] : memref<16x128xi32, #tpu.memory_space<vmem>> -> memref<1x128xi32, #tpu.memory_space<vmem>>
        %dma_start3A_184 = tpu.memref_squeeze %dma_start3A_183 : memref<1x128xi32, #tpu.memory_space<vmem>> -> memref<128xi32, #tpu.memory_space<vmem>>
        %dma_start3A_185 = arith.constant 0 : i32
        %dma_start3A_186 = arith.constant 0 : i32
        %dma_start3A_187 = tpu.memref_slice %arg2[%dma_start3A_185, %dma_start3A_186] : memref<10240x128xf32, #tpu.memory_space<hbm>> -> memref<10240x128xf32, #tpu.memory_space<hbm>>
        tpu.enqueue_indirect_dma source(%dma_start3A_187 : memref<10240x128xf32, #tpu.memory_space<hbm>>) target(%arg10 : memref<128x128xf32, #tpu.memory_space<vmem>>) offsets(%dma_start3A_184 : memref<128xi32, #tpu.memory_space<vmem>>) semaphore(%arg12 : memref<!tpu.dma_semaphore, #tpu.memory_space<semaphore_mem>>)
      } else {
      }
      %dma_wait3A_168 = arith.constant 0 : i32
      %dma_wait3A_169 = tpu.memref_slice %arg7[%add3A_153, %dma_wait3A_168] : memref<16x128xi32, #tpu.memory_space<vmem>> -> memref<1x128xi32, #tpu.memory_space<vmem>>
      %dma_wait3A_170 = tpu.memref_squeeze %dma_wait3A_169 : memref<1x128xi32, #tpu.memory_space<vmem>> -> memref<128xi32, #tpu.memory_space<vmem>>
      %dma_wait3A_171 = arith.constant 0 : i32
      %dma_wait3A_172 = arith.constant 0 : i32
      %dma_wait3A_173 = tpu.memref_slice %arg2[%dma_wait3A_171, %dma_wait3A_172] : memref<10240x128xf32, #tpu.memory_space<hbm>> -> memref<10240x128xf32, #tpu.memory_space<hbm>>
      tpu.wait_indirect_dma semaphore(%arg13 : memref<!tpu.dma_semaphore, #tpu.memory_space<semaphore_mem>>) src(%dma_wait3A_173 : memref<10240x128xf32, #tpu.memory_space<hbm>>) dst(%arg11 : memref<128x128xf32, #tpu.memory_space<vmem>>)
      %dma_start3A_174 = arith.constant 0 : i32
      %dma_start3A_175 = tpu.memref_slice %arg8[%add3A_153, %dma_start3A_174] : memref<16x128xi32, #tpu.memory_space<vmem>> -> memref<1x128xi32, #tpu.memory_space<vmem>>
      %dma_start3A_176 = tpu.memref_squeeze %dma_start3A_175 : memref<1x128xi32, #tpu.memory_space<vmem>> -> memref<128xi32, #tpu.memory_space<vmem>>
      %dma_start3A_177 = arith.constant 0 : i32
      %dma_start3A_178 = arith.constant 0 : i32
      %dma_start3A_179 = tpu.memref_slice %arg9[%dma_start3A_177, %dma_start3A_178] : memref<10240x128xf32, #tpu.memory_space<vmem_shared>> -> memref<10240x128xf32, #tpu.memory_space<vmem_shared>>
      tpu.enqueue_indirect_dma source(%arg11 : memref<128x128xf32, #tpu.memory_space<vmem>>) target(%dma_start3A_179 : memref<10240x128xf32, #tpu.memory_space<vmem_shared>>) offsets(%dma_start3A_176 : memref<128xi32, #tpu.memory_space<vmem>>) semaphore(%arg15 : memref<!tpu.dma_semaphore, #tpu.memory_space<semaphore_mem>>) {add = true}
    }
    %scan3A_17 = arith.constant 8 : i32
    %dma_wait3A = arith.constant 0 : i32
    %dma_wait3A_18 = arith.constant 0 : i32
    %dma_wait3A_19 = tpu.memref_slice %arg8[%dma_wait3A, %dma_wait3A_18] : memref<16x128xi32, #tpu.memory_space<vmem>> -> memref<1x128xi32, #tpu.memory_space<vmem>>
    %dma_wait3A_20 = tpu.memref_squeeze %dma_wait3A_19 : memref<1x128xi32, #tpu.memory_space<vmem>> -> memref<128xi32, #tpu.memory_space<vmem>>
    %dma_wait3A_21 = arith.constant 0 : i32
    %dma_wait3A_22 = arith.constant 0 : i32
    %dma_wait3A_23 = tpu.memref_slice %arg9[%dma_wait3A_21, %dma_wait3A_22] : memref<10240x128xf32, #tpu.memory_space<vmem_shared>> -> memref<10240x128xf32, #tpu.memory_space<vmem_shared>>
    tpu.wait_indirect_dma semaphore(%arg15 : memref<!tpu.dma_semaphore, #tpu.memory_space<semaphore_mem>>) src(%arg11 : memref<128x128xf32, #tpu.memory_space<vmem>>) dst(%dma_wait3A_23 : memref<10240x128xf32, #tpu.memory_space<vmem_shared>>)
    %mul3A_24 = arith.constant 80 : i32
    %mul3A_25 = arith.muli %add3A, %mul3A_24 : i32
    %add3A_26 = arith.constant 16 : i32
    %add3A_27 = arith.addi %mul3A_25, %add3A_26 : i32
    "tpu.region"() ({
      %run_scoped3A = tpu.sem_alloc : memref<!tpu.dma_semaphore, #tpu.memory_space<semaphore_mem>>
      %dma_start3A_125 = arith.constant 0 : i32
      %dma_start3A_126 = tpu.memref_slice %arg3[%add3A_27, %dma_start3A_125] : memref<2560x128xi32, #tpu.memory_space<hbm>> -> memref<16x128xi32, #tpu.memory_space<hbm>>
      %dma_start3A_127 = arith.constant 0 : i32
      %dma_start3A_128 = tpu.memref_slice %arg3[%add3A_27, %dma_start3A_127] : memref<2560x128xi32, #tpu.memory_space<hbm>> -> memref<16x128xi32, #tpu.memory_space<hbm>>
      tpu.enqueue_dma source(%dma_start3A_128 : memref<16x128xi32, #tpu.memory_space<hbm>>) target(%arg7 : memref<16x128xi32, #tpu.memory_space<vmem>>) target_semaphore(%run_scoped3A : memref<!tpu.dma_semaphore, #tpu.memory_space<semaphore_mem>>)
      %dma_wait3A_129 = arith.constant 0 : i32
      %dma_wait3A_130 = tpu.memref_slice %arg3[%add3A_27, %dma_wait3A_129] : memref<2560x128xi32, #tpu.memory_space<hbm>> -> memref<16x128xi32, #tpu.memory_space<hbm>>
      %dma_wait3A_131 = arith.constant 0 : i32
      %dma_wait3A_132 = tpu.memref_slice %arg3[%add3A_27, %dma_wait3A_131] : memref<2560x128xi32, #tpu.memory_space<hbm>> -> memref<16x128xi32, #tpu.memory_space<hbm>>
      tpu.wait_dma2 semaphore(%run_scoped3A : memref<!tpu.dma_semaphore, #tpu.memory_space<semaphore_mem>>) src(%dma_wait3A_132 : memref<16x128xi32, #tpu.memory_space<hbm>>) dst(%arg7 : memref<16x128xi32, #tpu.memory_space<vmem>>)
      tpu.yield
    }) : () -> ()
    "tpu.region"() ({
      %run_scoped3A = tpu.sem_alloc : memref<!tpu.dma_semaphore, #tpu.memory_space<semaphore_mem>>
      %dma_start3A_125 = arith.constant 0 : i32
      %dma_start3A_126 = tpu.memref_slice %arg4[%add3A_27, %dma_start3A_125] : memref<2560x128xi32, #tpu.memory_space<hbm>> -> memref<16x128xi32, #tpu.memory_space<hbm>>
      %dma_start3A_127 = arith.constant 0 : i32
      %dma_start3A_128 = tpu.memref_slice %arg4[%add3A_27, %dma_start3A_127] : memref<2560x128xi32, #tpu.memory_space<hbm>> -> memref<16x128xi32, #tpu.memory_space<hbm>>
      tpu.enqueue_dma source(%dma_start3A_128 : memref<16x128xi32, #tpu.memory_space<hbm>>) target(%arg8 : memref<16x128xi32, #tpu.memory_space<vmem>>) target_semaphore(%run_scoped3A : memref<!tpu.dma_semaphore, #tpu.memory_space<semaphore_mem>>)
      %dma_wait3A_129 = arith.constant 0 : i32
      %dma_wait3A_130 = tpu.memref_slice %arg4[%add3A_27, %dma_wait3A_129] : memref<2560x128xi32, #tpu.memory_space<hbm>> -> memref<16x128xi32, #tpu.memory_space<hbm>>
      %dma_wait3A_131 = arith.constant 0 : i32
      %dma_wait3A_132 = tpu.memref_slice %arg4[%add3A_27, %dma_wait3A_131] : memref<2560x128xi32, #tpu.memory_space<hbm>> -> memref<16x128xi32, #tpu.memory_space<hbm>>
      tpu.wait_dma2 semaphore(%run_scoped3A : memref<!tpu.dma_semaphore, #tpu.memory_space<semaphore_mem>>) src(%dma_wait3A_132 : memref<16x128xi32, #tpu.memory_space<hbm>>) dst(%arg8 : memref<16x128xi32, #tpu.memory_space<vmem>>)
      tpu.yield
    }) : () -> ()
    %dma_start3A_28 = arith.constant 0 : i32
    %dma_start3A_29 = arith.constant 0 : i32
    %dma_start3A_30 = tpu.memref_slice %arg7[%dma_start3A_28, %dma_start3A_29] : memref<16x128xi32, #tpu.memory_space<vmem>> -> memref<1x128xi32, #tpu.memory_space<vmem>>
    %dma_start3A_31 = tpu.memref_squeeze %dma_start3A_30 : memref<1x128xi32, #tpu.memory_space<vmem>> -> memref<128xi32, #tpu.memory_space<vmem>>
    %dma_start3A_32 = arith.constant 0 : i32
    %dma_start3A_33 = arith.constant 0 : i32
    %dma_start3A_34 = tpu.memref_slice %arg2[%dma_start3A_32, %dma_start3A_33] : memref<10240x128xf32, #tpu.memory_space<hbm>> -> memref<10240x128xf32, #tpu.memory_space<hbm>>
    tpu.enqueue_indirect_dma source(%dma_start3A_34 : memref<10240x128xf32, #tpu.memory_space<hbm>>) target(%arg10 : memref<128x128xf32, #tpu.memory_space<vmem>>) offsets(%dma_start3A_31 : memref<128xi32, #tpu.memory_space<vmem>>) semaphore(%arg12 : memref<!tpu.dma_semaphore, #tpu.memory_space<semaphore_mem>>)
    %scan3A_35 = arith.constant 0 : i32
    %scan3A_36 = arith.constant 0 : i32
    %scan3A_37 = arith.constant 8 : i32
    %scan3A_38 = arith.addi %scan3A_36, %scan3A_37 : i32
    %scan3A_39 = arith.constant 1 : i32
    scf.for %scan3A_125 = %scan3A_36 to %scan3A_38 step %scan3A_39  : i32 {
      %mul3A_126 = arith.constant 2 : i32
      %mul3A_127 = arith.muli %scan3A_125, %mul3A_126 : i32
      %add3A_128 = arith.constant 0 : i32
      %add3A_129 = arith.addi %mul3A_127, %add3A_128 : i32
      %gt3A = arith.constant 0 : i32
      %gt3A_130 = arith.cmpi sgt, %scan3A_125, %gt3A : i32
      %convert_element_type3A = arith.extui %gt3A_130 : i1 to i32
      %cond3A = arith.constant 0 : i32
      %cond3A_131 = arith.cmpi ne, %convert_element_type3A, %cond3A : i32
      scf.if %cond3A_131 {
        %dma_wait3A_180 = arith.constant 0 : i32
        %dma_wait3A_181 = arith.constant 0 : i32
        %dma_wait3A_182 = tpu.memref_slice %arg8[%dma_wait3A_180, %dma_wait3A_181] : memref<16x128xi32, #tpu.memory_space<vmem>> -> memref<1x128xi32, #tpu.memory_space<vmem>>
        %dma_wait3A_183 = tpu.memref_squeeze %dma_wait3A_182 : memref<1x128xi32, #tpu.memory_space<vmem>> -> memref<128xi32, #tpu.memory_space<vmem>>
        %dma_wait3A_184 = arith.constant 0 : i32
        %dma_wait3A_185 = arith.constant 0 : i32
        %dma_wait3A_186 = tpu.memref_slice %arg9[%dma_wait3A_184, %dma_wait3A_185] : memref<10240x128xf32, #tpu.memory_space<vmem_shared>> -> memref<10240x128xf32, #tpu.memory_space<vmem_shared>>
        tpu.wait_indirect_dma semaphore(%arg15 : memref<!tpu.dma_semaphore, #tpu.memory_space<semaphore_mem>>) src(%arg11 : memref<128x128xf32, #tpu.memory_space<vmem>>) dst(%dma_wait3A_186 : memref<10240x128xf32, #tpu.memory_space<vmem_shared>>)
      } else {
      }
      %add3A_132 = arith.constant 1 : i32
      %add3A_133 = arith.addi %add3A_129, %add3A_132 : i32
      %lt3A = arith.constant 16 : i32
      %lt3A_134 = arith.cmpi slt, %add3A_133, %lt3A : i32
      %convert_element_type3A_135 = arith.extui %lt3A_134 : i1 to i32
      %cond3A_136 = arith.constant 0 : i32
      %cond3A_137 = arith.cmpi ne, %convert_element_type3A_135, %cond3A_136 : i32
      scf.if %cond3A_137 {
        %add3A_180 = arith.constant 1 : i32
        %add3A_181 = arith.addi %add3A_129, %add3A_180 : i32
        %dma_start3A_182 = arith.constant 0 : i32
        %dma_start3A_183 = tpu.memref_slice %arg7[%add3A_181, %dma_start3A_182] : memref<16x128xi32, #tpu.memory_space<vmem>> -> memref<1x128xi32, #tpu.memory_space<vmem>>
        %dma_start3A_184 = tpu.memref_squeeze %dma_start3A_183 : memref<1x128xi32, #tpu.memory_space<vmem>> -> memref<128xi32, #tpu.memory_space<vmem>>
        %dma_start3A_185 = arith.constant 0 : i32
        %dma_start3A_186 = arith.constant 0 : i32
        %dma_start3A_187 = tpu.memref_slice %arg2[%dma_start3A_185, %dma_start3A_186] : memref<10240x128xf32, #tpu.memory_space<hbm>> -> memref<10240x128xf32, #tpu.memory_space<hbm>>
        tpu.enqueue_indirect_dma source(%dma_start3A_187 : memref<10240x128xf32, #tpu.memory_space<hbm>>) target(%arg11 : memref<128x128xf32, #tpu.memory_space<vmem>>) offsets(%dma_start3A_184 : memref<128xi32, #tpu.memory_space<vmem>>) semaphore(%arg13 : memref<!tpu.dma_semaphore, #tpu.memory_space<semaphore_mem>>)
      } else {
      }
      %dma_wait3A_138 = arith.constant 0 : i32
      %dma_wait3A_139 = tpu.memref_slice %arg7[%add3A_129, %dma_wait3A_138] : memref<16x128xi32, #tpu.memory_space<vmem>> -> memref<1x128xi32, #tpu.memory_space<vmem>>
      %dma_wait3A_140 = tpu.memref_squeeze %dma_wait3A_139 : memref<1x128xi32, #tpu.memory_space<vmem>> -> memref<128xi32, #tpu.memory_space<vmem>>
      %dma_wait3A_141 = arith.constant 0 : i32
      %dma_wait3A_142 = arith.constant 0 : i32
      %dma_wait3A_143 = tpu.memref_slice %arg2[%dma_wait3A_141, %dma_wait3A_142] : memref<10240x128xf32, #tpu.memory_space<hbm>> -> memref<10240x128xf32, #tpu.memory_space<hbm>>
      tpu.wait_indirect_dma semaphore(%arg12 : memref<!tpu.dma_semaphore, #tpu.memory_space<semaphore_mem>>) src(%dma_wait3A_143 : memref<10240x128xf32, #tpu.memory_space<hbm>>) dst(%arg10 : memref<128x128xf32, #tpu.memory_space<vmem>>)
      %dma_start3A_144 = arith.constant 0 : i32
      %dma_start3A_145 = tpu.memref_slice %arg8[%add3A_129, %dma_start3A_144] : memref<16x128xi32, #tpu.memory_space<vmem>> -> memref<1x128xi32, #tpu.memory_space<vmem>>
      %dma_start3A_146 = tpu.memref_squeeze %dma_start3A_145 : memref<1x128xi32, #tpu.memory_space<vmem>> -> memref<128xi32, #tpu.memory_space<vmem>>
      %dma_start3A_147 = arith.constant 0 : i32
      %dma_start3A_148 = arith.constant 0 : i32
      %dma_start3A_149 = tpu.memref_slice %arg9[%dma_start3A_147, %dma_start3A_148] : memref<10240x128xf32, #tpu.memory_space<vmem_shared>> -> memref<10240x128xf32, #tpu.memory_space<vmem_shared>>
      tpu.enqueue_indirect_dma source(%arg10 : memref<128x128xf32, #tpu.memory_space<vmem>>) target(%dma_start3A_149 : memref<10240x128xf32, #tpu.memory_space<vmem_shared>>) offsets(%dma_start3A_146 : memref<128xi32, #tpu.memory_space<vmem>>) semaphore(%arg14 : memref<!tpu.dma_semaphore, #tpu.memory_space<semaphore_mem>>) {add = true}
      %mul3A_150 = arith.constant 2 : i32
      %mul3A_151 = arith.muli %scan3A_125, %mul3A_150 : i32
      %add3A_152 = arith.constant 1 : i32
      %add3A_153 = arith.addi %mul3A_151, %add3A_152 : i32
      %dma_wait3A_154 = arith.constant 0 : i32
      %dma_wait3A_155 = arith.constant 0 : i32
      %dma_wait3A_156 = tpu.memref_slice %arg8[%dma_wait3A_154, %dma_wait3A_155] : memref<16x128xi32, #tpu.memory_space<vmem>> -> memref<1x128xi32, #tpu.memory_space<vmem>>
      %dma_wait3A_157 = tpu.memref_squeeze %dma_wait3A_156 : memref<1x128xi32, #tpu.memory_space<vmem>> -> memref<128xi32, #tpu.memory_space<vmem>>
      %dma_wait3A_158 = arith.constant 0 : i32
      %dma_wait3A_159 = arith.constant 0 : i32
      %dma_wait3A_160 = tpu.memref_slice %arg9[%dma_wait3A_158, %dma_wait3A_159] : memref<10240x128xf32, #tpu.memory_space<vmem_shared>> -> memref<10240x128xf32, #tpu.memory_space<vmem_shared>>
      tpu.wait_indirect_dma semaphore(%arg14 : memref<!tpu.dma_semaphore, #tpu.memory_space<semaphore_mem>>) src(%arg10 : memref<128x128xf32, #tpu.memory_space<vmem>>) dst(%dma_wait3A_160 : memref<10240x128xf32, #tpu.memory_space<vmem_shared>>)
      %add3A_161 = arith.constant 1 : i32
      %add3A_162 = arith.addi %add3A_153, %add3A_161 : i32
      %lt3A_163 = arith.constant 16 : i32
      %lt3A_164 = arith.cmpi slt, %add3A_162, %lt3A_163 : i32
      %convert_element_type3A_165 = arith.extui %lt3A_164 : i1 to i32
      %cond3A_166 = arith.constant 0 : i32
      %cond3A_167 = arith.cmpi ne, %convert_element_type3A_165, %cond3A_166 : i32
      scf.if %cond3A_167 {
        %add3A_180 = arith.constant 1 : i32
        %add3A_181 = arith.addi %add3A_153, %add3A_180 : i32
        %dma_start3A_182 = arith.constant 0 : i32
        %dma_start3A_183 = tpu.memref_slice %arg7[%add3A_181, %dma_start3A_182] : memref<16x128xi32, #tpu.memory_space<vmem>> -> memref<1x128xi32, #tpu.memory_space<vmem>>
        %dma_start3A_184 = tpu.memref_squeeze %dma_start3A_183 : memref<1x128xi32, #tpu.memory_space<vmem>> -> memref<128xi32, #tpu.memory_space<vmem>>
        %dma_start3A_185 = arith.constant 0 : i32
        %dma_start3A_186 = arith.constant 0 : i32
        %dma_start3A_187 = tpu.memref_slice %arg2[%dma_start3A_185, %dma_start3A_186] : memref<10240x128xf32, #tpu.memory_space<hbm>> -> memref<10240x128xf32, #tpu.memory_space<hbm>>
        tpu.enqueue_indirect_dma source(%dma_start3A_187 : memref<10240x128xf32, #tpu.memory_space<hbm>>) target(%arg10 : memref<128x128xf32, #tpu.memory_space<vmem>>) offsets(%dma_start3A_184 : memref<128xi32, #tpu.memory_space<vmem>>) semaphore(%arg12 : memref<!tpu.dma_semaphore, #tpu.memory_space<semaphore_mem>>)
      } else {
      }
      %dma_wait3A_168 = arith.constant 0 : i32
      %dma_wait3A_169 = tpu.memref_slice %arg7[%add3A_153, %dma_wait3A_168] : memref<16x128xi32, #tpu.memory_space<vmem>> -> memref<1x128xi32, #tpu.memory_space<vmem>>
      %dma_wait3A_170 = tpu.memref_squeeze %dma_wait3A_169 : memref<1x128xi32, #tpu.memory_space<vmem>> -> memref<128xi32, #tpu.memory_space<vmem>>
      %dma_wait3A_171 = arith.constant 0 : i32
      %dma_wait3A_172 = arith.constant 0 : i32
      %dma_wait3A_173 = tpu.memref_slice %arg2[%dma_wait3A_171, %dma_wait3A_172] : memref<10240x128xf32, #tpu.memory_space<hbm>> -> memref<10240x128xf32, #tpu.memory_space<hbm>>
      tpu.wait_indirect_dma semaphore(%arg13 : memref<!tpu.dma_semaphore, #tpu.memory_space<semaphore_mem>>) src(%dma_wait3A_173 : memref<10240x128xf32, #tpu.memory_space<hbm>>) dst(%arg11 : memref<128x128xf32, #tpu.memory_space<vmem>>)
      %dma_start3A_174 = arith.constant 0 : i32
      %dma_start3A_175 = tpu.memref_slice %arg8[%add3A_153, %dma_start3A_174] : memref<16x128xi32, #tpu.memory_space<vmem>> -> memref<1x128xi32, #tpu.memory_space<vmem>>
      %dma_start3A_176 = tpu.memref_squeeze %dma_start3A_175 : memref<1x128xi32, #tpu.memory_space<vmem>> -> memref<128xi32, #tpu.memory_space<vmem>>
      %dma_start3A_177 = arith.constant 0 : i32
      %dma_start3A_178 = arith.constant 0 : i32
      %dma_start3A_179 = tpu.memref_slice %arg9[%dma_start3A_177, %dma_start3A_178] : memref<10240x128xf32, #tpu.memory_space<vmem_shared>> -> memref<10240x128xf32, #tpu.memory_space<vmem_shared>>
      tpu.enqueue_indirect_dma source(%arg11 : memref<128x128xf32, #tpu.memory_space<vmem>>) target(%dma_start3A_179 : memref<10240x128xf32, #tpu.memory_space<vmem_shared>>) offsets(%dma_start3A_176 : memref<128xi32, #tpu.memory_space<vmem>>) semaphore(%arg15 : memref<!tpu.dma_semaphore, #tpu.memory_space<semaphore_mem>>) {add = true}
    }
    %scan3A_40 = arith.constant 8 : i32
    %dma_wait3A_41 = arith.constant 0 : i32
    %dma_wait3A_42 = arith.constant 0 : i32
    %dma_wait3A_43 = tpu.memref_slice %arg8[%dma_wait3A_41, %dma_wait3A_42] : memref<16x128xi32, #tpu.memory_space<vmem>> -> memref<1x128xi32, #tpu.memory_space<vmem>>
    %dma_wait3A_44 = tpu.memref_squeeze %dma_wait3A_43 : memref<1x128xi32, #tpu.memory_space<vmem>> -> memref<128xi32, #tpu.memory_space<vmem>>
    %dma_wait3A_45 = arith.constant 0 : i32
    %dma_wait3A_46 = arith.constant 0 : i32
    %dma_wait3A_47 = tpu.memref_slice %arg9[%dma_wait3A_45, %dma_wait3A_46] : memref<10240x128xf32, #tpu.memory_space<vmem_shared>> -> memref<10240x128xf32, #tpu.memory_space<vmem_shared>>
    tpu.wait_indirect_dma semaphore(%arg15 : memref<!tpu.dma_semaphore, #tpu.memory_space<semaphore_mem>>) src(%arg11 : memref<128x128xf32, #tpu.memory_space<vmem>>) dst(%dma_wait3A_47 : memref<10240x128xf32, #tpu.memory_space<vmem_shared>>)
    %mul3A_48 = arith.constant 80 : i32
    %mul3A_49 = arith.muli %add3A, %mul3A_48 : i32
    %add3A_50 = arith.constant 32 : i32
    %add3A_51 = arith.addi %mul3A_49, %add3A_50 : i32
    "tpu.region"() ({
      %run_scoped3A = tpu.sem_alloc : memref<!tpu.dma_semaphore, #tpu.memory_space<semaphore_mem>>
      %dma_start3A_125 = arith.constant 0 : i32
      %dma_start3A_126 = tpu.memref_slice %arg3[%add3A_51, %dma_start3A_125] : memref<2560x128xi32, #tpu.memory_space<hbm>> -> memref<16x128xi32, #tpu.memory_space<hbm>>
      %dma_start3A_127 = arith.constant 0 : i32
      %dma_start3A_128 = tpu.memref_slice %arg3[%add3A_51, %dma_start3A_127] : memref<2560x128xi32, #tpu.memory_space<hbm>> -> memref<16x128xi32, #tpu.memory_space<hbm>>
      tpu.enqueue_dma source(%dma_start3A_128 : memref<16x128xi32, #tpu.memory_space<hbm>>) target(%arg7 : memref<16x128xi32, #tpu.memory_space<vmem>>) target_semaphore(%run_scoped3A : memref<!tpu.dma_semaphore, #tpu.memory_space<semaphore_mem>>)
      %dma_wait3A_129 = arith.constant 0 : i32
      %dma_wait3A_130 = tpu.memref_slice %arg3[%add3A_51, %dma_wait3A_129] : memref<2560x128xi32, #tpu.memory_space<hbm>> -> memref<16x128xi32, #tpu.memory_space<hbm>>
      %dma_wait3A_131 = arith.constant 0 : i32
      %dma_wait3A_132 = tpu.memref_slice %arg3[%add3A_51, %dma_wait3A_131] : memref<2560x128xi32, #tpu.memory_space<hbm>> -> memref<16x128xi32, #tpu.memory_space<hbm>>
      tpu.wait_dma2 semaphore(%run_scoped3A : memref<!tpu.dma_semaphore, #tpu.memory_space<semaphore_mem>>) src(%dma_wait3A_132 : memref<16x128xi32, #tpu.memory_space<hbm>>) dst(%arg7 : memref<16x128xi32, #tpu.memory_space<vmem>>)
      tpu.yield
    }) : () -> ()
    "tpu.region"() ({
      %run_scoped3A = tpu.sem_alloc : memref<!tpu.dma_semaphore, #tpu.memory_space<semaphore_mem>>
      %dma_start3A_125 = arith.constant 0 : i32
      %dma_start3A_126 = tpu.memref_slice %arg4[%add3A_51, %dma_start3A_125] : memref<2560x128xi32, #tpu.memory_space<hbm>> -> memref<16x128xi32, #tpu.memory_space<hbm>>
      %dma_start3A_127 = arith.constant 0 : i32
      %dma_start3A_128 = tpu.memref_slice %arg4[%add3A_51, %dma_start3A_127] : memref<2560x128xi32, #tpu.memory_space<hbm>> -> memref<16x128xi32, #tpu.memory_space<hbm>>
      tpu.enqueue_dma source(%dma_start3A_128 : memref<16x128xi32, #tpu.memory_space<hbm>>) target(%arg8 : memref<16x128xi32, #tpu.memory_space<vmem>>) target_semaphore(%run_scoped3A : memref<!tpu.dma_semaphore, #tpu.memory_space<semaphore_mem>>)
      %dma_wait3A_129 = arith.constant 0 : i32
      %dma_wait3A_130 = tpu.memref_slice %arg4[%add3A_51, %dma_wait3A_129] : memref<2560x128xi32, #tpu.memory_space<hbm>> -> memref<16x128xi32, #tpu.memory_space<hbm>>
      %dma_wait3A_131 = arith.constant 0 : i32
      %dma_wait3A_132 = tpu.memref_slice %arg4[%add3A_51, %dma_wait3A_131] : memref<2560x128xi32, #tpu.memory_space<hbm>> -> memref<16x128xi32, #tpu.memory_space<hbm>>
      tpu.wait_dma2 semaphore(%run_scoped3A : memref<!tpu.dma_semaphore, #tpu.memory_space<semaphore_mem>>) src(%dma_wait3A_132 : memref<16x128xi32, #tpu.memory_space<hbm>>) dst(%arg8 : memref<16x128xi32, #tpu.memory_space<vmem>>)
      tpu.yield
    }) : () -> ()
    %dma_start3A_52 = arith.constant 0 : i32
    %dma_start3A_53 = arith.constant 0 : i32
    %dma_start3A_54 = tpu.memref_slice %arg7[%dma_start3A_52, %dma_start3A_53] : memref<16x128xi32, #tpu.memory_space<vmem>> -> memref<1x128xi32, #tpu.memory_space<vmem>>
    %dma_start3A_55 = tpu.memref_squeeze %dma_start3A_54 : memref<1x128xi32, #tpu.memory_space<vmem>> -> memref<128xi32, #tpu.memory_space<vmem>>
    %dma_start3A_56 = arith.constant 0 : i32
    %dma_start3A_57 = arith.constant 0 : i32
    %dma_start3A_58 = tpu.memref_slice %arg2[%dma_start3A_56, %dma_start3A_57] : memref<10240x128xf32, #tpu.memory_space<hbm>> -> memref<10240x128xf32, #tpu.memory_space<hbm>>
    tpu.enqueue_indirect_dma source(%dma_start3A_58 : memref<10240x128xf32, #tpu.memory_space<hbm>>) target(%arg10 : memref<128x128xf32, #tpu.memory_space<vmem>>) offsets(%dma_start3A_55 : memref<128xi32, #tpu.memory_space<vmem>>) semaphore(%arg12 : memref<!tpu.dma_semaphore, #tpu.memory_space<semaphore_mem>>)
    %scan3A_59 = arith.constant 0 : i32
    %scan3A_60 = arith.constant 0 : i32
    %scan3A_61 = arith.constant 8 : i32
    %scan3A_62 = arith.addi %scan3A_60, %scan3A_61 : i32
    %scan3A_63 = arith.constant 1 : i32
    scf.for %scan3A_125 = %scan3A_60 to %scan3A_62 step %scan3A_63  : i32 {
      %mul3A_126 = arith.constant 2 : i32
      %mul3A_127 = arith.muli %scan3A_125, %mul3A_126 : i32
      %add3A_128 = arith.constant 0 : i32
      %add3A_129 = arith.addi %mul3A_127, %add3A_128 : i32
      %gt3A = arith.constant 0 : i32
      %gt3A_130 = arith.cmpi sgt, %scan3A_125, %gt3A : i32
      %convert_element_type3A = arith.extui %gt3A_130 : i1 to i32
      %cond3A = arith.constant 0 : i32
      %cond3A_131 = arith.cmpi ne, %convert_element_type3A, %cond3A : i32
      scf.if %cond3A_131 {
        %dma_wait3A_180 = arith.constant 0 : i32
        %dma_wait3A_181 = arith.constant 0 : i32
        %dma_wait3A_182 = tpu.memref_slice %arg8[%dma_wait3A_180, %dma_wait3A_181] : memref<16x128xi32, #tpu.memory_space<vmem>> -> memref<1x128xi32, #tpu.memory_space<vmem>>
        %dma_wait3A_183 = tpu.memref_squeeze %dma_wait3A_182 : memref<1x128xi32, #tpu.memory_space<vmem>> -> memref<128xi32, #tpu.memory_space<vmem>>
        %dma_wait3A_184 = arith.constant 0 : i32
        %dma_wait3A_185 = arith.constant 0 : i32
        %dma_wait3A_186 = tpu.memref_slice %arg9[%dma_wait3A_184, %dma_wait3A_185] : memref<10240x128xf32, #tpu.memory_space<vmem_shared>> -> memref<10240x128xf32, #tpu.memory_space<vmem_shared>>
        tpu.wait_indirect_dma semaphore(%arg15 : memref<!tpu.dma_semaphore, #tpu.memory_space<semaphore_mem>>) src(%arg11 : memref<128x128xf32, #tpu.memory_space<vmem>>) dst(%dma_wait3A_186 : memref<10240x128xf32, #tpu.memory_space<vmem_shared>>)
      } else {
      }
      %add3A_132 = arith.constant 1 : i32
      %add3A_133 = arith.addi %add3A_129, %add3A_132 : i32
      %lt3A = arith.constant 16 : i32
      %lt3A_134 = arith.cmpi slt, %add3A_133, %lt3A : i32
      %convert_element_type3A_135 = arith.extui %lt3A_134 : i1 to i32
      %cond3A_136 = arith.constant 0 : i32
      %cond3A_137 = arith.cmpi ne, %convert_element_type3A_135, %cond3A_136 : i32
      scf.if %cond3A_137 {
        %add3A_180 = arith.constant 1 : i32
        %add3A_181 = arith.addi %add3A_129, %add3A_180 : i32
        %dma_start3A_182 = arith.constant 0 : i32
        %dma_start3A_183 = tpu.memref_slice %arg7[%add3A_181, %dma_start3A_182] : memref<16x128xi32, #tpu.memory_space<vmem>> -> memref<1x128xi32, #tpu.memory_space<vmem>>
        %dma_start3A_184 = tpu.memref_squeeze %dma_start3A_183 : memref<1x128xi32, #tpu.memory_space<vmem>> -> memref<128xi32, #tpu.memory_space<vmem>>
        %dma_start3A_185 = arith.constant 0 : i32
        %dma_start3A_186 = arith.constant 0 : i32
        %dma_start3A_187 = tpu.memref_slice %arg2[%dma_start3A_185, %dma_start3A_186] : memref<10240x128xf32, #tpu.memory_space<hbm>> -> memref<10240x128xf32, #tpu.memory_space<hbm>>
        tpu.enqueue_indirect_dma source(%dma_start3A_187 : memref<10240x128xf32, #tpu.memory_space<hbm>>) target(%arg11 : memref<128x128xf32, #tpu.memory_space<vmem>>) offsets(%dma_start3A_184 : memref<128xi32, #tpu.memory_space<vmem>>) semaphore(%arg13 : memref<!tpu.dma_semaphore, #tpu.memory_space<semaphore_mem>>)
      } else {
      }
      %dma_wait3A_138 = arith.constant 0 : i32
      %dma_wait3A_139 = tpu.memref_slice %arg7[%add3A_129, %dma_wait3A_138] : memref<16x128xi32, #tpu.memory_space<vmem>> -> memref<1x128xi32, #tpu.memory_space<vmem>>
      %dma_wait3A_140 = tpu.memref_squeeze %dma_wait3A_139 : memref<1x128xi32, #tpu.memory_space<vmem>> -> memref<128xi32, #tpu.memory_space<vmem>>
      %dma_wait3A_141 = arith.constant 0 : i32
      %dma_wait3A_142 = arith.constant 0 : i32
      %dma_wait3A_143 = tpu.memref_slice %arg2[%dma_wait3A_141, %dma_wait3A_142] : memref<10240x128xf32, #tpu.memory_space<hbm>> -> memref<10240x128xf32, #tpu.memory_space<hbm>>
      tpu.wait_indirect_dma semaphore(%arg12 : memref<!tpu.dma_semaphore, #tpu.memory_space<semaphore_mem>>) src(%dma_wait3A_143 : memref<10240x128xf32, #tpu.memory_space<hbm>>) dst(%arg10 : memref<128x128xf32, #tpu.memory_space<vmem>>)
      %dma_start3A_144 = arith.constant 0 : i32
      %dma_start3A_145 = tpu.memref_slice %arg8[%add3A_129, %dma_start3A_144] : memref<16x128xi32, #tpu.memory_space<vmem>> -> memref<1x128xi32, #tpu.memory_space<vmem>>
      %dma_start3A_146 = tpu.memref_squeeze %dma_start3A_145 : memref<1x128xi32, #tpu.memory_space<vmem>> -> memref<128xi32, #tpu.memory_space<vmem>>
      %dma_start3A_147 = arith.constant 0 : i32
      %dma_start3A_148 = arith.constant 0 : i32
      %dma_start3A_149 = tpu.memref_slice %arg9[%dma_start3A_147, %dma_start3A_148] : memref<10240x128xf32, #tpu.memory_space<vmem_shared>> -> memref<10240x128xf32, #tpu.memory_space<vmem_shared>>
      tpu.enqueue_indirect_dma source(%arg10 : memref<128x128xf32, #tpu.memory_space<vmem>>) target(%dma_start3A_149 : memref<10240x128xf32, #tpu.memory_space<vmem_shared>>) offsets(%dma_start3A_146 : memref<128xi32, #tpu.memory_space<vmem>>) semaphore(%arg14 : memref<!tpu.dma_semaphore, #tpu.memory_space<semaphore_mem>>) {add = true}
      %mul3A_150 = arith.constant 2 : i32
      %mul3A_151 = arith.muli %scan3A_125, %mul3A_150 : i32
      %add3A_152 = arith.constant 1 : i32
      %add3A_153 = arith.addi %mul3A_151, %add3A_152 : i32
      %dma_wait3A_154 = arith.constant 0 : i32
      %dma_wait3A_155 = arith.constant 0 : i32
      %dma_wait3A_156 = tpu.memref_slice %arg8[%dma_wait3A_154, %dma_wait3A_155] : memref<16x128xi32, #tpu.memory_space<vmem>> -> memref<1x128xi32, #tpu.memory_space<vmem>>
      %dma_wait3A_157 = tpu.memref_squeeze %dma_wait3A_156 : memref<1x128xi32, #tpu.memory_space<vmem>> -> memref<128xi32, #tpu.memory_space<vmem>>
      %dma_wait3A_158 = arith.constant 0 : i32
      %dma_wait3A_159 = arith.constant 0 : i32
      %dma_wait3A_160 = tpu.memref_slice %arg9[%dma_wait3A_158, %dma_wait3A_159] : memref<10240x128xf32, #tpu.memory_space<vmem_shared>> -> memref<10240x128xf32, #tpu.memory_space<vmem_shared>>
      tpu.wait_indirect_dma semaphore(%arg14 : memref<!tpu.dma_semaphore, #tpu.memory_space<semaphore_mem>>) src(%arg10 : memref<128x128xf32, #tpu.memory_space<vmem>>) dst(%dma_wait3A_160 : memref<10240x128xf32, #tpu.memory_space<vmem_shared>>)
      %add3A_161 = arith.constant 1 : i32
      %add3A_162 = arith.addi %add3A_153, %add3A_161 : i32
      %lt3A_163 = arith.constant 16 : i32
      %lt3A_164 = arith.cmpi slt, %add3A_162, %lt3A_163 : i32
      %convert_element_type3A_165 = arith.extui %lt3A_164 : i1 to i32
      %cond3A_166 = arith.constant 0 : i32
      %cond3A_167 = arith.cmpi ne, %convert_element_type3A_165, %cond3A_166 : i32
      scf.if %cond3A_167 {
        %add3A_180 = arith.constant 1 : i32
        %add3A_181 = arith.addi %add3A_153, %add3A_180 : i32
        %dma_start3A_182 = arith.constant 0 : i32
        %dma_start3A_183 = tpu.memref_slice %arg7[%add3A_181, %dma_start3A_182] : memref<16x128xi32, #tpu.memory_space<vmem>> -> memref<1x128xi32, #tpu.memory_space<vmem>>
        %dma_start3A_184 = tpu.memref_squeeze %dma_start3A_183 : memref<1x128xi32, #tpu.memory_space<vmem>> -> memref<128xi32, #tpu.memory_space<vmem>>
        %dma_start3A_185 = arith.constant 0 : i32
        %dma_start3A_186 = arith.constant 0 : i32
        %dma_start3A_187 = tpu.memref_slice %arg2[%dma_start3A_185, %dma_start3A_186] : memref<10240x128xf32, #tpu.memory_space<hbm>> -> memref<10240x128xf32, #tpu.memory_space<hbm>>
        tpu.enqueue_indirect_dma source(%dma_start3A_187 : memref<10240x128xf32, #tpu.memory_space<hbm>>) target(%arg10 : memref<128x128xf32, #tpu.memory_space<vmem>>) offsets(%dma_start3A_184 : memref<128xi32, #tpu.memory_space<vmem>>) semaphore(%arg12 : memref<!tpu.dma_semaphore, #tpu.memory_space<semaphore_mem>>)
      } else {
      }
      %dma_wait3A_168 = arith.constant 0 : i32
      %dma_wait3A_169 = tpu.memref_slice %arg7[%add3A_153, %dma_wait3A_168] : memref<16x128xi32, #tpu.memory_space<vmem>> -> memref<1x128xi32, #tpu.memory_space<vmem>>
      %dma_wait3A_170 = tpu.memref_squeeze %dma_wait3A_169 : memref<1x128xi32, #tpu.memory_space<vmem>> -> memref<128xi32, #tpu.memory_space<vmem>>
      %dma_wait3A_171 = arith.constant 0 : i32
      %dma_wait3A_172 = arith.constant 0 : i32
      %dma_wait3A_173 = tpu.memref_slice %arg2[%dma_wait3A_171, %dma_wait3A_172] : memref<10240x128xf32, #tpu.memory_space<hbm>> -> memref<10240x128xf32, #tpu.memory_space<hbm>>
      tpu.wait_indirect_dma semaphore(%arg13 : memref<!tpu.dma_semaphore, #tpu.memory_space<semaphore_mem>>) src(%dma_wait3A_173 : memref<10240x128xf32, #tpu.memory_space<hbm>>) dst(%arg11 : memref<128x128xf32, #tpu.memory_space<vmem>>)
      %dma_start3A_174 = arith.constant 0 : i32
      %dma_start3A_175 = tpu.memref_slice %arg8[%add3A_153, %dma_start3A_174] : memref<16x128xi32, #tpu.memory_space<vmem>> -> memref<1x128xi32, #tpu.memory_space<vmem>>
      %dma_start3A_176 = tpu.memref_squeeze %dma_start3A_175 : memref<1x128xi32, #tpu.memory_space<vmem>> -> memref<128xi32, #tpu.memory_space<vmem>>
      %dma_start3A_177 = arith.constant 0 : i32
      %dma_start3A_178 = arith.constant 0 : i32
      %dma_start3A_179 = tpu.memref_slice %arg9[%dma_start3A_177, %dma_start3A_178] : memref<10240x128xf32, #tpu.memory_space<vmem_shared>> -> memref<10240x128xf32, #tpu.memory_space<vmem_shared>>
      tpu.enqueue_indirect_dma source(%arg11 : memref<128x128xf32, #tpu.memory_space<vmem>>) target(%dma_start3A_179 : memref<10240x128xf32, #tpu.memory_space<vmem_shared>>) offsets(%dma_start3A_176 : memref<128xi32, #tpu.memory_space<vmem>>) semaphore(%arg15 : memref<!tpu.dma_semaphore, #tpu.memory_space<semaphore_mem>>) {add = true}
    }
    %scan3A_64 = arith.constant 8 : i32
    %dma_wait3A_65 = arith.constant 0 : i32
    %dma_wait3A_66 = arith.constant 0 : i32
    %dma_wait3A_67 = tpu.memref_slice %arg8[%dma_wait3A_65, %dma_wait3A_66] : memref<16x128xi32, #tpu.memory_space<vmem>> -> memref<1x128xi32, #tpu.memory_space<vmem>>
    %dma_wait3A_68 = tpu.memref_squeeze %dma_wait3A_67 : memref<1x128xi32, #tpu.memory_space<vmem>> -> memref<128xi32, #tpu.memory_space<vmem>>
    %dma_wait3A_69 = arith.constant 0 : i32
    %dma_wait3A_70 = arith.constant 0 : i32
    %dma_wait3A_71 = tpu.memref_slice %arg9[%dma_wait3A_69, %dma_wait3A_70] : memref<10240x128xf32, #tpu.memory_space<vmem_shared>> -> memref<10240x128xf32, #tpu.memory_space<vmem_shared>>
    tpu.wait_indirect_dma semaphore(%arg15 : memref<!tpu.dma_semaphore, #tpu.memory_space<semaphore_mem>>) src(%arg11 : memref<128x128xf32, #tpu.memory_space<vmem>>) dst(%dma_wait3A_71 : memref<10240x128xf32, #tpu.memory_space<vmem_shared>>)
    %mul3A_72 = arith.constant 80 : i32
    %mul3A_73 = arith.muli %add3A, %mul3A_72 : i32
    %add3A_74 = arith.constant 48 : i32
    %add3A_75 = arith.addi %mul3A_73, %add3A_74 : i32
    "tpu.region"() ({
      %run_scoped3A = tpu.sem_alloc : memref<!tpu.dma_semaphore, #tpu.memory_space<semaphore_mem>>
      %dma_start3A_125 = arith.constant 0 : i32
      %dma_start3A_126 = tpu.memref_slice %arg3[%add3A_75, %dma_start3A_125] : memref<2560x128xi32, #tpu.memory_space<hbm>> -> memref<16x128xi32, #tpu.memory_space<hbm>>
      %dma_start3A_127 = arith.constant 0 : i32
      %dma_start3A_128 = tpu.memref_slice %arg3[%add3A_75, %dma_start3A_127] : memref<2560x128xi32, #tpu.memory_space<hbm>> -> memref<16x128xi32, #tpu.memory_space<hbm>>
      tpu.enqueue_dma source(%dma_start3A_128 : memref<16x128xi32, #tpu.memory_space<hbm>>) target(%arg7 : memref<16x128xi32, #tpu.memory_space<vmem>>) target_semaphore(%run_scoped3A : memref<!tpu.dma_semaphore, #tpu.memory_space<semaphore_mem>>)
      %dma_wait3A_129 = arith.constant 0 : i32
      %dma_wait3A_130 = tpu.memref_slice %arg3[%add3A_75, %dma_wait3A_129] : memref<2560x128xi32, #tpu.memory_space<hbm>> -> memref<16x128xi32, #tpu.memory_space<hbm>>
      %dma_wait3A_131 = arith.constant 0 : i32
      %dma_wait3A_132 = tpu.memref_slice %arg3[%add3A_75, %dma_wait3A_131] : memref<2560x128xi32, #tpu.memory_space<hbm>> -> memref<16x128xi32, #tpu.memory_space<hbm>>
      tpu.wait_dma2 semaphore(%run_scoped3A : memref<!tpu.dma_semaphore, #tpu.memory_space<semaphore_mem>>) src(%dma_wait3A_132 : memref<16x128xi32, #tpu.memory_space<hbm>>) dst(%arg7 : memref<16x128xi32, #tpu.memory_space<vmem>>)
      tpu.yield
    }) : () -> ()
    "tpu.region"() ({
      %run_scoped3A = tpu.sem_alloc : memref<!tpu.dma_semaphore, #tpu.memory_space<semaphore_mem>>
      %dma_start3A_125 = arith.constant 0 : i32
      %dma_start3A_126 = tpu.memref_slice %arg4[%add3A_75, %dma_start3A_125] : memref<2560x128xi32, #tpu.memory_space<hbm>> -> memref<16x128xi32, #tpu.memory_space<hbm>>
      %dma_start3A_127 = arith.constant 0 : i32
      %dma_start3A_128 = tpu.memref_slice %arg4[%add3A_75, %dma_start3A_127] : memref<2560x128xi32, #tpu.memory_space<hbm>> -> memref<16x128xi32, #tpu.memory_space<hbm>>
      tpu.enqueue_dma source(%dma_start3A_128 : memref<16x128xi32, #tpu.memory_space<hbm>>) target(%arg8 : memref<16x128xi32, #tpu.memory_space<vmem>>) target_semaphore(%run_scoped3A : memref<!tpu.dma_semaphore, #tpu.memory_space<semaphore_mem>>)
      %dma_wait3A_129 = arith.constant 0 : i32
      %dma_wait3A_130 = tpu.memref_slice %arg4[%add3A_75, %dma_wait3A_129] : memref<2560x128xi32, #tpu.memory_space<hbm>> -> memref<16x128xi32, #tpu.memory_space<hbm>>
      %dma_wait3A_131 = arith.constant 0 : i32
      %dma_wait3A_132 = tpu.memref_slice %arg4[%add3A_75, %dma_wait3A_131] : memref<2560x128xi32, #tpu.memory_space<hbm>> -> memref<16x128xi32, #tpu.memory_space<hbm>>
      tpu.wait_dma2 semaphore(%run_scoped3A : memref<!tpu.dma_semaphore, #tpu.memory_space<semaphore_mem>>) src(%dma_wait3A_132 : memref<16x128xi32, #tpu.memory_space<hbm>>) dst(%arg8 : memref<16x128xi32, #tpu.memory_space<vmem>>)
      tpu.yield
    }) : () -> ()
    %dma_start3A_76 = arith.constant 0 : i32
    %dma_start3A_77 = arith.constant 0 : i32
    %dma_start3A_78 = tpu.memref_slice %arg7[%dma_start3A_76, %dma_start3A_77] : memref<16x128xi32, #tpu.memory_space<vmem>> -> memref<1x128xi32, #tpu.memory_space<vmem>>
    %dma_start3A_79 = tpu.memref_squeeze %dma_start3A_78 : memref<1x128xi32, #tpu.memory_space<vmem>> -> memref<128xi32, #tpu.memory_space<vmem>>
    %dma_start3A_80 = arith.constant 0 : i32
    %dma_start3A_81 = arith.constant 0 : i32
    %dma_start3A_82 = tpu.memref_slice %arg2[%dma_start3A_80, %dma_start3A_81] : memref<10240x128xf32, #tpu.memory_space<hbm>> -> memref<10240x128xf32, #tpu.memory_space<hbm>>
    tpu.enqueue_indirect_dma source(%dma_start3A_82 : memref<10240x128xf32, #tpu.memory_space<hbm>>) target(%arg10 : memref<128x128xf32, #tpu.memory_space<vmem>>) offsets(%dma_start3A_79 : memref<128xi32, #tpu.memory_space<vmem>>) semaphore(%arg12 : memref<!tpu.dma_semaphore, #tpu.memory_space<semaphore_mem>>)
    %scan3A_83 = arith.constant 0 : i32
    %scan3A_84 = arith.constant 0 : i32
    %scan3A_85 = arith.constant 8 : i32
    %scan3A_86 = arith.addi %scan3A_84, %scan3A_85 : i32
    %scan3A_87 = arith.constant 1 : i32
    scf.for %scan3A_125 = %scan3A_84 to %scan3A_86 step %scan3A_87  : i32 {
      %mul3A_126 = arith.constant 2 : i32
      %mul3A_127 = arith.muli %scan3A_125, %mul3A_126 : i32
      %add3A_128 = arith.constant 0 : i32
      %add3A_129 = arith.addi %mul3A_127, %add3A_128 : i32
      %gt3A = arith.constant 0 : i32
      %gt3A_130 = arith.cmpi sgt, %scan3A_125, %gt3A : i32
      %convert_element_type3A = arith.extui %gt3A_130 : i1 to i32
      %cond3A = arith.constant 0 : i32
      %cond3A_131 = arith.cmpi ne, %convert_element_type3A, %cond3A : i32
      scf.if %cond3A_131 {
        %dma_wait3A_180 = arith.constant 0 : i32
        %dma_wait3A_181 = arith.constant 0 : i32
        %dma_wait3A_182 = tpu.memref_slice %arg8[%dma_wait3A_180, %dma_wait3A_181] : memref<16x128xi32, #tpu.memory_space<vmem>> -> memref<1x128xi32, #tpu.memory_space<vmem>>
        %dma_wait3A_183 = tpu.memref_squeeze %dma_wait3A_182 : memref<1x128xi32, #tpu.memory_space<vmem>> -> memref<128xi32, #tpu.memory_space<vmem>>
        %dma_wait3A_184 = arith.constant 0 : i32
        %dma_wait3A_185 = arith.constant 0 : i32
        %dma_wait3A_186 = tpu.memref_slice %arg9[%dma_wait3A_184, %dma_wait3A_185] : memref<10240x128xf32, #tpu.memory_space<vmem_shared>> -> memref<10240x128xf32, #tpu.memory_space<vmem_shared>>
        tpu.wait_indirect_dma semaphore(%arg15 : memref<!tpu.dma_semaphore, #tpu.memory_space<semaphore_mem>>) src(%arg11 : memref<128x128xf32, #tpu.memory_space<vmem>>) dst(%dma_wait3A_186 : memref<10240x128xf32, #tpu.memory_space<vmem_shared>>)
      } else {
      }
      %add3A_132 = arith.constant 1 : i32
      %add3A_133 = arith.addi %add3A_129, %add3A_132 : i32
      %lt3A = arith.constant 16 : i32
      %lt3A_134 = arith.cmpi slt, %add3A_133, %lt3A : i32
      %convert_element_type3A_135 = arith.extui %lt3A_134 : i1 to i32
      %cond3A_136 = arith.constant 0 : i32
      %cond3A_137 = arith.cmpi ne, %convert_element_type3A_135, %cond3A_136 : i32
      scf.if %cond3A_137 {
        %add3A_180 = arith.constant 1 : i32
        %add3A_181 = arith.addi %add3A_129, %add3A_180 : i32
        %dma_start3A_182 = arith.constant 0 : i32
        %dma_start3A_183 = tpu.memref_slice %arg7[%add3A_181, %dma_start3A_182] : memref<16x128xi32, #tpu.memory_space<vmem>> -> memref<1x128xi32, #tpu.memory_space<vmem>>
        %dma_start3A_184 = tpu.memref_squeeze %dma_start3A_183 : memref<1x128xi32, #tpu.memory_space<vmem>> -> memref<128xi32, #tpu.memory_space<vmem>>
        %dma_start3A_185 = arith.constant 0 : i32
        %dma_start3A_186 = arith.constant 0 : i32
        %dma_start3A_187 = tpu.memref_slice %arg2[%dma_start3A_185, %dma_start3A_186] : memref<10240x128xf32, #tpu.memory_space<hbm>> -> memref<10240x128xf32, #tpu.memory_space<hbm>>
        tpu.enqueue_indirect_dma source(%dma_start3A_187 : memref<10240x128xf32, #tpu.memory_space<hbm>>) target(%arg11 : memref<128x128xf32, #tpu.memory_space<vmem>>) offsets(%dma_start3A_184 : memref<128xi32, #tpu.memory_space<vmem>>) semaphore(%arg13 : memref<!tpu.dma_semaphore, #tpu.memory_space<semaphore_mem>>)
      } else {
      }
      %dma_wait3A_138 = arith.constant 0 : i32
      %dma_wait3A_139 = tpu.memref_slice %arg7[%add3A_129, %dma_wait3A_138] : memref<16x128xi32, #tpu.memory_space<vmem>> -> memref<1x128xi32, #tpu.memory_space<vmem>>
      %dma_wait3A_140 = tpu.memref_squeeze %dma_wait3A_139 : memref<1x128xi32, #tpu.memory_space<vmem>> -> memref<128xi32, #tpu.memory_space<vmem>>
      %dma_wait3A_141 = arith.constant 0 : i32
      %dma_wait3A_142 = arith.constant 0 : i32
      %dma_wait3A_143 = tpu.memref_slice %arg2[%dma_wait3A_141, %dma_wait3A_142] : memref<10240x128xf32, #tpu.memory_space<hbm>> -> memref<10240x128xf32, #tpu.memory_space<hbm>>
      tpu.wait_indirect_dma semaphore(%arg12 : memref<!tpu.dma_semaphore, #tpu.memory_space<semaphore_mem>>) src(%dma_wait3A_143 : memref<10240x128xf32, #tpu.memory_space<hbm>>) dst(%arg10 : memref<128x128xf32, #tpu.memory_space<vmem>>)
      %dma_start3A_144 = arith.constant 0 : i32
      %dma_start3A_145 = tpu.memref_slice %arg8[%add3A_129, %dma_start3A_144] : memref<16x128xi32, #tpu.memory_space<vmem>> -> memref<1x128xi32, #tpu.memory_space<vmem>>
      %dma_start3A_146 = tpu.memref_squeeze %dma_start3A_145 : memref<1x128xi32, #tpu.memory_space<vmem>> -> memref<128xi32, #tpu.memory_space<vmem>>
      %dma_start3A_147 = arith.constant 0 : i32
      %dma_start3A_148 = arith.constant 0 : i32
      %dma_start3A_149 = tpu.memref_slice %arg9[%dma_start3A_147, %dma_start3A_148] : memref<10240x128xf32, #tpu.memory_space<vmem_shared>> -> memref<10240x128xf32, #tpu.memory_space<vmem_shared>>
      tpu.enqueue_indirect_dma source(%arg10 : memref<128x128xf32, #tpu.memory_space<vmem>>) target(%dma_start3A_149 : memref<10240x128xf32, #tpu.memory_space<vmem_shared>>) offsets(%dma_start3A_146 : memref<128xi32, #tpu.memory_space<vmem>>) semaphore(%arg14 : memref<!tpu.dma_semaphore, #tpu.memory_space<semaphore_mem>>) {add = true}
      %mul3A_150 = arith.constant 2 : i32
      %mul3A_151 = arith.muli %scan3A_125, %mul3A_150 : i32
      %add3A_152 = arith.constant 1 : i32
      %add3A_153 = arith.addi %mul3A_151, %add3A_152 : i32
      %dma_wait3A_154 = arith.constant 0 : i32
      %dma_wait3A_155 = arith.constant 0 : i32
      %dma_wait3A_156 = tpu.memref_slice %arg8[%dma_wait3A_154, %dma_wait3A_155] : memref<16x128xi32, #tpu.memory_space<vmem>> -> memref<1x128xi32, #tpu.memory_space<vmem>>
      %dma_wait3A_157 = tpu.memref_squeeze %dma_wait3A_156 : memref<1x128xi32, #tpu.memory_space<vmem>> -> memref<128xi32, #tpu.memory_space<vmem>>
      %dma_wait3A_158 = arith.constant 0 : i32
      %dma_wait3A_159 = arith.constant 0 : i32
      %dma_wait3A_160 = tpu.memref_slice %arg9[%dma_wait3A_158, %dma_wait3A_159] : memref<10240x128xf32, #tpu.memory_space<vmem_shared>> -> memref<10240x128xf32, #tpu.memory_space<vmem_shared>>
      tpu.wait_indirect_dma semaphore(%arg14 : memref<!tpu.dma_semaphore, #tpu.memory_space<semaphore_mem>>) src(%arg10 : memref<128x128xf32, #tpu.memory_space<vmem>>) dst(%dma_wait3A_160 : memref<10240x128xf32, #tpu.memory_space<vmem_shared>>)
      %add3A_161 = arith.constant 1 : i32
      %add3A_162 = arith.addi %add3A_153, %add3A_161 : i32
      %lt3A_163 = arith.constant 16 : i32
      %lt3A_164 = arith.cmpi slt, %add3A_162, %lt3A_163 : i32
      %convert_element_type3A_165 = arith.extui %lt3A_164 : i1 to i32
      %cond3A_166 = arith.constant 0 : i32
      %cond3A_167 = arith.cmpi ne, %convert_element_type3A_165, %cond3A_166 : i32
      scf.if %cond3A_167 {
        %add3A_180 = arith.constant 1 : i32
        %add3A_181 = arith.addi %add3A_153, %add3A_180 : i32
        %dma_start3A_182 = arith.constant 0 : i32
        %dma_start3A_183 = tpu.memref_slice %arg7[%add3A_181, %dma_start3A_182] : memref<16x128xi32, #tpu.memory_space<vmem>> -> memref<1x128xi32, #tpu.memory_space<vmem>>
        %dma_start3A_184 = tpu.memref_squeeze %dma_start3A_183 : memref<1x128xi32, #tpu.memory_space<vmem>> -> memref<128xi32, #tpu.memory_space<vmem>>
        %dma_start3A_185 = arith.constant 0 : i32
        %dma_start3A_186 = arith.constant 0 : i32
        %dma_start3A_187 = tpu.memref_slice %arg2[%dma_start3A_185, %dma_start3A_186] : memref<10240x128xf32, #tpu.memory_space<hbm>> -> memref<10240x128xf32, #tpu.memory_space<hbm>>
        tpu.enqueue_indirect_dma source(%dma_start3A_187 : memref<10240x128xf32, #tpu.memory_space<hbm>>) target(%arg10 : memref<128x128xf32, #tpu.memory_space<vmem>>) offsets(%dma_start3A_184 : memref<128xi32, #tpu.memory_space<vmem>>) semaphore(%arg12 : memref<!tpu.dma_semaphore, #tpu.memory_space<semaphore_mem>>)
      } else {
      }
      %dma_wait3A_168 = arith.constant 0 : i32
      %dma_wait3A_169 = tpu.memref_slice %arg7[%add3A_153, %dma_wait3A_168] : memref<16x128xi32, #tpu.memory_space<vmem>> -> memref<1x128xi32, #tpu.memory_space<vmem>>
      %dma_wait3A_170 = tpu.memref_squeeze %dma_wait3A_169 : memref<1x128xi32, #tpu.memory_space<vmem>> -> memref<128xi32, #tpu.memory_space<vmem>>
      %dma_wait3A_171 = arith.constant 0 : i32
      %dma_wait3A_172 = arith.constant 0 : i32
      %dma_wait3A_173 = tpu.memref_slice %arg2[%dma_wait3A_171, %dma_wait3A_172] : memref<10240x128xf32, #tpu.memory_space<hbm>> -> memref<10240x128xf32, #tpu.memory_space<hbm>>
      tpu.wait_indirect_dma semaphore(%arg13 : memref<!tpu.dma_semaphore, #tpu.memory_space<semaphore_mem>>) src(%dma_wait3A_173 : memref<10240x128xf32, #tpu.memory_space<hbm>>) dst(%arg11 : memref<128x128xf32, #tpu.memory_space<vmem>>)
      %dma_start3A_174 = arith.constant 0 : i32
      %dma_start3A_175 = tpu.memref_slice %arg8[%add3A_153, %dma_start3A_174] : memref<16x128xi32, #tpu.memory_space<vmem>> -> memref<1x128xi32, #tpu.memory_space<vmem>>
      %dma_start3A_176 = tpu.memref_squeeze %dma_start3A_175 : memref<1x128xi32, #tpu.memory_space<vmem>> -> memref<128xi32, #tpu.memory_space<vmem>>
      %dma_start3A_177 = arith.constant 0 : i32
      %dma_start3A_178 = arith.constant 0 : i32
      %dma_start3A_179 = tpu.memref_slice %arg9[%dma_start3A_177, %dma_start3A_178] : memref<10240x128xf32, #tpu.memory_space<vmem_shared>> -> memref<10240x128xf32, #tpu.memory_space<vmem_shared>>
      tpu.enqueue_indirect_dma source(%arg11 : memref<128x128xf32, #tpu.memory_space<vmem>>) target(%dma_start3A_179 : memref<10240x128xf32, #tpu.memory_space<vmem_shared>>) offsets(%dma_start3A_176 : memref<128xi32, #tpu.memory_space<vmem>>) semaphore(%arg15 : memref<!tpu.dma_semaphore, #tpu.memory_space<semaphore_mem>>) {add = true}
    }
    %scan3A_88 = arith.constant 8 : i32
    %dma_wait3A_89 = arith.constant 0 : i32
    %dma_wait3A_90 = arith.constant 0 : i32
    %dma_wait3A_91 = tpu.memref_slice %arg8[%dma_wait3A_89, %dma_wait3A_90] : memref<16x128xi32, #tpu.memory_space<vmem>> -> memref<1x128xi32, #tpu.memory_space<vmem>>
    %dma_wait3A_92 = tpu.memref_squeeze %dma_wait3A_91 : memref<1x128xi32, #tpu.memory_space<vmem>> -> memref<128xi32, #tpu.memory_space<vmem>>
    %dma_wait3A_93 = arith.constant 0 : i32
    %dma_wait3A_94 = arith.constant 0 : i32
    %dma_wait3A_95 = tpu.memref_slice %arg9[%dma_wait3A_93, %dma_wait3A_94] : memref<10240x128xf32, #tpu.memory_space<vmem_shared>> -> memref<10240x128xf32, #tpu.memory_space<vmem_shared>>
    tpu.wait_indirect_dma semaphore(%arg15 : memref<!tpu.dma_semaphore, #tpu.memory_space<semaphore_mem>>) src(%arg11 : memref<128x128xf32, #tpu.memory_space<vmem>>) dst(%dma_wait3A_95 : memref<10240x128xf32, #tpu.memory_space<vmem_shared>>)
    %mul3A_96 = arith.constant 80 : i32
    %mul3A_97 = arith.muli %add3A, %mul3A_96 : i32
    %add3A_98 = arith.constant 64 : i32
    %add3A_99 = arith.addi %mul3A_97, %add3A_98 : i32
    "tpu.region"() ({
      %run_scoped3A = tpu.sem_alloc : memref<!tpu.dma_semaphore, #tpu.memory_space<semaphore_mem>>
      %dma_start3A_125 = arith.constant 0 : i32
      %dma_start3A_126 = tpu.memref_slice %arg3[%add3A_99, %dma_start3A_125] : memref<2560x128xi32, #tpu.memory_space<hbm>> -> memref<16x128xi32, #tpu.memory_space<hbm>>
      %dma_start3A_127 = arith.constant 0 : i32
      %dma_start3A_128 = tpu.memref_slice %arg3[%add3A_99, %dma_start3A_127] : memref<2560x128xi32, #tpu.memory_space<hbm>> -> memref<16x128xi32, #tpu.memory_space<hbm>>
      tpu.enqueue_dma source(%dma_start3A_128 : memref<16x128xi32, #tpu.memory_space<hbm>>) target(%arg7 : memref<16x128xi32, #tpu.memory_space<vmem>>) target_semaphore(%run_scoped3A : memref<!tpu.dma_semaphore, #tpu.memory_space<semaphore_mem>>)
      %dma_wait3A_129 = arith.constant 0 : i32
      %dma_wait3A_130 = tpu.memref_slice %arg3[%add3A_99, %dma_wait3A_129] : memref<2560x128xi32, #tpu.memory_space<hbm>> -> memref<16x128xi32, #tpu.memory_space<hbm>>
      %dma_wait3A_131 = arith.constant 0 : i32
      %dma_wait3A_132 = tpu.memref_slice %arg3[%add3A_99, %dma_wait3A_131] : memref<2560x128xi32, #tpu.memory_space<hbm>> -> memref<16x128xi32, #tpu.memory_space<hbm>>
      tpu.wait_dma2 semaphore(%run_scoped3A : memref<!tpu.dma_semaphore, #tpu.memory_space<semaphore_mem>>) src(%dma_wait3A_132 : memref<16x128xi32, #tpu.memory_space<hbm>>) dst(%arg7 : memref<16x128xi32, #tpu.memory_space<vmem>>)
      tpu.yield
    }) : () -> ()
    "tpu.region"() ({
      %run_scoped3A = tpu.sem_alloc : memref<!tpu.dma_semaphore, #tpu.memory_space<semaphore_mem>>
      %dma_start3A_125 = arith.constant 0 : i32
      %dma_start3A_126 = tpu.memref_slice %arg4[%add3A_99, %dma_start3A_125] : memref<2560x128xi32, #tpu.memory_space<hbm>> -> memref<16x128xi32, #tpu.memory_space<hbm>>
      %dma_start3A_127 = arith.constant 0 : i32
      %dma_start3A_128 = tpu.memref_slice %arg4[%add3A_99, %dma_start3A_127] : memref<2560x128xi32, #tpu.memory_space<hbm>> -> memref<16x128xi32, #tpu.memory_space<hbm>>
      tpu.enqueue_dma source(%dma_start3A_128 : memref<16x128xi32, #tpu.memory_space<hbm>>) target(%arg8 : memref<16x128xi32, #tpu.memory_space<vmem>>) target_semaphore(%run_scoped3A : memref<!tpu.dma_semaphore, #tpu.memory_space<semaphore_mem>>)
      %dma_wait3A_129 = arith.constant 0 : i32
      %dma_wait3A_130 = tpu.memref_slice %arg4[%add3A_99, %dma_wait3A_129] : memref<2560x128xi32, #tpu.memory_space<hbm>> -> memref<16x128xi32, #tpu.memory_space<hbm>>
      %dma_wait3A_131 = arith.constant 0 : i32
      %dma_wait3A_132 = tpu.memref_slice %arg4[%add3A_99, %dma_wait3A_131] : memref<2560x128xi32, #tpu.memory_space<hbm>> -> memref<16x128xi32, #tpu.memory_space<hbm>>
      tpu.wait_dma2 semaphore(%run_scoped3A : memref<!tpu.dma_semaphore, #tpu.memory_space<semaphore_mem>>) src(%dma_wait3A_132 : memref<16x128xi32, #tpu.memory_space<hbm>>) dst(%arg8 : memref<16x128xi32, #tpu.memory_space<vmem>>)
      tpu.yield
    }) : () -> ()
    %dma_start3A_100 = arith.constant 0 : i32
    %dma_start3A_101 = arith.constant 0 : i32
    %dma_start3A_102 = tpu.memref_slice %arg7[%dma_start3A_100, %dma_start3A_101] : memref<16x128xi32, #tpu.memory_space<vmem>> -> memref<1x128xi32, #tpu.memory_space<vmem>>
    %dma_start3A_103 = tpu.memref_squeeze %dma_start3A_102 : memref<1x128xi32, #tpu.memory_space<vmem>> -> memref<128xi32, #tpu.memory_space<vmem>>
    %dma_start3A_104 = arith.constant 0 : i32
    %dma_start3A_105 = arith.constant 0 : i32
    %dma_start3A_106 = tpu.memref_slice %arg2[%dma_start3A_104, %dma_start3A_105] : memref<10240x128xf32, #tpu.memory_space<hbm>> -> memref<10240x128xf32, #tpu.memory_space<hbm>>
    tpu.enqueue_indirect_dma source(%dma_start3A_106 : memref<10240x128xf32, #tpu.memory_space<hbm>>) target(%arg10 : memref<128x128xf32, #tpu.memory_space<vmem>>) offsets(%dma_start3A_103 : memref<128xi32, #tpu.memory_space<vmem>>) semaphore(%arg12 : memref<!tpu.dma_semaphore, #tpu.memory_space<semaphore_mem>>)
    %scan3A_107 = arith.constant 0 : i32
    %scan3A_108 = arith.constant 0 : i32
    %scan3A_109 = arith.constant 8 : i32
    %scan3A_110 = arith.addi %scan3A_108, %scan3A_109 : i32
    %scan3A_111 = arith.constant 1 : i32
    scf.for %scan3A_125 = %scan3A_108 to %scan3A_110 step %scan3A_111  : i32 {
      %mul3A_126 = arith.constant 2 : i32
      %mul3A_127 = arith.muli %scan3A_125, %mul3A_126 : i32
      %add3A_128 = arith.constant 0 : i32
      %add3A_129 = arith.addi %mul3A_127, %add3A_128 : i32
      %gt3A = arith.constant 0 : i32
      %gt3A_130 = arith.cmpi sgt, %scan3A_125, %gt3A : i32
      %convert_element_type3A = arith.extui %gt3A_130 : i1 to i32
      %cond3A = arith.constant 0 : i32
      %cond3A_131 = arith.cmpi ne, %convert_element_type3A, %cond3A : i32
      scf.if %cond3A_131 {
        %dma_wait3A_180 = arith.constant 0 : i32
        %dma_wait3A_181 = arith.constant 0 : i32
        %dma_wait3A_182 = tpu.memref_slice %arg8[%dma_wait3A_180, %dma_wait3A_181] : memref<16x128xi32, #tpu.memory_space<vmem>> -> memref<1x128xi32, #tpu.memory_space<vmem>>
        %dma_wait3A_183 = tpu.memref_squeeze %dma_wait3A_182 : memref<1x128xi32, #tpu.memory_space<vmem>> -> memref<128xi32, #tpu.memory_space<vmem>>
        %dma_wait3A_184 = arith.constant 0 : i32
        %dma_wait3A_185 = arith.constant 0 : i32
        %dma_wait3A_186 = tpu.memref_slice %arg9[%dma_wait3A_184, %dma_wait3A_185] : memref<10240x128xf32, #tpu.memory_space<vmem_shared>> -> memref<10240x128xf32, #tpu.memory_space<vmem_shared>>
        tpu.wait_indirect_dma semaphore(%arg15 : memref<!tpu.dma_semaphore, #tpu.memory_space<semaphore_mem>>) src(%arg11 : memref<128x128xf32, #tpu.memory_space<vmem>>) dst(%dma_wait3A_186 : memref<10240x128xf32, #tpu.memory_space<vmem_shared>>)
      } else {
      }
      %add3A_132 = arith.constant 1 : i32
      %add3A_133 = arith.addi %add3A_129, %add3A_132 : i32
      %lt3A = arith.constant 16 : i32
      %lt3A_134 = arith.cmpi slt, %add3A_133, %lt3A : i32
      %convert_element_type3A_135 = arith.extui %lt3A_134 : i1 to i32
      %cond3A_136 = arith.constant 0 : i32
      %cond3A_137 = arith.cmpi ne, %convert_element_type3A_135, %cond3A_136 : i32
      scf.if %cond3A_137 {
        %add3A_180 = arith.constant 1 : i32
        %add3A_181 = arith.addi %add3A_129, %add3A_180 : i32
        %dma_start3A_182 = arith.constant 0 : i32
        %dma_start3A_183 = tpu.memref_slice %arg7[%add3A_181, %dma_start3A_182] : memref<16x128xi32, #tpu.memory_space<vmem>> -> memref<1x128xi32, #tpu.memory_space<vmem>>
        %dma_start3A_184 = tpu.memref_squeeze %dma_start3A_183 : memref<1x128xi32, #tpu.memory_space<vmem>> -> memref<128xi32, #tpu.memory_space<vmem>>
        %dma_start3A_185 = arith.constant 0 : i32
        %dma_start3A_186 = arith.constant 0 : i32
        %dma_start3A_187 = tpu.memref_slice %arg2[%dma_start3A_185, %dma_start3A_186] : memref<10240x128xf32, #tpu.memory_space<hbm>> -> memref<10240x128xf32, #tpu.memory_space<hbm>>
        tpu.enqueue_indirect_dma source(%dma_start3A_187 : memref<10240x128xf32, #tpu.memory_space<hbm>>) target(%arg11 : memref<128x128xf32, #tpu.memory_space<vmem>>) offsets(%dma_start3A_184 : memref<128xi32, #tpu.memory_space<vmem>>) semaphore(%arg13 : memref<!tpu.dma_semaphore, #tpu.memory_space<semaphore_mem>>)
      } else {
      }
      %dma_wait3A_138 = arith.constant 0 : i32
      %dma_wait3A_139 = tpu.memref_slice %arg7[%add3A_129, %dma_wait3A_138] : memref<16x128xi32, #tpu.memory_space<vmem>> -> memref<1x128xi32, #tpu.memory_space<vmem>>
      %dma_wait3A_140 = tpu.memref_squeeze %dma_wait3A_139 : memref<1x128xi32, #tpu.memory_space<vmem>> -> memref<128xi32, #tpu.memory_space<vmem>>
      %dma_wait3A_141 = arith.constant 0 : i32
      %dma_wait3A_142 = arith.constant 0 : i32
      %dma_wait3A_143 = tpu.memref_slice %arg2[%dma_wait3A_141, %dma_wait3A_142] : memref<10240x128xf32, #tpu.memory_space<hbm>> -> memref<10240x128xf32, #tpu.memory_space<hbm>>
      tpu.wait_indirect_dma semaphore(%arg12 : memref<!tpu.dma_semaphore, #tpu.memory_space<semaphore_mem>>) src(%dma_wait3A_143 : memref<10240x128xf32, #tpu.memory_space<hbm>>) dst(%arg10 : memref<128x128xf32, #tpu.memory_space<vmem>>)
      %dma_start3A_144 = arith.constant 0 : i32
      %dma_start3A_145 = tpu.memref_slice %arg8[%add3A_129, %dma_start3A_144] : memref<16x128xi32, #tpu.memory_space<vmem>> -> memref<1x128xi32, #tpu.memory_space<vmem>>
      %dma_start3A_146 = tpu.memref_squeeze %dma_start3A_145 : memref<1x128xi32, #tpu.memory_space<vmem>> -> memref<128xi32, #tpu.memory_space<vmem>>
      %dma_start3A_147 = arith.constant 0 : i32
      %dma_start3A_148 = arith.constant 0 : i32
      %dma_start3A_149 = tpu.memref_slice %arg9[%dma_start3A_147, %dma_start3A_148] : memref<10240x128xf32, #tpu.memory_space<vmem_shared>> -> memref<10240x128xf32, #tpu.memory_space<vmem_shared>>
      tpu.enqueue_indirect_dma source(%arg10 : memref<128x128xf32, #tpu.memory_space<vmem>>) target(%dma_start3A_149 : memref<10240x128xf32, #tpu.memory_space<vmem_shared>>) offsets(%dma_start3A_146 : memref<128xi32, #tpu.memory_space<vmem>>) semaphore(%arg14 : memref<!tpu.dma_semaphore, #tpu.memory_space<semaphore_mem>>) {add = true}
      %mul3A_150 = arith.constant 2 : i32
      %mul3A_151 = arith.muli %scan3A_125, %mul3A_150 : i32
      %add3A_152 = arith.constant 1 : i32
      %add3A_153 = arith.addi %mul3A_151, %add3A_152 : i32
      %dma_wait3A_154 = arith.constant 0 : i32
      %dma_wait3A_155 = arith.constant 0 : i32
      %dma_wait3A_156 = tpu.memref_slice %arg8[%dma_wait3A_154, %dma_wait3A_155] : memref<16x128xi32, #tpu.memory_space<vmem>> -> memref<1x128xi32, #tpu.memory_space<vmem>>
      %dma_wait3A_157 = tpu.memref_squeeze %dma_wait3A_156 : memref<1x128xi32, #tpu.memory_space<vmem>> -> memref<128xi32, #tpu.memory_space<vmem>>
      %dma_wait3A_158 = arith.constant 0 : i32
      %dma_wait3A_159 = arith.constant 0 : i32
      %dma_wait3A_160 = tpu.memref_slice %arg9[%dma_wait3A_158, %dma_wait3A_159] : memref<10240x128xf32, #tpu.memory_space<vmem_shared>> -> memref<10240x128xf32, #tpu.memory_space<vmem_shared>>
      tpu.wait_indirect_dma semaphore(%arg14 : memref<!tpu.dma_semaphore, #tpu.memory_space<semaphore_mem>>) src(%arg10 : memref<128x128xf32, #tpu.memory_space<vmem>>) dst(%dma_wait3A_160 : memref<10240x128xf32, #tpu.memory_space<vmem_shared>>)
      %add3A_161 = arith.constant 1 : i32
      %add3A_162 = arith.addi %add3A_153, %add3A_161 : i32
      %lt3A_163 = arith.constant 16 : i32
      %lt3A_164 = arith.cmpi slt, %add3A_162, %lt3A_163 : i32
      %convert_element_type3A_165 = arith.extui %lt3A_164 : i1 to i32
      %cond3A_166 = arith.constant 0 : i32
      %cond3A_167 = arith.cmpi ne, %convert_element_type3A_165, %cond3A_166 : i32
      scf.if %cond3A_167 {
        %add3A_180 = arith.constant 1 : i32
        %add3A_181 = arith.addi %add3A_153, %add3A_180 : i32
        %dma_start3A_182 = arith.constant 0 : i32
        %dma_start3A_183 = tpu.memref_slice %arg7[%add3A_181, %dma_start3A_182] : memref<16x128xi32, #tpu.memory_space<vmem>> -> memref<1x128xi32, #tpu.memory_space<vmem>>
        %dma_start3A_184 = tpu.memref_squeeze %dma_start3A_183 : memref<1x128xi32, #tpu.memory_space<vmem>> -> memref<128xi32, #tpu.memory_space<vmem>>
        %dma_start3A_185 = arith.constant 0 : i32
        %dma_start3A_186 = arith.constant 0 : i32
        %dma_start3A_187 = tpu.memref_slice %arg2[%dma_start3A_185, %dma_start3A_186] : memref<10240x128xf32, #tpu.memory_space<hbm>> -> memref<10240x128xf32, #tpu.memory_space<hbm>>
        tpu.enqueue_indirect_dma source(%dma_start3A_187 : memref<10240x128xf32, #tpu.memory_space<hbm>>) target(%arg10 : memref<128x128xf32, #tpu.memory_space<vmem>>) offsets(%dma_start3A_184 : memref<128xi32, #tpu.memory_space<vmem>>) semaphore(%arg12 : memref<!tpu.dma_semaphore, #tpu.memory_space<semaphore_mem>>)
      } else {
      }
      %dma_wait3A_168 = arith.constant 0 : i32
      %dma_wait3A_169 = tpu.memref_slice %arg7[%add3A_153, %dma_wait3A_168] : memref<16x128xi32, #tpu.memory_space<vmem>> -> memref<1x128xi32, #tpu.memory_space<vmem>>
      %dma_wait3A_170 = tpu.memref_squeeze %dma_wait3A_169 : memref<1x128xi32, #tpu.memory_space<vmem>> -> memref<128xi32, #tpu.memory_space<vmem>>
      %dma_wait3A_171 = arith.constant 0 : i32
      %dma_wait3A_172 = arith.constant 0 : i32
      %dma_wait3A_173 = tpu.memref_slice %arg2[%dma_wait3A_171, %dma_wait3A_172] : memref<10240x128xf32, #tpu.memory_space<hbm>> -> memref<10240x128xf32, #tpu.memory_space<hbm>>
      tpu.wait_indirect_dma semaphore(%arg13 : memref<!tpu.dma_semaphore, #tpu.memory_space<semaphore_mem>>) src(%dma_wait3A_173 : memref<10240x128xf32, #tpu.memory_space<hbm>>) dst(%arg11 : memref<128x128xf32, #tpu.memory_space<vmem>>)
      %dma_start3A_174 = arith.constant 0 : i32
      %dma_start3A_175 = tpu.memref_slice %arg8[%add3A_153, %dma_start3A_174] : memref<16x128xi32, #tpu.memory_space<vmem>> -> memref<1x128xi32, #tpu.memory_space<vmem>>
      %dma_start3A_176 = tpu.memref_squeeze %dma_start3A_175 : memref<1x128xi32, #tpu.memory_space<vmem>> -> memref<128xi32, #tpu.memory_space<vmem>>
      %dma_start3A_177 = arith.constant 0 : i32
      %dma_start3A_178 = arith.constant 0 : i32
      %dma_start3A_179 = tpu.memref_slice %arg9[%dma_start3A_177, %dma_start3A_178] : memref<10240x128xf32, #tpu.memory_space<vmem_shared>> -> memref<10240x128xf32, #tpu.memory_space<vmem_shared>>
      tpu.enqueue_indirect_dma source(%arg11 : memref<128x128xf32, #tpu.memory_space<vmem>>) target(%dma_start3A_179 : memref<10240x128xf32, #tpu.memory_space<vmem_shared>>) offsets(%dma_start3A_176 : memref<128xi32, #tpu.memory_space<vmem>>) semaphore(%arg15 : memref<!tpu.dma_semaphore, #tpu.memory_space<semaphore_mem>>) {add = true}
    }
    %scan3A_112 = arith.constant 8 : i32
    %dma_wait3A_113 = arith.constant 0 : i32
    %dma_wait3A_114 = arith.constant 0 : i32
    %dma_wait3A_115 = tpu.memref_slice %arg8[%dma_wait3A_113, %dma_wait3A_114] : memref<16x128xi32, #tpu.memory_space<vmem>> -> memref<1x128xi32, #tpu.memory_space<vmem>>
    %dma_wait3A_116 = tpu.memref_squeeze %dma_wait3A_115 : memref<1x128xi32, #tpu.memory_space<vmem>> -> memref<128xi32, #tpu.memory_space<vmem>>
    %dma_wait3A_117 = arith.constant 0 : i32
    %dma_wait3A_118 = arith.constant 0 : i32
    %dma_wait3A_119 = tpu.memref_slice %arg9[%dma_wait3A_117, %dma_wait3A_118] : memref<10240x128xf32, #tpu.memory_space<vmem_shared>> -> memref<10240x128xf32, #tpu.memory_space<vmem_shared>>
    tpu.wait_indirect_dma semaphore(%arg15 : memref<!tpu.dma_semaphore, #tpu.memory_space<semaphore_mem>>) src(%arg11 : memref<128x128xf32, #tpu.memory_space<vmem>>) dst(%dma_wait3A_119 : memref<10240x128xf32, #tpu.memory_space<vmem_shared>>)
    %barrier3A_120 = arith.constant 0 : index
    tpu.barrier barrier_id(%barrier3A_120)
    %mul3A_121 = arith.constant 640 : i32
    %mul3A_122 = arith.muli %arg1, %mul3A_121 : i32
    %mul3A_123 = arith.constant 640 : i32
    %mul3A_124 = arith.muli %arg1, %mul3A_123 : i32
    "tpu.region"() ({
      %run_scoped3A = tpu.sem_alloc : memref<!tpu.dma_semaphore, #tpu.memory_space<semaphore_mem>>
      %dma_start3A_125 = arith.constant 0 : i32
      %dma_start3A_126 = tpu.memref_slice %arg6[%arg0, %mul3A_124, %dma_start3A_125] : memref<2x10240x128xf32, #tpu.memory_space<hbm>> -> memref<1x640x128xf32, #tpu.memory_space<hbm>>
      %dma_start3A_127 = tpu.memref_squeeze %dma_start3A_126 : memref<1x640x128xf32, #tpu.memory_space<hbm>> -> memref<640x128xf32, #tpu.memory_space<hbm>>
      %dma_start3A_128 = arith.constant 0 : i32
      %dma_start3A_129 = tpu.memref_slice %arg9[%mul3A_122, %dma_start3A_128] : memref<10240x128xf32, #tpu.memory_space<vmem_shared>> -> memref<640x128xf32, #tpu.memory_space<vmem_shared>>
      tpu.enqueue_dma source(%dma_start3A_129 : memref<640x128xf32, #tpu.memory_space<vmem_shared>>) target(%dma_start3A_127 : memref<640x128xf32, #tpu.memory_space<hbm>>) target_semaphore(%run_scoped3A : memref<!tpu.dma_semaphore, #tpu.memory_space<semaphore_mem>>)
      %dma_wait3A_130 = arith.constant 0 : i32
      %dma_wait3A_131 = tpu.memref_slice %arg6[%arg0, %mul3A_124, %dma_wait3A_130] : memref<2x10240x128xf32, #tpu.memory_space<hbm>> -> memref<1x640x128xf32, #tpu.memory_space<hbm>>
      %dma_wait3A_132 = tpu.memref_squeeze %dma_wait3A_131 : memref<1x640x128xf32, #tpu.memory_space<hbm>> -> memref<640x128xf32, #tpu.memory_space<hbm>>
      %dma_wait3A_133 = arith.constant 0 : i32
      %dma_wait3A_134 = tpu.memref_slice %arg9[%mul3A_122, %dma_wait3A_133] : memref<10240x128xf32, #tpu.memory_space<vmem_shared>> -> memref<640x128xf32, #tpu.memory_space<vmem_shared>>
      tpu.wait_dma2 semaphore(%run_scoped3A : memref<!tpu.dma_semaphore, #tpu.memory_space<semaphore_mem>>) src(%dma_wait3A_134 : memref<640x128xf32, #tpu.memory_space<vmem_shared>>) dst(%dma_wait3A_132 : memref<640x128xf32, #tpu.memory_space<hbm>>)
      tpu.yield
    }) : () -> ()
    return
  }
}

module attributes {stable_mosaic.version = 14 : i64} {
  func.func @_t1_body(%arg0: i32, %arg1: memref<1024x128xf32, #tpu.memory_space<vmem>>, %arg2: memref<128x128xf32, #tpu.memory_space<vmem>>, %arg3: memref<2x1024x1xf32, #tpu.memory_space<vmem>>, %arg4: memref<1024x128xf32, #tpu.memory_space<vmem>>, %arg5: memref<1024x1xf32, #tpu.memory_space<vmem>>) attributes {dimension_semantics = [#tpu.dimension_semantics<arbitrary>], iteration_bounds = array<i64: 10>, scalar_prefetch = 0 : i64, scratch_operands = 0 : i64, tpu.core_type = #tpu.core_type<tc>, window_params = [{transform_indices = @transform_0, window_bounds = array<i64: 1024, 128>}, {pipeline_mode = #tpu.pipeline_mode<synchronous>, transform_indices = @transform_1, window_bounds = array<i64: 128, 128>}, {transform_indices = @transform_2, window_bounds = array<i64: 2, 1024, 1>}, {transform_indices = @transform_3, window_bounds = array<i64: 1024, 128>}, {transform_indices = @transform_4, window_bounds = array<i64: 1024, 1>}]} {
    %get3A = arith.constant 0 : index
    %get3A_0 = arith.constant 0 : index
    %get3A_1 = vector.load %arg1[%get3A, %get3A_0] : memref<1024x128xf32, #tpu.memory_space<vmem>>, vector<1024x128xf32>
    %get3A_2 = arith.constant 0 : index
    %get3A_3 = arith.constant 0 : index
    %get3A_4 = vector.load %arg2[%get3A_2, %get3A_3] : memref<128x128xf32, #tpu.memory_space<vmem>>, vector<128x128xf32>
    %dot_general3A = arith.constant dense<0.000000e+00> : vector<1024x128xf32>
    %dot_general3A_5 = tpu.matmul %get3A_1, %get3A_4, %dot_general3A {dimension_numbers = #tpu.dot_dimension_numbers<[1], [0], [0], [1], [0, 0, 1, 1], [], []>, transpose_lhs_hint = false} : vector<1024x128xf32>, vector<128x128xf32>, vector<1024x128xf32> -> vector<1024x128xf32>
    %get3A_6 = arith.constant 0 : index
    %get3A_7 = arith.constant 0 : index
    %get3A_8 = arith.constant 0 : index
    %get3A_9 = vector.load %arg3[%get3A_6, %get3A_7, %get3A_8] : memref<2x1024x1xf32, #tpu.memory_space<vmem>>, vector<1x1024x1xf32>
    %get3A_10 = vector.shape_cast %get3A_9 : vector<1x1024x1xf32> to vector<1024x1xf32>
    %get3A_11 = arith.constant 1 : index
    %get3A_12 = arith.constant 0 : index
    %get3A_13 = arith.constant 0 : index
    %get3A_14 = vector.load %arg3[%get3A_11, %get3A_12, %get3A_13] : memref<2x1024x1xf32, #tpu.memory_space<vmem>>, vector<1x1024x1xf32>
    %get3A_15 = vector.shape_cast %get3A_14 : vector<1x1024x1xf32> to vector<1024x1xf32>
    %add3A = arith.addf %get3A_10, %get3A_15 : vector<1024x1xf32>
    %add3A_16 = arith.constant 1.000000e+00 : f32
    %add3A_17 = vector.broadcast %add3A_16 : f32 to vector<1024x1xf32>
    %add3A_18 = arith.addf %add3A, %add3A_17 : vector<1024x1xf32>
    %iota3A = tpu.iota {dimensions = array<i32: 0>} : vector<1024x1xi32>
    %mul3A = arith.constant 1024 : i32
    %mul3A_19 = arith.muli %arg0, %mul3A : i32
    %add3A_20 = vector.broadcast %mul3A_19 : i32 to vector<1024x1xi32>
    %add3A_21 = arith.addi %iota3A, %add3A_20 : vector<1024x1xi32>
    %lt3A = arith.constant 10000 : i32
    %lt3A_22 = vector.broadcast %lt3A : i32 to vector<1024x1xi32>
    %lt3A_23 = arith.cmpi slt, %add3A_21, %lt3A_22 : vector<1024x1xi32>
    %rsqrt3A = math.rsqrt %add3A_18 : vector<1024x1xf32>
    %jit3A = arith.constant 0.000000e+00 : f32
    %broadcast_in_dim3A = vector.broadcast %jit3A : f32 to vector<1024x1xf32>
    %select_n3A = arith.select %lt3A_23, %rsqrt3A, %broadcast_in_dim3A : vector<1024x1xi1>, vector<1024x1xf32>
    %mul3A_24 = vector.broadcast %select_n3A : vector<1024x1xf32> to vector<1024x128xf32>
    %mul3A_25 = arith.mulf %dot_general3A_5, %mul3A_24 : vector<1024x128xf32>
    %swap3A = arith.constant 0 : index
    %swap3A_26 = arith.constant 0 : index
    %swap3A_27 = vector.load %arg4[%swap3A, %swap3A_26] : memref<1024x128xf32, #tpu.memory_space<vmem>>, vector<1024x128xf32>
    tpu.vector_store %arg4[%swap3A, %swap3A_26], %mul3A_25 {strides = array<i32>} : memref<1024x128xf32, #tpu.memory_space<vmem>>, vector<1024x128xf32>,
    %swap3A_28 = arith.constant 0 : index
    %swap3A_29 = arith.constant 0 : index
    %swap3A_30 = vector.load %arg5[%swap3A_28, %swap3A_29] : memref<1024x1xf32, #tpu.memory_space<vmem>>, vector<1024x1xf32>
    tpu.vector_store %arg5[%swap3A_28, %swap3A_29], %select_n3A {strides = array<i32>} : memref<1024x1xf32, #tpu.memory_space<vmem>>, vector<1024x1xf32>,
    return
  }
  func.func @transform_0(%arg0: i32) -> (i32, i32) {
    %c0_i32 = arith.constant 0 : i32
    %c0_i32_0 = arith.constant 0 : i32
    return %arg0, %c0_i32 : i32, i32
  }
  func.func @transform_1(%arg0: i32) -> (i32, i32) {
    %c0_i32 = arith.constant 0 : i32
    %c0_i32_0 = arith.constant 0 : i32
    %c0_i32_1 = arith.constant 0 : i32
    return %c0_i32, %c0_i32_0 : i32, i32
  }
  func.func @transform_2(%arg0: i32) -> (i32, i32, i32) {
    %c0_i32 = arith.constant 0 : i32
    %c0_i32_0 = arith.constant 0 : i32
    %c0_i32_1 = arith.constant 0 : i32
    return %c0_i32, %arg0, %c0_i32_0 : i32, i32, i32
  }
  func.func @transform_3(%arg0: i32) -> (i32, i32) {
    %c0_i32 = arith.constant 0 : i32
    %c0_i32_0 = arith.constant 0 : i32
    return %arg0, %c0_i32 : i32, i32
  }
  func.func @transform_4(%arg0: i32) -> (i32, i32) {
    %c0_i32 = arith.constant 0 : i32
    %c0_i32_0 = arith.constant 0 : i32
    return %arg0, %c0_i32 : i32, i32
  }
}

module attributes {stable_mosaic.version = 14 : i64} {
  func.func @_t2_body(%arg0: i32, %arg1: memref<2x1024x128xf32, #tpu.memory_space<vmem>>, %arg2: memref<1024x128xf32, #tpu.memory_space<vmem>>, %arg3: memref<1024x1xf32, #tpu.memory_space<vmem>>, %arg4: memref<1x128xf32, #tpu.memory_space<vmem>>, %arg5: memref<128x128xf32, #tpu.memory_space<vmem>>, %arg6: memref<1024x128xf32, #tpu.memory_space<vmem>>) attributes {dimension_semantics = [#tpu.dimension_semantics<arbitrary>], iteration_bounds = array<i64: 10>, scalar_prefetch = 0 : i64, scratch_operands = 0 : i64, tpu.core_type = #tpu.core_type<tc>, window_params = [{transform_indices = @transform_0, window_bounds = array<i64: 2, 1024, 128>}, {transform_indices = @transform_1, window_bounds = array<i64: 1024, 128>}, {transform_indices = @transform_2, window_bounds = array<i64: 1024, 1>}, {pipeline_mode = #tpu.pipeline_mode<synchronous>, transform_indices = @transform_3, window_bounds = array<i64: 1, 128>}, {pipeline_mode = #tpu.pipeline_mode<synchronous>, transform_indices = @transform_4, window_bounds = array<i64: 128, 128>}, {transform_indices = @transform_5, window_bounds = array<i64: 1024, 128>}]} {
    %get3A = arith.constant 0 : index
    %get3A_0 = arith.constant 0 : index
    %get3A_1 = vector.load %arg3[%get3A, %get3A_0] : memref<1024x1xf32, #tpu.memory_space<vmem>>, vector<1024x1xf32>
    %get3A_2 = arith.constant 0 : index
    %get3A_3 = arith.constant 0 : index
    %get3A_4 = arith.constant 0 : index
    %get3A_5 = vector.load %arg1[%get3A_2, %get3A_3, %get3A_4] : memref<2x1024x128xf32, #tpu.memory_space<vmem>>, vector<1x1024x128xf32>
    %get3A_6 = vector.shape_cast %get3A_5 : vector<1x1024x128xf32> to vector<1024x128xf32>
    %get3A_7 = arith.constant 1 : index
    %get3A_8 = arith.constant 0 : index
    %get3A_9 = arith.constant 0 : index
    %get3A_10 = vector.load %arg1[%get3A_7, %get3A_8, %get3A_9] : memref<2x1024x128xf32, #tpu.memory_space<vmem>>, vector<1x1024x128xf32>
    %get3A_11 = vector.shape_cast %get3A_10 : vector<1x1024x128xf32> to vector<1024x128xf32>
    %add3A = arith.addf %get3A_6, %get3A_11 : vector<1024x128xf32>
    %get3A_12 = arith.constant 0 : index
    %get3A_13 = arith.constant 0 : index
    %get3A_14 = vector.load %arg2[%get3A_12, %get3A_13] : memref<1024x128xf32, #tpu.memory_space<vmem>>, vector<1024x128xf32>
    %add3A_15 = arith.addf %add3A, %get3A_14 : vector<1024x128xf32>
    %mul3A = vector.broadcast %get3A_1 : vector<1024x1xf32> to vector<1024x128xf32>
    %mul3A_16 = arith.mulf %mul3A, %add3A_15 : vector<1024x128xf32>
    %get3A_17 = arith.constant 0 : index
    %get3A_18 = arith.constant 0 : index
    %get3A_19 = vector.load %arg4[%get3A_17, %get3A_18] : memref<1x128xf32, #tpu.memory_space<vmem>>, vector<1x128xf32>
    %add3A_20 = vector.broadcast %get3A_19 : vector<1x128xf32> to vector<1024x128xf32>
    %add3A_21 = arith.addf %mul3A_16, %add3A_20 : vector<1024x128xf32>
    %max3A = arith.constant 0.000000e+00 : f32
    %max3A_22 = vector.broadcast %max3A : f32 to vector<1024x128xf32>
    %max3A_23 = arith.maximumf %add3A_21, %max3A_22 : vector<1024x128xf32>
    %get3A_24 = arith.constant 0 : index
    %get3A_25 = arith.constant 0 : index
    %get3A_26 = vector.load %arg5[%get3A_24, %get3A_25] : memref<128x128xf32, #tpu.memory_space<vmem>>, vector<128x128xf32>
    %dot_general3A = arith.constant dense<0.000000e+00> : vector<1024x128xf32>
    %dot_general3A_27 = tpu.matmul %max3A_23, %get3A_26, %dot_general3A {dimension_numbers = #tpu.dot_dimension_numbers<[1], [0], [0], [1], [0, 0, 1, 1], [], []>, transpose_lhs_hint = false} : vector<1024x128xf32>, vector<128x128xf32>, vector<1024x128xf32> -> vector<1024x128xf32>
    %mul3A_28 = vector.broadcast %get3A_1 : vector<1024x1xf32> to vector<1024x128xf32>
    %mul3A_29 = arith.mulf %dot_general3A_27, %mul3A_28 : vector<1024x128xf32>
    %swap3A = arith.constant 0 : index
    %swap3A_30 = arith.constant 0 : index
    %swap3A_31 = vector.load %arg6[%swap3A, %swap3A_30] : memref<1024x128xf32, #tpu.memory_space<vmem>>, vector<1024x128xf32>
    tpu.vector_store %arg6[%swap3A, %swap3A_30], %mul3A_29 {strides = array<i32>} : memref<1024x128xf32, #tpu.memory_space<vmem>>, vector<1024x128xf32>,
    return
  }
  func.func @transform_0(%arg0: i32) -> (i32, i32, i32) {
    %c0_i32 = arith.constant 0 : i32
    %c0_i32_0 = arith.constant 0 : i32
    %c0_i32_1 = arith.constant 0 : i32
    return %c0_i32, %arg0, %c0_i32_0 : i32, i32, i32
  }
  func.func @transform_1(%arg0: i32) -> (i32, i32) {
    %c0_i32 = arith.constant 0 : i32
    %c0_i32_0 = arith.constant 0 : i32
    return %arg0, %c0_i32 : i32, i32
  }
  func.func @transform_2(%arg0: i32) -> (i32, i32) {
    %c0_i32 = arith.constant 0 : i32
    %c0_i32_0 = arith.constant 0 : i32
    return %arg0, %c0_i32 : i32, i32
  }
  func.func @transform_3(%arg0: i32) -> (i32, i32) {
    %c0_i32 = arith.constant 0 : i32
    %c0_i32_0 = arith.constant 0 : i32
    %c0_i32_1 = arith.constant 0 : i32
    return %c0_i32, %c0_i32_0 : i32, i32
  }
  func.func @transform_4(%arg0: i32) -> (i32, i32) {
    %c0_i32 = arith.constant 0 : i32
    %c0_i32_0 = arith.constant 0 : i32
    %c0_i32_1 = arith.constant 0 : i32
    return %c0_i32, %c0_i32_0 : i32, i32
  }
  func.func @transform_5(%arg0: i32) -> (i32, i32) {
    %c0_i32 = arith.constant 0 : i32
    %c0_i32_0 = arith.constant 0 : i32
    return %arg0, %c0_i32 : i32, i32
  }
}

module attributes {stable_mosaic.version = 14 : i64} {
  func.func @_t3_body(%arg0: i32, %arg1: memref<2x1024x128xf32, #tpu.memory_space<vmem>>, %arg2: memref<1024x128xf32, #tpu.memory_space<vmem>>, %arg3: memref<1024x1xf32, #tpu.memory_space<vmem>>, %arg4: memref<1x128xf32, #tpu.memory_space<vmem>>, %arg5: memref<1024x128xf32, #tpu.memory_space<vmem>>) attributes {dimension_semantics = [#tpu.dimension_semantics<arbitrary>], iteration_bounds = array<i64: 10>, scalar_prefetch = 0 : i64, scratch_operands = 0 : i64, tpu.core_type = #tpu.core_type<tc>, window_params = [{transform_indices = @transform_0, window_bounds = array<i64: 2, 1024, 128>}, {transform_indices = @transform_1, window_bounds = array<i64: 1024, 128>}, {transform_indices = @transform_2, window_bounds = array<i64: 1024, 1>}, {pipeline_mode = #tpu.pipeline_mode<synchronous>, transform_indices = @transform_3, window_bounds = array<i64: 1, 128>}, {transform_indices = @transform_4, window_bounds = array<i64: 1024, 128>}]} {
    %get3A = arith.constant 0 : index
    %get3A_0 = arith.constant 0 : index
    %get3A_1 = vector.load %arg3[%get3A, %get3A_0] : memref<1024x1xf32, #tpu.memory_space<vmem>>, vector<1024x1xf32>
    %get3A_2 = arith.constant 0 : index
    %get3A_3 = arith.constant 0 : index
    %get3A_4 = arith.constant 0 : index
    %get3A_5 = vector.load %arg1[%get3A_2, %get3A_3, %get3A_4] : memref<2x1024x128xf32, #tpu.memory_space<vmem>>, vector<1x1024x128xf32>
    %get3A_6 = vector.shape_cast %get3A_5 : vector<1x1024x128xf32> to vector<1024x128xf32>
    %get3A_7 = arith.constant 1 : index
    %get3A_8 = arith.constant 0 : index
    %get3A_9 = arith.constant 0 : index
    %get3A_10 = vector.load %arg1[%get3A_7, %get3A_8, %get3A_9] : memref<2x1024x128xf32, #tpu.memory_space<vmem>>, vector<1x1024x128xf32>
    %get3A_11 = vector.shape_cast %get3A_10 : vector<1x1024x128xf32> to vector<1024x128xf32>
    %add3A = arith.addf %get3A_6, %get3A_11 : vector<1024x128xf32>
    %get3A_12 = arith.constant 0 : index
    %get3A_13 = arith.constant 0 : index
    %get3A_14 = vector.load %arg2[%get3A_12, %get3A_13] : memref<1024x128xf32, #tpu.memory_space<vmem>>, vector<1024x128xf32>
    %add3A_15 = arith.addf %add3A, %get3A_14 : vector<1024x128xf32>
    %mul3A = vector.broadcast %get3A_1 : vector<1024x1xf32> to vector<1024x128xf32>
    %mul3A_16 = arith.mulf %mul3A, %add3A_15 : vector<1024x128xf32>
    %get3A_17 = arith.constant 0 : index
    %get3A_18 = arith.constant 0 : index
    %get3A_19 = vector.load %arg4[%get3A_17, %get3A_18] : memref<1x128xf32, #tpu.memory_space<vmem>>, vector<1x128xf32>
    %add3A_20 = vector.broadcast %get3A_19 : vector<1x128xf32> to vector<1024x128xf32>
    %add3A_21 = arith.addf %mul3A_16, %add3A_20 : vector<1024x128xf32>
    %swap3A = arith.constant 0 : index
    %swap3A_22 = arith.constant 0 : index
    %swap3A_23 = vector.load %arg5[%swap3A, %swap3A_22] : memref<1024x128xf32, #tpu.memory_space<vmem>>, vector<1024x128xf32>
    tpu.vector_store %arg5[%swap3A, %swap3A_22], %add3A_21 {strides = array<i32>} : memref<1024x128xf32, #tpu.memory_space<vmem>>, vector<1024x128xf32>,
    return
  }
  func.func @transform_0(%arg0: i32) -> (i32, i32, i32) {
    %c0_i32 = arith.constant 0 : i32
    %c0_i32_0 = arith.constant 0 : i32
    %c0_i32_1 = arith.constant 0 : i32
    return %c0_i32, %arg0, %c0_i32_0 : i32, i32, i32
  }
  func.func @transform_1(%arg0: i32) -> (i32, i32) {
    %c0_i32 = arith.constant 0 : i32
    %c0_i32_0 = arith.constant 0 : i32
    return %arg0, %c0_i32 : i32, i32
  }
  func.func @transform_2(%arg0: i32) -> (i32, i32) {
    %c0_i32 = arith.constant 0 : i32
    %c0_i32_0 = arith.constant 0 : i32
    return %arg0, %c0_i32 : i32, i32
  }
  func.func @transform_3(%arg0: i32) -> (i32, i32) {
    %c0_i32 = arith.constant 0 : i32
    %c0_i32_0 = arith.constant 0 : i32
    %c0_i32_1 = arith.constant 0 : i32
    return %c0_i32, %c0_i32_0 : i32, i32
  }
  func.func @transform_4(%arg0: i32) -> (i32, i32) {
    %c0_i32 = arith.constant 0 : i32
    %c0_i32_0 = arith.constant 0 : i32
    return %arg0, %c0_i32 : i32, i32
  }
}

</mosaic_0001>

<sc_bundles>
// kernel: kernel.11.cloned.1.call-start
scs
__scs_entry_jumppad:
0x0: {  	(pc) =	sbr.rel $0x88, $3  }
0x1: {  	(tag) =	ssettag $0x0;
	lr =	simm.s32 $0x1  }
0x2: {  	[smem:$0x3F9B] =	sst lr;
	_ =	strace $0xD0000000  }
0x3: {  	_ = 	snop  }
0x4: {  	_ = 	snop  }
0x5: {  	_ = 	snop  }
0x6: {  	_ = 	snop  }
0x7: {  	_ = 	snop  }
__scs_overlays_trampoline_lowered:
0x8: {  	[smem:$0x3FAA] =	sst s0  }
0x9: {  	[smem:$0x3FAB] =	sst s1  }
0xa: {  	[smem:$0x3FAC] =	sst s2  }
0xb: {  	[smem:$0x3FAD] =	sst s3  }
0xc: {  	[smem:$0x3FAE] =	sst s4  }
0xd: {  	[smem:$0x3FAF] =	sst s5  }
0xe: {  	[smem:$0x3FB0] =	sst s6  }
0xf: {  	[smem:$0x3FB1] =	sst s7  }
0x10: {  	[smem:$0x3FB2] =	sst s8  }
0x11: {  	[smem:$0x3FB3] =	sst s9;
	s0 =	simm.s32 @!p0 $0x0  }
0x12: {  	s1 =	sld [smem:$0x3F99];
	s0 =	simm.s32 @p0 $0x1  }
0x13: {  	[smem:$0x3FB4] =	sst s0;
	s0 =	simm.s32 @!p1 $0x0  }
0x14: {  	s2 =	sld [smem:$0x3F98];
	s0 =	simm.s32 @p1 $0x1  }
0x15: {  	[smem:$0x3FB5] =	sst s0;
	s0 =	simm.s32 @!p2 $0x0  }
0x16: {  	s3 =	sld [smem:$0x3FDB];
	s0 =	simm.s32 @p2 $0x1  }
0x17: {  	s4 =	simm.s32 $0x1BF5;
	[smem:$0x3FB7] =	sst s0  }
0x18: {  	s0 =	sld [smem:$0x3F9A];
	_ =	swait.ge [sflag:s4], $0x0  }
0x19: {  	s7 =	sld [smem:$0x3F9B]  }
0x1a: {  	s8 =	sadd.s32 $0xFFFFE003, lr  }
0x1b: {  	s9 =	sadd.s32 $0xFFFFFEF7, lr;
	s5 =	simm.s32 $0xFFFFFFFF;
	p2 =	slt.u32 s8, $0xFFFFF086  }
0x1c: {  	p1 =	slt.u32 s9, $0xF7A;
	s5 =	simm.s32 @!p2 $0x0  }
0x1d: {  	s5 =	simm.s32 @p1 $0x1;
	p0 =	seq.s32 s7, s2  }
0x1e: {  	s7 =	smul.u32 @!p0 $0xF7A, s2;
	p2 =	seq.s32 @!p0 s5, $0x0  }
0x1f: {  	s9 =	smul.u32 $0xF7A, s1;
	s8 =	simm.s32 @!p0 $0x1BF5;
	p2 =	por !p2, p0  }
0x20: {  	[sflag:s8] =	ssyncset.s32 @!p0 $0xFFFFF086;
	s6 =	sadd.s32 @!p0 s3, s7;
	s7 =	simm.s32 @!p0 $0x108  }
0x21: {  	s3 =	sadd.s32 s3, s9;
	s6 =	sadd.s32 @!p0 $0x88, s6;
	s7 =	simm.s32 @p2 $0x1082  }
0x22: {  	[simem:s7], [sflag:s8] =	dma.local @!p0 [hbm:s6], $0xF7A  }
0x23: {  	s9 =	sor.u32 $0xD0000000, s2;
	s6 =	simm.s32 $0x108;
	_ =	swait.ge @!p0 [sflag:s8], $0x0  }
0x24: {  	s3 =	sadd.s32 $0x88, s3;
	s6 =	simm.s32 @!p1 $0x1082;
	[sflag:s4] =	ssyncset.s32 $0xFFFFF086  }
0x25: {  	[simem:s6], [sflag:s4] =	dma.local [hbm:s3], $0xF7A  }
0x26: {  	[smem:$0x3F9B] =	sst s1;
	(tag) =	ssettag s2;
	_ =	strace s9  }
0x27: {  	s1 =	sld [smem:$0x3FAB]  }
0x28: {  	s2 =	sld [smem:$0x3FAC]  }
0x29: {  	s4 =	sld [smem:$0x3FAE]  }
0x2a: {  	p0 =	seq.s32 s5, $0x0;
	s5 =	sld [smem:$0x3FAF]  }
0x2b: {  	s6 =	sld [smem:$0x3FB0]  }
0x2c: {  	s7 =	sld [smem:$0x3FB1]  }
0x2d: {  	s3 =	simm.s32 $0x108;
	s8 =	sld [smem:$0x3FB2]  }
0x2e: {  	s3 =	simm.s32 @!p0 $0x1082;
	s9 =	sld [smem:$0x3FB3]  }
0x2f: {  	lr =	sadd.s32 s0, s3;
	s0 =	sld [smem:$0x3FAA]  }
0x30: {  	s3 =	sld [smem:$0x3FAD]  }
0x31: {  	[smem:$0x3FB6] =	sst s10  }
0x32: {  	s10 =	sld [smem:$0x3FB4];
	_ =	sdelay $0x3  }
0x33: {  	p0 =	seq.s32 s10, $0x1;
	s10 =	sld [smem:$0x3FB6];
	_ =	sdelay $0x3  }
0x34: {  	[smem:$0x3FB6] =	sst s10  }
0x35: {  	s10 =	sld [smem:$0x3FB5];
	_ =	sdelay $0x3  }
0x36: {  	p1 =	seq.s32 s10, $0x1;
	s10 =	sld [smem:$0x3FB6];
	_ =	sdelay $0x3  }
0x37: {  	[smem:$0x3FB6] =	sst s10  }
0x38: {  	s10 =	sld [smem:$0x3FB7]  }
0x39: {  	_ = 	snop;
	(pc) =	sbr.ind lr, $3  }
0x3a: {  	_ = 	snop  }
0x3b: {  	_ = 	snop  }
0x3c: {  	p2 =	seq.s32 s10, $0x1;
	s10 =	sld [smem:$0x3FB6]  }
0x3d: {  	_ =	shalt  }
0x3e: {  	_ =	shalt  }
0x3f: {  	_ =	shalt  }
0x40: {  	_ =	shalt  }
0x41: {  	_ =	shalt  }
0x42: {  	_ =	shalt  }
0x43: {  	_ =	shalt  }
0x44: {  	_ =	shalt  }
0x45: {  	_ =	shalt  }
0x46: {  	_ =	shalt  }
0x47: {  	_ =	shalt  }
0x48: {  	_ =	shalt  }
0x49: {  	_ =	shalt  }
0x4a: {  	_ =	shalt  }
0x4b: {  	_ =	shalt  }
0x4c: {  	_ =	shalt  }
0x4d: {  	_ =	shalt  }
0x4e: {  	_ =	shalt  }
0x4f: {  	_ =	shalt  }
0x50: {  	_ =	shalt  }
0x51: {  	_ =	shalt  }
0x52: {  	_ =	shalt  }
0x53: {  	_ =	shalt  }
0x54: {  	_ =	shalt  }
0x55: {  	_ =	shalt  }
0x56: {  	_ =	shalt  }
0x57: {  	_ =	shalt  }
0x58: {  	_ =	shalt  }
0x59: {  	_ =	shalt  }
0x5a: {  	_ =	shalt  }
0x5b: {  	_ =	shalt  }
0x5c: {  	_ =	shalt  }
0x5d: {  	_ =	shalt  }
0x5e: {  	_ =	shalt  }
0x5f: {  	_ =	shalt  }
0x60: {  	_ =	shalt  }
0x61: {  	_ =	shalt  }
0x62: {  	_ =	shalt  }
0x63: {  	_ =	shalt  }
0x64: {  	_ =	shalt  }
0x65: {  	_ =	shalt  }
0x66: {  	_ =	shalt  }
0x67: {  	_ =	shalt  }
0x68: {  	_ =	shalt  }
0x69: {  	_ =	shalt  }
0x6a: {  	_ =	shalt  }
0x6b: {  	_ =	shalt  }
0x6c: {  	_ =	shalt  }
0x6d: {  	_ =	shalt  }
0x6e: {  	_ =	shalt  }
0x6f: {  	_ =	shalt  }
0x70: {  	_ =	shalt  }
0x71: {  	_ =	shalt  }
0x72: {  	_ =	shalt  }
0x73: {  	_ =	shalt  }
0x74: {  	_ =	shalt  }
0x75: {  	_ =	shalt  }
0x76: {  	_ =	shalt  }
0x77: {  	_ =	shalt  }
0x78: {  	_ =	shalt  }
0x79: {  	_ =	shalt  }
0x7a: {  	_ =	shalt  }
0x7b: {  	_ =	shalt  }
0x7c: {  	_ =	shalt  }
0x7d: {  	_ =	shalt  }
0x7e: {  	_ =	shalt  }
0x7f: {  	_ =	shalt  }
0x80: {  	_ =	shalt  }
0x81: {  	_ =	shalt  }
0x82: {  	_ =	shalt  }
0x83: {  	_ =	shalt  }
0x84: {  	_ =	shalt  }
0x85: {  	_ =	shalt  }
0x86: {  	_ =	shalt  }
0x87: {  	_ =	shalt  }
.Lfunc_end0:
.L_simem_size_0:
called_computation.1_lowered:
.L_overlay_start_0:
0x88: {  	s2 =	sld [smem:$0x3FD9]  }
0x89: {  	s3 =	sld [smem:$0x3FFE];
	_ =	sdelay $0x1  }
0x8a: {  	s1 =	srdreg.scid  }
0x8b: {  	s0 =	sand.u32 $0x1, s1  }
0x8c: {  	s17 =	sshll.u32 s0, $0xA;
	s2 =	sadd.s32 s3, s2  }
0x8d: {  	s2 =	sadd.s32 s2, s17  }
0x8e: {  	[smem:$0x3FC2] =	sst s2  }
0x8f: {  	_ = 	snop  }
0x90: {  	s2 =	sld [smem:$0x3FD0];
	(tm) =	ssettm $0x1  }
0x91: {  	s18 =	sld [smem:$0x3FFB];
	_ =	sdelay $0x3  }
0x92: {  	_ =	strace s18  }
0x93: {  	s3 =	sld [smem:$0x3FFC];
	_ =	sdelay $0x3  }
0x94: {  	_ =	strace s3  }
0x95: {  	s3 =	sld [smem:$0x3FFD];
	_ =	sdelay $0x3  }
0x96: {  	_ =	strace s3  }
0x97: {  	_ =	strace $0x8FFFFFFF  }
0x98: {  	s19 =	sld [smem:$0x3FDB];
	_ =	sdelay $0x1  }
0x99: {  	s4 =	simm.s32 $_scs_section_size  }
0x9a: {  	s5 =	simm.s32 $_size__tile_overlayer_lowered;
	s6 =	simm.s32 $_tile_overlayer_lowered  }
0x9b: {  	s22 =	simm.s32 $0x1BFF;
	s21 =	sshll.u32 s6, $0x1;
	s3 =	sadd.s32 s4, s19  }
0x9c: {  	s7 =	simm.s32 $0x0;
	s20 =	sshll.u32 s5, $0x1;
	s5 =	sadd.s32 s21, s3  }
0x9d: {  	[timem:s7], [sflag:s22] =	dma.local [hbm:s5], s20  }
0x9e: {  	_ =	swait.ge [sflag:s22], s20  }
0x9f: {  	s4 =	ssub.s32 $0x0, s20;
	[sflag:s22] =	ssyncset.done $0x0  }
0xa0: {  	[sflag:s22] =	ssyncadd.s32 s4;
	_ =	sdelay $0x1  }
0xa1: {  	s23 =	simm.s32 $0x1B8B  }
0xa2: {  	_ =	swait.ge [sflag:s23], $0x1  }
0xa3: {  	[sflag:s23] =	ssyncset.done $0x0  }
0xa4: {  	s25 =	simm.s32 $0x1B8E;
	s24 =	sld [smem:$0x3FFE];
	[sflag:s23] =	ssyncadd.s32 $0xFFFFFFFF  }
0xa5: {  	s26 =	simm.s32 $execute0_lowered;
	[smem:$0x3FD2] =	sst s25  }
0xa6: {  	s5 =	sshll.u32 s26, $0x1;
	_ =	strace $0x80000049;
	[dreg:$0x1] =	wrdreg $0xFFFFFFFF  }
0xa7: {  	s28 =	simm.s32 $_size_execute0_lowered;
	s3 =	sadd.s32 s3, s5;
	[dreg:$0x0] =	wrdreg $0x0  }
0xa8: {  	s5 =	sshll.u32 s28, $0x1;
	[dreg:$0x2] =	wrdreg s3  }
0xa9: {  	[dreg:$0x3] =	wrdreg s5  }
0xaa: {  	[dreg:$0x4] =	wrdreg $0xC0  }
0xab: {  	_ =	task [dreg:s7], $0x5FFFF  }
0xac: {  	[dreg:$0x1] =	wrdreg $0xFFFFFFFF  }
0xad: {  	[dreg:$0x0] =	wrdreg $0x60  }
0xae: {  	[dreg:$0x2] =	wrdreg s24  }
0xaf: {  	[dreg:$0x3] =	wrdreg s2  }
0xb0: {  	[dreg:$0x4] =	wrdreg $0x10000  }
0xb1: {  	[dreg:$0x5] =	wrdreg $0x9  }
0xb2: {  	_ =	task.clear_ibuf [dreg:s7], $0x6FFFF;
	_ =	strace $0x90000049  }
0xb3: {  	s29 =	simm.s32 $0x9;
	_ =	strace $0x8000004B  }
0xb4: {  	_ =	swait.ge [sflag:s29], $0x1  }
0xb5: {  	[sflag:s29] =	ssyncadd.s32 $0xFFFFFFFF  }
0xb6: {  	_ =	strace $0x9000004B  }
0xb7: {  	_ =	sfence  }
0xb8: {  	s30 =	sld [smem:$0x0];
	_ =	sdelay $0x2  }
0xb9: {  	s31 =	sshll.u32 s1, $0xD;
	s1 =	sshrl.u32 s1, $0x2  }
0xba: {  	s3 =	sand.u32 $0x4000, s31;
	s1 =	sadd.s32 s1, s30  }
0xbb: {  	s0 =	sor.u32 s3, s0;
	s1 =	sshll.u32 s1, $0x11  }
0xbc: {  	s0 =	sor.u32 s1, s0  }
0xbd: {  	s0 =	sadd.s32 $0x8F2B, s0  }
0xbe: {  	[sflag:s0] =	ssyncadd.remote.s32 $0x1  }
0xbf: {  	_ =	sfence.sel $0xFFFF  }
0xc0: {  	[dreg:$0x0] =	wrdreg $0xFFFFFFFF;
	(pc) =	sbr.abs _section_cstart, $3  }
0xc1: {  	[dreg:$0x1] =	wrdreg $0xFFFFFFFF  }
0xc2: {  	_ =	task.clear_ibuf [dreg:s7], $0x2FFFF;
	_ =	strace $0x9FFFFFFF  }
0xc3: {  	(tm) =	ssettm $0x7FFFFFFF  }
tec
execute0_lowered:
.L_overlay_start_1:
0x0: {  	(tag) =	ssettag $0x1  }
0x1: {  	s0 =	rddreg [dreg:$0x0]  }
0x2: {  	s1 =	rddreg [dreg:$0x1];
	s3 =	srdreg.scid  }
0x3: {  	s10 =	stileid.u32;
	s2 =	rddreg [dreg:$0x2];
	s21 =	simm.s32 $0x0  }
0x4: {  	s7 =	sand.u32 $0x1, s3;
	s4 =	sshll.u32 s10, $0x1;
	[smem:$0x7FF] =	sst s21  }
0x5: {  	s30 =	sadd.s32 $0x34600, s0;
	s6 =	sadd.s32 $0x2600, s0;
	s8 =	smul.u32 $0x14000, s10  }
0x6: {  	s16 =	smul.u32 $0x50000, s10;
	s23 =	sshll.u32 s10, $0x6;
	[dreg:$0x12] =	wrdreg s7  }
0x7: {  	s4 =	sor.u32 s7, s4;
	s31 =	smul.u32 $0x140000, s7;
	s25 =	sor.u32 $0x1C05, s23  }
0x8: {  	s5 =	smul.u32 $0x500, s4;
	_ =	strace $0x8000004A;
	[dreg:$0x4] =	wrdreg s30  }
0x9: {  	s4 =	smul.u32 $0x2800, s4;
	s19 =	sshrl.u32 s16, $0x2;
	[dreg:$0x10] =	wrdreg s25  }
0xa: {  	s22 =	sadd.s32 s19, s2;
	s24 =	rddreg [dreg:$0x4];
	s9 =	sadd.s32 s6, s5  }
0xb: {  	s4 =	sshrl.u32 s4, $0x3;
	s5 =	sadd.s32 s1, s5;
	[dreg:$0x5] =	wrdreg s9  }
0xc: {  	s28 =	sshrl.u32 s22, $0x3;
	s7 =	sadd.s32 $0x100, s4;
	[dreg:$0x6] =	wrdreg s5  }
0xd: {  	s3 =	sadd.s32 s8, s31;
	[dreg:$0x11] =	wrdreg s28;
	s8 =	sadd.s32 s6, s7  }
0xe: {  	s12 =	sadd.s32 $0x200, s4;
	s11 =	sadd.s32 s1, s7;
	[dreg:$0x7] =	wrdreg s8  }
0xf: {  	s13 =	sadd.s32 s6, s12;
	[dreg:$0x8] =	wrdreg s11  }
0x10: {  	s15 =	sadd.s32 $0x300, s4;
	s14 =	sadd.s32 s1, s12;
	[dreg:$0x9] =	wrdreg s13  }
0x11: {  	s17 =	sadd.s32 s6, s15;
	[dreg:$0xa] =	wrdreg s14  }
0x12: {  	s4 =	sadd.s32 $0x400, s4;
	s18 =	sadd.s32 s1, s15;
	[dreg:$0xb] =	wrdreg s17  }
0x13: {  	s3 =	sshrl.u32 s3, $0x3;
	s20 =	sadd.s32 s6, s4;
	[dreg:$0xc] =	wrdreg s18  }
0x14: {  	s3 =	sadd.s32 s3, s0;
	s1 =	sadd.s32 s1, s4;
	[dreg:$0xd] =	wrdreg s20  }
0x15: {  	s26 =	sadd.s32 $0x36E00, s3;
	[dreg:$0xe] =	wrdreg s1  }
0x16: {  	s5 =	simm.s32 $0x5;
	[dreg:$0xf] =	wrdreg s26  }
0x17: {  	[spmem:s28], [sflag:s25] =	dma.local [hbm:s24], $0x2800  }
0x18: {  	_ =	swait.ge [sflag:s5], $0x2800  }
0x19: {  	[sflag:s5] =	ssyncset.done $0x0  }
0x1a: {  	[sflag:s5] =	ssyncadd.s32 $0xFFFFD800  }
0x1b: {  	[bflag:$0x0] =	sbarrier.arrive $0xFFFF  }
0x1c: {  	s29 =	rddreg [dreg:$0x5]  }
0x1d: {  	[tilespmem:s21], [sflag:$0x5] =	stream.linear.gather [hbm4b:s29+s21], $0x800, $0x38;
	[tilespmem:$0x1D000] =	vst v63  }
0x1e: {  	_ =	swait.ge [sflag:s5], $0x800  }
0x1f: {  	[sflag:s5] =	ssyncset.done $0x0  }
0x20: {  	s31 =	simm.s32 $0x800;
	s30 =	rddreg [dreg:$0x6];
	[sflag:s5] =	ssyncadd.s32 $0xFFFFF800  }
0x21: {  	[tilespmem:s31], [sflag:$0x5] =	stream.linear.gather [hbm4b:s30+s21], $0x800, $0x38;
	[tilespmem:$0x1D000] =	vst v63  }
0x22: {  	_ =	swait.ge [sflag:s5], $0x800  }
0x23: {  	s10 =	simm.s32 $0x15000;
	[sflag:s5] =	ssyncset.done $0x0  }
0x24: {  	s9 =	simm.s32 $0x80;
	s8 =	sadd.s32 $0xC600, s0;
	[sflag:s5] =	ssyncadd.s32 $0xFFFFF800  }
0x25: {  	[tilespmem:s10], [sflag:$0x1] =	stream.indirect.gather [hbm4b:s8+s9], $0x80, s21, s9, $0xb8;
	[tilespmem:$0x1D000] =	vst v63  }
0x26: {  	s12 =	simm.s32 $0x1;
	s11 =	simm.s32 $0x19000  }
0x27: {  	[tilespmem:s11], [sflag:$0x2] =	stream.indirect.gather [hbm4b:s8+s9], $0x80, s9, s9, $0xb8;
	[tilespmem:$0x1D000] =	vst v63  }
0x28: {  	_ =	swait.ge [sflag:s12], $0x4000  }
0x29: {  	[sflag:s12] =	ssyncset.done $0x0  }
0x2a: {  	s13 =	simm.s32 $0x3;
	[sflag:s12] =	ssyncadd.s32 $0xFFFFC000  }
0x2b: {  	[spmem:s2] =	stream.indirect.scatter.add.f32 [tilespmem:s10], [sflag:$0x3], $0x80, s31, s9, $0xb8;
	[tilespmem:$0x1D000] =	vst v63  }
0x2c: {  	_ =	swait.ge [sflag:s13], $0x4000  }
0x2d: {  	[sflag:s13] =	ssyncset.done $0x0  }
0x2e: {  	s3 =	simm.s32 $0x100;
	s15 =	simm.s32 $0x2;
	[sflag:s13] =	ssyncadd.s32 $0xFFFFC000  }
0x2f: {  	[tilespmem:s10], [sflag:$0x1] =	stream.indirect.gather [hbm4b:s8+s9], $0x80, s3, s9, $0xb8;
	[tilespmem:$0x1D000] =	vst v63  }
0x30: {  	_ =	swait.ge [sflag:s15], $0x4000  }
0x31: {  	[sflag:s15] =	ssyncset.done $0x0  }
0x32: {  	s4 =	simm.s32 $0x880;
	s17 =	simm.s32 $0x4;
	[sflag:s15] =	ssyncadd.s32 $0xFFFFC000  }
0x33: {  	[spmem:s2] =	stream.indirect.scatter.add.f32 [tilespmem:s11], [sflag:$0x4], $0x80, s4, s9, $0xb8;
	[tilespmem:$0x1D000] =	vst v63  }
0x34: {  	_ =	swait.ge [sflag:s17], $0x4000  }
0x35: {  	[sflag:s17] =	ssyncset.done $0x0  }
0x36: {  	s6 =	simm.s32 $0x180;
	[sflag:s17] =	ssyncadd.s32 $0xFFFFC000  }
0x37: {  	[tilespmem:s11], [sflag:$0x2] =	stream.indirect.gather [hbm4b:s8+s9], $0x80, s6, s9, $0xb8;
	[tilespmem:$0x1D000] =	vst v63  }
0x38: {  	_ =	swait.ge [sflag:s12], $0x4000  }
0x39: {  	[sflag:s12] =	ssyncset.done $0x0  }
0x3a: {  	s7 =	simm.s32 $0x900;
	[sflag:s12] =	ssyncadd.s32 $0xFFFFC000  }
0x3b: {  	[spmem:s2] =	stream.indirect.scatter.add.f32 [tilespmem:s10], [sflag:$0x3], $0x80, s7, s9, $0xb8;
	[tilespmem:$0x1D000] =	vst v63  }
0x3c: {  	_ =	swait.ge [sflag:s13], $0x4000  }
0x3d: {  	[sflag:s13] =	ssyncset.done $0x0  }
0x3e: {  	s14 =	simm.s32 $0x200;
	[sflag:s13] =	ssyncadd.s32 $0xFFFFC000  }
0x3f: {  	[tilespmem:s10], [sflag:$0x1] =	stream.indirect.gather [hbm4b:s8+s9], $0x80, s14, s9, $0xb8;
	[tilespmem:$0x1D000] =	vst v63  }
0x40: {  	_ =	swait.ge [sflag:s15], $0x4000  }
0x41: {  	[sflag:s15] =	ssyncset.done $0x0  }
0x42: {  	s16 =	simm.s32 $0x980;
	[sflag:s15] =	ssyncadd.s32 $0xFFFFC000  }
0x43: {  	[spmem:s2] =	stream.indirect.scatter.add.f32 [tilespmem:s11], [sflag:$0x4], $0x80, s16, s9, $0xb8;
	[tilespmem:$0x1D000] =	vst v63  }
0x44: {  	_ =	swait.ge [sflag:s17], $0x4000  }
0x45: {  	[sflag:s17] =	ssyncset.done $0x0  }
0x46: {  	s18 =	simm.s32 $0x280;
	[sflag:s17] =	ssyncadd.s32 $0xFFFFC000  }
0x47: {  	[tilespmem:s11], [sflag:$0x2] =	stream.indirect.gather [hbm4b:s8+s9], $0x80, s18, s9, $0xb8;
	[tilespmem:$0x1D000] =	vst v63  }
0x48: {  	_ =	swait.ge [sflag:s12], $0x4000  }
0x49: {  	[sflag:s12] =	ssyncset.done $0x0  }
0x4a: {  	s19 =	simm.s32 $0xA00;
	[sflag:s12] =	ssyncadd.s32 $0xFFFFC000  }
0x4b: {  	[spmem:s2] =	stream.indirect.scatter.add.f32 [tilespmem:s10], [sflag:$0x3], $0x80, s19, s9, $0xb8;
	[tilespmem:$0x1D000] =	vst v63  }
0x4c: {  	_ =	swait.ge [sflag:s13], $0x4000  }
0x4d: {  	[sflag:s13] =	ssyncset.done $0x0  }
0x4e: {  	s20 =	simm.s32 $0x300;
	[sflag:s13] =	ssyncadd.s32 $0xFFFFC000  }
0x4f: {  	[tilespmem:s10], [sflag:$0x1] =	stream.indirect.gather [hbm4b:s8+s9], $0x80, s20, s9, $0xb8;
	[tilespmem:$0x1D000] =	vst v63  }
0x50: {  	_ =	swait.ge [sflag:s15], $0x4000  }
0x51: {  	[sflag:s15] =	ssyncset.done $0x0  }
0x52: {  	s22 =	simm.s32 $0xA80;
	[sflag:s15] =	ssyncadd.s32 $0xFFFFC000  }
0x53: {  	[spmem:s2] =	stream.indirect.scatter.add.f32 [tilespmem:s11], [sflag:$0x4], $0x80, s22, s9, $0xb8;
	[tilespmem:$0x1D000] =	vst v63  }
0x54: {  	_ =	swait.ge [sflag:s17], $0x4000  }
0x55: {  	[sflag:s17] =	ssyncset.done $0x0  }
0x56: {  	s23 =	simm.s32 $0x380;
	[sflag:s17] =	ssyncadd.s32 $0xFFFFC000  }
0x57: {  	[tilespmem:s11], [sflag:$0x2] =	stream.indirect.gather [hbm4b:s8+s9], $0x80, s23, s9, $0xb8;
	[tilespmem:$0x1D000] =	vst v63  }
0x58: {  	_ =	swait.ge [sflag:s12], $0x4000  }
0x59: {  	[sflag:s12] =	ssyncset.done $0x0  }
0x5a: {  	s24 =	simm.s32 $0xB00;
	[sflag:s12] =	ssyncadd.s32 $0xFFFFC000  }
0x5b: {  	[spmem:s2] =	stream.indirect.scatter.add.f32 [tilespmem:s10], [sflag:$0x3], $0x80, s24, s9, $0xb8;
	[tilespmem:$0x1D000] =	vst v63  }
0x5c: {  	_ =	swait.ge [sflag:s13], $0x4000  }
0x5d: {  	[sflag:s13] =	ssyncset.done $0x0  }
0x5e: {  	s25 =	simm.s32 $0x400;
	[sflag:s13] =	ssyncadd.s32 $0xFFFFC000  }
0x5f: {  	[tilespmem:s10], [sflag:$0x1] =	stream.indirect.gather [hbm4b:s8+s9], $0x80, s25, s9, $0xb8;
	[tilespmem:$0x1D000] =	vst v63  }
0x60: {  	_ =	swait.ge [sflag:s15], $0x4000  }
0x61: {  	[sflag:s15] =	ssyncset.done $0x0  }
0x62: {  	s26 =	simm.s32 $0xB80;
	[sflag:s15] =	ssyncadd.s32 $0xFFFFC000  }
0x63: {  	[spmem:s2] =	stream.indirect.scatter.add.f32 [tilespmem:s11], [sflag:$0x4], $0x80, s26, s9, $0xb8;
	[tilespmem:$0x1D000] =	vst v63  }
0x64: {  	_ =	swait.ge [sflag:s17], $0x4000  }
0x65: {  	[sflag:s17] =	ssyncset.done $0x0  }
0x66: {  	s28 =	simm.s32 $0x480;
	[sflag:s17] =	ssyncadd.s32 $0xFFFFC000  }
0x67: {  	[tilespmem:s11], [sflag:$0x2] =	stream.indirect.gather [hbm4b:s8+s9], $0x80, s28, s9, $0xb8;
	[tilespmem:$0x1D000] =	vst v63  }
0x68: {  	_ =	swait.ge [sflag:s12], $0x4000  }
0x69: {  	[sflag:s12] =	ssyncset.done $0x0  }
0x6a: {  	s29 =	simm.s32 $0xC00;
	[sflag:s12] =	ssyncadd.s32 $0xFFFFC000  }
0x6b: {  	[spmem:s2] =	stream.indirect.scatter.add.f32 [tilespmem:s10], [sflag:$0x3], $0x80, s29, s9, $0xb8;
	[tilespmem:$0x1D000] =	vst v63  }
0x6c: {  	_ =	swait.ge [sflag:s13], $0x4000  }
0x6d: {  	[sflag:s13] =	ssyncset.done $0x0  }
0x6e: {  	s30 =	simm.s32 $0x500;
	[sflag:s13] =	ssyncadd.s32 $0xFFFFC000  }
0x6f: {  	[tilespmem:s10], [sflag:$0x1] =	stream.indirect.gather [hbm4b:s8+s9], $0x80, s30, s9, $0xb8;
	[tilespmem:$0x1D000] =	vst v63  }
0x70: {  	_ =	swait.ge [sflag:s15], $0x4000  }
0x71: {  	[sflag:s15] =	ssyncset.done $0x0  }
0x72: {  	s31 =	simm.s32 $0xC80;
	[sflag:s15] =	ssyncadd.s32 $0xFFFFC000  }
0x73: {  	[spmem:s2] =	stream.indirect.scatter.add.f32 [tilespmem:s11], [sflag:$0x4], $0x80, s31, s9, $0xb8;
	[tilespmem:$0x1D000] =	vst v63  }
0x74: {  	_ =	swait.ge [sflag:s17], $0x4000  }
0x75: {  	[sflag:s17] =	ssyncset.done $0x0  }
0x76: {  	s1 =	simm.s32 $0x580;
	[sflag:s17] =	ssyncadd.s32 $0xFFFFC000  }
0x77: {  	[tilespmem:s11], [sflag:$0x2] =	stream.indirect.gather [hbm4b:s8+s9], $0x80, s1, s9, $0xb8;
	[tilespmem:$0x1D000] =	vst v63  }
0x78: {  	_ =	swait.ge [sflag:s12], $0x4000  }
0x79: {  	[sflag:s12] =	ssyncset.done $0x0  }
0x7a: {  	s3 =	simm.s32 $0xD00;
	[sflag:s12] =	ssyncadd.s32 $0xFFFFC000  }
0x7b: {  	[spmem:s2] =	stream.indirect.scatter.add.f32 [tilespmem:s10], [sflag:$0x3], $0x80, s3, s9, $0xb8;
	[tilespmem:$0x1D000] =	vst v63  }
0x7c: {  	_ =	swait.ge [sflag:s13], $0x4000  }
0x7d: {  	[sflag:s13] =	ssyncset.done $0x0  }
0x7e: {  	s4 =	simm.s32 $0x600;
	[sflag:s13] =	ssyncadd.s32 $0xFFFFC000  }
0x7f: {  	[tilespmem:s10], [sflag:$0x1] =	stream.indirect.gather [hbm4b:s8+s9], $0x80, s4, s9, $0xb8;
	[tilespmem:$0x1D000] =	vst v63  }
0x80: {  	_ =	swait.ge [sflag:s15], $0x4000  }
0x81: {  	[sflag:s15] =	ssyncset.done $0x0  }
0x82: {  	s6 =	simm.s32 $0xD80;
	[sflag:s15] =	ssyncadd.s32 $0xFFFFC000  }
0x83: {  	[spmem:s2] =	stream.indirect.scatter.add.f32 [tilespmem:s11], [sflag:$0x4], $0x80, s6, s9, $0xb8;
	[tilespmem:$0x1D000] =	vst v63  }
0x84: {  	_ =	swait.ge [sflag:s17], $0x4000  }
0x85: {  	[sflag:s17] =	ssyncset.done $0x0  }
0x86: {  	s7 =	simm.s32 $0x680;
	[sflag:s17] =	ssyncadd.s32 $0xFFFFC000  }
0x87: {  	[tilespmem:s11], [sflag:$0x2] =	stream.indirect.gather [hbm4b:s8+s9], $0x80, s7, s9, $0xb8;
	[tilespmem:$0x1D000] =	vst v63  }
0x88: {  	_ =	swait.ge [sflag:s12], $0x4000  }
0x89: {  	[sflag:s12] =	ssyncset.done $0x0  }
0x8a: {  	s14 =	simm.s32 $0xE00;
	[sflag:s12] =	ssyncadd.s32 $0xFFFFC000  }
0x8b: {  	[spmem:s2] =	stream.indirect.scatter.add.f32 [tilespmem:s10], [sflag:$0x3], $0x80, s14, s9, $0xb8;
	[tilespmem:$0x1D000] =	vst v63  }
0x8c: {  	_ =	swait.ge [sflag:s13], $0x4000  }
0x8d: {  	[sflag:s13] =	ssyncset.done $0x0  }
0x8e: {  	s16 =	simm.s32 $0x700;
	[sflag:s13] =	ssyncadd.s32 $0xFFFFC000  }
0x8f: {  	[tilespmem:s10], [sflag:$0x1] =	stream.indirect.gather [hbm4b:s8+s9], $0x80, s16, s9, $0xb8;
	[tilespmem:$0x1D000] =	vst v63  }
0x90: {  	_ =	swait.ge [sflag:s15], $0x4000  }
0x91: {  	[sflag:s15] =	ssyncset.done $0x0  }
0x92: {  	s18 =	simm.s32 $0xE80;
	[sflag:s15] =	ssyncadd.s32 $0xFFFFC000  }
0x93: {  	[spmem:s2] =	stream.indirect.scatter.add.f32 [tilespmem:s11], [sflag:$0x4], $0x80, s18, s9, $0xb8;
	[tilespmem:$0x1D000] =	vst v63  }
0x94: {  	_ =	swait.ge [sflag:s17], $0x4000  }
0x95: {  	[sflag:s17] =	ssyncset.done $0x0  }
0x96: {  	s19 =	simm.s32 $0x780;
	[sflag:s17] =	ssyncadd.s32 $0xFFFFC000  }
0x97: {  	[tilespmem:s11], [sflag:$0x2] =	stream.indirect.gather [hbm4b:s8+s9], $0x80, s19, s9, $0xb8;
	[tilespmem:$0x1D000] =	vst v63  }
0x98: {  	_ =	swait.ge [sflag:s12], $0x4000  }
0x99: {  	[sflag:s12] =	ssyncset.done $0x0  }
0x9a: {  	s20 =	simm.s32 $0xF00;
	[sflag:s12] =	ssyncadd.s32 $0xFFFFC000  }
0x9b: {  	[spmem:s2] =	stream.indirect.scatter.add.f32 [tilespmem:s10], [sflag:$0x3], $0x80, s20, s9, $0xb8;
	[tilespmem:$0x1D000] =	vst v63  }
0x9c: {  	_ =	swait.ge [sflag:s13], $0x4000  }
0x9d: {  	[sflag:s13] =	ssyncset.done $0x0  }
0x9e: {  	[sflag:s13] =	ssyncadd.s32 $0xFFFFC000  }
0x9f: {  	_ =	swait.ge [sflag:s15], $0x4000  }
0xa0: {  	[sflag:s15] =	ssyncset.done $0x0  }
0xa1: {  	s22 =	simm.s32 $0xF80;
	[sflag:s15] =	ssyncadd.s32 $0xFFFFC000  }
0xa2: {  	[spmem:s2] =	stream.indirect.scatter.add.f32 [tilespmem:s11], [sflag:$0x4], $0x80, s22, s9, $0xb8;
	[tilespmem:$0x1D000] =	vst v63  }
0xa3: {  	_ =	swait.ge [sflag:s17], $0x4000  }
0xa4: {  	[sflag:s17] =	ssyncset.done $0x0  }
0xa5: {  	s26 =	rddreg [dreg:$0x7];
	[sflag:s17] =	ssyncadd.s32 $0xFFFFC000  }
0xa6: {  	[tilespmem:s21], [sflag:$0x5] =	stream.linear.gather [hbm4b:s26+s21], $0x800, $0x38;
	[tilespmem:$0x1D000] =	vst v63  }
0xa7: {  	_ =	swait.ge [sflag:s5], $0x800  }
0xa8: {  	[sflag:s5] =	ssyncset.done $0x0  }
0xa9: {  	s24 =	simm.s32 $0x800;
	s23 =	rddreg [dreg:$0x8];
	[sflag:s5] =	ssyncadd.s32 $0xFFFFF800  }
0xaa: {  	[tilespmem:s24], [sflag:$0x5] =	stream.linear.gather [hbm4b:s23+s21], $0x800, $0x38;
	[tilespmem:$0x1D000] =	vst v63  }
0xab: {  	_ =	swait.ge [sflag:s5], $0x800  }
0xac: {  	[sflag:s5] =	ssyncset.done $0x0  }
0xad: {  	[sflag:s5] =	ssyncadd.s32 $0xFFFFF800  }
0xae: {  	[tilespmem:s10], [sflag:$0x1] =	stream.indirect.gather [hbm4b:s8+s9], $0x80, s21, s9, $0xb8;
	[tilespmem:$0x1D000] =	vst v63  }
0xaf: {  	_ = 	snop  }
0xb0: {  	[tilespmem:s11], [sflag:$0x2] =	stream.indirect.gather [hbm4b:s8+s9], $0x80, s9, s9, $0xb8;
	[tilespmem:$0x1D000] =	vst v63  }
0xb1: {  	_ =	swait.ge [sflag:s12], $0x4000  }
0xb2: {  	[sflag:s12] =	ssyncset.done $0x0  }
0xb3: {  	[sflag:s12] =	ssyncadd.s32 $0xFFFFC000  }
0xb4: {  	[spmem:s2] =	stream.indirect.scatter.add.f32 [tilespmem:s10], [sflag:$0x3], $0x80, s24, s9, $0xb8;
	[tilespmem:$0x1D000] =	vst v63  }
0xb5: {  	_ =	swait.ge [sflag:s13], $0x4000  }
0xb6: {  	[sflag:s13] =	ssyncset.done $0x0  }
0xb7: {  	s25 =	simm.s32 $0x100;
	[sflag:s13] =	ssyncadd.s32 $0xFFFFC000  }
0xb8: {  	[tilespmem:s10], [sflag:$0x1] =	stream.indirect.gather [hbm4b:s8+s9], $0x80, s25, s9, $0xb8;
	[tilespmem:$0x1D000] =	vst v63  }
0xb9: {  	_ =	swait.ge [sflag:s15], $0x4000  }
0xba: {  	[sflag:s15] =	ssyncset.done $0x0  }
0xbb: {  	s1 =	simm.s32 $0x880;
	[sflag:s15] =	ssyncadd.s32 $0xFFFFC000  }
0xbc: {  	[spmem:s2] =	stream.indirect.scatter.add.f32 [tilespmem:s11], [sflag:$0x4], $0x80, s1, s9, $0xb8;
	[tilespmem:$0x1D000] =	vst v63  }
0xbd: {  	_ =	swait.ge [sflag:s17], $0x4000  }
0xbe: {  	[sflag:s17] =	ssyncset.done $0x0  }
0xbf: {  	s3 =	simm.s32 $0x180;
	[sflag:s17] =	ssyncadd.s32 $0xFFFFC000  }
0xc0: {  	[tilespmem:s11], [sflag:$0x2] =	stream.indirect.gather [hbm4b:s8+s9], $0x80, s3, s9, $0xb8;
	[tilespmem:$0x1D000] =	vst v63  }
0xc1: {  	_ =	swait.ge [sflag:s12], $0x4000  }
0xc2: {  	[sflag:s12] =	ssyncset.done $0x0  }
0xc3: {  	s4 =	simm.s32 $0x900;
	[sflag:s12] =	ssyncadd.s32 $0xFFFFC000  }
0xc4: {  	[spmem:s2] =	stream.indirect.scatter.add.f32 [tilespmem:s10], [sflag:$0x3], $0x80, s4, s9, $0xb8;
	[tilespmem:$0x1D000] =	vst v63  }
0xc5: {  	_ =	swait.ge [sflag:s13], $0x4000  }
0xc6: {  	[sflag:s13] =	ssyncset.done $0x0  }
0xc7: {  	s6 =	simm.s32 $0x200;
	[sflag:s13] =	ssyncadd.s32 $0xFFFFC000  }
0xc8: {  	[tilespmem:s10], [sflag:$0x1] =	stream.indirect.gather [hbm4b:s8+s9], $0x80, s6, s9, $0xb8;
	[tilespmem:$0x1D000] =	vst v63  }
0xc9: {  	_ =	swait.ge [sflag:s15], $0x4000  }
0xca: {  	[sflag:s15] =	ssyncset.done $0x0  }
0xcb: {  	s7 =	simm.s32 $0x980;
	[sflag:s15] =	ssyncadd.s32 $0xFFFFC000  }
0xcc: {  	[spmem:s2] =	stream.indirect.scatter.add.f32 [tilespmem:s11], [sflag:$0x4], $0x80, s7, s9, $0xb8;
	[tilespmem:$0x1D000] =	vst v63  }
0xcd: {  	_ =	swait.ge [sflag:s17], $0x4000  }
0xce: {  	[sflag:s17] =	ssyncset.done $0x0  }
0xcf: {  	s14 =	simm.s32 $0x280;
	[sflag:s17] =	ssyncadd.s32 $0xFFFFC000  }
0xd0: {  	[tilespmem:s11], [sflag:$0x2] =	stream.indirect.gather [hbm4b:s8+s9], $0x80, s14, s9, $0xb8;
	[tilespmem:$0x1D000] =	vst v63  }
0xd1: {  	_ =	swait.ge [sflag:s12], $0x4000  }
0xd2: {  	[sflag:s12] =	ssyncset.done $0x0  }
0xd3: {  	s16 =	simm.s32 $0xA00;
	[sflag:s12] =	ssyncadd.s32 $0xFFFFC000  }
0xd4: {  	[spmem:s2] =	stream.indirect.scatter.add.f32 [tilespmem:s10], [sflag:$0x3], $0x80, s16, s9, $0xb8;
	[tilespmem:$0x1D000] =	vst v63  }
0xd5: {  	_ =	swait.ge [sflag:s13], $0x4000  }
0xd6: {  	[sflag:s13] =	ssyncset.done $0x0  }
0xd7: {  	s18 =	simm.s32 $0x300;
	[sflag:s13] =	ssyncadd.s32 $0xFFFFC000  }
0xd8: {  	[tilespmem:s10], [sflag:$0x1] =	stream.indirect.gather [hbm4b:s8+s9], $0x80, s18, s9, $0xb8;
	[tilespmem:$0x1D000] =	vst v63  }
0xd9: {  	_ =	swait.ge [sflag:s15], $0x4000  }
0xda: {  	[sflag:s15] =	ssyncset.done $0x0  }
0xdb: {  	s19 =	simm.s32 $0xA80;
	[sflag:s15] =	ssyncadd.s32 $0xFFFFC000  }
0xdc: {  	[spmem:s2] =	stream.indirect.scatter.add.f32 [tilespmem:s11], [sflag:$0x4], $0x80, s19, s9, $0xb8;
	[tilespmem:$0x1D000] =	vst v63  }
0xdd: {  	_ =	swait.ge [sflag:s17], $0x4000  }
0xde: {  	[sflag:s17] =	ssyncset.done $0x0  }
0xdf: {  	s20 =	simm.s32 $0x380;
	[sflag:s17] =	ssyncadd.s32 $0xFFFFC000  }
0xe0: {  	[tilespmem:s11], [sflag:$0x2] =	stream.indirect.gather [hbm4b:s8+s9], $0x80, s20, s9, $0xb8;
	[tilespmem:$0x1D000] =	vst v63  }
0xe1: {  	_ =	swait.ge [sflag:s12], $0x4000  }
0xe2: {  	[sflag:s12] =	ssyncset.done $0x0  }
0xe3: {  	s22 =	simm.s32 $0xB00;
	[sflag:s12] =	ssyncadd.s32 $0xFFFFC000  }
0xe4: {  	[spmem:s2] =	stream.indirect.scatter.add.f32 [tilespmem:s10], [sflag:$0x3], $0x80, s22, s9, $0xb8;
	[tilespmem:$0x1D000] =	vst v63  }
0xe5: {  	_ =	swait.ge [sflag:s13], $0x4000  }
0xe6: {  	[sflag:s13] =	ssyncset.done $0x0  }
0xe7: {  	s23 =	simm.s32 $0x400;
	[sflag:s13] =	ssyncadd.s32 $0xFFFFC000  }
0xe8: {  	[tilespmem:s10], [sflag:$0x1] =	stream.indirect.gather [hbm4b:s8+s9], $0x80, s23, s9, $0xb8;
	[tilespmem:$0x1D000] =	vst v63  }
0xe9: {  	_ =	swait.ge [sflag:s15], $0x4000  }
0xea: {  	[sflag:s15] =	ssyncset.done $0x0  }
0xeb: {  	s24 =	simm.s32 $0xB80;
	[sflag:s15] =	ssyncadd.s32 $0xFFFFC000  }
0xec: {  	[spmem:s2] =	stream.indirect.scatter.add.f32 [tilespmem:s11], [sflag:$0x4], $0x80, s24, s9, $0xb8;
	[tilespmem:$0x1D000] =	vst v63  }
0xed: {  	_ =	swait.ge [sflag:s17], $0x4000  }
0xee: {  	[sflag:s17] =	ssyncset.done $0x0  }
0xef: {  	s25 =	simm.s32 $0x480;
	[sflag:s17] =	ssyncadd.s32 $0xFFFFC000  }
0xf0: {  	[tilespmem:s11], [sflag:$0x2] =	stream.indirect.gather [hbm4b:s8+s9], $0x80, s25, s9, $0xb8;
	[tilespmem:$0x1D000] =	vst v63  }
0xf1: {  	_ =	swait.ge [sflag:s12], $0x4000  }
0xf2: {  	[sflag:s12] =	ssyncset.done $0x0  }
0xf3: {  	s28 =	simm.s32 $0xC00;
	[sflag:s12] =	ssyncadd.s32 $0xFFFFC000  }
0xf4: {  	[spmem:s2] =	stream.indirect.scatter.add.f32 [tilespmem:s10], [sflag:$0x3], $0x80, s28, s9, $0xb8;
	[tilespmem:$0x1D000] =	vst v63  }
0xf5: {  	_ =	swait.ge [sflag:s13], $0x4000  }
0xf6: {  	[sflag:s13] =	ssyncset.done $0x0  }
0xf7: {  	s29 =	simm.s32 $0x500;
	[sflag:s13] =	ssyncadd.s32 $0xFFFFC000  }
0xf8: {  	[tilespmem:s10], [sflag:$0x1] =	stream.indirect.gather [hbm4b:s8+s9], $0x80, s29, s9, $0xb8;
	[tilespmem:$0x1D000] =	vst v63  }
0xf9: {  	_ =	swait.ge [sflag:s15], $0x4000  }
0xfa: {  	[sflag:s15] =	ssyncset.done $0x0  }
0xfb: {  	s30 =	simm.s32 $0xC80;
	[sflag:s15] =	ssyncadd.s32 $0xFFFFC000  }
0xfc: {  	[spmem:s2] =	stream.indirect.scatter.add.f32 [tilespmem:s11], [sflag:$0x4], $0x80, s30, s9, $0xb8;
	[tilespmem:$0x1D000] =	vst v63  }
0xfd: {  	_ =	swait.ge [sflag:s17], $0x4000  }
0xfe: {  	[sflag:s17] =	ssyncset.done $0x0  }
0xff: {  	s31 =	simm.s32 $0x580;
	[sflag:s17] =	ssyncadd.s32 $0xFFFFC000  }
0x100: {  	[tilespmem:s11], [sflag:$0x2] =	stream.indirect.gather [hbm4b:s8+s9], $0x80, s31, s9, $0xb8;
	[tilespmem:$0x1D000] =	vst v63  }
0x101: {  	_ =	swait.ge [sflag:s12], $0x4000  }
0x102: {  	[sflag:s12] =	ssyncset.done $0x0  }
0x103: {  	s26 =	simm.s32 $0xD00;
	[sflag:s12] =	ssyncadd.s32 $0xFFFFC000  }
0x104: {  	[spmem:s2] =	stream.indirect.scatter.add.f32 [tilespmem:s10], [sflag:$0x3], $0x80, s26, s9, $0xb8;
	[tilespmem:$0x1D000] =	vst v63  }
0x105: {  	_ =	swait.ge [sflag:s13], $0x4000  }
0x106: {  	[sflag:s13] =	ssyncset.done $0x0  }
0x107: {  	s26 =	simm.s32 $0x600;
	[sflag:s13] =	ssyncadd.s32 $0xFFFFC000  }
0x108: {  	[tilespmem:s10], [sflag:$0x1] =	stream.indirect.gather [hbm4b:s8+s9], $0x80, s26, s9, $0xb8;
	[tilespmem:$0x1D000] =	vst v63  }
0x109: {  	_ =	swait.ge [sflag:s15], $0x4000  }
0x10a: {  	[sflag:s15] =	ssyncset.done $0x0  }
0x10b: {  	s26 =	simm.s32 $0xD80;
	[sflag:s15] =	ssyncadd.s32 $0xFFFFC000  }
0x10c: {  	[spmem:s2] =	stream.indirect.scatter.add.f32 [tilespmem:s11], [sflag:$0x4], $0x80, s26, s9, $0xb8;
	[tilespmem:$0x1D000] =	vst v63  }
0x10d: {  	_ =	swait.ge [sflag:s17], $0x4000  }
0x10e: {  	[sflag:s17] =	ssyncset.done $0x0  }
0x10f: {  	s26 =	simm.s32 $0x680;
	[sflag:s17] =	ssyncadd.s32 $0xFFFFC000  }
0x110: {  	[tilespmem:s11], [sflag:$0x2] =	stream.indirect.gather [hbm4b:s8+s9], $0x80, s26, s9, $0xb8;
	[tilespmem:$0x1D000] =	vst v63  }
0x111: {  	_ =	swait.ge [sflag:s12], $0x4000  }
0x112: {  	[sflag:s12] =	ssyncset.done $0x0  }
0x113: {  	s26 =	simm.s32 $0xE00;
	[sflag:s12] =	ssyncadd.s32 $0xFFFFC000  }
0x114: {  	[spmem:s2] =	stream.indirect.scatter.add.f32 [tilespmem:s10], [sflag:$0x3], $0x80, s26, s9, $0xb8;
	[tilespmem:$0x1D000] =	vst v63  }
0x115: {  	_ =	swait.ge [sflag:s13], $0x4000  }
0x116: {  	[sflag:s13] =	ssyncset.done $0x0  }
0x117: {  	s26 =	simm.s32 $0x700;
	[sflag:s13] =	ssyncadd.s32 $0xFFFFC000  }
0x118: {  	[tilespmem:s10], [sflag:$0x1] =	stream.indirect.gather [hbm4b:s8+s9], $0x80, s26, s9, $0xb8;
	[tilespmem:$0x1D000] =	vst v63  }
0x119: {  	_ =	swait.ge [sflag:s15], $0x4000  }
0x11a: {  	[sflag:s15] =	ssyncset.done $0x0  }
0x11b: {  	s26 =	simm.s32 $0xE80;
	[sflag:s15] =	ssyncadd.s32 $0xFFFFC000  }
0x11c: {  	[spmem:s2] =	stream.indirect.scatter.add.f32 [tilespmem:s11], [sflag:$0x4], $0x80, s26, s9, $0xb8;
	[tilespmem:$0x1D000] =	vst v63  }
0x11d: {  	_ =	swait.ge [sflag:s17], $0x4000  }
0x11e: {  	[sflag:s17] =	ssyncset.done $0x0  }
0x11f: {  	s26 =	simm.s32 $0x780;
	[sflag:s17] =	ssyncadd.s32 $0xFFFFC000  }
0x120: {  	[tilespmem:s11], [sflag:$0x2] =	stream.indirect.gather [hbm4b:s8+s9], $0x80, s26, s9, $0xb8;
	[tilespmem:$0x1D000] =	vst v63  }
0x121: {  	_ =	swait.ge [sflag:s12], $0x4000  }
0x122: {  	[sflag:s12] =	ssyncset.done $0x0  }
0x123: {  	s26 =	simm.s32 $0xF00;
	[sflag:s12] =	ssyncadd.s32 $0xFFFFC000  }
0x124: {  	[spmem:s2] =	stream.indirect.scatter.add.f32 [tilespmem:s10], [sflag:$0x3], $0x80, s26, s9, $0xb8;
	[tilespmem:$0x1D000] =	vst v63  }
0x125: {  	_ =	swait.ge [sflag:s13], $0x4000  }
0x126: {  	[sflag:s13] =	ssyncset.done $0x0  }
0x127: {  	[sflag:s13] =	ssyncadd.s32 $0xFFFFC000  }
0x128: {  	_ =	swait.ge [sflag:s15], $0x4000  }
0x129: {  	[sflag:s15] =	ssyncset.done $0x0  }
0x12a: {  	s26 =	simm.s32 $0xF80;
	[sflag:s15] =	ssyncadd.s32 $0xFFFFC000  }
0x12b: {  	[spmem:s2] =	stream.indirect.scatter.add.f32 [tilespmem:s11], [sflag:$0x4], $0x80, s26, s9, $0xb8;
	[tilespmem:$0x1D000] =	vst v63  }
0x12c: {  	_ =	swait.ge [sflag:s17], $0x4000  }
0x12d: {  	[sflag:s17] =	ssyncset.done $0x0  }
0x12e: {  	s26 =	rddreg [dreg:$0x9];
	[sflag:s17] =	ssyncadd.s32 $0xFFFFC000  }
0x12f: {  	[tilespmem:s21], [sflag:$0x5] =	stream.linear.gather [hbm4b:s26+s21], $0x800, $0x38;
	[tilespmem:$0x1D000] =	vst v63  }
0x130: {  	_ =	swait.ge [sflag:s5], $0x800  }
0x131: {  	[sflag:s5] =	ssyncset.done $0x0  }
0x132: {  	s0 =	simm.s32 $0x800;
	s26 =	rddreg [dreg:$0xa];
	[sflag:s5] =	ssyncadd.s32 $0xFFFFF800  }
0x133: {  	[tilespmem:s0], [sflag:$0x5] =	stream.linear.gather [hbm4b:s26+s21], $0x800, $0x38;
	[tilespmem:$0x1D000] =	vst v63  }
0x134: {  	_ =	swait.ge [sflag:s5], $0x800  }
0x135: {  	[sflag:s5] =	ssyncset.done $0x0  }
0x136: {  	[sflag:s5] =	ssyncadd.s32 $0xFFFFF800  }
0x137: {  	[tilespmem:s10], [sflag:$0x1] =	stream.indirect.gather [hbm4b:s8+s9], $0x80, s21, s9, $0xb8;
	[tilespmem:$0x1D000] =	vst v63  }
0x138: {  	_ = 	snop  }
0x139: {  	[tilespmem:s11], [sflag:$0x2] =	stream.indirect.gather [hbm4b:s8+s9], $0x80, s9, s9, $0xb8;
	[tilespmem:$0x1D000] =	vst v63  }
0x13a: {  	_ =	swait.ge [sflag:s12], $0x4000  }
0x13b: {  	[sflag:s12] =	ssyncset.done $0x0  }
0x13c: {  	[sflag:s12] =	ssyncadd.s32 $0xFFFFC000  }
0x13d: {  	[spmem:s2] =	stream.indirect.scatter.add.f32 [tilespmem:s10], [sflag:$0x3], $0x80, s0, s9, $0xb8;
	[tilespmem:$0x1D000] =	vst v63  }
0x13e: {  	_ =	swait.ge [sflag:s13], $0x4000  }
0x13f: {  	[sflag:s13] =	ssyncset.done $0x0  }
0x140: {  	s26 =	simm.s32 $0x100;
	[sflag:s13] =	ssyncadd.s32 $0xFFFFC000  }
0x141: {  	[tilespmem:s10], [sflag:$0x1] =	stream.indirect.gather [hbm4b:s8+s9], $0x80, s26, s9, $0xb8;
	[tilespmem:$0x1D000] =	vst v63  }
0x142: {  	_ =	swait.ge [sflag:s15], $0x4000  }
0x143: {  	[sflag:s15] =	ssyncset.done $0x0  }
0x144: {  	[sflag:s15] =	ssyncadd.s32 $0xFFFFC000  }
0x145: {  	[spmem:s2] =	stream.indirect.scatter.add.f32 [tilespmem:s11], [sflag:$0x4], $0x80, s1, s9, $0xb8;
	[tilespmem:$0x1D000] =	vst v63  }
0x146: {  	_ =	swait.ge [sflag:s17], $0x4000  }
0x147: {  	[sflag:s17] =	ssyncset.done $0x0  }
0x148: {  	[sflag:s17] =	ssyncadd.s32 $0xFFFFC000  }
0x149: {  	[tilespmem:s11], [sflag:$0x2] =	stream.indirect.gather [hbm4b:s8+s9], $0x80, s3, s9, $0xb8;
	[tilespmem:$0x1D000] =	vst v63  }
0x14a: {  	_ =	swait.ge [sflag:s12], $0x4000  }
0x14b: {  	[sflag:s12] =	ssyncset.done $0x0  }
0x14c: {  	[sflag:s12] =	ssyncadd.s32 $0xFFFFC000  }
0x14d: {  	[spmem:s2] =	stream.indirect.scatter.add.f32 [tilespmem:s10], [sflag:$0x3], $0x80, s4, s9, $0xb8;
	[tilespmem:$0x1D000] =	vst v63  }
0x14e: {  	_ =	swait.ge [sflag:s13], $0x4000  }
0x14f: {  	[sflag:s13] =	ssyncset.done $0x0  }
0x150: {  	[sflag:s13] =	ssyncadd.s32 $0xFFFFC000  }
0x151: {  	[tilespmem:s10], [sflag:$0x1] =	stream.indirect.gather [hbm4b:s8+s9], $0x80, s6, s9, $0xb8;
	[tilespmem:$0x1D000] =	vst v63  }
0x152: {  	_ =	swait.ge [sflag:s15], $0x4000  }
0x153: {  	[sflag:s15] =	ssyncset.done $0x0  }
0x154: {  	[sflag:s15] =	ssyncadd.s32 $0xFFFFC000  }
0x155: {  	[spmem:s2] =	stream.indirect.scatter.add.f32 [tilespmem:s11], [sflag:$0x4], $0x80, s7, s9, $0xb8;
	[tilespmem:$0x1D000] =	vst v63  }
0x156: {  	_ =	swait.ge [sflag:s17], $0x4000  }
0x157: {  	[sflag:s17] =	ssyncset.done $0x0  }
0x158: {  	[sflag:s17] =	ssyncadd.s32 $0xFFFFC000  }
0x159: {  	[tilespmem:s11], [sflag:$0x2] =	stream.indirect.gather [hbm4b:s8+s9], $0x80, s14, s9, $0xb8;
	[tilespmem:$0x1D000] =	vst v63  }
0x15a: {  	_ =	swait.ge [sflag:s12], $0x4000  }
0x15b: {  	[sflag:s12] =	ssyncset.done $0x0  }
0x15c: {  	[sflag:s12] =	ssyncadd.s32 $0xFFFFC000  }
0x15d: {  	[spmem:s2] =	stream.indirect.scatter.add.f32 [tilespmem:s10], [sflag:$0x3], $0x80, s16, s9, $0xb8;
	[tilespmem:$0x1D000] =	vst v63  }
0x15e: {  	_ =	swait.ge [sflag:s13], $0x4000  }
0x15f: {  	[sflag:s13] =	ssyncset.done $0x0  }
0x160: {  	[sflag:s13] =	ssyncadd.s32 $0xFFFFC000  }
0x161: {  	[tilespmem:s10], [sflag:$0x1] =	stream.indirect.gather [hbm4b:s8+s9], $0x80, s18, s9, $0xb8;
	[tilespmem:$0x1D000] =	vst v63  }
0x162: {  	_ =	swait.ge [sflag:s15], $0x4000  }
0x163: {  	[sflag:s15] =	ssyncset.done $0x0  }
0x164: {  	[sflag:s15] =	ssyncadd.s32 $0xFFFFC000  }
0x165: {  	[spmem:s2] =	stream.indirect.scatter.add.f32 [tilespmem:s11], [sflag:$0x4], $0x80, s19, s9, $0xb8;
	[tilespmem:$0x1D000] =	vst v63  }
0x166: {  	_ =	swait.ge [sflag:s17], $0x4000  }
0x167: {  	[sflag:s17] =	ssyncset.done $0x0  }
0x168: {  	[sflag:s17] =	ssyncadd.s32 $0xFFFFC000  }
0x169: {  	[tilespmem:s11], [sflag:$0x2] =	stream.indirect.gather [hbm4b:s8+s9], $0x80, s20, s9, $0xb8;
	[tilespmem:$0x1D000] =	vst v63  }
0x16a: {  	_ =	swait.ge [sflag:s12], $0x4000  }
0x16b: {  	[sflag:s12] =	ssyncset.done $0x0  }
0x16c: {  	[sflag:s12] =	ssyncadd.s32 $0xFFFFC000  }
0x16d: {  	[spmem:s2] =	stream.indirect.scatter.add.f32 [tilespmem:s10], [sflag:$0x3], $0x80, s22, s9, $0xb8;
	[tilespmem:$0x1D000] =	vst v63  }
0x16e: {  	_ =	swait.ge [sflag:s13], $0x4000  }
0x16f: {  	[sflag:s13] =	ssyncset.done $0x0  }
0x170: {  	[sflag:s13] =	ssyncadd.s32 $0xFFFFC000  }
0x171: {  	[tilespmem:s10], [sflag:$0x1] =	stream.indirect.gather [hbm4b:s8+s9], $0x80, s23, s9, $0xb8;
	[tilespmem:$0x1D000] =	vst v63  }
0x172: {  	_ =	swait.ge [sflag:s15], $0x4000  }
0x173: {  	[sflag:s15] =	ssyncset.done $0x0  }
0x174: {  	[sflag:s15] =	ssyncadd.s32 $0xFFFFC000  }
0x175: {  	[spmem:s2] =	stream.indirect.scatter.add.f32 [tilespmem:s11], [sflag:$0x4], $0x80, s24, s9, $0xb8;
	[tilespmem:$0x1D000] =	vst v63  }
0x176: {  	_ =	swait.ge [sflag:s17], $0x4000  }
0x177: {  	[sflag:s17] =	ssyncset.done $0x0  }
0x178: {  	[sflag:s17] =	ssyncadd.s32 $0xFFFFC000  }
0x179: {  	[tilespmem:s11], [sflag:$0x2] =	stream.indirect.gather [hbm4b:s8+s9], $0x80, s25, s9, $0xb8;
	[tilespmem:$0x1D000] =	vst v63  }
0x17a: {  	_ =	swait.ge [sflag:s12], $0x4000  }
0x17b: {  	[sflag:s12] =	ssyncset.done $0x0  }
0x17c: {  	[sflag:s12] =	ssyncadd.s32 $0xFFFFC000  }
0x17d: {  	[spmem:s2] =	stream.indirect.scatter.add.f32 [tilespmem:s10], [sflag:$0x3], $0x80, s28, s9, $0xb8;
	[tilespmem:$0x1D000] =	vst v63  }
0x17e: {  	_ =	swait.ge [sflag:s13], $0x4000  }
0x17f: {  	[sflag:s13] =	ssyncset.done $0x0  }
0x180: {  	[sflag:s13] =	ssyncadd.s32 $0xFFFFC000  }
0x181: {  	[tilespmem:s10], [sflag:$0x1] =	stream.indirect.gather [hbm4b:s8+s9], $0x80, s29, s9, $0xb8;
	[tilespmem:$0x1D000] =	vst v63  }
0x182: {  	_ =	swait.ge [sflag:s15], $0x4000  }
0x183: {  	[sflag:s15] =	ssyncset.done $0x0  }
0x184: {  	[sflag:s15] =	ssyncadd.s32 $0xFFFFC000  }
0x185: {  	[spmem:s2] =	stream.indirect.scatter.add.f32 [tilespmem:s11], [sflag:$0x4], $0x80, s30, s9, $0xb8;
	[tilespmem:$0x1D000] =	vst v63  }
0x186: {  	_ =	swait.ge [sflag:s17], $0x4000  }
0x187: {  	[sflag:s17] =	ssyncset.done $0x0  }
0x188: {  	[sflag:s17] =	ssyncadd.s32 $0xFFFFC000  }
0x189: {  	[tilespmem:s11], [sflag:$0x2] =	stream.indirect.gather [hbm4b:s8+s9], $0x80, s31, s9, $0xb8;
	[tilespmem:$0x1D000] =	vst v63  }
0x18a: {  	_ =	swait.ge [sflag:s12], $0x4000  }
0x18b: {  	[sflag:s12] =	ssyncset.done $0x0  }
0x18c: {  	s22 =	simm.s32 $0xD00;
	[sflag:s12] =	ssyncadd.s32 $0xFFFFC000  }
0x18d: {  	[spmem:s2] =	stream.indirect.scatter.add.f32 [tilespmem:s10], [sflag:$0x3], $0x80, s22, s9, $0xb8;
	[tilespmem:$0x1D000] =	vst v63  }
0x18e: {  	_ =	swait.ge [sflag:s13], $0x4000  }
0x18f: {  	[sflag:s13] =	ssyncset.done $0x0  }
0x190: {  	s23 =	simm.s32 $0x600;
	[sflag:s13] =	ssyncadd.s32 $0xFFFFC000  }
0x191: {  	[tilespmem:s10], [sflag:$0x1] =	stream.indirect.gather [hbm4b:s8+s9], $0x80, s23, s9, $0xb8;
	[tilespmem:$0x1D000] =	vst v63  }
0x192: {  	_ =	swait.ge [sflag:s15], $0x4000  }
0x193: {  	[sflag:s15] =	ssyncset.done $0x0  }
0x194: {  	s24 =	simm.s32 $0xD80;
	[sflag:s15] =	ssyncadd.s32 $0xFFFFC000  }
0x195: {  	[spmem:s2] =	stream.indirect.scatter.add.f32 [tilespmem:s11], [sflag:$0x4], $0x80, s24, s9, $0xb8;
	[tilespmem:$0x1D000] =	vst v63  }
0x196: {  	_ =	swait.ge [sflag:s17], $0x4000  }
0x197: {  	[sflag:s17] =	ssyncset.done $0x0  }
0x198: {  	s25 =	simm.s32 $0x680;
	[sflag:s17] =	ssyncadd.s32 $0xFFFFC000  }
0x199: {  	[tilespmem:s11], [sflag:$0x2] =	stream.indirect.gather [hbm4b:s8+s9], $0x80, s25, s9, $0xb8;
	[tilespmem:$0x1D000] =	vst v63  }
0x19a: {  	_ =	swait.ge [sflag:s12], $0x4000  }
0x19b: {  	[sflag:s12] =	ssyncset.done $0x0  }
0x19c: {  	s26 =	simm.s32 $0xE00;
	[sflag:s12] =	ssyncadd.s32 $0xFFFFC000  }
0x19d: {  	[spmem:s2] =	stream.indirect.scatter.add.f32 [tilespmem:s10], [sflag:$0x3], $0x80, s26, s9, $0xb8;
	[tilespmem:$0x1D000] =	vst v63  }
0x19e: {  	_ =	swait.ge [sflag:s13], $0x4000  }
0x19f: {  	[sflag:s13] =	ssyncset.done $0x0  }
0x1a0: {  	s28 =	simm.s32 $0x700;
	[sflag:s13] =	ssyncadd.s32 $0xFFFFC000  }
0x1a1: {  	[tilespmem:s10], [sflag:$0x1] =	stream.indirect.gather [hbm4b:s8+s9], $0x80, s28, s9, $0xb8;
	[tilespmem:$0x1D000] =	vst v63  }
0x1a2: {  	_ =	swait.ge [sflag:s15], $0x4000  }
0x1a3: {  	[sflag:s15] =	ssyncset.done $0x0  }
0x1a4: {  	s29 =	simm.s32 $0xE80;
	[sflag:s15] =	ssyncadd.s32 $0xFFFFC000  }
0x1a5: {  	[spmem:s2] =	stream.indirect.scatter.add.f32 [tilespmem:s11], [sflag:$0x4], $0x80, s29, s9, $0xb8;
	[tilespmem:$0x1D000] =	vst v63  }
0x1a6: {  	_ =	swait.ge [sflag:s17], $0x4000  }
0x1a7: {  	[sflag:s17] =	ssyncset.done $0x0  }
0x1a8: {  	s30 =	simm.s32 $0x780;
	[sflag:s17] =	ssyncadd.s32 $0xFFFFC000  }
0x1a9: {  	[tilespmem:s11], [sflag:$0x2] =	stream.indirect.gather [hbm4b:s8+s9], $0x80, s30, s9, $0xb8;
	[tilespmem:$0x1D000] =	vst v63  }
0x1aa: {  	_ =	swait.ge [sflag:s12], $0x4000  }
0x1ab: {  	[sflag:s12] =	ssyncset.done $0x0  }
0x1ac: {  	s31 =	simm.s32 $0xF00;
	[sflag:s12] =	ssyncadd.s32 $0xFFFFC000  }
0x1ad: {  	[spmem:s2] =	stream.indirect.scatter.add.f32 [tilespmem:s10], [sflag:$0x3], $0x80, s31, s9, $0xb8;
	[tilespmem:$0x1D000] =	vst v63  }
0x1ae: {  	_ =	swait.ge [sflag:s13], $0x4000  }
0x1af: {  	[sflag:s13] =	ssyncset.done $0x0  }
0x1b0: {  	[sflag:s13] =	ssyncadd.s32 $0xFFFFC000  }
0x1b1: {  	_ =	swait.ge [sflag:s15], $0x4000  }
0x1b2: {  	[sflag:s15] =	ssyncset.done $0x0  }
0x1b3: {  	s1 =	simm.s32 $0xF80;
	[sflag:s15] =	ssyncadd.s32 $0xFFFFC000  }
0x1b4: {  	[spmem:s2] =	stream.indirect.scatter.add.f32 [tilespmem:s11], [sflag:$0x4], $0x80, s1, s9, $0xb8;
	[tilespmem:$0x1D000] =	vst v63  }
0x1b5: {  	_ =	swait.ge [sflag:s17], $0x4000  }
0x1b6: {  	[sflag:s17] =	ssyncset.done $0x0  }
0x1b7: {  	s3 =	rddreg [dreg:$0xb];
	[sflag:s17] =	ssyncadd.s32 $0xFFFFC000  }
0x1b8: {  	[tilespmem:s21], [sflag:$0x5] =	stream.linear.gather [hbm4b:s3+s21], $0x800, $0x38;
	[tilespmem:$0x1D000] =	vst v63  }
0x1b9: {  	_ =	swait.ge [sflag:s5], $0x800  }
0x1ba: {  	[sflag:s5] =	ssyncset.done $0x0  }
0x1bb: {  	s6 =	simm.s32 $0x800;
	s4 =	rddreg [dreg:$0xc];
	[sflag:s5] =	ssyncadd.s32 $0xFFFFF800  }
0x1bc: {  	[tilespmem:s6], [sflag:$0x5] =	stream.linear.gather [hbm4b:s4+s21], $0x800, $0x38;
	[tilespmem:$0x1D000] =	vst v63  }
0x1bd: {  	_ =	swait.ge [sflag:s5], $0x800  }
0x1be: {  	[sflag:s5] =	ssyncset.done $0x0  }
0x1bf: {  	[sflag:s5] =	ssyncadd.s32 $0xFFFFF800  }
0x1c0: {  	[tilespmem:s10], [sflag:$0x1] =	stream.indirect.gather [hbm4b:s8+s9], $0x80, s21, s9, $0xb8;
	[tilespmem:$0x1D000] =	vst v63  }
0x1c1: {  	_ = 	snop  }
0x1c2: {  	[tilespmem:s11], [sflag:$0x2] =	stream.indirect.gather [hbm4b:s8+s9], $0x80, s9, s9, $0xb8;
	[tilespmem:$0x1D000] =	vst v63  }
0x1c3: {  	_ =	swait.ge [sflag:s12], $0x4000  }
0x1c4: {  	[sflag:s12] =	ssyncset.done $0x0  }
0x1c5: {  	[sflag:s12] =	ssyncadd.s32 $0xFFFFC000  }
0x1c6: {  	[spmem:s2] =	stream.indirect.scatter.add.f32 [tilespmem:s10], [sflag:$0x3], $0x80, s6, s9, $0xb8;
	[tilespmem:$0x1D000] =	vst v63  }
0x1c7: {  	_ =	swait.ge [sflag:s13], $0x4000  }
0x1c8: {  	[sflag:s13] =	ssyncset.done $0x0  }
0x1c9: {  	s7 =	simm.s32 $0x100;
	[sflag:s13] =	ssyncadd.s32 $0xFFFFC000  }
0x1ca: {  	[tilespmem:s10], [sflag:$0x1] =	stream.indirect.gather [hbm4b:s8+s9], $0x80, s7, s9, $0xb8;
	[tilespmem:$0x1D000] =	vst v63  }
0x1cb: {  	_ =	swait.ge [sflag:s15], $0x4000  }
0x1cc: {  	[sflag:s15] =	ssyncset.done $0x0  }
0x1cd: {  	s1 =	simm.s32 $0x880;
	[sflag:s15] =	ssyncadd.s32 $0xFFFFC000  }
0x1ce: {  	[spmem:s2] =	stream.indirect.scatter.add.f32 [tilespmem:s11], [sflag:$0x4], $0x80, s1, s9, $0xb8;
	[tilespmem:$0x1D000] =	vst v63  }
0x1cf: {  	_ =	swait.ge [sflag:s17], $0x4000  }
0x1d0: {  	[sflag:s17] =	ssyncset.done $0x0  }
0x1d1: {  	s14 =	simm.s32 $0x180;
	[sflag:s17] =	ssyncadd.s32 $0xFFFFC000  }
0x1d2: {  	[tilespmem:s11], [sflag:$0x2] =	stream.indirect.gather [hbm4b:s8+s9], $0x80, s14, s9, $0xb8;
	[tilespmem:$0x1D000] =	vst v63  }
0x1d3: {  	_ =	swait.ge [sflag:s12], $0x4000  }
0x1d4: {  	[sflag:s12] =	ssyncset.done $0x0  }
0x1d5: {  	s3 =	simm.s32 $0x900;
	[sflag:s12] =	ssyncadd.s32 $0xFFFFC000  }
0x1d6: {  	[spmem:s2] =	stream.indirect.scatter.add.f32 [tilespmem:s10], [sflag:$0x3], $0x80, s3, s9, $0xb8;
	[tilespmem:$0x1D000] =	vst v63  }
0x1d7: {  	_ =	swait.ge [sflag:s13], $0x4000  }
0x1d8: {  	[sflag:s13] =	ssyncset.done $0x0  }
0x1d9: {  	s16 =	simm.s32 $0x200;
	[sflag:s13] =	ssyncadd.s32 $0xFFFFC000  }
0x1da: {  	[tilespmem:s10], [sflag:$0x1] =	stream.indirect.gather [hbm4b:s8+s9], $0x80, s16, s9, $0xb8;
	[tilespmem:$0x1D000] =	vst v63  }
0x1db: {  	_ =	swait.ge [sflag:s15], $0x4000  }
0x1dc: {  	[sflag:s15] =	ssyncset.done $0x0  }
0x1dd: {  	s4 =	simm.s32 $0x980;
	[sflag:s15] =	ssyncadd.s32 $0xFFFFC000  }
0x1de: {  	[spmem:s2] =	stream.indirect.scatter.add.f32 [tilespmem:s11], [sflag:$0x4], $0x80, s4, s9, $0xb8;
	[tilespmem:$0x1D000] =	vst v63  }
0x1df: {  	_ =	swait.ge [sflag:s17], $0x4000  }
0x1e0: {  	[sflag:s17] =	ssyncset.done $0x0  }
0x1e1: {  	s19 =	simm.s32 $0x280;
	[sflag:s17] =	ssyncadd.s32 $0xFFFFC000  }
0x1e2: {  	[tilespmem:s11], [sflag:$0x2] =	stream.indirect.gather [hbm4b:s8+s9], $0x80, s19, s9, $0xb8;
	[tilespmem:$0x1D000] =	vst v63  }
0x1e3: {  	_ =	swait.ge [sflag:s12], $0x4000  }
0x1e4: {  	[sflag:s12] =	ssyncset.done $0x0  }
0x1e5: {  	s6 =	simm.s32 $0xA00;
	[sflag:s12] =	ssyncadd.s32 $0xFFFFC000  }
0x1e6: {  	[spmem:s2] =	stream.indirect.scatter.add.f32 [tilespmem:s10], [sflag:$0x3], $0x80, s6, s9, $0xb8;
	[tilespmem:$0x1D000] =	vst v63  }
0x1e7: {  	_ =	swait.ge [sflag:s13], $0x4000  }
0x1e8: {  	[sflag:s13] =	ssyncset.done $0x0  }
0x1e9: {  	s22 =	simm.s32 $0x300;
	[sflag:s13] =	ssyncadd.s32 $0xFFFFC000  }
0x1ea: {  	[tilespmem:s10], [sflag:$0x1] =	stream.indirect.gather [hbm4b:s8+s9], $0x80, s22, s9, $0xb8;
	[tilespmem:$0x1D000] =	vst v63  }
0x1eb: {  	_ =	swait.ge [sflag:s15], $0x4000  }
0x1ec: {  	[sflag:s15] =	ssyncset.done $0x0  }
0x1ed: {  	s7 =	simm.s32 $0xA80;
	[sflag:s15] =	ssyncadd.s32 $0xFFFFC000  }
0x1ee: {  	[spmem:s2] =	stream.indirect.scatter.add.f32 [tilespmem:s11], [sflag:$0x4], $0x80, s7, s9, $0xb8;
	[tilespmem:$0x1D000] =	vst v63  }
0x1ef: {  	_ =	swait.ge [sflag:s17], $0x4000  }
0x1f0: {  	[sflag:s17] =	ssyncset.done $0x0  }
0x1f1: {  	s24 =	simm.s32 $0x380;
	[sflag:s17] =	ssyncadd.s32 $0xFFFFC000  }
0x1f2: {  	[tilespmem:s11], [sflag:$0x2] =	stream.indirect.gather [hbm4b:s8+s9], $0x80, s24, s9, $0xb8;
	[tilespmem:$0x1D000] =	vst v63  }
0x1f3: {  	_ =	swait.ge [sflag:s12], $0x4000  }
0x1f4: {  	[sflag:s12] =	ssyncset.done $0x0  }
0x1f5: {  	s14 =	simm.s32 $0xB00;
	[sflag:s12] =	ssyncadd.s32 $0xFFFFC000  }
0x1f6: {  	[spmem:s2] =	stream.indirect.scatter.add.f32 [tilespmem:s10], [sflag:$0x3], $0x80, s14, s9, $0xb8;
	[tilespmem:$0x1D000] =	vst v63  }
0x1f7: {  	_ =	swait.ge [sflag:s13], $0x4000  }
0x1f8: {  	[sflag:s13] =	ssyncset.done $0x0  }
0x1f9: {  	s26 =	simm.s32 $0x400;
	[sflag:s13] =	ssyncadd.s32 $0xFFFFC000  }
0x1fa: {  	[tilespmem:s10], [sflag:$0x1] =	stream.indirect.gather [hbm4b:s8+s9], $0x80, s26, s9, $0xb8;
	[tilespmem:$0x1D000] =	vst v63  }
0x1fb: {  	_ =	swait.ge [sflag:s15], $0x4000  }
0x1fc: {  	[sflag:s15] =	ssyncset.done $0x0  }
0x1fd: {  	s16 =	simm.s32 $0xB80;
	[sflag:s15] =	ssyncadd.s32 $0xFFFFC000  }
0x1fe: {  	[spmem:s2] =	stream.indirect.scatter.add.f32 [tilespmem:s11], [sflag:$0x4], $0x80, s16, s9, $0xb8;
	[tilespmem:$0x1D000] =	vst v63  }
0x1ff: {  	_ =	swait.ge [sflag:s17], $0x4000  }
0x200: {  	[sflag:s17] =	ssyncset.done $0x0  }
0x201: {  	s28 =	simm.s32 $0x480;
	[sflag:s17] =	ssyncadd.s32 $0xFFFFC000  }
0x202: {  	[tilespmem:s11], [sflag:$0x2] =	stream.indirect.gather [hbm4b:s8+s9], $0x80, s28, s9, $0xb8;
	[tilespmem:$0x1D000] =	vst v63  }
0x203: {  	_ =	swait.ge [sflag:s12], $0x4000  }
0x204: {  	[sflag:s12] =	ssyncset.done $0x0  }
0x205: {  	s29 =	simm.s32 $0xC00;
	[sflag:s12] =	ssyncadd.s32 $0xFFFFC000  }
0x206: {  	[spmem:s2] =	stream.indirect.scatter.add.f32 [tilespmem:s10], [sflag:$0x3], $0x80, s29, s9, $0xb8;
	[tilespmem:$0x1D000] =	vst v63  }
0x207: {  	_ =	swait.ge [sflag:s13], $0x4000  }
0x208: {  	[sflag:s13] =	ssyncset.done $0x0  }
0x209: {  	s30 =	simm.s32 $0x500;
	[sflag:s13] =	ssyncadd.s32 $0xFFFFC000  }
0x20a: {  	[tilespmem:s10], [sflag:$0x1] =	stream.indirect.gather [hbm4b:s8+s9], $0x80, s30, s9, $0xb8;
	[tilespmem:$0x1D000] =	vst v63  }
0x20b: {  	_ =	swait.ge [sflag:s15], $0x4000  }
0x20c: {  	[sflag:s15] =	ssyncset.done $0x0  }
0x20d: {  	s31 =	simm.s32 $0xC80;
	[sflag:s15] =	ssyncadd.s32 $0xFFFFC000  }
0x20e: {  	[spmem:s2] =	stream.indirect.scatter.add.f32 [tilespmem:s11], [sflag:$0x4], $0x80, s31, s9, $0xb8;
	[tilespmem:$0x1D000] =	vst v63  }
0x20f: {  	_ =	swait.ge [sflag:s17], $0x4000  }
0x210: {  	[sflag:s17] =	ssyncset.done $0x0  }
0x211: {  	s26 =	simm.s32 $0x580;
	[sflag:s17] =	ssyncadd.s32 $0xFFFFC000  }
0x212: {  	[tilespmem:s11], [sflag:$0x2] =	stream.indirect.gather [hbm4b:s8+s9], $0x80, s26, s9, $0xb8;
	[tilespmem:$0x1D000] =	vst v63  }
0x213: {  	_ =	swait.ge [sflag:s12], $0x4000  }
0x214: {  	[sflag:s12] =	ssyncset.done $0x0  }
0x215: {  	s26 =	simm.s32 $0xD00;
	[sflag:s12] =	ssyncadd.s32 $0xFFFFC000  }
0x216: {  	[spmem:s2] =	stream.indirect.scatter.add.f32 [tilespmem:s10], [sflag:$0x3], $0x80, s26, s9, $0xb8;
	[tilespmem:$0x1D000] =	vst v63  }
0x217: {  	_ =	swait.ge [sflag:s13], $0x4000  }
0x218: {  	[sflag:s13] =	ssyncset.done $0x0  }
0x219: {  	s26 =	simm.s32 $0x600;
	[sflag:s13] =	ssyncadd.s32 $0xFFFFC000  }
0x21a: {  	[tilespmem:s10], [sflag:$0x1] =	stream.indirect.gather [hbm4b:s8+s9], $0x80, s26, s9, $0xb8;
	[tilespmem:$0x1D000] =	vst v63  }
0x21b: {  	_ =	swait.ge [sflag:s15], $0x4000  }
0x21c: {  	[sflag:s15] =	ssyncset.done $0x0  }
0x21d: {  	s26 =	simm.s32 $0xD80;
	[sflag:s15] =	ssyncadd.s32 $0xFFFFC000  }
0x21e: {  	[spmem:s2] =	stream.indirect.scatter.add.f32 [tilespmem:s11], [sflag:$0x4], $0x80, s26, s9, $0xb8;
	[tilespmem:$0x1D000] =	vst v63  }
0x21f: {  	_ =	swait.ge [sflag:s17], $0x4000  }
0x220: {  	[sflag:s17] =	ssyncset.done $0x0  }
0x221: {  	s26 =	simm.s32 $0x680;
	[sflag:s17] =	ssyncadd.s32 $0xFFFFC000  }
0x222: {  	[tilespmem:s11], [sflag:$0x2] =	stream.indirect.gather [hbm4b:s8+s9], $0x80, s26, s9, $0xb8;
	[tilespmem:$0x1D000] =	vst v63  }
0x223: {  	_ =	swait.ge [sflag:s12], $0x4000  }
0x224: {  	[sflag:s12] =	ssyncset.done $0x0  }
0x225: {  	s26 =	simm.s32 $0xE00;
	[sflag:s12] =	ssyncadd.s32 $0xFFFFC000  }
0x226: {  	[spmem:s2] =	stream.indirect.scatter.add.f32 [tilespmem:s10], [sflag:$0x3], $0x80, s26, s9, $0xb8;
	[tilespmem:$0x1D000] =	vst v63  }
0x227: {  	_ =	swait.ge [sflag:s13], $0x4000  }
0x228: {  	[sflag:s13] =	ssyncset.done $0x0  }
0x229: {  	s26 =	simm.s32 $0x700;
	[sflag:s13] =	ssyncadd.s32 $0xFFFFC000  }
0x22a: {  	[tilespmem:s10], [sflag:$0x1] =	stream.indirect.gather [hbm4b:s8+s9], $0x80, s26, s9, $0xb8;
	[tilespmem:$0x1D000] =	vst v63  }
0x22b: {  	_ =	swait.ge [sflag:s15], $0x4000  }
0x22c: {  	[sflag:s15] =	ssyncset.done $0x0  }
0x22d: {  	s26 =	simm.s32 $0xE80;
	[sflag:s15] =	ssyncadd.s32 $0xFFFFC000  }
0x22e: {  	[spmem:s2] =	stream.indirect.scatter.add.f32 [tilespmem:s11], [sflag:$0x4], $0x80, s26, s9, $0xb8;
	[tilespmem:$0x1D000] =	vst v63  }
0x22f: {  	_ =	swait.ge [sflag:s17], $0x4000  }
0x230: {  	[sflag:s17] =	ssyncset.done $0x0  }
0x231: {  	s26 =	simm.s32 $0x780;
	[sflag:s17] =	ssyncadd.s32 $0xFFFFC000  }
0x232: {  	[tilespmem:s11], [sflag:$0x2] =	stream.indirect.gather [hbm4b:s8+s9], $0x80, s26, s9, $0xb8;
	[tilespmem:$0x1D000] =	vst v63  }
0x233: {  	_ =	swait.ge [sflag:s12], $0x4000  }
0x234: {  	[sflag:s12] =	ssyncset.done $0x0  }
0x235: {  	s26 =	simm.s32 $0xF00;
	[sflag:s12] =	ssyncadd.s32 $0xFFFFC000  }
0x236: {  	[spmem:s2] =	stream.indirect.scatter.add.f32 [tilespmem:s10], [sflag:$0x3], $0x80, s26, s9, $0xb8;
	[tilespmem:$0x1D000] =	vst v63  }
0x237: {  	_ =	swait.ge [sflag:s13], $0x4000  }
0x238: {  	[sflag:s13] =	ssyncset.done $0x0  }
0x239: {  	[sflag:s13] =	ssyncadd.s32 $0xFFFFC000  }
0x23a: {  	_ =	swait.ge [sflag:s15], $0x4000  }
0x23b: {  	[sflag:s15] =	ssyncset.done $0x0  }
0x23c: {  	s26 =	simm.s32 $0xF80;
	[sflag:s15] =	ssyncadd.s32 $0xFFFFC000  }
0x23d: {  	[spmem:s2] =	stream.indirect.scatter.add.f32 [tilespmem:s11], [sflag:$0x4], $0x80, s26, s9, $0xb8;
	[tilespmem:$0x1D000] =	vst v63  }
0x23e: {  	_ =	swait.ge [sflag:s17], $0x4000  }
0x23f: {  	[sflag:s17] =	ssyncset.done $0x0  }
0x240: {  	s26 =	rddreg [dreg:$0xd];
	[sflag:s17] =	ssyncadd.s32 $0xFFFFC000  }
0x241: {  	[tilespmem:s21], [sflag:$0x5] =	stream.linear.gather [hbm4b:s26+s21], $0x800, $0x38;
	[tilespmem:$0x1D000] =	vst v63  }
0x242: {  	_ =	swait.ge [sflag:s5], $0x800  }
0x243: {  	[sflag:s5] =	ssyncset.done $0x0  }
0x244: {  	s0 =	simm.s32 $0x800;
	s26 =	rddreg [dreg:$0xe];
	[sflag:s5] =	ssyncadd.s32 $0xFFFFF800  }
0x245: {  	[tilespmem:s0], [sflag:$0x5] =	stream.linear.gather [hbm4b:s26+s21], $0x800, $0x38;
	[tilespmem:$0x1D000] =	vst v63  }
0x246: {  	_ =	swait.ge [sflag:s5], $0x800  }
0x247: {  	[sflag:s5] =	ssyncset.done $0x0  }
0x248: {  	[sflag:s5] =	ssyncadd.s32 $0xFFFFF800  }
0x249: {  	[tilespmem:s10], [sflag:$0x1] =	stream.indirect.gather [hbm4b:s8+s9], $0x80, s21, s9, $0xb8;
	[tilespmem:$0x1D000] =	vst v63  }
0x24a: {  	_ = 	snop  }
0x24b: {  	[tilespmem:s11], [sflag:$0x2] =	stream.indirect.gather [hbm4b:s8+s9], $0x80, s9, s9, $0xb8;
	[tilespmem:$0x1D000] =	vst v63  }
0x24c: {  	_ =	swait.ge [sflag:s12], $0x4000  }
0x24d: {  	[sflag:s12] =	ssyncset.done $0x0  }
0x24e: {  	[sflag:s12] =	ssyncadd.s32 $0xFFFFC000  }
0x24f: {  	[spmem:s2] =	stream.indirect.scatter.add.f32 [tilespmem:s10], [sflag:$0x3], $0x80, s0, s9, $0xb8;
	[tilespmem:$0x1D000] =	vst v63  }
0x250: {  	_ =	swait.ge [sflag:s13], $0x4000  }
0x251: {  	[sflag:s13] =	ssyncset.done $0x0  }
0x252: {  	s18 =	simm.s32 $0x100;
	[sflag:s13] =	ssyncadd.s32 $0xFFFFC000  }
0x253: {  	[tilespmem:s10], [sflag:$0x1] =	stream.indirect.gather [hbm4b:s8+s9], $0x80, s18, s9, $0xb8;
	[tilespmem:$0x1D000] =	vst v63  }
0x254: {  	_ =	swait.ge [sflag:s15], $0x4000  }
0x255: {  	[sflag:s15] =	ssyncset.done $0x0  }
0x256: {  	[sflag:s15] =	ssyncadd.s32 $0xFFFFC000  }
0x257: {  	[spmem:s2] =	stream.indirect.scatter.add.f32 [tilespmem:s11], [sflag:$0x4], $0x80, s1, s9, $0xb8;
	[tilespmem:$0x1D000] =	vst v63  }
0x258: {  	_ =	swait.ge [sflag:s17], $0x4000  }
0x259: {  	[sflag:s17] =	ssyncset.done $0x0  }
0x25a: {  	s23 =	simm.s32 $0x180;
	[sflag:s17] =	ssyncadd.s32 $0xFFFFC000  }
0x25b: {  	[tilespmem:s11], [sflag:$0x2] =	stream.indirect.gather [hbm4b:s8+s9], $0x80, s23, s9, $0xb8;
	[tilespmem:$0x1D000] =	vst v63  }
0x25c: {  	_ =	swait.ge [sflag:s12], $0x4000  }
0x25d: {  	[sflag:s12] =	ssyncset.done $0x0  }
0x25e: {  	[sflag:s12] =	ssyncadd.s32 $0xFFFFC000  }
0x25f: {  	[spmem:s2] =	stream.indirect.scatter.add.f32 [tilespmem:s10], [sflag:$0x3], $0x80, s3, s9, $0xb8;
	[tilespmem:$0x1D000] =	vst v63  }
0x260: {  	_ =	swait.ge [sflag:s13], $0x4000  }
0x261: {  	[sflag:s13] =	ssyncset.done $0x0  }
0x262: {  	s20 =	simm.s32 $0x200;
	[sflag:s13] =	ssyncadd.s32 $0xFFFFC000  }
0x263: {  	[tilespmem:s10], [sflag:$0x1] =	stream.indirect.gather [hbm4b:s8+s9], $0x80, s20, s9, $0xb8;
	[tilespmem:$0x1D000] =	vst v63  }
0x264: {  	_ =	swait.ge [sflag:s15], $0x4000  }
0x265: {  	[sflag:s15] =	ssyncset.done $0x0  }
0x266: {  	[sflag:s15] =	ssyncadd.s32 $0xFFFFC000  }
0x267: {  	[spmem:s2] =	stream.indirect.scatter.add.f32 [tilespmem:s11], [sflag:$0x4], $0x80, s4, s9, $0xb8;
	[tilespmem:$0x1D000] =	vst v63  }
0x268: {  	_ =	swait.ge [sflag:s17], $0x4000  }
0x269: {  	[sflag:s17] =	ssyncset.done $0x0  }
0x26a: {  	s25 =	simm.s32 $0x280;
	[sflag:s17] =	ssyncadd.s32 $0xFFFFC000  }
0x26b: {  	[tilespmem:s11], [sflag:$0x2] =	stream.indirect.gather [hbm4b:s8+s9], $0x80, s25, s9, $0xb8;
	[tilespmem:$0x1D000] =	vst v63  }
0x26c: {  	_ =	swait.ge [sflag:s12], $0x4000  }
0x26d: {  	[sflag:s12] =	ssyncset.done $0x0  }
0x26e: {  	[sflag:s12] =	ssyncadd.s32 $0xFFFFC000  }
0x26f: {  	[spmem:s2] =	stream.indirect.scatter.add.f32 [tilespmem:s10], [sflag:$0x3], $0x80, s6, s9, $0xb8;
	[tilespmem:$0x1D000] =	vst v63  }
0x270: {  	_ =	swait.ge [sflag:s13], $0x4000  }
0x271: {  	[sflag:s13] =	ssyncset.done $0x0  }
0x272: {  	s19 =	simm.s32 $0x300;
	[sflag:s13] =	ssyncadd.s32 $0xFFFFC000  }
0x273: {  	[tilespmem:s10], [sflag:$0x1] =	stream.indirect.gather [hbm4b:s8+s9], $0x80, s19, s9, $0xb8;
	[tilespmem:$0x1D000] =	vst v63  }
0x274: {  	_ =	swait.ge [sflag:s15], $0x4000  }
0x275: {  	[sflag:s15] =	ssyncset.done $0x0  }
0x276: {  	[sflag:s15] =	ssyncadd.s32 $0xFFFFC000  }
0x277: {  	[spmem:s2] =	stream.indirect.scatter.add.f32 [tilespmem:s11], [sflag:$0x4], $0x80, s7, s9, $0xb8;
	[tilespmem:$0x1D000] =	vst v63  }
0x278: {  	_ =	swait.ge [sflag:s17], $0x4000  }
0x279: {  	[sflag:s17] =	ssyncset.done $0x0  }
0x27a: {  	s22 =	simm.s32 $0x380;
	[sflag:s17] =	ssyncadd.s32 $0xFFFFC000  }
0x27b: {  	[tilespmem:s11], [sflag:$0x2] =	stream.indirect.gather [hbm4b:s8+s9], $0x80, s22, s9, $0xb8;
	[tilespmem:$0x1D000] =	vst v63  }
0x27c: {  	_ =	swait.ge [sflag:s12], $0x4000  }
0x27d: {  	[sflag:s12] =	ssyncset.done $0x0  }
0x27e: {  	[sflag:s12] =	ssyncadd.s32 $0xFFFFC000  }
0x27f: {  	[spmem:s2] =	stream.indirect.scatter.add.f32 [tilespmem:s10], [sflag:$0x3], $0x80, s14, s9, $0xb8;
	[tilespmem:$0x1D000] =	vst v63  }
0x280: {  	_ =	swait.ge [sflag:s13], $0x4000  }
0x281: {  	[sflag:s13] =	ssyncset.done $0x0  }
0x282: {  	s24 =	simm.s32 $0x400;
	[sflag:s13] =	ssyncadd.s32 $0xFFFFC000  }
0x283: {  	[tilespmem:s10], [sflag:$0x1] =	stream.indirect.gather [hbm4b:s8+s9], $0x80, s24, s9, $0xb8;
	[tilespmem:$0x1D000] =	vst v63  }
0x284: {  	_ =	swait.ge [sflag:s15], $0x4000  }
0x285: {  	[sflag:s15] =	ssyncset.done $0x0  }
0x286: {  	[sflag:s15] =	ssyncadd.s32 $0xFFFFC000  }
0x287: {  	[spmem:s2] =	stream.indirect.scatter.add.f32 [tilespmem:s11], [sflag:$0x4], $0x80, s16, s9, $0xb8;
	[tilespmem:$0x1D000] =	vst v63  }
0x288: {  	_ =	swait.ge [sflag:s17], $0x4000  }
0x289: {  	[sflag:s17] =	ssyncset.done $0x0  }
0x28a: {  	s28 =	simm.s32 $0x480;
	[sflag:s17] =	ssyncadd.s32 $0xFFFFC000  }
0x28b: {  	[tilespmem:s11], [sflag:$0x2] =	stream.indirect.gather [hbm4b:s8+s9], $0x80, s28, s9, $0xb8;
	[tilespmem:$0x1D000] =	vst v63  }
0x28c: {  	_ =	swait.ge [sflag:s12], $0x4000  }
0x28d: {  	[sflag:s12] =	ssyncset.done $0x0  }
0x28e: {  	s29 =	simm.s32 $0xC00;
	[sflag:s12] =	ssyncadd.s32 $0xFFFFC000  }
0x28f: {  	[spmem:s2] =	stream.indirect.scatter.add.f32 [tilespmem:s10], [sflag:$0x3], $0x80, s29, s9, $0xb8;
	[tilespmem:$0x1D000] =	vst v63  }
0x290: {  	_ =	swait.ge [sflag:s13], $0x4000  }
0x291: {  	[sflag:s13] =	ssyncset.done $0x0  }
0x292: {  	s30 =	simm.s32 $0x500;
	[sflag:s13] =	ssyncadd.s32 $0xFFFFC000  }
0x293: {  	[tilespmem:s10], [sflag:$0x1] =	stream.indirect.gather [hbm4b:s8+s9], $0x80, s30, s9, $0xb8;
	[tilespmem:$0x1D000] =	vst v63  }
0x294: {  	_ =	swait.ge [sflag:s15], $0x4000  }
0x295: {  	[sflag:s15] =	ssyncset.done $0x0  }
0x296: {  	s31 =	simm.s32 $0xC80;
	[sflag:s15] =	ssyncadd.s32 $0xFFFFC000  }
0x297: {  	[spmem:s2] =	stream.indirect.scatter.add.f32 [tilespmem:s11], [sflag:$0x4], $0x80, s31, s9, $0xb8;
	[tilespmem:$0x1D000] =	vst v63  }
0x298: {  	_ =	swait.ge [sflag:s17], $0x4000  }
0x299: {  	[sflag:s17] =	ssyncset.done $0x0  }
0x29a: {  	s6 =	simm.s32 $0x580;
	[sflag:s17] =	ssyncadd.s32 $0xFFFFC000  }
0x29b: {  	[tilespmem:s11], [sflag:$0x2] =	stream.indirect.gather [hbm4b:s8+s9], $0x80, s6, s9, $0xb8;
	[tilespmem:$0x1D000] =	vst v63  }
0x29c: {  	_ =	swait.ge [sflag:s12], $0x4000  }
0x29d: {  	[sflag:s12] =	ssyncset.done $0x0  }
0x29e: {  	s7 =	simm.s32 $0xD00;
	[sflag:s12] =	ssyncadd.s32 $0xFFFFC000  }
0x29f: {  	[spmem:s2] =	stream.indirect.scatter.add.f32 [tilespmem:s10], [sflag:$0x3], $0x80, s7, s9, $0xb8;
	[tilespmem:$0x1D000] =	vst v63  }
0x2a0: {  	_ =	swait.ge [sflag:s13], $0x4000  }
0x2a1: {  	[sflag:s13] =	ssyncset.done $0x0  }
0x2a2: {  	s14 =	simm.s32 $0x600;
	[sflag:s13] =	ssyncadd.s32 $0xFFFFC000  }
0x2a3: {  	[tilespmem:s10], [sflag:$0x1] =	stream.indirect.gather [hbm4b:s8+s9], $0x80, s14, s9, $0xb8;
	[tilespmem:$0x1D000] =	vst v63  }
0x2a4: {  	_ =	swait.ge [sflag:s15], $0x4000  }
0x2a5: {  	[sflag:s15] =	ssyncset.done $0x0  }
0x2a6: {  	s16 =	simm.s32 $0xD80;
	[sflag:s15] =	ssyncadd.s32 $0xFFFFC000  }
0x2a7: {  	[spmem:s2] =	stream.indirect.scatter.add.f32 [tilespmem:s11], [sflag:$0x4], $0x80, s16, s9, $0xb8;
	[tilespmem:$0x1D000] =	vst v63  }
0x2a8: {  	_ =	swait.ge [sflag:s17], $0x4000  }
0x2a9: {  	[sflag:s17] =	ssyncset.done $0x0  }
0x2aa: {  	s18 =	simm.s32 $0x680;
	[sflag:s17] =	ssyncadd.s32 $0xFFFFC000  }
0x2ab: {  	[tilespmem:s11], [sflag:$0x2] =	stream.indirect.gather [hbm4b:s8+s9], $0x80, s18, s9, $0xb8;
	[tilespmem:$0x1D000] =	vst v63  }
0x2ac: {  	_ =	swait.ge [sflag:s12], $0x4000  }
0x2ad: {  	[sflag:s12] =	ssyncset.done $0x0  }
0x2ae: {  	s19 =	simm.s32 $0xE00;
	[sflag:s12] =	ssyncadd.s32 $0xFFFFC000  }
0x2af: {  	[spmem:s2] =	stream.indirect.scatter.add.f32 [tilespmem:s10], [sflag:$0x3], $0x80, s19, s9, $0xb8;
	[tilespmem:$0x1D000] =	vst v63  }
0x2b0: {  	_ =	swait.ge [sflag:s13], $0x4000  }
0x2b1: {  	[sflag:s13] =	ssyncset.done $0x0  }
0x2b2: {  	s20 =	simm.s32 $0x700;
	[sflag:s13] =	ssyncadd.s32 $0xFFFFC000  }
0x2b3: {  	[tilespmem:s10], [sflag:$0x1] =	stream.indirect.gather [hbm4b:s8+s9], $0x80, s20, s9, $0xb8;
	[tilespmem:$0x1D000] =	vst v63  }
0x2b4: {  	_ =	swait.ge [sflag:s15], $0x4000  }
0x2b5: {  	[sflag:s15] =	ssyncset.done $0x0  }
0x2b6: {  	s22 =	simm.s32 $0xE80;
	[sflag:s15] =	ssyncadd.s32 $0xFFFFC000  }
0x2b7: {  	[spmem:s2] =	stream.indirect.scatter.add.f32 [tilespmem:s11], [sflag:$0x4], $0x80, s22, s9, $0xb8;
	[tilespmem:$0x1D000] =	vst v63  }
0x2b8: {  	_ =	swait.ge [sflag:s17], $0x4000  }
0x2b9: {  	[sflag:s17] =	ssyncset.done $0x0  }
0x2ba: {  	s23 =	simm.s32 $0x780;
	[sflag:s17] =	ssyncadd.s32 $0xFFFFC000  }
0x2bb: {  	[tilespmem:s11], [sflag:$0x2] =	stream.indirect.gather [hbm4b:s8+s9], $0x80, s23, s9, $0xb8;
	[tilespmem:$0x1D000] =	vst v63  }
0x2bc: {  	_ =	swait.ge [sflag:s12], $0x4000  }
0x2bd: {  	[sflag:s12] =	ssyncset.done $0x0  }
0x2be: {  	s24 =	simm.s32 $0xF00;
	[sflag:s12] =	ssyncadd.s32 $0xFFFFC000  }
0x2bf: {  	[spmem:s2] =	stream.indirect.scatter.add.f32 [tilespmem:s10], [sflag:$0x3], $0x80, s24, s9, $0xb8;
	[tilespmem:$0x1D000] =	vst v63  }
0x2c0: {  	_ =	swait.ge [sflag:s13], $0x4000  }
0x2c1: {  	[sflag:s13] =	ssyncset.done $0x0  }
0x2c2: {  	[sflag:s13] =	ssyncadd.s32 $0xFFFFC000  }
0x2c3: {  	_ =	swait.ge [sflag:s15], $0x4000  }
0x2c4: {  	[sflag:s15] =	ssyncset.done $0x0  }
0x2c5: {  	s25 =	simm.s32 $0xF80;
	[sflag:s15] =	ssyncadd.s32 $0xFFFFC000  }
0x2c6: {  	[spmem:s2] =	stream.indirect.scatter.add.f32 [tilespmem:s11], [sflag:$0x4], $0x80, s25, s9, $0xb8;
	[tilespmem:$0x1D000] =	vst v63  }
0x2c7: {  	_ =	swait.ge [sflag:s17], $0x4000  }
0x2c8: {  	[sflag:s17] =	ssyncset.done $0x0  }
0x2c9: {  	[sflag:s17] =	ssyncadd.s32 $0xFFFFC000  }
0x2ca: {  	[bflag:$0x0] =	sbarrier.arrive $0xFFFF  }
0x2cb: {  	s26 =	rddreg [dreg:$0x12]  }
0x2cc: {  	s0 =	ssub.s32 $0x2, s26  }
0x2cd: {  	s29 =	sshrl.u32 s0, $0x1  }
0x2ce: {  	s26 =	ssub.s32 s0, s29  }
0x2cf: {  	s26 =	smax.u32 s26, $0x1  }
0x2d0: {  	p0 =	sne.s32 s26, $0x1  }
.Ltmp0:
0x2d1: {  	s28 =	rddreg [dreg:$0xf];
	(pc) =	sbr.rel @!p0 .LBB2_2-.Ltmp0, $4  }
0x2d2: {  	s30 =	rddreg [dreg:$0x10]  }
0x2d3: {  	s31 =	rddreg [dreg:$0x11]  }
0x2d4: {  	[hbm:s28], [sflag:s30] =	dma.local [spmem:s31], $0x2800  }
0x2d5: {  	_ =	swait.ge [sflag:s5], $0x2800;
	s26 =	sadd.s32 $0xFFFFFFFF, s26  }
.LBB2_1:
0x2d6: {  	s28 =	rddreg [dreg:$0x4]  }
0x2d7: {  	[sflag:s5] =	ssyncset.done $0x0;
	s0 =	rddreg [dreg:$0x10]  }
0x2d8: {  	s1 =	rddreg [dreg:$0x11];
	[sflag:s5] =	ssyncadd.s32 $0xFFFFD800  }
0x2d9: {  	[spmem:s1], [sflag:s0] =	dma.local [hbm:s28], $0x2800  }
0x2da: {  	_ =	swait.ge [sflag:s5], $0x2800  }
0x2db: {  	[sflag:s5] =	ssyncset.done $0x0  }
0x2dc: {  	[sflag:s5] =	ssyncadd.s32 $0xFFFFD800  }
0x2dd: {  	[bflag:$0x0] =	sbarrier.arrive $0xFFFF  }
0x2de: {  	s24 =	rddreg [dreg:$0x5]  }
0x2df: {  	[tilespmem:s21], [sflag:$0x5] =	stream.linear.gather [hbm4b:s24+s21], $0x800, $0x38;
	[tilespmem:$0x1D000] =	vst v63  }
0x2e0: {  	_ =	swait.ge [sflag:s5], $0x800  }
0x2e1: {  	[sflag:s5] =	ssyncset.done $0x0  }
0x2e2: {  	s0 =	simm.s32 $0x800;
	s25 =	rddreg [dreg:$0x6];
	[sflag:s5] =	ssyncadd.s32 $0xFFFFF800  }
0x2e3: {  	[tilespmem:s0], [sflag:$0x5] =	stream.linear.gather [hbm4b:s25+s21], $0x800, $0x38;
	[tilespmem:$0x1D000] =	vst v63  }
0x2e4: {  	_ =	swait.ge [sflag:s5], $0x800  }
0x2e5: {  	[sflag:s5] =	ssyncset.done $0x0  }
0x2e6: {  	[sflag:s5] =	ssyncadd.s32 $0xFFFFF800  }
0x2e7: {  	[tilespmem:s10], [sflag:$0x1] =	stream.indirect.gather [hbm4b:s8+s9], $0x80, s21, s9, $0xb8;
	[tilespmem:$0x1D000] =	vst v63  }
0x2e8: {  	_ = 	snop  }
0x2e9: {  	[tilespmem:s11], [sflag:$0x2] =	stream.indirect.gather [hbm4b:s8+s9], $0x80, s9, s9, $0xb8;
	[tilespmem:$0x1D000] =	vst v63  }
0x2ea: {  	_ =	swait.ge [sflag:s12], $0x4000  }
0x2eb: {  	[sflag:s12] =	ssyncset.done $0x0  }
0x2ec: {  	[sflag:s12] =	ssyncadd.s32 $0xFFFFC000  }
0x2ed: {  	[spmem:s2] =	stream.indirect.scatter.add.f32 [tilespmem:s10], [sflag:$0x3], $0x80, s0, s9, $0xb8;
	[tilespmem:$0x1D000] =	vst v63  }
0x2ee: {  	_ =	swait.ge [sflag:s13], $0x4000  }
0x2ef: {  	[sflag:s13] =	ssyncset.done $0x0  }
0x2f0: {  	s28 =	simm.s32 $0x100;
	[sflag:s13] =	ssyncadd.s32 $0xFFFFC000  }
0x2f1: {  	[tilespmem:s10], [sflag:$0x1] =	stream.indirect.gather [hbm4b:s8+s9], $0x80, s28, s9, $0xb8;
	[tilespmem:$0x1D000] =	vst v63  }
0x2f2: {  	_ =	swait.ge [sflag:s15], $0x4000  }
0x2f3: {  	[sflag:s15] =	ssyncset.done $0x0  }
0x2f4: {  	s29 =	simm.s32 $0x880;
	[sflag:s15] =	ssyncadd.s32 $0xFFFFC000  }
0x2f5: {  	[spmem:s2] =	stream.indirect.scatter.add.f32 [tilespmem:s11], [sflag:$0x4], $0x80, s29, s9, $0xb8;
	[tilespmem:$0x1D000] =	vst v63  }
0x2f6: {  	_ =	swait.ge [sflag:s17], $0x4000  }
0x2f7: {  	[sflag:s17] =	ssyncset.done $0x0  }
0x2f8: {  	s4 =	simm.s32 $0x180;
	[sflag:s17] =	ssyncadd.s32 $0xFFFFC000  }
0x2f9: {  	[tilespmem:s11], [sflag:$0x2] =	stream.indirect.gather [hbm4b:s8+s9], $0x80, s4, s9, $0xb8;
	[tilespmem:$0x1D000] =	vst v63  }
0x2fa: {  	_ =	swait.ge [sflag:s12], $0x4000  }
0x2fb: {  	[sflag:s12] =	ssyncset.done $0x0  }
0x2fc: {  	s30 =	simm.s32 $0x900;
	[sflag:s12] =	ssyncadd.s32 $0xFFFFC000  }
0x2fd: {  	[spmem:s2] =	stream.indirect.scatter.add.f32 [tilespmem:s10], [sflag:$0x3], $0x80, s30, s9, $0xb8;
	[tilespmem:$0x1D000] =	vst v63  }
0x2fe: {  	_ =	swait.ge [sflag:s13], $0x4000  }
0x2ff: {  	[sflag:s13] =	ssyncset.done $0x0  }
0x300: {  	s31 =	simm.s32 $0x200;
	[sflag:s13] =	ssyncadd.s32 $0xFFFFC000  }
0x301: {  	[tilespmem:s10], [sflag:$0x1] =	stream.indirect.gather [hbm4b:s8+s9], $0x80, s31, s9, $0xb8;
	[tilespmem:$0x1D000] =	vst v63  }
0x302: {  	_ =	swait.ge [sflag:s15], $0x4000  }
0x303: {  	[sflag:s15] =	ssyncset.done $0x0  }
0x304: {  	s3 =	simm.s32 $0x980;
	[sflag:s15] =	ssyncadd.s32 $0xFFFFC000  }
0x305: {  	[spmem:s2] =	stream.indirect.scatter.add.f32 [tilespmem:s11], [sflag:$0x4], $0x80, s3, s9, $0xb8;
	[tilespmem:$0x1D000] =	vst v63  }
0x306: {  	_ =	swait.ge [sflag:s17], $0x4000  }
0x307: {  	[sflag:s17] =	ssyncset.done $0x0  }
0x308: {  	s7 =	simm.s32 $0x280;
	[sflag:s17] =	ssyncadd.s32 $0xFFFFC000  }
0x309: {  	[tilespmem:s11], [sflag:$0x2] =	stream.indirect.gather [hbm4b:s8+s9], $0x80, s7, s9, $0xb8;
	[tilespmem:$0x1D000] =	vst v63  }
0x30a: {  	_ =	swait.ge [sflag:s12], $0x4000  }
0x30b: {  	[sflag:s12] =	ssyncset.done $0x0  }
0x30c: {  	s14 =	simm.s32 $0xA00;
	[sflag:s12] =	ssyncadd.s32 $0xFFFFC000  }
0x30d: {  	[spmem:s2] =	stream.indirect.scatter.add.f32 [tilespmem:s10], [sflag:$0x3], $0x80, s14, s9, $0xb8;
	[tilespmem:$0x1D000] =	vst v63  }
0x30e: {  	_ =	swait.ge [sflag:s13], $0x4000  }
0x30f: {  	[sflag:s13] =	ssyncset.done $0x0  }
0x310: {  	s16 =	simm.s32 $0x300;
	[sflag:s13] =	ssyncadd.s32 $0xFFFFC000  }
0x311: {  	[tilespmem:s10], [sflag:$0x1] =	stream.indirect.gather [hbm4b:s8+s9], $0x80, s16, s9, $0xb8;
	[tilespmem:$0x1D000] =	vst v63  }
0x312: {  	_ =	swait.ge [sflag:s15], $0x4000  }
0x313: {  	[sflag:s15] =	ssyncset.done $0x0  }
0x314: {  	s18 =	simm.s32 $0xA80;
	[sflag:s15] =	ssyncadd.s32 $0xFFFFC000  }
0x315: {  	[spmem:s2] =	stream.indirect.scatter.add.f32 [tilespmem:s11], [sflag:$0x4], $0x80, s18, s9, $0xb8;
	[tilespmem:$0x1D000] =	vst v63  }
0x316: {  	_ =	swait.ge [sflag:s17], $0x4000  }
0x317: {  	[sflag:s17] =	ssyncset.done $0x0  }
0x318: {  	s19 =	simm.s32 $0x380;
	[sflag:s17] =	ssyncadd.s32 $0xFFFFC000  }
0x319: {  	[tilespmem:s11], [sflag:$0x2] =	stream.indirect.gather [hbm4b:s8+s9], $0x80, s19, s9, $0xb8;
	[tilespmem:$0x1D000] =	vst v63  }
0x31a: {  	_ =	swait.ge [sflag:s12], $0x4000  }
0x31b: {  	[sflag:s12] =	ssyncset.done $0x0  }
0x31c: {  	s20 =	simm.s32 $0xB00;
	[sflag:s12] =	ssyncadd.s32 $0xFFFFC000  }
0x31d: {  	[spmem:s2] =	stream.indirect.scatter.add.f32 [tilespmem:s10], [sflag:$0x3], $0x80, s20, s9, $0xb8;
	[tilespmem:$0x1D000] =	vst v63  }
0x31e: {  	_ =	swait.ge [sflag:s13], $0x4000  }
0x31f: {  	[sflag:s13] =	ssyncset.done $0x0  }
0x320: {  	s22 =	simm.s32 $0x400;
	[sflag:s13] =	ssyncadd.s32 $0xFFFFC000  }
0x321: {  	[tilespmem:s10], [sflag:$0x1] =	stream.indirect.gather [hbm4b:s8+s9], $0x80, s22, s9, $0xb8;
	[tilespmem:$0x1D000] =	vst v63  }
0x322: {  	_ =	swait.ge [sflag:s15], $0x4000  }
0x323: {  	[sflag:s15] =	ssyncset.done $0x0  }
0x324: {  	s3 =	simm.s32 $0xB80;
	[sflag:s15] =	ssyncadd.s32 $0xFFFFC000  }
0x325: {  	[spmem:s2] =	stream.indirect.scatter.add.f32 [tilespmem:s11], [sflag:$0x4], $0x80, s3, s9, $0xb8;
	[tilespmem:$0x1D000] =	vst v63  }
0x326: {  	_ =	swait.ge [sflag:s17], $0x4000  }
0x327: {  	[sflag:s17] =	ssyncset.done $0x0  }
0x328: {  	s23 =	simm.s32 $0x480;
	[sflag:s17] =	ssyncadd.s32 $0xFFFFC000  }
0x329: {  	[tilespmem:s11], [sflag:$0x2] =	stream.indirect.gather [hbm4b:s8+s9], $0x80, s23, s9, $0xb8;
	[tilespmem:$0x1D000] =	vst v63  }
0x32a: {  	_ =	swait.ge [sflag:s12], $0x4000  }
0x32b: {  	[sflag:s12] =	ssyncset.done $0x0  }
0x32c: {  	s24 =	simm.s32 $0xC00;
	[sflag:s12] =	ssyncadd.s32 $0xFFFFC000  }
0x32d: {  	[spmem:s2] =	stream.indirect.scatter.add.f32 [tilespmem:s10], [sflag:$0x3], $0x80, s24, s9, $0xb8;
	[tilespmem:$0x1D000] =	vst v63  }
0x32e: {  	_ =	swait.ge [sflag:s13], $0x4000  }
0x32f: {  	[sflag:s13] =	ssyncset.done $0x0  }
0x330: {  	s25 =	simm.s32 $0x500;
	[sflag:s13] =	ssyncadd.s32 $0xFFFFC000  }
0x331: {  	[tilespmem:s10], [sflag:$0x1] =	stream.indirect.gather [hbm4b:s8+s9], $0x80, s25, s9, $0xb8;
	[tilespmem:$0x1D000] =	vst v63  }
0x332: {  	_ =	swait.ge [sflag:s15], $0x4000  }
0x333: {  	[sflag:s15] =	ssyncset.done $0x0  }
0x334: {  	s28 =	simm.s32 $0xC80;
	[sflag:s15] =	ssyncadd.s32 $0xFFFFC000  }
0x335: {  	[spmem:s2] =	stream.indirect.scatter.add.f32 [tilespmem:s11], [sflag:$0x4], $0x80, s28, s9, $0xb8;
	[tilespmem:$0x1D000] =	vst v63  }
0x336: {  	_ =	swait.ge [sflag:s17], $0x4000  }
0x337: {  	[sflag:s17] =	ssyncset.done $0x0  }
0x338: {  	s30 =	simm.s32 $0x580;
	[sflag:s17] =	ssyncadd.s32 $0xFFFFC000  }
0x339: {  	[tilespmem:s11], [sflag:$0x2] =	stream.indirect.gather [hbm4b:s8+s9], $0x80, s30, s9, $0xb8;
	[tilespmem:$0x1D000] =	vst v63  }
0x33a: {  	_ =	swait.ge [sflag:s12], $0x4000  }
0x33b: {  	[sflag:s12] =	ssyncset.done $0x0  }
0x33c: {  	s31 =	simm.s32 $0xD00;
	[sflag:s12] =	ssyncadd.s32 $0xFFFFC000  }
0x33d: {  	[spmem:s2] =	stream.indirect.scatter.add.f32 [tilespmem:s10], [sflag:$0x3], $0x80, s31, s9, $0xb8;
	[tilespmem:$0x1D000] =	vst v63  }
0x33e: {  	_ =	swait.ge [sflag:s13], $0x4000  }
0x33f: {  	[sflag:s13] =	ssyncset.done $0x0  }
0x340: {  	s3 =	simm.s32 $0x600;
	[sflag:s13] =	ssyncadd.s32 $0xFFFFC000  }
0x341: {  	[tilespmem:s10], [sflag:$0x1] =	stream.indirect.gather [hbm4b:s8+s9], $0x80, s3, s9, $0xb8;
	[tilespmem:$0x1D000] =	vst v63  }
0x342: {  	_ =	swait.ge [sflag:s15], $0x4000  }
0x343: {  	[sflag:s15] =	ssyncset.done $0x0  }
0x344: {  	s7 =	simm.s32 $0xD80;
	[sflag:s15] =	ssyncadd.s32 $0xFFFFC000  }
0x345: {  	[spmem:s2] =	stream.indirect.scatter.add.f32 [tilespmem:s11], [sflag:$0x4], $0x80, s7, s9, $0xb8;
	[tilespmem:$0x1D000] =	vst v63  }
0x346: {  	_ =	swait.ge [sflag:s17], $0x4000  }
0x347: {  	[sflag:s17] =	ssyncset.done $0x0  }
0x348: {  	s14 =	simm.s32 $0x680;
	[sflag:s17] =	ssyncadd.s32 $0xFFFFC000  }
0x349: {  	[tilespmem:s11], [sflag:$0x2] =	stream.indirect.gather [hbm4b:s8+s9], $0x80, s14, s9, $0xb8;
	[tilespmem:$0x1D000] =	vst v63  }
0x34a: {  	_ =	swait.ge [sflag:s12], $0x4000  }
0x34b: {  	[sflag:s12] =	ssyncset.done $0x0  }
0x34c: {  	s16 =	simm.s32 $0xE00;
	[sflag:s12] =	ssyncadd.s32 $0xFFFFC000  }
0x34d: {  	[spmem:s2] =	stream.indirect.scatter.add.f32 [tilespmem:s10], [sflag:$0x3], $0x80, s16, s9, $0xb8;
	[tilespmem:$0x1D000] =	vst v63  }
0x34e: {  	_ =	swait.ge [sflag:s13], $0x4000  }
0x34f: {  	[sflag:s13] =	ssyncset.done $0x0  }
0x350: {  	s18 =	simm.s32 $0x700;
	[sflag:s13] =	ssyncadd.s32 $0xFFFFC000  }
0x351: {  	[tilespmem:s10], [sflag:$0x1] =	stream.indirect.gather [hbm4b:s8+s9], $0x80, s18, s9, $0xb8;
	[tilespmem:$0x1D000] =	vst v63  }
0x352: {  	_ =	swait.ge [sflag:s15], $0x4000  }
0x353: {  	[sflag:s15] =	ssyncset.done $0x0  }
0x354: {  	s19 =	simm.s32 $0xE80;
	[sflag:s15] =	ssyncadd.s32 $0xFFFFC000  }
0x355: {  	[spmem:s2] =	stream.indirect.scatter.add.f32 [tilespmem:s11], [sflag:$0x4], $0x80, s19, s9, $0xb8;
	[tilespmem:$0x1D000] =	vst v63  }
0x356: {  	_ =	swait.ge [sflag:s17], $0x4000  }
0x357: {  	[sflag:s17] =	ssyncset.done $0x0  }
0x358: {  	s20 =	simm.s32 $0x780;
	[sflag:s17] =	ssyncadd.s32 $0xFFFFC000  }
0x359: {  	[tilespmem:s11], [sflag:$0x2] =	stream.indirect.gather [hbm4b:s8+s9], $0x80, s20, s9, $0xb8;
	[tilespmem:$0x1D000] =	vst v63  }
0x35a: {  	_ =	swait.ge [sflag:s12], $0x4000  }
0x35b: {  	[sflag:s12] =	ssyncset.done $0x0  }
0x35c: {  	s22 =	simm.s32 $0xF00;
	[sflag:s12] =	ssyncadd.s32 $0xFFFFC000  }
0x35d: {  	[spmem:s2] =	stream.indirect.scatter.add.f32 [tilespmem:s10], [sflag:$0x3], $0x80, s22, s9, $0xb8;
	[tilespmem:$0x1D000] =	vst v63  }
0x35e: {  	_ =	swait.ge [sflag:s13], $0x4000  }
0x35f: {  	[sflag:s13] =	ssyncset.done $0x0  }
0x360: {  	[sflag:s13] =	ssyncadd.s32 $0xFFFFC000  }
0x361: {  	_ =	swait.ge [sflag:s15], $0x4000  }
0x362: {  	[sflag:s15] =	ssyncset.done $0x0  }
0x363: {  	s23 =	simm.s32 $0xF80;
	[sflag:s15] =	ssyncadd.s32 $0xFFFFC000  }
0x364: {  	[spmem:s2] =	stream.indirect.scatter.add.f32 [tilespmem:s11], [sflag:$0x4], $0x80, s23, s9, $0xb8;
	[tilespmem:$0x1D000] =	vst v63  }
0x365: {  	_ =	swait.ge [sflag:s17], $0x4000  }
0x366: {  	[sflag:s17] =	ssyncset.done $0x0  }
0x367: {  	s24 =	rddreg [dreg:$0x7];
	[sflag:s17] =	ssyncadd.s32 $0xFFFFC000  }
0x368: {  	[tilespmem:s21], [sflag:$0x5] =	stream.linear.gather [hbm4b:s24+s21], $0x800, $0x38;
	[tilespmem:$0x1D000] =	vst v63  }
0x369: {  	_ =	swait.ge [sflag:s5], $0x800  }
0x36a: {  	[sflag:s5] =	ssyncset.done $0x0  }
0x36b: {  	s25 =	rddreg [dreg:$0x8];
	[sflag:s5] =	ssyncadd.s32 $0xFFFFF800  }
0x36c: {  	[tilespmem:s0], [sflag:$0x5] =	stream.linear.gather [hbm4b:s25+s21], $0x800, $0x38;
	[tilespmem:$0x1D000] =	vst v63  }
0x36d: {  	_ =	swait.ge [sflag:s5], $0x800  }
0x36e: {  	[sflag:s5] =	ssyncset.done $0x0  }
0x36f: {  	[sflag:s5] =	ssyncadd.s32 $0xFFFFF800  }
0x370: {  	[tilespmem:s10], [sflag:$0x1] =	stream.indirect.gather [hbm4b:s8+s9], $0x80, s21, s9, $0xb8;
	[tilespmem:$0x1D000] =	vst v63  }
0x371: {  	_ = 	snop  }
0x372: {  	[tilespmem:s11], [sflag:$0x2] =	stream.indirect.gather [hbm4b:s8+s9], $0x80, s9, s9, $0xb8;
	[tilespmem:$0x1D000] =	vst v63  }
0x373: {  	_ =	swait.ge [sflag:s12], $0x4000  }
0x374: {  	[sflag:s12] =	ssyncset.done $0x0  }
0x375: {  	[sflag:s12] =	ssyncadd.s32 $0xFFFFC000  }
0x376: {  	[spmem:s2] =	stream.indirect.scatter.add.f32 [tilespmem:s10], [sflag:$0x3], $0x80, s0, s9, $0xb8;
	[tilespmem:$0x1D000] =	vst v63  }
0x377: {  	_ =	swait.ge [sflag:s13], $0x4000  }
0x378: {  	[sflag:s13] =	ssyncset.done $0x0  }
0x379: {  	s6 =	simm.s32 $0x100;
	[sflag:s13] =	ssyncadd.s32 $0xFFFFC000  }
0x37a: {  	[tilespmem:s10], [sflag:$0x1] =	stream.indirect.gather [hbm4b:s8+s9], $0x80, s6, s9, $0xb8;
	[tilespmem:$0x1D000] =	vst v63  }
0x37b: {  	_ =	swait.ge [sflag:s15], $0x4000  }
0x37c: {  	[sflag:s15] =	ssyncset.done $0x0  }
0x37d: {  	s3 =	simm.s32 $0x880;
	[sflag:s15] =	ssyncadd.s32 $0xFFFFC000  }
0x37e: {  	[spmem:s2] =	stream.indirect.scatter.add.f32 [tilespmem:s11], [sflag:$0x4], $0x80, s3, s9, $0xb8;
	[tilespmem:$0x1D000] =	vst v63  }
0x37f: {  	_ =	swait.ge [sflag:s17], $0x4000  }
0x380: {  	[sflag:s17] =	ssyncset.done $0x0  }
0x381: {  	s1 =	simm.s32 $0x180;
	[sflag:s17] =	ssyncadd.s32 $0xFFFFC000  }
0x382: {  	[tilespmem:s11], [sflag:$0x2] =	stream.indirect.gather [hbm4b:s8+s9], $0x80, s1, s9, $0xb8;
	[tilespmem:$0x1D000] =	vst v63  }
0x383: {  	_ =	swait.ge [sflag:s12], $0x4000  }
0x384: {  	[sflag:s12] =	ssyncset.done $0x0  }
0x385: {  	s24 =	simm.s32 $0x900;
	[sflag:s12] =	ssyncadd.s32 $0xFFFFC000  }
0x386: {  	[spmem:s2] =	stream.indirect.scatter.add.f32 [tilespmem:s10], [sflag:$0x3], $0x80, s24, s9, $0xb8;
	[tilespmem:$0x1D000] =	vst v63  }
0x387: {  	_ =	swait.ge [sflag:s13], $0x4000  }
0x388: {  	[sflag:s13] =	ssyncset.done $0x0  }
0x389: {  	s25 =	simm.s32 $0x200;
	[sflag:s13] =	ssyncadd.s32 $0xFFFFC000  }
0x38a: {  	[tilespmem:s10], [sflag:$0x1] =	stream.indirect.gather [hbm4b:s8+s9], $0x80, s25, s9, $0xb8;
	[tilespmem:$0x1D000] =	vst v63  }
0x38b: {  	_ =	swait.ge [sflag:s15], $0x4000  }
0x38c: {  	[sflag:s15] =	ssyncset.done $0x0  }
0x38d: {  	s29 =	simm.s32 $0x980;
	[sflag:s15] =	ssyncadd.s32 $0xFFFFC000  }
0x38e: {  	[spmem:s2] =	stream.indirect.scatter.add.f32 [tilespmem:s11], [sflag:$0x4], $0x80, s29, s9, $0xb8;
	[tilespmem:$0x1D000] =	vst v63  }
0x38f: {  	_ =	swait.ge [sflag:s17], $0x4000  }
0x390: {  	[sflag:s17] =	ssyncset.done $0x0  }
0x391: {  	s1 =	simm.s32 $0x280;
	[sflag:s17] =	ssyncadd.s32 $0xFFFFC000  }
0x392: {  	[tilespmem:s11], [sflag:$0x2] =	stream.indirect.gather [hbm4b:s8+s9], $0x80, s1, s9, $0xb8;
	[tilespmem:$0x1D000] =	vst v63  }
0x393: {  	_ =	swait.ge [sflag:s12], $0x4000  }
0x394: {  	[sflag:s12] =	ssyncset.done $0x0  }
0x395: {  	s30 =	simm.s32 $0xA00;
	[sflag:s12] =	ssyncadd.s32 $0xFFFFC000  }
0x396: {  	[spmem:s2] =	stream.indirect.scatter.add.f32 [tilespmem:s10], [sflag:$0x3], $0x80, s30, s9, $0xb8;
	[tilespmem:$0x1D000] =	vst v63  }
0x397: {  	_ =	swait.ge [sflag:s13], $0x4000  }
0x398: {  	[sflag:s13] =	ssyncset.done $0x0  }
0x399: {  	s31 =	simm.s32 $0x300;
	[sflag:s13] =	ssyncadd.s32 $0xFFFFC000  }
0x39a: {  	[tilespmem:s10], [sflag:$0x1] =	stream.indirect.gather [hbm4b:s8+s9], $0x80, s31, s9, $0xb8;
	[tilespmem:$0x1D000] =	vst v63  }
0x39b: {  	_ =	swait.ge [sflag:s15], $0x4000  }
0x39c: {  	[sflag:s15] =	ssyncset.done $0x0  }
0x39d: {  	s6 =	simm.s32 $0xA80;
	[sflag:s15] =	ssyncadd.s32 $0xFFFFC000  }
0x39e: {  	[spmem:s2] =	stream.indirect.scatter.add.f32 [tilespmem:s11], [sflag:$0x4], $0x80, s6, s9, $0xb8;
	[tilespmem:$0x1D000] =	vst v63  }
0x39f: {  	_ =	swait.ge [sflag:s17], $0x4000  }
0x3a0: {  	[sflag:s17] =	ssyncset.done $0x0  }
0x3a1: {  	s7 =	simm.s32 $0x380;
	[sflag:s17] =	ssyncadd.s32 $0xFFFFC000  }
0x3a2: {  	[tilespmem:s11], [sflag:$0x2] =	stream.indirect.gather [hbm4b:s8+s9], $0x80, s7, s9, $0xb8;
	[tilespmem:$0x1D000] =	vst v63  }
0x3a3: {  	_ =	swait.ge [sflag:s12], $0x4000  }
0x3a4: {  	[sflag:s12] =	ssyncset.done $0x0  }
0x3a5: {  	s14 =	simm.s32 $0xB00;
	[sflag:s12] =	ssyncadd.s32 $0xFFFFC000  }
0x3a6: {  	[spmem:s2] =	stream.indirect.scatter.add.f32 [tilespmem:s10], [sflag:$0x3], $0x80, s14, s9, $0xb8;
	[tilespmem:$0x1D000] =	vst v63  }
0x3a7: {  	_ =	swait.ge [sflag:s13], $0x4000  }
0x3a8: {  	[sflag:s13] =	ssyncset.done $0x0  }
0x3a9: {  	s16 =	simm.s32 $0x400;
	[sflag:s13] =	ssyncadd.s32 $0xFFFFC000  }
0x3aa: {  	[tilespmem:s10], [sflag:$0x1] =	stream.indirect.gather [hbm4b:s8+s9], $0x80, s16, s9, $0xb8;
	[tilespmem:$0x1D000] =	vst v63  }
0x3ab: {  	_ =	swait.ge [sflag:s15], $0x4000  }
0x3ac: {  	[sflag:s15] =	ssyncset.done $0x0  }
0x3ad: {  	s18 =	simm.s32 $0xB80;
	[sflag:s15] =	ssyncadd.s32 $0xFFFFC000  }
0x3ae: {  	[spmem:s2] =	stream.indirect.scatter.add.f32 [tilespmem:s11], [sflag:$0x4], $0x80, s18, s9, $0xb8;
	[tilespmem:$0x1D000] =	vst v63  }
0x3af: {  	_ =	swait.ge [sflag:s17], $0x4000  }
0x3b0: {  	[sflag:s17] =	ssyncset.done $0x0  }
0x3b1: {  	s19 =	simm.s32 $0x480;
	[sflag:s17] =	ssyncadd.s32 $0xFFFFC000  }
0x3b2: {  	[tilespmem:s11], [sflag:$0x2] =	stream.indirect.gather [hbm4b:s8+s9], $0x80, s19, s9, $0xb8;
	[tilespmem:$0x1D000] =	vst v63  }
0x3b3: {  	_ =	swait.ge [sflag:s12], $0x4000  }
0x3b4: {  	[sflag:s12] =	ssyncset.done $0x0  }
0x3b5: {  	s29 =	simm.s32 $0xC00;
	[sflag:s12] =	ssyncadd.s32 $0xFFFFC000  }
0x3b6: {  	[spmem:s2] =	stream.indirect.scatter.add.f32 [tilespmem:s10], [sflag:$0x3], $0x80, s29, s9, $0xb8;
	[tilespmem:$0x1D000] =	vst v63  }
0x3b7: {  	_ =	swait.ge [sflag:s13], $0x4000  }
0x3b8: {  	[sflag:s13] =	ssyncset.done $0x0  }
0x3b9: {  	s20 =	simm.s32 $0x500;
	[sflag:s13] =	ssyncadd.s32 $0xFFFFC000  }
0x3ba: {  	[tilespmem:s10], [sflag:$0x1] =	stream.indirect.gather [hbm4b:s8+s9], $0x80, s20, s9, $0xb8;
	[tilespmem:$0x1D000] =	vst v63  }
0x3bb: {  	_ =	swait.ge [sflag:s15], $0x4000  }
0x3bc: {  	[sflag:s15] =	ssyncset.done $0x0  }
0x3bd: {  	s28 =	simm.s32 $0xC80;
	[sflag:s15] =	ssyncadd.s32 $0xFFFFC000  }
0x3be: {  	[spmem:s2] =	stream.indirect.scatter.add.f32 [tilespmem:s11], [sflag:$0x4], $0x80, s28, s9, $0xb8;
	[tilespmem:$0x1D000] =	vst v63  }
0x3bf: {  	_ =	swait.ge [sflag:s17], $0x4000  }
0x3c0: {  	[sflag:s17] =	ssyncset.done $0x0  }
0x3c1: {  	s4 =	simm.s32 $0x580;
	[sflag:s17] =	ssyncadd.s32 $0xFFFFC000  }
0x3c2: {  	[tilespmem:s11], [sflag:$0x2] =	stream.indirect.gather [hbm4b:s8+s9], $0x80, s4, s9, $0xb8;
	[tilespmem:$0x1D000] =	vst v63  }
0x3c3: {  	_ =	swait.ge [sflag:s12], $0x4000  }
0x3c4: {  	[sflag:s12] =	ssyncset.done $0x0  }
0x3c5: {  	s28 =	simm.s32 $0xD00;
	[sflag:s12] =	ssyncadd.s32 $0xFFFFC000  }
0x3c6: {  	[spmem:s2] =	stream.indirect.scatter.add.f32 [tilespmem:s10], [sflag:$0x3], $0x80, s28, s9, $0xb8;
	[tilespmem:$0x1D000] =	vst v63  }
0x3c7: {  	_ =	swait.ge [sflag:s13], $0x4000  }
0x3c8: {  	[sflag:s13] =	ssyncset.done $0x0  }
0x3c9: {  	s28 =	simm.s32 $0x600;
	[sflag:s13] =	ssyncadd.s32 $0xFFFFC000  }
0x3ca: {  	[tilespmem:s10], [sflag:$0x1] =	stream.indirect.gather [hbm4b:s8+s9], $0x80, s28, s9, $0xb8;
	[tilespmem:$0x1D000] =	vst v63  }
0x3cb: {  	_ =	swait.ge [sflag:s15], $0x4000  }
0x3cc: {  	[sflag:s15] =	ssyncset.done $0x0  }
0x3cd: {  	s28 =	simm.s32 $0xD80;
	[sflag:s15] =	ssyncadd.s32 $0xFFFFC000  }
0x3ce: {  	[spmem:s2] =	stream.indirect.scatter.add.f32 [tilespmem:s11], [sflag:$0x4], $0x80, s28, s9, $0xb8;
	[tilespmem:$0x1D000] =	vst v63  }
0x3cf: {  	_ =	swait.ge [sflag:s17], $0x4000  }
0x3d0: {  	[sflag:s17] =	ssyncset.done $0x0  }
0x3d1: {  	s28 =	simm.s32 $0x680;
	[sflag:s17] =	ssyncadd.s32 $0xFFFFC000  }
0x3d2: {  	[tilespmem:s11], [sflag:$0x2] =	stream.indirect.gather [hbm4b:s8+s9], $0x80, s28, s9, $0xb8;
	[tilespmem:$0x1D000] =	vst v63  }
0x3d3: {  	_ =	swait.ge [sflag:s12], $0x4000  }
0x3d4: {  	[sflag:s12] =	ssyncset.done $0x0  }
0x3d5: {  	s28 =	simm.s32 $0xE00;
	[sflag:s12] =	ssyncadd.s32 $0xFFFFC000  }
0x3d6: {  	[spmem:s2] =	stream.indirect.scatter.add.f32 [tilespmem:s10], [sflag:$0x3], $0x80, s28, s9, $0xb8;
	[tilespmem:$0x1D000] =	vst v63  }
0x3d7: {  	_ =	swait.ge [sflag:s13], $0x4000  }
0x3d8: {  	[sflag:s13] =	ssyncset.done $0x0  }
0x3d9: {  	s28 =	simm.s32 $0x700;
	[sflag:s13] =	ssyncadd.s32 $0xFFFFC000  }
0x3da: {  	[tilespmem:s10], [sflag:$0x1] =	stream.indirect.gather [hbm4b:s8+s9], $0x80, s28, s9, $0xb8;
	[tilespmem:$0x1D000] =	vst v63  }
0x3db: {  	_ =	swait.ge [sflag:s15], $0x4000  }
0x3dc: {  	[sflag:s15] =	ssyncset.done $0x0  }
0x3dd: {  	s28 =	simm.s32 $0xE80;
	[sflag:s15] =	ssyncadd.s32 $0xFFFFC000  }
0x3de: {  	[spmem:s2] =	stream.indirect.scatter.add.f32 [tilespmem:s11], [sflag:$0x4], $0x80, s28, s9, $0xb8;
	[tilespmem:$0x1D000] =	vst v63  }
0x3df: {  	_ =	swait.ge [sflag:s17], $0x4000  }
0x3e0: {  	[sflag:s17] =	ssyncset.done $0x0  }
0x3e1: {  	s28 =	simm.s32 $0x780;
	[sflag:s17] =	ssyncadd.s32 $0xFFFFC000  }
0x3e2: {  	[tilespmem:s11], [sflag:$0x2] =	stream.indirect.gather [hbm4b:s8+s9], $0x80, s28, s9, $0xb8;
	[tilespmem:$0x1D000] =	vst v63  }
0x3e3: {  	_ =	swait.ge [sflag:s12], $0x4000  }
0x3e4: {  	[sflag:s12] =	ssyncset.done $0x0  }
0x3e5: {  	s22 =	simm.s32 $0xF00;
	[sflag:s12] =	ssyncadd.s32 $0xFFFFC000  }
0x3e6: {  	[spmem:s2] =	stream.indirect.scatter.add.f32 [tilespmem:s10], [sflag:$0x3], $0x80, s22, s9, $0xb8;
	[tilespmem:$0x1D000] =	vst v63  }
0x3e7: {  	_ =	swait.ge [sflag:s13], $0x4000  }
0x3e8: {  	[sflag:s13] =	ssyncset.done $0x0  }
0x3e9: {  	[sflag:s13] =	ssyncadd.s32 $0xFFFFC000  }
0x3ea: {  	_ =	swait.ge [sflag:s15], $0x4000  }
0x3eb: {  	[sflag:s15] =	ssyncset.done $0x0  }
0x3ec: {  	s23 =	simm.s32 $0xF80;
	[sflag:s15] =	ssyncadd.s32 $0xFFFFC000  }
0x3ed: {  	[spmem:s2] =	stream.indirect.scatter.add.f32 [tilespmem:s11], [sflag:$0x4], $0x80, s23, s9, $0xb8;
	[tilespmem:$0x1D000] =	vst v63  }
0x3ee: {  	_ =	swait.ge [sflag:s17], $0x4000  }
0x3ef: {  	[sflag:s17] =	ssyncset.done $0x0  }
0x3f0: {  	s28 =	rddreg [dreg:$0x9];
	[sflag:s17] =	ssyncadd.s32 $0xFFFFC000  }
0x3f1: {  	[tilespmem:s21], [sflag:$0x5] =	stream.linear.gather [hbm4b:s28+s21], $0x800, $0x38;
	[tilespmem:$0x1D000] =	vst v63  }
0x3f2: {  	_ =	swait.ge [sflag:s5], $0x800  }
0x3f3: {  	[sflag:s5] =	ssyncset.done $0x0  }
0x3f4: {  	s28 =	rddreg [dreg:$0xa];
	[sflag:s5] =	ssyncadd.s32 $0xFFFFF800  }
0x3f5: {  	[tilespmem:s0], [sflag:$0x5] =	stream.linear.gather [hbm4b:s28+s21], $0x800, $0x38;
	[tilespmem:$0x1D000] =	vst v63  }
0x3f6: {  	_ =	swait.ge [sflag:s5], $0x800  }
0x3f7: {  	[sflag:s5] =	ssyncset.done $0x0  }
0x3f8: {  	[sflag:s5] =	ssyncadd.s32 $0xFFFFF800  }
0x3f9: {  	[tilespmem:s10], [sflag:$0x1] =	stream.indirect.gather [hbm4b:s8+s9], $0x80, s21, s9, $0xb8;
	[tilespmem:$0x1D000] =	vst v63  }
0x3fa: {  	_ = 	snop  }
0x3fb: {  	[tilespmem:s11], [sflag:$0x2] =	stream.indirect.gather [hbm4b:s8+s9], $0x80, s9, s9, $0xb8;
	[tilespmem:$0x1D000] =	vst v63  }
0x3fc: {  	_ =	swait.ge [sflag:s12], $0x4000  }
0x3fd: {  	[sflag:s12] =	ssyncset.done $0x0  }
0x3fe: {  	[sflag:s12] =	ssyncadd.s32 $0xFFFFC000  }
0x3ff: {  	[spmem:s2] =	stream.indirect.scatter.add.f32 [tilespmem:s10], [sflag:$0x3], $0x80, s0, s9, $0xb8;
	[tilespmem:$0x1D000] =	vst v63  }
0x400: {  	_ =	swait.ge [sflag:s13], $0x4000  }
0x401: {  	[sflag:s13] =	ssyncset.done $0x0  }
0x402: {  	s28 =	simm.s32 $0x100;
	[sflag:s13] =	ssyncadd.s32 $0xFFFFC000  }
0x403: {  	[tilespmem:s10], [sflag:$0x1] =	stream.indirect.gather [hbm4b:s8+s9], $0x80, s28, s9, $0xb8;
	[tilespmem:$0x1D000] =	vst v63  }
0x404: {  	_ =	swait.ge [sflag:s15], $0x4000  }
0x405: {  	[sflag:s15] =	ssyncset.done $0x0  }
0x406: {  	[sflag:s15] =	ssyncadd.s32 $0xFFFFC000  }
0x407: {  	[spmem:s2] =	stream.indirect.scatter.add.f32 [tilespmem:s11], [sflag:$0x4], $0x80, s3, s9, $0xb8;
	[tilespmem:$0x1D000] =	vst v63  }
0x408: {  	_ =	swait.ge [sflag:s17], $0x4000  }
0x409: {  	[sflag:s17] =	ssyncset.done $0x0  }
0x40a: {  	s28 =	simm.s32 $0x180;
	[sflag:s17] =	ssyncadd.s32 $0xFFFFC000  }
0x40b: {  	[tilespmem:s11], [sflag:$0x2] =	stream.indirect.gather [hbm4b:s8+s9], $0x80, s28, s9, $0xb8;
	[tilespmem:$0x1D000] =	vst v63  }
0x40c: {  	_ =	swait.ge [sflag:s12], $0x4000  }
0x40d: {  	[sflag:s12] =	ssyncset.done $0x0  }
0x40e: {  	[sflag:s12] =	ssyncadd.s32 $0xFFFFC000  }
0x40f: {  	[spmem:s2] =	stream.indirect.scatter.add.f32 [tilespmem:s10], [sflag:$0x3], $0x80, s24, s9, $0xb8;
	[tilespmem:$0x1D000] =	vst v63  }
0x410: {  	_ =	swait.ge [sflag:s13], $0x4000  }
0x411: {  	[sflag:s13] =	ssyncset.done $0x0  }
0x412: {  	[sflag:s13] =	ssyncadd.s32 $0xFFFFC000  }
0x413: {  	[tilespmem:s10], [sflag:$0x1] =	stream.indirect.gather [hbm4b:s8+s9], $0x80, s25, s9, $0xb8;
	[tilespmem:$0x1D000] =	vst v63  }
0x414: {  	_ =	swait.ge [sflag:s15], $0x4000  }
0x415: {  	[sflag:s15] =	ssyncset.done $0x0  }
0x416: {  	s28 =	simm.s32 $0x980;
	[sflag:s15] =	ssyncadd.s32 $0xFFFFC000  }
0x417: {  	[spmem:s2] =	stream.indirect.scatter.add.f32 [tilespmem:s11], [sflag:$0x4], $0x80, s28, s9, $0xb8;
	[tilespmem:$0x1D000] =	vst v63  }
0x418: {  	_ =	swait.ge [sflag:s17], $0x4000  }
0x419: {  	[sflag:s17] =	ssyncset.done $0x0  }
0x41a: {  	[sflag:s17] =	ssyncadd.s32 $0xFFFFC000  }
0x41b: {  	[tilespmem:s11], [sflag:$0x2] =	stream.indirect.gather [hbm4b:s8+s9], $0x80, s1, s9, $0xb8;
	[tilespmem:$0x1D000] =	vst v63  }
0x41c: {  	_ =	swait.ge [sflag:s12], $0x4000  }
0x41d: {  	[sflag:s12] =	ssyncset.done $0x0  }
0x41e: {  	[sflag:s12] =	ssyncadd.s32 $0xFFFFC000  }
0x41f: {  	[spmem:s2] =	stream.indirect.scatter.add.f32 [tilespmem:s10], [sflag:$0x3], $0x80, s30, s9, $0xb8;
	[tilespmem:$0x1D000] =	vst v63  }
0x420: {  	_ =	swait.ge [sflag:s13], $0x4000  }
0x421: {  	[sflag:s13] =	ssyncset.done $0x0  }
0x422: {  	[sflag:s13] =	ssyncadd.s32 $0xFFFFC000  }
0x423: {  	[tilespmem:s10], [sflag:$0x1] =	stream.indirect.gather [hbm4b:s8+s9], $0x80, s31, s9, $0xb8;
	[tilespmem:$0x1D000] =	vst v63  }
0x424: {  	_ =	swait.ge [sflag:s15], $0x4000  }
0x425: {  	[sflag:s15] =	ssyncset.done $0x0  }
0x426: {  	[sflag:s15] =	ssyncadd.s32 $0xFFFFC000  }
0x427: {  	[spmem:s2] =	stream.indirect.scatter.add.f32 [tilespmem:s11], [sflag:$0x4], $0x80, s6, s9, $0xb8;
	[tilespmem:$0x1D000] =	vst v63  }
0x428: {  	_ =	swait.ge [sflag:s17], $0x4000  }
0x429: {  	[sflag:s17] =	ssyncset.done $0x0  }
0x42a: {  	[sflag:s17] =	ssyncadd.s32 $0xFFFFC000  }
0x42b: {  	[tilespmem:s11], [sflag:$0x2] =	stream.indirect.gather [hbm4b:s8+s9], $0x80, s7, s9, $0xb8;
	[tilespmem:$0x1D000] =	vst v63  }
0x42c: {  	_ =	swait.ge [sflag:s12], $0x4000  }
0x42d: {  	[sflag:s12] =	ssyncset.done $0x0  }
0x42e: {  	[sflag:s12] =	ssyncadd.s32 $0xFFFFC000  }
0x42f: {  	[spmem:s2] =	stream.indirect.scatter.add.f32 [tilespmem:s10], [sflag:$0x3], $0x80, s14, s9, $0xb8;
	[tilespmem:$0x1D000] =	vst v63  }
0x430: {  	_ =	swait.ge [sflag:s13], $0x4000  }
0x431: {  	[sflag:s13] =	ssyncset.done $0x0  }
0x432: {  	[sflag:s13] =	ssyncadd.s32 $0xFFFFC000  }
0x433: {  	[tilespmem:s10], [sflag:$0x1] =	stream.indirect.gather [hbm4b:s8+s9], $0x80, s16, s9, $0xb8;
	[tilespmem:$0x1D000] =	vst v63  }
0x434: {  	_ =	swait.ge [sflag:s15], $0x4000  }
0x435: {  	[sflag:s15] =	ssyncset.done $0x0  }
0x436: {  	[sflag:s15] =	ssyncadd.s32 $0xFFFFC000  }
0x437: {  	[spmem:s2] =	stream.indirect.scatter.add.f32 [tilespmem:s11], [sflag:$0x4], $0x80, s18, s9, $0xb8;
	[tilespmem:$0x1D000] =	vst v63  }
0x438: {  	_ =	swait.ge [sflag:s17], $0x4000  }
0x439: {  	[sflag:s17] =	ssyncset.done $0x0  }
0x43a: {  	[sflag:s17] =	ssyncadd.s32 $0xFFFFC000  }
0x43b: {  	[tilespmem:s11], [sflag:$0x2] =	stream.indirect.gather [hbm4b:s8+s9], $0x80, s19, s9, $0xb8;
	[tilespmem:$0x1D000] =	vst v63  }
0x43c: {  	_ =	swait.ge [sflag:s12], $0x4000  }
0x43d: {  	[sflag:s12] =	ssyncset.done $0x0  }
0x43e: {  	[sflag:s12] =	ssyncadd.s32 $0xFFFFC000  }
0x43f: {  	[spmem:s2] =	stream.indirect.scatter.add.f32 [tilespmem:s10], [sflag:$0x3], $0x80, s29, s9, $0xb8;
	[tilespmem:$0x1D000] =	vst v63  }
0x440: {  	_ =	swait.ge [sflag:s13], $0x4000  }
0x441: {  	[sflag:s13] =	ssyncset.done $0x0  }
0x442: {  	[sflag:s13] =	ssyncadd.s32 $0xFFFFC000  }
0x443: {  	[tilespmem:s10], [sflag:$0x1] =	stream.indirect.gather [hbm4b:s8+s9], $0x80, s20, s9, $0xb8;
	[tilespmem:$0x1D000] =	vst v63  }
0x444: {  	_ =	swait.ge [sflag:s15], $0x4000  }
0x445: {  	[sflag:s15] =	ssyncset.done $0x0  }
0x446: {  	s29 =	simm.s32 $0xC80;
	[sflag:s15] =	ssyncadd.s32 $0xFFFFC000  }
0x447: {  	[spmem:s2] =	stream.indirect.scatter.add.f32 [tilespmem:s11], [sflag:$0x4], $0x80, s29, s9, $0xb8;
	[tilespmem:$0x1D000] =	vst v63  }
0x448: {  	_ =	swait.ge [sflag:s17], $0x4000  }
0x449: {  	[sflag:s17] =	ssyncset.done $0x0  }
0x44a: {  	s4 =	simm.s32 $0x580;
	[sflag:s17] =	ssyncadd.s32 $0xFFFFC000  }
0x44b: {  	[tilespmem:s11], [sflag:$0x2] =	stream.indirect.gather [hbm4b:s8+s9], $0x80, s4, s9, $0xb8;
	[tilespmem:$0x1D000] =	vst v63  }
0x44c: {  	_ =	swait.ge [sflag:s12], $0x4000  }
0x44d: {  	[sflag:s12] =	ssyncset.done $0x0  }
0x44e: {  	s28 =	simm.s32 $0xD00;
	[sflag:s12] =	ssyncadd.s32 $0xFFFFC000  }
0x44f: {  	[spmem:s2] =	stream.indirect.scatter.add.f32 [tilespmem:s10], [sflag:$0x3], $0x80, s28, s9, $0xb8;
	[tilespmem:$0x1D000] =	vst v63  }
0x450: {  	_ =	swait.ge [sflag:s13], $0x4000  }
0x451: {  	[sflag:s13] =	ssyncset.done $0x0  }
0x452: {  	s6 =	simm.s32 $0x600;
	[sflag:s13] =	ssyncadd.s32 $0xFFFFC000  }
0x453: {  	[tilespmem:s10], [sflag:$0x1] =	stream.indirect.gather [hbm4b:s8+s9], $0x80, s6, s9, $0xb8;
	[tilespmem:$0x1D000] =	vst v63  }
0x454: {  	_ =	swait.ge [sflag:s15], $0x4000  }
0x455: {  	[sflag:s15] =	ssyncset.done $0x0  }
0x456: {  	s28 =	simm.s32 $0xD80;
	[sflag:s15] =	ssyncadd.s32 $0xFFFFC000  }
0x457: {  	[spmem:s2] =	stream.indirect.scatter.add.f32 [tilespmem:s11], [sflag:$0x4], $0x80, s28, s9, $0xb8;
	[tilespmem:$0x1D000] =	vst v63  }
0x458: {  	_ =	swait.ge [sflag:s17], $0x4000  }
0x459: {  	[sflag:s17] =	ssyncset.done $0x0  }
0x45a: {  	s6 =	simm.s32 $0x680;
	[sflag:s17] =	ssyncadd.s32 $0xFFFFC000  }
0x45b: {  	[tilespmem:s11], [sflag:$0x2] =	stream.indirect.gather [hbm4b:s8+s9], $0x80, s6, s9, $0xb8;
	[tilespmem:$0x1D000] =	vst v63  }
0x45c: {  	_ =	swait.ge [sflag:s12], $0x4000  }
0x45d: {  	[sflag:s12] =	ssyncset.done $0x0  }
0x45e: {  	s28 =	simm.s32 $0xE00;
	[sflag:s12] =	ssyncadd.s32 $0xFFFFC000  }
0x45f: {  	[spmem:s2] =	stream.indirect.scatter.add.f32 [tilespmem:s10], [sflag:$0x3], $0x80, s28, s9, $0xb8;
	[tilespmem:$0x1D000] =	vst v63  }
0x460: {  	_ =	swait.ge [sflag:s13], $0x4000  }
0x461: {  	[sflag:s13] =	ssyncset.done $0x0  }
0x462: {  	s6 =	simm.s32 $0x700;
	[sflag:s13] =	ssyncadd.s32 $0xFFFFC000  }
0x463: {  	[tilespmem:s10], [sflag:$0x1] =	stream.indirect.gather [hbm4b:s8+s9], $0x80, s6, s9, $0xb8;
	[tilespmem:$0x1D000] =	vst v63  }
0x464: {  	_ =	swait.ge [sflag:s15], $0x4000  }
0x465: {  	[sflag:s15] =	ssyncset.done $0x0  }
0x466: {  	s28 =	simm.s32 $0xE80;
	[sflag:s15] =	ssyncadd.s32 $0xFFFFC000  }
0x467: {  	[spmem:s2] =	stream.indirect.scatter.add.f32 [tilespmem:s11], [sflag:$0x4], $0x80, s28, s9, $0xb8;
	[tilespmem:$0x1D000] =	vst v63  }
0x468: {  	_ =	swait.ge [sflag:s17], $0x4000  }
0x469: {  	[sflag:s17] =	ssyncset.done $0x0  }
0x46a: {  	s6 =	simm.s32 $0x780;
	[sflag:s17] =	ssyncadd.s32 $0xFFFFC000  }
0x46b: {  	[tilespmem:s11], [sflag:$0x2] =	stream.indirect.gather [hbm4b:s8+s9], $0x80, s6, s9, $0xb8;
	[tilespmem:$0x1D000] =	vst v63  }
0x46c: {  	_ =	swait.ge [sflag:s12], $0x4000  }
0x46d: {  	[sflag:s12] =	ssyncset.done $0x0  }
0x46e: {  	s22 =	simm.s32 $0xF00;
	[sflag:s12] =	ssyncadd.s32 $0xFFFFC000  }
0x46f: {  	[spmem:s2] =	stream.indirect.scatter.add.f32 [tilespmem:s10], [sflag:$0x3], $0x80, s22, s9, $0xb8;
	[tilespmem:$0x1D000] =	vst v63  }
0x470: {  	_ =	swait.ge [sflag:s13], $0x4000  }
0x471: {  	[sflag:s13] =	ssyncset.done $0x0  }
0x472: {  	[sflag:s13] =	ssyncadd.s32 $0xFFFFC000  }
0x473: {  	_ =	swait.ge [sflag:s15], $0x4000  }
0x474: {  	[sflag:s15] =	ssyncset.done $0x0  }
0x475: {  	s23 =	simm.s32 $0xF80;
	[sflag:s15] =	ssyncadd.s32 $0xFFFFC000  }
0x476: {  	[spmem:s2] =	stream.indirect.scatter.add.f32 [tilespmem:s11], [sflag:$0x4], $0x80, s23, s9, $0xb8;
	[tilespmem:$0x1D000] =	vst v63  }
0x477: {  	_ =	swait.ge [sflag:s17], $0x4000  }
0x478: {  	[sflag:s17] =	ssyncset.done $0x0  }
0x479: {  	s23 =	rddreg [dreg:$0xb];
	[sflag:s17] =	ssyncadd.s32 $0xFFFFC000  }
0x47a: {  	[tilespmem:s21], [sflag:$0x5] =	stream.linear.gather [hbm4b:s23+s21], $0x800, $0x38;
	[tilespmem:$0x1D000] =	vst v63  }
0x47b: {  	_ =	swait.ge [sflag:s5], $0x800  }
0x47c: {  	[sflag:s5] =	ssyncset.done $0x0  }
0x47d: {  	s4 =	rddreg [dreg:$0xc];
	[sflag:s5] =	ssyncadd.s32 $0xFFFFF800  }
0x47e: {  	[tilespmem:s0], [sflag:$0x5] =	stream.linear.gather [hbm4b:s4+s21], $0x800, $0x38;
	[tilespmem:$0x1D000] =	vst v63  }
0x47f: {  	_ =	swait.ge [sflag:s5], $0x800  }
0x480: {  	[sflag:s5] =	ssyncset.done $0x0  }
0x481: {  	[sflag:s5] =	ssyncadd.s32 $0xFFFFF800  }
0x482: {  	[tilespmem:s10], [sflag:$0x1] =	stream.indirect.gather [hbm4b:s8+s9], $0x80, s21, s9, $0xb8;
	[tilespmem:$0x1D000] =	vst v63  }
0x483: {  	_ = 	snop  }
0x484: {  	[tilespmem:s11], [sflag:$0x2] =	stream.indirect.gather [hbm4b:s8+s9], $0x80, s9, s9, $0xb8;
	[tilespmem:$0x1D000] =	vst v63  }
0x485: {  	_ =	swait.ge [sflag:s12], $0x4000  }
0x486: {  	[sflag:s12] =	ssyncset.done $0x0  }
0x487: {  	[sflag:s12] =	ssyncadd.s32 $0xFFFFC000  }
0x488: {  	[spmem:s2] =	stream.indirect.scatter.add.f32 [tilespmem:s10], [sflag:$0x3], $0x80, s0, s9, $0xb8;
	[tilespmem:$0x1D000] =	vst v63  }
0x489: {  	_ =	swait.ge [sflag:s13], $0x4000  }
0x48a: {  	[sflag:s13] =	ssyncset.done $0x0  }
0x48b: {  	s6 =	simm.s32 $0x100;
	[sflag:s13] =	ssyncadd.s32 $0xFFFFC000  }
0x48c: {  	[tilespmem:s10], [sflag:$0x1] =	stream.indirect.gather [hbm4b:s8+s9], $0x80, s6, s9, $0xb8;
	[tilespmem:$0x1D000] =	vst v63  }
0x48d: {  	_ =	swait.ge [sflag:s15], $0x4000  }
0x48e: {  	[sflag:s15] =	ssyncset.done $0x0  }
0x48f: {  	s3 =	simm.s32 $0x880;
	[sflag:s15] =	ssyncadd.s32 $0xFFFFC000  }
0x490: {  	[spmem:s2] =	stream.indirect.scatter.add.f32 [tilespmem:s11], [sflag:$0x4], $0x80, s3, s9, $0xb8;
	[tilespmem:$0x1D000] =	vst v63  }
0x491: {  	_ =	swait.ge [sflag:s17], $0x4000  }
0x492: {  	[sflag:s17] =	ssyncset.done $0x0  }
0x493: {  	s22 =	simm.s32 $0x180;
	[sflag:s17] =	ssyncadd.s32 $0xFFFFC000  }
0x494: {  	[tilespmem:s11], [sflag:$0x2] =	stream.indirect.gather [hbm4b:s8+s9], $0x80, s22, s9, $0xb8;
	[tilespmem:$0x1D000] =	vst v63  }
0x495: {  	_ =	swait.ge [sflag:s12], $0x4000  }
0x496: {  	[sflag:s12] =	ssyncset.done $0x0  }
0x497: {  	s24 =	simm.s32 $0x900;
	[sflag:s12] =	ssyncadd.s32 $0xFFFFC000  }
0x498: {  	[spmem:s2] =	stream.indirect.scatter.add.f32 [tilespmem:s10], [sflag:$0x3], $0x80, s24, s9, $0xb8;
	[tilespmem:$0x1D000] =	vst v63  }
0x499: {  	_ =	swait.ge [sflag:s13], $0x4000  }
0x49a: {  	[sflag:s13] =	ssyncset.done $0x0  }
0x49b: {  	s25 =	simm.s32 $0x200;
	[sflag:s13] =	ssyncadd.s32 $0xFFFFC000  }
0x49c: {  	[tilespmem:s10], [sflag:$0x1] =	stream.indirect.gather [hbm4b:s8+s9], $0x80, s25, s9, $0xb8;
	[tilespmem:$0x1D000] =	vst v63  }
0x49d: {  	_ =	swait.ge [sflag:s15], $0x4000  }
0x49e: {  	[sflag:s15] =	ssyncset.done $0x0  }
0x49f: {  	s25 =	simm.s32 $0x980;
	[sflag:s15] =	ssyncadd.s32 $0xFFFFC000  }
0x4a0: {  	[spmem:s2] =	stream.indirect.scatter.add.f32 [tilespmem:s11], [sflag:$0x4], $0x80, s25, s9, $0xb8;
	[tilespmem:$0x1D000] =	vst v63  }
0x4a1: {  	_ =	swait.ge [sflag:s17], $0x4000  }
0x4a2: {  	[sflag:s17] =	ssyncset.done $0x0  }
0x4a3: {  	s28 =	simm.s32 $0x280;
	[sflag:s17] =	ssyncadd.s32 $0xFFFFC000  }
0x4a4: {  	[tilespmem:s11], [sflag:$0x2] =	stream.indirect.gather [hbm4b:s8+s9], $0x80, s28, s9, $0xb8;
	[tilespmem:$0x1D000] =	vst v63  }
0x4a5: {  	_ =	swait.ge [sflag:s12], $0x4000  }
0x4a6: {  	[sflag:s12] =	ssyncset.done $0x0  }
0x4a7: {  	s30 =	simm.s32 $0xA00;
	[sflag:s12] =	ssyncadd.s32 $0xFFFFC000  }
0x4a8: {  	[spmem:s2] =	stream.indirect.scatter.add.f32 [tilespmem:s10], [sflag:$0x3], $0x80, s30, s9, $0xb8;
	[tilespmem:$0x1D000] =	vst v63  }
0x4a9: {  	_ =	swait.ge [sflag:s13], $0x4000  }
0x4aa: {  	[sflag:s13] =	ssyncset.done $0x0  }
0x4ab: {  	s31 =	simm.s32 $0x300;
	[sflag:s13] =	ssyncadd.s32 $0xFFFFC000  }
0x4ac: {  	[tilespmem:s10], [sflag:$0x1] =	stream.indirect.gather [hbm4b:s8+s9], $0x80, s31, s9, $0xb8;
	[tilespmem:$0x1D000] =	vst v63  }
0x4ad: {  	_ =	swait.ge [sflag:s15], $0x4000  }
0x4ae: {  	[sflag:s15] =	ssyncset.done $0x0  }
0x4af: {  	s31 =	simm.s32 $0xA80;
	[sflag:s15] =	ssyncadd.s32 $0xFFFFC000  }
0x4b0: {  	[spmem:s2] =	stream.indirect.scatter.add.f32 [tilespmem:s11], [sflag:$0x4], $0x80, s31, s9, $0xb8;
	[tilespmem:$0x1D000] =	vst v63  }
0x4b1: {  	_ =	swait.ge [sflag:s17], $0x4000  }
0x4b2: {  	[sflag:s17] =	ssyncset.done $0x0  }
0x4b3: {  	s7 =	simm.s32 $0x380;
	[sflag:s17] =	ssyncadd.s32 $0xFFFFC000  }
0x4b4: {  	[tilespmem:s11], [sflag:$0x2] =	stream.indirect.gather [hbm4b:s8+s9], $0x80, s7, s9, $0xb8;
	[tilespmem:$0x1D000] =	vst v63  }
0x4b5: {  	_ =	swait.ge [sflag:s12], $0x4000  }
0x4b6: {  	[sflag:s12] =	ssyncset.done $0x0  }
0x4b7: {  	s14 =	simm.s32 $0xB00;
	[sflag:s12] =	ssyncadd.s32 $0xFFFFC000  }
0x4b8: {  	[spmem:s2] =	stream.indirect.scatter.add.f32 [tilespmem:s10], [sflag:$0x3], $0x80, s14, s9, $0xb8;
	[tilespmem:$0x1D000] =	vst v63  }
0x4b9: {  	_ =	swait.ge [sflag:s13], $0x4000  }
0x4ba: {  	[sflag:s13] =	ssyncset.done $0x0  }
0x4bb: {  	s16 =	simm.s32 $0x400;
	[sflag:s13] =	ssyncadd.s32 $0xFFFFC000  }
0x4bc: {  	[tilespmem:s10], [sflag:$0x1] =	stream.indirect.gather [hbm4b:s8+s9], $0x80, s16, s9, $0xb8;
	[tilespmem:$0x1D000] =	vst v63  }
0x4bd: {  	_ =	swait.ge [sflag:s15], $0x4000  }
0x4be: {  	[sflag:s15] =	ssyncset.done $0x0  }
0x4bf: {  	s18 =	simm.s32 $0xB80;
	[sflag:s15] =	ssyncadd.s32 $0xFFFFC000  }
0x4c0: {  	[spmem:s2] =	stream.indirect.scatter.add.f32 [tilespmem:s11], [sflag:$0x4], $0x80, s18, s9, $0xb8;
	[tilespmem:$0x1D000] =	vst v63  }
0x4c1: {  	_ =	swait.ge [sflag:s17], $0x4000  }
0x4c2: {  	[sflag:s17] =	ssyncset.done $0x0  }
0x4c3: {  	s19 =	simm.s32 $0x480;
	[sflag:s17] =	ssyncadd.s32 $0xFFFFC000  }
0x4c4: {  	[tilespmem:s11], [sflag:$0x2] =	stream.indirect.gather [hbm4b:s8+s9], $0x80, s19, s9, $0xb8;
	[tilespmem:$0x1D000] =	vst v63  }
0x4c5: {  	_ =	swait.ge [sflag:s12], $0x4000  }
0x4c6: {  	[sflag:s12] =	ssyncset.done $0x0  }
0x4c7: {  	s1 =	simm.s32 $0xC00;
	[sflag:s12] =	ssyncadd.s32 $0xFFFFC000  }
0x4c8: {  	[spmem:s2] =	stream.indirect.scatter.add.f32 [tilespmem:s10], [sflag:$0x3], $0x80, s1, s9, $0xb8;
	[tilespmem:$0x1D000] =	vst v63  }
0x4c9: {  	_ =	swait.ge [sflag:s13], $0x4000  }
0x4ca: {  	[sflag:s13] =	ssyncset.done $0x0  }
0x4cb: {  	s20 =	simm.s32 $0x500;
	[sflag:s13] =	ssyncadd.s32 $0xFFFFC000  }
0x4cc: {  	[tilespmem:s10], [sflag:$0x1] =	stream.indirect.gather [hbm4b:s8+s9], $0x80, s20, s9, $0xb8;
	[tilespmem:$0x1D000] =	vst v63  }
0x4cd: {  	_ =	swait.ge [sflag:s15], $0x4000  }
0x4ce: {  	[sflag:s15] =	ssyncset.done $0x0  }
0x4cf: {  	s28 =	simm.s32 $0xC80;
	[sflag:s15] =	ssyncadd.s32 $0xFFFFC000  }
0x4d0: {  	[spmem:s2] =	stream.indirect.scatter.add.f32 [tilespmem:s11], [sflag:$0x4], $0x80, s28, s9, $0xb8;
	[tilespmem:$0x1D000] =	vst v63  }
0x4d1: {  	_ =	swait.ge [sflag:s17], $0x4000  }
0x4d2: {  	[sflag:s17] =	ssyncset.done $0x0  }
0x4d3: {  	s29 =	simm.s32 $0x580;
	[sflag:s17] =	ssyncadd.s32 $0xFFFFC000  }
0x4d4: {  	[tilespmem:s11], [sflag:$0x2] =	stream.indirect.gather [hbm4b:s8+s9], $0x80, s29, s9, $0xb8;
	[tilespmem:$0x1D000] =	vst v63  }
0x4d5: {  	_ =	swait.ge [sflag:s12], $0x4000  }
0x4d6: {  	[sflag:s12] =	ssyncset.done $0x0  }
0x4d7: {  	s29 =	simm.s32 $0xD00;
	[sflag:s12] =	ssyncadd.s32 $0xFFFFC000  }
0x4d8: {  	[spmem:s2] =	stream.indirect.scatter.add.f32 [tilespmem:s10], [sflag:$0x3], $0x80, s29, s9, $0xb8;
	[tilespmem:$0x1D000] =	vst v63  }
0x4d9: {  	_ =	swait.ge [sflag:s13], $0x4000  }
0x4da: {  	[sflag:s13] =	ssyncset.done $0x0  }
0x4db: {  	s28 =	simm.s32 $0x600;
	[sflag:s13] =	ssyncadd.s32 $0xFFFFC000  }
0x4dc: {  	[tilespmem:s10], [sflag:$0x1] =	stream.indirect.gather [hbm4b:s8+s9], $0x80, s28, s9, $0xb8;
	[tilespmem:$0x1D000] =	vst v63  }
0x4dd: {  	_ =	swait.ge [sflag:s15], $0x4000  }
0x4de: {  	[sflag:s15] =	ssyncset.done $0x0  }
0x4df: {  	s28 =	simm.s32 $0xD80;
	[sflag:s15] =	ssyncadd.s32 $0xFFFFC000  }
0x4e0: {  	[spmem:s2] =	stream.indirect.scatter.add.f32 [tilespmem:s11], [sflag:$0x4], $0x80, s28, s9, $0xb8;
	[tilespmem:$0x1D000] =	vst v63  }
0x4e1: {  	_ =	swait.ge [sflag:s17], $0x4000  }
0x4e2: {  	[sflag:s17] =	ssyncset.done $0x0  }
0x4e3: {  	s28 =	simm.s32 $0x680;
	[sflag:s17] =	ssyncadd.s32 $0xFFFFC000  }
0x4e4: {  	[tilespmem:s11], [sflag:$0x2] =	stream.indirect.gather [hbm4b:s8+s9], $0x80, s28, s9, $0xb8;
	[tilespmem:$0x1D000] =	vst v63  }
0x4e5: {  	_ =	swait.ge [sflag:s12], $0x4000  }
0x4e6: {  	[sflag:s12] =	ssyncset.done $0x0  }
0x4e7: {  	s28 =	simm.s32 $0xE00;
	[sflag:s12] =	ssyncadd.s32 $0xFFFFC000  }
0x4e8: {  	[spmem:s2] =	stream.indirect.scatter.add.f32 [tilespmem:s10], [sflag:$0x3], $0x80, s28, s9, $0xb8;
	[tilespmem:$0x1D000] =	vst v63  }
0x4e9: {  	_ =	swait.ge [sflag:s13], $0x4000  }
0x4ea: {  	[sflag:s13] =	ssyncset.done $0x0  }
0x4eb: {  	s28 =	simm.s32 $0x700;
	[sflag:s13] =	ssyncadd.s32 $0xFFFFC000  }
0x4ec: {  	[tilespmem:s10], [sflag:$0x1] =	stream.indirect.gather [hbm4b:s8+s9], $0x80, s28, s9, $0xb8;
	[tilespmem:$0x1D000] =	vst v63  }
0x4ed: {  	_ =	swait.ge [sflag:s15], $0x4000  }
0x4ee: {  	[sflag:s15] =	ssyncset.done $0x0  }
0x4ef: {  	s28 =	simm.s32 $0xE80;
	[sflag:s15] =	ssyncadd.s32 $0xFFFFC000  }
0x4f0: {  	[spmem:s2] =	stream.indirect.scatter.add.f32 [tilespmem:s11], [sflag:$0x4], $0x80, s28, s9, $0xb8;
	[tilespmem:$0x1D000] =	vst v63  }
0x4f1: {  	_ =	swait.ge [sflag:s17], $0x4000  }
0x4f2: {  	[sflag:s17] =	ssyncset.done $0x0  }
0x4f3: {  	s28 =	simm.s32 $0x780;
	[sflag:s17] =	ssyncadd.s32 $0xFFFFC000  }
0x4f4: {  	[tilespmem:s11], [sflag:$0x2] =	stream.indirect.gather [hbm4b:s8+s9], $0x80, s28, s9, $0xb8;
	[tilespmem:$0x1D000] =	vst v63  }
0x4f5: {  	_ =	swait.ge [sflag:s12], $0x4000  }
0x4f6: {  	[sflag:s12] =	ssyncset.done $0x0  }
0x4f7: {  	s28 =	simm.s32 $0xF00;
	[sflag:s12] =	ssyncadd.s32 $0xFFFFC000  }
0x4f8: {  	[spmem:s2] =	stream.indirect.scatter.add.f32 [tilespmem:s10], [sflag:$0x3], $0x80, s28, s9, $0xb8;
	[tilespmem:$0x1D000] =	vst v63  }
0x4f9: {  	_ =	swait.ge [sflag:s13], $0x4000  }
0x4fa: {  	[sflag:s13] =	ssyncset.done $0x0  }
0x4fb: {  	[sflag:s13] =	ssyncadd.s32 $0xFFFFC000  }
0x4fc: {  	_ =	swait.ge [sflag:s15], $0x4000  }
0x4fd: {  	[sflag:s15] =	ssyncset.done $0x0  }
0x4fe: {  	s28 =	simm.s32 $0xF80;
	[sflag:s15] =	ssyncadd.s32 $0xFFFFC000  }
0x4ff: {  	[spmem:s2] =	stream.indirect.scatter.add.f32 [tilespmem:s11], [sflag:$0x4], $0x80, s28, s9, $0xb8;
	[tilespmem:$0x1D000] =	vst v63  }
0x500: {  	_ =	swait.ge [sflag:s17], $0x4000  }
0x501: {  	[sflag:s17] =	ssyncset.done $0x0  }
0x502: {  	s28 =	rddreg [dreg:$0xd];
	[sflag:s17] =	ssyncadd.s32 $0xFFFFC000  }
0x503: {  	[tilespmem:s21], [sflag:$0x5] =	stream.linear.gather [hbm4b:s28+s21], $0x800, $0x38;
	[tilespmem:$0x1D000] =	vst v63  }
0x504: {  	_ =	swait.ge [sflag:s5], $0x800  }
0x505: {  	[sflag:s5] =	ssyncset.done $0x0  }
0x506: {  	s28 =	rddreg [dreg:$0xe];
	[sflag:s5] =	ssyncadd.s32 $0xFFFFF800  }
0x507: {  	[tilespmem:s0], [sflag:$0x5] =	stream.linear.gather [hbm4b:s28+s21], $0x800, $0x38;
	[tilespmem:$0x1D000] =	vst v63  }
0x508: {  	_ =	swait.ge [sflag:s5], $0x800  }
0x509: {  	[sflag:s5] =	ssyncset.done $0x0  }
0x50a: {  	[sflag:s5] =	ssyncadd.s32 $0xFFFFF800  }
0x50b: {  	[tilespmem:s10], [sflag:$0x1] =	stream.indirect.gather [hbm4b:s8+s9], $0x80, s21, s9, $0xb8;
	[tilespmem:$0x1D000] =	vst v63  }
0x50c: {  	_ = 	snop  }
0x50d: {  	[tilespmem:s11], [sflag:$0x2] =	stream.indirect.gather [hbm4b:s8+s9], $0x80, s9, s9, $0xb8;
	[tilespmem:$0x1D000] =	vst v63  }
0x50e: {  	_ =	swait.ge [sflag:s12], $0x4000  }
0x50f: {  	[sflag:s12] =	ssyncset.done $0x0  }
0x510: {  	[sflag:s12] =	ssyncadd.s32 $0xFFFFC000  }
0x511: {  	[spmem:s2] =	stream.indirect.scatter.add.f32 [tilespmem:s10], [sflag:$0x3], $0x80, s0, s9, $0xb8;
	[tilespmem:$0x1D000] =	vst v63  }
0x512: {  	_ =	swait.ge [sflag:s13], $0x4000  }
0x513: {  	[sflag:s13] =	ssyncset.done $0x0  }
0x514: {  	s28 =	simm.s32 $0x100;
	[sflag:s13] =	ssyncadd.s32 $0xFFFFC000  }
0x515: {  	[tilespmem:s10], [sflag:$0x1] =	stream.indirect.gather [hbm4b:s8+s9], $0x80, s28, s9, $0xb8;
	[tilespmem:$0x1D000] =	vst v63  }
0x516: {  	_ =	swait.ge [sflag:s15], $0x4000  }
0x517: {  	[sflag:s15] =	ssyncset.done $0x0  }
0x518: {  	s23 =	simm.s32 $0x880;
	[sflag:s15] =	ssyncadd.s32 $0xFFFFC000  }
0x519: {  	[spmem:s2] =	stream.indirect.scatter.add.f32 [tilespmem:s11], [sflag:$0x4], $0x80, s23, s9, $0xb8;
	[tilespmem:$0x1D000] =	vst v63  }
0x51a: {  	_ =	swait.ge [sflag:s17], $0x4000  }
0x51b: {  	[sflag:s17] =	ssyncset.done $0x0  }
0x51c: {  	s22 =	simm.s32 $0x180;
	[sflag:s17] =	ssyncadd.s32 $0xFFFFC000  }
0x51d: {  	[tilespmem:s11], [sflag:$0x2] =	stream.indirect.gather [hbm4b:s8+s9], $0x80, s22, s9, $0xb8;
	[tilespmem:$0x1D000] =	vst v63  }
0x51e: {  	_ =	swait.ge [sflag:s12], $0x4000  }
0x51f: {  	[sflag:s12] =	ssyncset.done $0x0  }
0x520: {  	s3 =	simm.s32 $0x900;
	[sflag:s12] =	ssyncadd.s32 $0xFFFFC000  }
0x521: {  	[spmem:s2] =	stream.indirect.scatter.add.f32 [tilespmem:s10], [sflag:$0x3], $0x80, s3, s9, $0xb8;
	[tilespmem:$0x1D000] =	vst v63  }
0x522: {  	_ =	swait.ge [sflag:s13], $0x4000  }
0x523: {  	[sflag:s13] =	ssyncset.done $0x0  }
0x524: {  	s24 =	simm.s32 $0x200;
	[sflag:s13] =	ssyncadd.s32 $0xFFFFC000  }
0x525: {  	[tilespmem:s10], [sflag:$0x1] =	stream.indirect.gather [hbm4b:s8+s9], $0x80, s24, s9, $0xb8;
	[tilespmem:$0x1D000] =	vst v63  }
0x526: {  	_ =	swait.ge [sflag:s15], $0x4000  }
0x527: {  	[sflag:s15] =	ssyncset.done $0x0  }
0x528: {  	s3 =	simm.s32 $0x980;
	[sflag:s15] =	ssyncadd.s32 $0xFFFFC000  }
0x529: {  	[spmem:s2] =	stream.indirect.scatter.add.f32 [tilespmem:s11], [sflag:$0x4], $0x80, s3, s9, $0xb8;
	[tilespmem:$0x1D000] =	vst v63  }
0x52a: {  	_ =	swait.ge [sflag:s17], $0x4000  }
0x52b: {  	[sflag:s17] =	ssyncset.done $0x0  }
0x52c: {  	s4 =	simm.s32 $0x280;
	[sflag:s17] =	ssyncadd.s32 $0xFFFFC000  }
0x52d: {  	[tilespmem:s11], [sflag:$0x2] =	stream.indirect.gather [hbm4b:s8+s9], $0x80, s4, s9, $0xb8;
	[tilespmem:$0x1D000] =	vst v63  }
0x52e: {  	_ =	swait.ge [sflag:s12], $0x4000  }
0x52f: {  	[sflag:s12] =	ssyncset.done $0x0  }
0x530: {  	s6 =	simm.s32 $0xA00;
	[sflag:s12] =	ssyncadd.s32 $0xFFFFC000  }
0x531: {  	[spmem:s2] =	stream.indirect.scatter.add.f32 [tilespmem:s10], [sflag:$0x3], $0x80, s6, s9, $0xb8;
	[tilespmem:$0x1D000] =	vst v63  }
0x532: {  	_ =	swait.ge [sflag:s13], $0x4000  }
0x533: {  	[sflag:s13] =	ssyncset.done $0x0  }
0x534: {  	s30 =	simm.s32 $0x300;
	[sflag:s13] =	ssyncadd.s32 $0xFFFFC000  }
0x535: {  	[tilespmem:s10], [sflag:$0x1] =	stream.indirect.gather [hbm4b:s8+s9], $0x80, s30, s9, $0xb8;
	[tilespmem:$0x1D000] =	vst v63  }
0x536: {  	_ =	swait.ge [sflag:s15], $0x4000  }
0x537: {  	[sflag:s15] =	ssyncset.done $0x0  }
0x538: {  	s31 =	simm.s32 $0xA80;
	[sflag:s15] =	ssyncadd.s32 $0xFFFFC000  }
0x539: {  	[spmem:s2] =	stream.indirect.scatter.add.f32 [tilespmem:s11], [sflag:$0x4], $0x80, s31, s9, $0xb8;
	[tilespmem:$0x1D000] =	vst v63  }
0x53a: {  	_ =	swait.ge [sflag:s17], $0x4000  }
0x53b: {  	[sflag:s17] =	ssyncset.done $0x0  }
0x53c: {  	s7 =	simm.s32 $0x380;
	[sflag:s17] =	ssyncadd.s32 $0xFFFFC000  }
0x53d: {  	[tilespmem:s11], [sflag:$0x2] =	stream.indirect.gather [hbm4b:s8+s9], $0x80, s7, s9, $0xb8;
	[tilespmem:$0x1D000] =	vst v63  }
0x53e: {  	_ =	swait.ge [sflag:s12], $0x4000  }
0x53f: {  	[sflag:s12] =	ssyncset.done $0x0  }
0x540: {  	s14 =	simm.s32 $0xB00;
	[sflag:s12] =	ssyncadd.s32 $0xFFFFC000  }
0x541: {  	[spmem:s2] =	stream.indirect.scatter.add.f32 [tilespmem:s10], [sflag:$0x3], $0x80, s14, s9, $0xb8;
	[tilespmem:$0x1D000] =	vst v63  }
0x542: {  	_ =	swait.ge [sflag:s13], $0x4000  }
0x543: {  	[sflag:s13] =	ssyncset.done $0x0  }
0x544: {  	s16 =	simm.s32 $0x400;
	[sflag:s13] =	ssyncadd.s32 $0xFFFFC000  }
0x545: {  	[tilespmem:s10], [sflag:$0x1] =	stream.indirect.gather [hbm4b:s8+s9], $0x80, s16, s9, $0xb8;
	[tilespmem:$0x1D000] =	vst v63  }
0x546: {  	_ =	swait.ge [sflag:s15], $0x4000  }
0x547: {  	[sflag:s15] =	ssyncset.done $0x0  }
0x548: {  	s18 =	simm.s32 $0xB80;
	[sflag:s15] =	ssyncadd.s32 $0xFFFFC000  }
0x549: {  	[spmem:s2] =	stream.indirect.scatter.add.f32 [tilespmem:s11], [sflag:$0x4], $0x80, s18, s9, $0xb8;
	[tilespmem:$0x1D000] =	vst v63  }
0x54a: {  	_ =	swait.ge [sflag:s17], $0x4000  }
0x54b: {  	[sflag:s17] =	ssyncset.done $0x0  }
0x54c: {  	s19 =	simm.s32 $0x480;
	[sflag:s17] =	ssyncadd.s32 $0xFFFFC000  }
0x54d: {  	[tilespmem:s11], [sflag:$0x2] =	stream.indirect.gather [hbm4b:s8+s9], $0x80, s19, s9, $0xb8;
	[tilespmem:$0x1D000] =	vst v63  }
0x54e: {  	_ =	swait.ge [sflag:s12], $0x4000  }
0x54f: {  	[sflag:s12] =	ssyncset.done $0x0  }
0x550: {  	s25 =	simm.s32 $0xC00;
	[sflag:s12] =	ssyncadd.s32 $0xFFFFC000  }
0x551: {  	[spmem:s2] =	stream.indirect.scatter.add.f32 [tilespmem:s10], [sflag:$0x3], $0x80, s25, s9, $0xb8;
	[tilespmem:$0x1D000] =	vst v63  }
0x552: {  	_ =	swait.ge [sflag:s13], $0x4000  }
0x553: {  	[sflag:s13] =	ssyncset.done $0x0  }
0x554: {  	s1 =	simm.s32 $0x500;
	[sflag:s13] =	ssyncadd.s32 $0xFFFFC000  }
0x555: {  	[tilespmem:s10], [sflag:$0x1] =	stream.indirect.gather [hbm4b:s8+s9], $0x80, s1, s9, $0xb8;
	[tilespmem:$0x1D000] =	vst v63  }
0x556: {  	_ =	swait.ge [sflag:s15], $0x4000  }
0x557: {  	[sflag:s15] =	ssyncset.done $0x0  }
0x558: {  	s14 =	simm.s32 $0xC80;
	[sflag:s15] =	ssyncadd.s32 $0xFFFFC000  }
0x559: {  	[spmem:s2] =	stream.indirect.scatter.add.f32 [tilespmem:s11], [sflag:$0x4], $0x80, s14, s9, $0xb8;
	[tilespmem:$0x1D000] =	vst v63  }
0x55a: {  	_ =	swait.ge [sflag:s17], $0x4000  }
0x55b: {  	[sflag:s17] =	ssyncset.done $0x0  }
0x55c: {  	s20 =	simm.s32 $0x580;
	[sflag:s17] =	ssyncadd.s32 $0xFFFFC000  }
0x55d: {  	[tilespmem:s11], [sflag:$0x2] =	stream.indirect.gather [hbm4b:s8+s9], $0x80, s20, s9, $0xb8;
	[tilespmem:$0x1D000] =	vst v63  }
0x55e: {  	_ =	swait.ge [sflag:s12], $0x4000  }
0x55f: {  	[sflag:s12] =	ssyncset.done $0x0  }
0x560: {  	s29 =	simm.s32 $0xD00;
	[sflag:s12] =	ssyncadd.s32 $0xFFFFC000  }
0x561: {  	[spmem:s2] =	stream.indirect.scatter.add.f32 [tilespmem:s10], [sflag:$0x3], $0x80, s29, s9, $0xb8;
	[tilespmem:$0x1D000] =	vst v63  }
0x562: {  	_ =	swait.ge [sflag:s13], $0x4000  }
0x563: {  	[sflag:s13] =	ssyncset.done $0x0  }
0x564: {  	s16 =	simm.s32 $0x600;
	[sflag:s13] =	ssyncadd.s32 $0xFFFFC000  }
0x565: {  	[tilespmem:s10], [sflag:$0x1] =	stream.indirect.gather [hbm4b:s8+s9], $0x80, s16, s9, $0xb8;
	[tilespmem:$0x1D000] =	vst v63  }
0x566: {  	_ =	swait.ge [sflag:s15], $0x4000  }
0x567: {  	[sflag:s15] =	ssyncset.done $0x0  }
0x568: {  	s18 =	simm.s32 $0xD80;
	[sflag:s15] =	ssyncadd.s32 $0xFFFFC000  }
0x569: {  	[spmem:s2] =	stream.indirect.scatter.add.f32 [tilespmem:s11], [sflag:$0x4], $0x80, s18, s9, $0xb8;
	[tilespmem:$0x1D000] =	vst v63  }
0x56a: {  	_ =	swait.ge [sflag:s17], $0x4000  }
0x56b: {  	[sflag:s17] =	ssyncset.done $0x0  }
0x56c: {  	s19 =	simm.s32 $0x680;
	[sflag:s17] =	ssyncadd.s32 $0xFFFFC000  }
0x56d: {  	[tilespmem:s11], [sflag:$0x2] =	stream.indirect.gather [hbm4b:s8+s9], $0x80, s19, s9, $0xb8;
	[tilespmem:$0x1D000] =	vst v63  }
0x56e: {  	_ =	swait.ge [sflag:s12], $0x4000  }
0x56f: {  	[sflag:s12] =	ssyncset.done $0x0  }
0x570: {  	s20 =	simm.s32 $0xE00;
	[sflag:s12] =	ssyncadd.s32 $0xFFFFC000  }
0x571: {  	[spmem:s2] =	stream.indirect.scatter.add.f32 [tilespmem:s10], [sflag:$0x3], $0x80, s20, s9, $0xb8;
	[tilespmem:$0x1D000] =	vst v63  }
0x572: {  	_ =	swait.ge [sflag:s13], $0x4000  }
0x573: {  	[sflag:s13] =	ssyncset.done $0x0  }
0x574: {  	s22 =	simm.s32 $0x700;
	[sflag:s13] =	ssyncadd.s32 $0xFFFFC000  }
0x575: {  	[tilespmem:s10], [sflag:$0x1] =	stream.indirect.gather [hbm4b:s8+s9], $0x80, s22, s9, $0xb8;
	[tilespmem:$0x1D000] =	vst v63  }
0x576: {  	_ =	swait.ge [sflag:s15], $0x4000  }
0x577: {  	[sflag:s15] =	ssyncset.done $0x0  }
0x578: {  	s23 =	simm.s32 $0xE80;
	[sflag:s15] =	ssyncadd.s32 $0xFFFFC000  }
0x579: {  	[spmem:s2] =	stream.indirect.scatter.add.f32 [tilespmem:s11], [sflag:$0x4], $0x80, s23, s9, $0xb8;
	[tilespmem:$0x1D000] =	vst v63  }
0x57a: {  	_ =	swait.ge [sflag:s17], $0x4000  }
0x57b: {  	[sflag:s17] =	ssyncset.done $0x0  }
0x57c: {  	s24 =	simm.s32 $0x780;
	[sflag:s17] =	ssyncadd.s32 $0xFFFFC000  }
0x57d: {  	[tilespmem:s11], [sflag:$0x2] =	stream.indirect.gather [hbm4b:s8+s9], $0x80, s24, s9, $0xb8;
	[tilespmem:$0x1D000] =	vst v63  }
0x57e: {  	_ =	swait.ge [sflag:s12], $0x4000  }
0x57f: {  	[sflag:s12] =	ssyncset.done $0x0  }
0x580: {  	s25 =	simm.s32 $0xF00;
	[sflag:s12] =	ssyncadd.s32 $0xFFFFC000  }
0x581: {  	[spmem:s2] =	stream.indirect.scatter.add.f32 [tilespmem:s10], [sflag:$0x3], $0x80, s25, s9, $0xb8;
	[tilespmem:$0x1D000] =	vst v63  }
0x582: {  	_ =	swait.ge [sflag:s13], $0x4000  }
0x583: {  	[sflag:s13] =	ssyncset.done $0x0  }
0x584: {  	[sflag:s13] =	ssyncadd.s32 $0xFFFFC000  }
0x585: {  	_ =	swait.ge [sflag:s15], $0x4000  }
0x586: {  	[sflag:s15] =	ssyncset.done $0x0  }
0x587: {  	s28 =	simm.s32 $0xF80;
	[sflag:s15] =	ssyncadd.s32 $0xFFFFC000  }
0x588: {  	[spmem:s2] =	stream.indirect.scatter.add.f32 [tilespmem:s11], [sflag:$0x4], $0x80, s28, s9, $0xb8;
	[tilespmem:$0x1D000] =	vst v63  }
0x589: {  	_ =	swait.ge [sflag:s17], $0x4000  }
0x58a: {  	[sflag:s17] =	ssyncset.done $0x0  }
0x58b: {  	[sflag:s17] =	ssyncadd.s32 $0xFFFFC000  }
0x58c: {  	p0 =	sne.s32 s26, $0x1;
	[bflag:$0x0] =	sbarrier.arrive $0xFFFF  }
.Ltmp1:
0x58d: {  	s29 =	rddreg [dreg:$0xf];
	(pc) =	sbr.rel @p0 .LBB2_1-.Ltmp1, $4  }
0x58e: {  	s30 =	rddreg [dreg:$0x11]  }
0x58f: {  	s31 =	rddreg [dreg:$0x10]  }
0x590: {  	[hbm:s29], [sflag:s31] =	dma.local [spmem:s30], $0x2800  }
0x591: {  	s26 =	sadd.s32 $0xFFFFFFFF, s26;
	_ =	swait.ge [sflag:s5], $0x2800  }
.LBB2_2:
0x592: {  	[sflag:s5] =	ssyncset.done $0x0  }
0x593: {  	[sflag:s5] =	ssyncadd.s32 $0xFFFFD800  }
0x594: {  	_ =	sfence.sel $0x180000  }
0x595: {  	[bflag:$0x0] =	sbarrier.arrive $0xFFFF  }
0x596: {  	_ =	strace $0x9000004A  }
0x597: {  	s0 =	stileid.u32;
	[bflag:$0x2] =	sbarrier.arrive $0xFFFF  }
0x598: {  	p0 =	sne.s32 s0, $0x0;
	s0 =	rddreg [dreg:$0x3]  }
0x599: {  	s0 =	sadd.s32 @!p0 $0x100000, s0  }
0x59a: {  	[sflag:s0] =	ssyncadd.tile.s32 @!p0 $0x1;
	_ =	shalt  }
.Lfunc_end2:
_tile_overlayer_lowered:
.L_overlay_start_2:
0x59b: {  	(tag) =	ssettag $0x2  }
0x59c: {  	s0 =	rddreg [dreg:$0x0];
	s2 =	stileid.u32  }
0x59d: {  	s1 =	rddreg [dreg:$0x1];
	p0 =	sne.s32 s2, $0x0  }
0x59e: {  	s3 =	rddreg [dreg:$0x2];
	[bflag:$0x3] =	sbarrier.arrive $0xFFFF;
	s2 =	simm.s32 @!p0 $0x1C05  }
0x59f: {  	[timem:s3], [sflag:s2] =	dma.local @!p0 [hbm:s0], s1  }
0x5a0: {  	s0 =	simm.s32 @!p0 $0x5  }
0x5a1: {  	_ =	swait.ge @!p0 [sflag:s0], s1  }
0x5a2: {  	s1 =	ssub.s32 @!p0 $0x0, s1;
	[sflag:s0] =	ssyncset.done @!p0 $0x0  }
0x5a3: {  	[sflag:s0] =	ssyncadd.s32 @!p0 s1  }
0x5a4: {  	[bflag:$0x3] =	sbarrier.arrive $0xFFFF  }
0x5a5: {  	_ =	shalt  }

// kernel: kernel.14.cloned.1.call-start
scs
__scs_entry_jumppad:
0x0: {  	(pc) =	sbr.rel $0x88, $3  }
0x1: {  	(tag) =	ssettag $0x0;
	lr =	simm.s32 $0x1  }
0x2: {  	[smem:$0x3F9B] =	sst lr;
	_ =	strace $0xD0000000  }
0x3: {  	_ = 	snop  }
0x4: {  	_ = 	snop  }
0x5: {  	_ = 	snop  }
0x6: {  	_ = 	snop  }
0x7: {  	_ = 	snop  }
__scs_overlays_trampoline_lowered:
0x8: {  	[smem:$0x3FAA] =	sst s0  }
0x9: {  	[smem:$0x3FAB] =	sst s1  }
0xa: {  	[smem:$0x3FAC] =	sst s2  }
0xb: {  	[smem:$0x3FAD] =	sst s3  }
0xc: {  	[smem:$0x3FAE] =	sst s4  }
0xd: {  	[smem:$0x3FAF] =	sst s5  }
0xe: {  	[smem:$0x3FB0] =	sst s6  }
0xf: {  	[smem:$0x3FB1] =	sst s7  }
0x10: {  	[smem:$0x3FB2] =	sst s8  }
0x11: {  	[smem:$0x3FB3] =	sst s9;
	s0 =	simm.s32 @!p0 $0x0  }
0x12: {  	s1 =	sld [smem:$0x3F99];
	s0 =	simm.s32 @p0 $0x1  }
0x13: {  	[smem:$0x3FB4] =	sst s0;
	s0 =	simm.s32 @!p1 $0x0  }
0x14: {  	s2 =	sld [smem:$0x3F98];
	s0 =	simm.s32 @p1 $0x1  }
0x15: {  	[smem:$0x3FB5] =	sst s0;
	s0 =	simm.s32 @!p2 $0x0  }
0x16: {  	s3 =	sld [smem:$0x3FDB];
	s0 =	simm.s32 @p2 $0x1  }
0x17: {  	s4 =	simm.s32 $0x1BF5;
	[smem:$0x3FB7] =	sst s0  }
0x18: {  	s0 =	sld [smem:$0x3F9A];
	_ =	swait.ge [sflag:s4], $0x0  }
0x19: {  	s7 =	sld [smem:$0x3F9B]  }
0x1a: {  	s8 =	sadd.s32 $0xFFFFE003, lr  }
0x1b: {  	s9 =	sadd.s32 $0xFFFFFEF7, lr;
	s5 =	simm.s32 $0xFFFFFFFF;
	p2 =	slt.u32 s8, $0xFFFFF086  }
0x1c: {  	p1 =	slt.u32 s9, $0xF7A;
	s5 =	simm.s32 @!p2 $0x0  }
0x1d: {  	s5 =	simm.s32 @p1 $0x1;
	p0 =	seq.s32 s7, s2  }
0x1e: {  	s7 =	smul.u32 @!p0 $0xF7A, s2;
	p2 =	seq.s32 @!p0 s5, $0x0  }
0x1f: {  	s9 =	smul.u32 $0xF7A, s1;
	s8 =	simm.s32 @!p0 $0x1BF5;
	p2 =	por !p2, p0  }
0x20: {  	[sflag:s8] =	ssyncset.s32 @!p0 $0xFFFFF086;
	s6 =	sadd.s32 @!p0 s3, s7;
	s7 =	simm.s32 @!p0 $0x108  }
0x21: {  	s3 =	sadd.s32 s3, s9;
	s6 =	sadd.s32 @!p0 $0x88, s6;
	s7 =	simm.s32 @p2 $0x1082  }
0x22: {  	[simem:s7], [sflag:s8] =	dma.local @!p0 [hbm:s6], $0xF7A  }
0x23: {  	s9 =	sor.u32 $0xD0000000, s2;
	s6 =	simm.s32 $0x108;
	_ =	swait.ge @!p0 [sflag:s8], $0x0  }
0x24: {  	s3 =	sadd.s32 $0x88, s3;
	s6 =	simm.s32 @!p1 $0x1082;
	[sflag:s4] =	ssyncset.s32 $0xFFFFF086  }
0x25: {  	[simem:s6], [sflag:s4] =	dma.local [hbm:s3], $0xF7A  }
0x26: {  	[smem:$0x3F9B] =	sst s1;
	(tag) =	ssettag s2;
	_ =	strace s9  }
0x27: {  	s1 =	sld [smem:$0x3FAB]  }
0x28: {  	s2 =	sld [smem:$0x3FAC]  }
0x29: {  	s4 =	sld [smem:$0x3FAE]  }
0x2a: {  	p0 =	seq.s32 s5, $0x0;
	s5 =	sld [smem:$0x3FAF]  }
0x2b: {  	s6 =	sld [smem:$0x3FB0]  }
0x2c: {  	s7 =	sld [smem:$0x3FB1]  }
0x2d: {  	s3 =	simm.s32 $0x108;
	s8 =	sld [smem:$0x3FB2]  }
0x2e: {  	s3 =	simm.s32 @!p0 $0x1082;
	s9 =	sld [smem:$0x3FB3]  }
0x2f: {  	lr =	sadd.s32 s0, s3;
	s0 =	sld [smem:$0x3FAA]  }
0x30: {  	s3 =	sld [smem:$0x3FAD]  }
0x31: {  	[smem:$0x3FB6] =	sst s10  }
0x32: {  	s10 =	sld [smem:$0x3FB4];
	_ =	sdelay $0x3  }
0x33: {  	p0 =	seq.s32 s10, $0x1;
	s10 =	sld [smem:$0x3FB6];
	_ =	sdelay $0x3  }
0x34: {  	[smem:$0x3FB6] =	sst s10  }
0x35: {  	s10 =	sld [smem:$0x3FB5];
	_ =	sdelay $0x3  }
0x36: {  	p1 =	seq.s32 s10, $0x1;
	s10 =	sld [smem:$0x3FB6];
	_ =	sdelay $0x3  }
0x37: {  	[smem:$0x3FB6] =	sst s10  }
0x38: {  	s10 =	sld [smem:$0x3FB7]  }
0x39: {  	_ = 	snop;
	(pc) =	sbr.ind lr, $3  }
0x3a: {  	_ = 	snop  }
0x3b: {  	_ = 	snop  }
0x3c: {  	p2 =	seq.s32 s10, $0x1;
	s10 =	sld [smem:$0x3FB6]  }
0x3d: {  	_ =	shalt  }
0x3e: {  	_ =	shalt  }
0x3f: {  	_ =	shalt  }
0x40: {  	_ =	shalt  }
0x41: {  	_ =	shalt  }
0x42: {  	_ =	shalt  }
0x43: {  	_ =	shalt  }
0x44: {  	_ =	shalt  }
0x45: {  	_ =	shalt  }
0x46: {  	_ =	shalt  }
0x47: {  	_ =	shalt  }
0x48: {  	_ =	shalt  }
0x49: {  	_ =	shalt  }
0x4a: {  	_ =	shalt  }
0x4b: {  	_ =	shalt  }
0x4c: {  	_ =	shalt  }
0x4d: {  	_ =	shalt  }
0x4e: {  	_ =	shalt  }
0x4f: {  	_ =	shalt  }
0x50: {  	_ =	shalt  }
0x51: {  	_ =	shalt  }
0x52: {  	_ =	shalt  }
0x53: {  	_ =	shalt  }
0x54: {  	_ =	shalt  }
0x55: {  	_ =	shalt  }
0x56: {  	_ =	shalt  }
0x57: {  	_ =	shalt  }
0x58: {  	_ =	shalt  }
0x59: {  	_ =	shalt  }
0x5a: {  	_ =	shalt  }
0x5b: {  	_ =	shalt  }
0x5c: {  	_ =	shalt  }
0x5d: {  	_ =	shalt  }
0x5e: {  	_ =	shalt  }
0x5f: {  	_ =	shalt  }
0x60: {  	_ =	shalt  }
0x61: {  	_ =	shalt  }
0x62: {  	_ =	shalt  }
0x63: {  	_ =	shalt  }
0x64: {  	_ =	shalt  }
0x65: {  	_ =	shalt  }
0x66: {  	_ =	shalt  }
0x67: {  	_ =	shalt  }
0x68: {  	_ =	shalt  }
0x69: {  	_ =	shalt  }
0x6a: {  	_ =	shalt  }
0x6b: {  	_ =	shalt  }
0x6c: {  	_ =	shalt  }
0x6d: {  	_ =	shalt  }
0x6e: {  	_ =	shalt  }
0x6f: {  	_ =	shalt  }
0x70: {  	_ =	shalt  }
0x71: {  	_ =	shalt  }
0x72: {  	_ =	shalt  }
0x73: {  	_ =	shalt  }
0x74: {  	_ =	shalt  }
0x75: {  	_ =	shalt  }
0x76: {  	_ =	shalt  }
0x77: {  	_ =	shalt  }
0x78: {  	_ =	shalt  }
0x79: {  	_ =	shalt  }
0x7a: {  	_ =	shalt  }
0x7b: {  	_ =	shalt  }
0x7c: {  	_ =	shalt  }
0x7d: {  	_ =	shalt  }
0x7e: {  	_ =	shalt  }
0x7f: {  	_ =	shalt  }
0x80: {  	_ =	shalt  }
0x81: {  	_ =	shalt  }
0x82: {  	_ =	shalt  }
0x83: {  	_ =	shalt  }
0x84: {  	_ =	shalt  }
0x85: {  	_ =	shalt  }
0x86: {  	_ =	shalt  }
0x87: {  	_ =	shalt  }
.Lfunc_end0:
.L_simem_size_0:
called_computation.2_lowered:
.L_overlay_start_0:
0x88: {  	s2 =	sld [smem:$0x3FD9]  }
0x89: {  	s3 =	sld [smem:$0x3FFE];
	_ =	sdelay $0x1  }
0x8a: {  	s1 =	srdreg.scid  }
0x8b: {  	s0 =	sand.u32 $0x1, s1  }
0x8c: {  	s17 =	sshll.u32 s0, $0xA;
	s2 =	sadd.s32 s3, s2  }
0x8d: {  	s2 =	sadd.s32 s2, s17  }
0x8e: {  	[smem:$0x3FC2] =	sst s2  }
0x8f: {  	_ = 	snop  }
0x90: {  	s2 =	sld [smem:$0x3FD0];
	(tm) =	ssettm $0x1  }
0x91: {  	s18 =	sld [smem:$0x3FFB];
	_ =	sdelay $0x3  }
0x92: {  	_ =	strace s18  }
0x93: {  	s3 =	sld [smem:$0x3FFC];
	_ =	sdelay $0x3  }
0x94: {  	_ =	strace s3  }
0x95: {  	s3 =	sld [smem:$0x3FFD];
	_ =	sdelay $0x3  }
0x96: {  	_ =	strace s3  }
0x97: {  	_ =	strace $0x8FFFFFFF  }
0x98: {  	s19 =	sld [smem:$0x3FDB];
	_ =	sdelay $0x1  }
0x99: {  	s4 =	simm.s32 $_scs_section_size  }
0x9a: {  	s5 =	simm.s32 $_size__tile_overlayer_lowered;
	s6 =	simm.s32 $_tile_overlayer_lowered  }
0x9b: {  	s22 =	simm.s32 $0x1BFF;
	s21 =	sshll.u32 s6, $0x1;
	s3 =	sadd.s32 s4, s19  }
0x9c: {  	s7 =	simm.s32 $0x0;
	s20 =	sshll.u32 s5, $0x1;
	s5 =	sadd.s32 s21, s3  }
0x9d: {  	[timem:s7], [sflag:s22] =	dma.local [hbm:s5], s20  }
0x9e: {  	_ =	swait.ge [sflag:s22], s20  }
0x9f: {  	s4 =	ssub.s32 $0x0, s20;
	[sflag:s22] =	ssyncset.done $0x0  }
0xa0: {  	[sflag:s22] =	ssyncadd.s32 s4;
	_ =	sdelay $0x1  }
0xa1: {  	s23 =	simm.s32 $0x1B8B  }
0xa2: {  	_ =	swait.ge [sflag:s23], $0x1  }
0xa3: {  	[sflag:s23] =	ssyncset.done $0x0  }
0xa4: {  	s25 =	simm.s32 $0x1B8E;
	s24 =	sld [smem:$0x3FFE];
	[sflag:s23] =	ssyncadd.s32 $0xFFFFFFFF  }
0xa5: {  	s26 =	simm.s32 $execute0_lowered;
	[smem:$0x3FD2] =	sst s25  }
0xa6: {  	s5 =	sshll.u32 s26, $0x1;
	_ =	strace $0x8000004C;
	[dreg:$0x1] =	wrdreg $0xFFFFFFFF  }
0xa7: {  	s28 =	simm.s32 $_size_execute0_lowered;
	s3 =	sadd.s32 s3, s5;
	[dreg:$0x0] =	wrdreg $0x0  }
0xa8: {  	s5 =	sshll.u32 s28, $0x1;
	[dreg:$0x2] =	wrdreg s3  }
0xa9: {  	[dreg:$0x3] =	wrdreg s5  }
0xaa: {  	[dreg:$0x4] =	wrdreg $0xC0  }
0xab: {  	_ =	task [dreg:s7], $0x5FFFF  }
0xac: {  	[dreg:$0x1] =	wrdreg $0xFFFFFFFF  }
0xad: {  	[dreg:$0x0] =	wrdreg $0x60  }
0xae: {  	[dreg:$0x2] =	wrdreg s24  }
0xaf: {  	[dreg:$0x3] =	wrdreg s2  }
0xb0: {  	[dreg:$0x4] =	wrdreg $0x10000  }
0xb1: {  	[dreg:$0x5] =	wrdreg $0x9  }
0xb2: {  	_ =	task.clear_ibuf [dreg:s7], $0x6FFFF;
	_ =	strace $0x9000004C  }
0xb3: {  	s29 =	simm.s32 $0x9;
	_ =	strace $0x8000004E  }
0xb4: {  	_ =	swait.ge [sflag:s29], $0x1  }
0xb5: {  	[sflag:s29] =	ssyncadd.s32 $0xFFFFFFFF  }
0xb6: {  	_ =	strace $0x9000004E  }
0xb7: {  	_ =	sfence  }
0xb8: {  	s30 =	sld [smem:$0x0];
	_ =	sdelay $0x2  }
0xb9: {  	s31 =	sshll.u32 s1, $0xD;
	s1 =	sshrl.u32 s1, $0x2  }
0xba: {  	s3 =	sand.u32 $0x4000, s31;
	s1 =	sadd.s32 s1, s30  }
0xbb: {  	s0 =	sor.u32 s3, s0;
	s1 =	sshll.u32 s1, $0x11  }
0xbc: {  	s0 =	sor.u32 s1, s0  }
0xbd: {  	s0 =	sadd.s32 $0x8F2B, s0  }
0xbe: {  	[sflag:s0] =	ssyncadd.remote.s32 $0x1  }
0xbf: {  	_ =	sfence.sel $0xFFFF  }
0xc0: {  	[dreg:$0x0] =	wrdreg $0xFFFFFFFF;
	(pc) =	sbr.abs _section_cstart, $3  }
0xc1: {  	[dreg:$0x1] =	wrdreg $0xFFFFFFFF  }
0xc2: {  	_ =	task.clear_ibuf [dreg:s7], $0x2FFFF;
	_ =	strace $0x9FFFFFFF  }
0xc3: {  	(tm) =	ssettm $0x7FFFFFFF  }
tec
execute0_lowered:
.L_overlay_start_1:
0x0: {  	(tag) =	ssettag $0x1  }
0x1: {  	s0 =	rddreg [dreg:$0x0]  }
0x2: {  	s1 =	rddreg [dreg:$0x1];
	s3 =	srdreg.scid  }
0x3: {  	s10 =	stileid.u32;
	s2 =	rddreg [dreg:$0x2];
	s21 =	simm.s32 $0x0  }
0x4: {  	s7 =	sand.u32 $0x1, s3;
	s4 =	sshll.u32 s10, $0x1;
	[smem:$0x7FF] =	sst s21  }
0x5: {  	s30 =	sadd.s32 $0x34600, s0;
	s6 =	sadd.s32 $0x2600, s0;
	s8 =	smul.u32 $0x14000, s10  }
0x6: {  	s16 =	smul.u32 $0x50000, s10;
	s23 =	sshll.u32 s10, $0x6;
	[dreg:$0x12] =	wrdreg s7  }
0x7: {  	s4 =	sor.u32 s7, s4;
	s31 =	smul.u32 $0x140000, s7;
	s25 =	sor.u32 $0x1C05, s23  }
0x8: {  	s5 =	smul.u32 $0x500, s4;
	_ =	strace $0x8000004D;
	[dreg:$0x4] =	wrdreg s30  }
0x9: {  	s4 =	smul.u32 $0x2800, s4;
	s19 =	sshrl.u32 s16, $0x2;
	[dreg:$0x10] =	wrdreg s25  }
0xa: {  	s22 =	sadd.s32 s19, s2;
	s24 =	rddreg [dreg:$0x4];
	s9 =	sadd.s32 s6, s5  }
0xb: {  	s4 =	sshrl.u32 s4, $0x3;
	s5 =	sadd.s32 s1, s5;
	[dreg:$0x5] =	wrdreg s9  }
0xc: {  	s28 =	sshrl.u32 s22, $0x3;
	s7 =	sadd.s32 $0x100, s4;
	[dreg:$0x6] =	wrdreg s5  }
0xd: {  	s3 =	sadd.s32 s8, s31;
	[dreg:$0x11] =	wrdreg s28;
	s8 =	sadd.s32 s6, s7  }
0xe: {  	s12 =	sadd.s32 $0x200, s4;
	s11 =	sadd.s32 s1, s7;
	[dreg:$0x7] =	wrdreg s8  }
0xf: {  	s13 =	sadd.s32 s6, s12;
	[dreg:$0x8] =	wrdreg s11  }
0x10: {  	s15 =	sadd.s32 $0x300, s4;
	s14 =	sadd.s32 s1, s12;
	[dreg:$0x9] =	wrdreg s13  }
0x11: {  	s17 =	sadd.s32 s6, s15;
	[dreg:$0xa] =	wrdreg s14  }
0x12: {  	s4 =	sadd.s32 $0x400, s4;
	s18 =	sadd.s32 s1, s15;
	[dreg:$0xb] =	wrdreg s17  }
0x13: {  	s3 =	sshrl.u32 s3, $0x3;
	s20 =	sadd.s32 s6, s4;
	[dreg:$0xc] =	wrdreg s18  }
0x14: {  	s3 =	sadd.s32 s3, s0;
	s1 =	sadd.s32 s1, s4;
	[dreg:$0xd] =	wrdreg s20  }
0x15: {  	s26 =	sadd.s32 $0x36E00, s3;
	[dreg:$0xe] =	wrdreg s1  }
0x16: {  	s5 =	simm.s32 $0x5;
	[dreg:$0xf] =	wrdreg s26  }
0x17: {  	[spmem:s28], [sflag:s25] =	dma.local [hbm:s24], $0x2800  }
0x18: {  	_ =	swait.ge [sflag:s5], $0x2800  }
0x19: {  	[sflag:s5] =	ssyncset.done $0x0  }
0x1a: {  	[sflag:s5] =	ssyncadd.s32 $0xFFFFD800  }
0x1b: {  	[bflag:$0x0] =	sbarrier.arrive $0xFFFF  }
0x1c: {  	s29 =	rddreg [dreg:$0x5]  }
0x1d: {  	[tilespmem:s21], [sflag:$0x5] =	stream.linear.gather [hbm4b:s29+s21], $0x800, $0x38;
	[tilespmem:$0x1D000] =	vst v63  }
0x1e: {  	_ =	swait.ge [sflag:s5], $0x800  }
0x1f: {  	[sflag:s5] =	ssyncset.done $0x0  }
0x20: {  	s31 =	simm.s32 $0x800;
	s30 =	rddreg [dreg:$0x6];
	[sflag:s5] =	ssyncadd.s32 $0xFFFFF800  }
0x21: {  	[tilespmem:s31], [sflag:$0x5] =	stream.linear.gather [hbm4b:s30+s21], $0x800, $0x38;
	[tilespmem:$0x1D000] =	vst v63  }
0x22: {  	_ =	swait.ge [sflag:s5], $0x800  }
0x23: {  	s10 =	simm.s32 $0x15000;
	[sflag:s5] =	ssyncset.done $0x0  }
0x24: {  	s9 =	simm.s32 $0x80;
	s8 =	sadd.s32 $0xC600, s0;
	[sflag:s5] =	ssyncadd.s32 $0xFFFFF800  }
0x25: {  	[tilespmem:s10], [sflag:$0x1] =	stream.indirect.gather [hbm4b:s8+s9], $0x80, s21, s9, $0xb8;
	[tilespmem:$0x1D000] =	vst v63  }
0x26: {  	s12 =	simm.s32 $0x1;
	s11 =	simm.s32 $0x19000  }
0x27: {  	[tilespmem:s11], [sflag:$0x2] =	stream.indirect.gather [hbm4b:s8+s9], $0x80, s9, s9, $0xb8;
	[tilespmem:$0x1D000] =	vst v63  }
0x28: {  	_ =	swait.ge [sflag:s12], $0x4000  }
0x29: {  	[sflag:s12] =	ssyncset.done $0x0  }
0x2a: {  	s13 =	simm.s32 $0x3;
	[sflag:s12] =	ssyncadd.s32 $0xFFFFC000  }
0x2b: {  	[spmem:s2] =	stream.indirect.scatter.add.f32 [tilespmem:s10], [sflag:$0x3], $0x80, s31, s9, $0xb8;
	[tilespmem:$0x1D000] =	vst v63  }
0x2c: {  	_ =	swait.ge [sflag:s13], $0x4000  }
0x2d: {  	[sflag:s13] =	ssyncset.done $0x0  }
0x2e: {  	s3 =	simm.s32 $0x100;
	s15 =	simm.s32 $0x2;
	[sflag:s13] =	ssyncadd.s32 $0xFFFFC000  }
0x2f: {  	[tilespmem:s10], [sflag:$0x1] =	stream.indirect.gather [hbm4b:s8+s9], $0x80, s3, s9, $0xb8;
	[tilespmem:$0x1D000] =	vst v63  }
0x30: {  	_ =	swait.ge [sflag:s15], $0x4000  }
0x31: {  	[sflag:s15] =	ssyncset.done $0x0  }
0x32: {  	s4 =	simm.s32 $0x880;
	s17 =	simm.s32 $0x4;
	[sflag:s15] =	ssyncadd.s32 $0xFFFFC000  }
0x33: {  	[spmem:s2] =	stream.indirect.scatter.add.f32 [tilespmem:s11], [sflag:$0x4], $0x80, s4, s9, $0xb8;
	[tilespmem:$0x1D000] =	vst v63  }
0x34: {  	_ =	swait.ge [sflag:s17], $0x4000  }
0x35: {  	[sflag:s17] =	ssyncset.done $0x0  }
0x36: {  	s6 =	simm.s32 $0x180;
	[sflag:s17] =	ssyncadd.s32 $0xFFFFC000  }
0x37: {  	[tilespmem:s11], [sflag:$0x2] =	stream.indirect.gather [hbm4b:s8+s9], $0x80, s6, s9, $0xb8;
	[tilespmem:$0x1D000] =	vst v63  }
0x38: {  	_ =	swait.ge [sflag:s12], $0x4000  }
0x39: {  	[sflag:s12] =	ssyncset.done $0x0  }
0x3a: {  	s7 =	simm.s32 $0x900;
	[sflag:s12] =	ssyncadd.s32 $0xFFFFC000  }
0x3b: {  	[spmem:s2] =	stream.indirect.scatter.add.f32 [tilespmem:s10], [sflag:$0x3], $0x80, s7, s9, $0xb8;
	[tilespmem:$0x1D000] =	vst v63  }
0x3c: {  	_ =	swait.ge [sflag:s13], $0x4000  }
0x3d: {  	[sflag:s13] =	ssyncset.done $0x0  }
0x3e: {  	s14 =	simm.s32 $0x200;
	[sflag:s13] =	ssyncadd.s32 $0xFFFFC000  }
0x3f: {  	[tilespmem:s10], [sflag:$0x1] =	stream.indirect.gather [hbm4b:s8+s9], $0x80, s14, s9, $0xb8;
	[tilespmem:$0x1D000] =	vst v63  }
0x40: {  	_ =	swait.ge [sflag:s15], $0x4000  }
0x41: {  	[sflag:s15] =	ssyncset.done $0x0  }
0x42: {  	s16 =	simm.s32 $0x980;
	[sflag:s15] =	ssyncadd.s32 $0xFFFFC000  }
0x43: {  	[spmem:s2] =	stream.indirect.scatter.add.f32 [tilespmem:s11], [sflag:$0x4], $0x80, s16, s9, $0xb8;
	[tilespmem:$0x1D000] =	vst v63  }
0x44: {  	_ =	swait.ge [sflag:s17], $0x4000  }
0x45: {  	[sflag:s17] =	ssyncset.done $0x0  }
0x46: {  	s18 =	simm.s32 $0x280;
	[sflag:s17] =	ssyncadd.s32 $0xFFFFC000  }
0x47: {  	[tilespmem:s11], [sflag:$0x2] =	stream.indirect.gather [hbm4b:s8+s9], $0x80, s18, s9, $0xb8;
	[tilespmem:$0x1D000] =	vst v63  }
0x48: {  	_ =	swait.ge [sflag:s12], $0x4000  }
0x49: {  	[sflag:s12] =	ssyncset.done $0x0  }
0x4a: {  	s19 =	simm.s32 $0xA00;
	[sflag:s12] =	ssyncadd.s32 $0xFFFFC000  }
0x4b: {  	[spmem:s2] =	stream.indirect.scatter.add.f32 [tilespmem:s10], [sflag:$0x3], $0x80, s19, s9, $0xb8;
	[tilespmem:$0x1D000] =	vst v63  }
0x4c: {  	_ =	swait.ge [sflag:s13], $0x4000  }
0x4d: {  	[sflag:s13] =	ssyncset.done $0x0  }
0x4e: {  	s20 =	simm.s32 $0x300;
	[sflag:s13] =	ssyncadd.s32 $0xFFFFC000  }
0x4f: {  	[tilespmem:s10], [sflag:$0x1] =	stream.indirect.gather [hbm4b:s8+s9], $0x80, s20, s9, $0xb8;
	[tilespmem:$0x1D000] =	vst v63  }
0x50: {  	_ =	swait.ge [sflag:s15], $0x4000  }
0x51: {  	[sflag:s15] =	ssyncset.done $0x0  }
0x52: {  	s22 =	simm.s32 $0xA80;
	[sflag:s15] =	ssyncadd.s32 $0xFFFFC000  }
0x53: {  	[spmem:s2] =	stream.indirect.scatter.add.f32 [tilespmem:s11], [sflag:$0x4], $0x80, s22, s9, $0xb8;
	[tilespmem:$0x1D000] =	vst v63  }
0x54: {  	_ =	swait.ge [sflag:s17], $0x4000  }
0x55: {  	[sflag:s17] =	ssyncset.done $0x0  }
0x56: {  	s23 =	simm.s32 $0x380;
	[sflag:s17] =	ssyncadd.s32 $0xFFFFC000  }
0x57: {  	[tilespmem:s11], [sflag:$0x2] =	stream.indirect.gather [hbm4b:s8+s9], $0x80, s23, s9, $0xb8;
	[tilespmem:$0x1D000] =	vst v63  }
0x58: {  	_ =	swait.ge [sflag:s12], $0x4000  }
0x59: {  	[sflag:s12] =	ssyncset.done $0x0  }
0x5a: {  	s24 =	simm.s32 $0xB00;
	[sflag:s12] =	ssyncadd.s32 $0xFFFFC000  }
0x5b: {  	[spmem:s2] =	stream.indirect.scatter.add.f32 [tilespmem:s10], [sflag:$0x3], $0x80, s24, s9, $0xb8;
	[tilespmem:$0x1D000] =	vst v63  }
0x5c: {  	_ =	swait.ge [sflag:s13], $0x4000  }
0x5d: {  	[sflag:s13] =	ssyncset.done $0x0  }
0x5e: {  	s25 =	simm.s32 $0x400;
	[sflag:s13] =	ssyncadd.s32 $0xFFFFC000  }
0x5f: {  	[tilespmem:s10], [sflag:$0x1] =	stream.indirect.gather [hbm4b:s8+s9], $0x80, s25, s9, $0xb8;
	[tilespmem:$0x1D000] =	vst v63  }
0x60: {  	_ =	swait.ge [sflag:s15], $0x4000  }
0x61: {  	[sflag:s15] =	ssyncset.done $0x0  }
0x62: {  	s26 =	simm.s32 $0xB80;
	[sflag:s15] =	ssyncadd.s32 $0xFFFFC000  }
0x63: {  	[spmem:s2] =	stream.indirect.scatter.add.f32 [tilespmem:s11], [sflag:$0x4], $0x80, s26, s9, $0xb8;
	[tilespmem:$0x1D000] =	vst v63  }
0x64: {  	_ =	swait.ge [sflag:s17], $0x4000  }
0x65: {  	[sflag:s17] =	ssyncset.done $0x0  }
0x66: {  	s28 =	simm.s32 $0x480;
	[sflag:s17] =	ssyncadd.s32 $0xFFFFC000  }
0x67: {  	[tilespmem:s11], [sflag:$0x2] =	stream.indirect.gather [hbm4b:s8+s9], $0x80, s28, s9, $0xb8;
	[tilespmem:$0x1D000] =	vst v63  }
0x68: {  	_ =	swait.ge [sflag:s12], $0x4000  }
0x69: {  	[sflag:s12] =	ssyncset.done $0x0  }
0x6a: {  	s29 =	simm.s32 $0xC00;
	[sflag:s12] =	ssyncadd.s32 $0xFFFFC000  }
0x6b: {  	[spmem:s2] =	stream.indirect.scatter.add.f32 [tilespmem:s10], [sflag:$0x3], $0x80, s29, s9, $0xb8;
	[tilespmem:$0x1D000] =	vst v63  }
0x6c: {  	_ =	swait.ge [sflag:s13], $0x4000  }
0x6d: {  	[sflag:s13] =	ssyncset.done $0x0  }
0x6e: {  	s30 =	simm.s32 $0x500;
	[sflag:s13] =	ssyncadd.s32 $0xFFFFC000  }
0x6f: {  	[tilespmem:s10], [sflag:$0x1] =	stream.indirect.gather [hbm4b:s8+s9], $0x80, s30, s9, $0xb8;
	[tilespmem:$0x1D000] =	vst v63  }
0x70: {  	_ =	swait.ge [sflag:s15], $0x4000  }
0x71: {  	[sflag:s15] =	ssyncset.done $0x0  }
0x72: {  	s31 =	simm.s32 $0xC80;
	[sflag:s15] =	ssyncadd.s32 $0xFFFFC000  }
0x73: {  	[spmem:s2] =	stream.indirect.scatter.add.f32 [tilespmem:s11], [sflag:$0x4], $0x80, s31, s9, $0xb8;
	[tilespmem:$0x1D000] =	vst v63  }
0x74: {  	_ =	swait.ge [sflag:s17], $0x4000  }
0x75: {  	[sflag:s17] =	ssyncset.done $0x0  }
0x76: {  	s1 =	simm.s32 $0x580;
	[sflag:s17] =	ssyncadd.s32 $0xFFFFC000  }
0x77: {  	[tilespmem:s11], [sflag:$0x2] =	stream.indirect.gather [hbm4b:s8+s9], $0x80, s1, s9, $0xb8;
	[tilespmem:$0x1D000] =	vst v63  }
0x78: {  	_ =	swait.ge [sflag:s12], $0x4000  }
0x79: {  	[sflag:s12] =	ssyncset.done $0x0  }
0x7a: {  	s3 =	simm.s32 $0xD00;
	[sflag:s12] =	ssyncadd.s32 $0xFFFFC000  }
0x7b: {  	[spmem:s2] =	stream.indirect.scatter.add.f32 [tilespmem:s10], [sflag:$0x3], $0x80, s3, s9, $0xb8;
	[tilespmem:$0x1D000] =	vst v63  }
0x7c: {  	_ =	swait.ge [sflag:s13], $0x4000  }
0x7d: {  	[sflag:s13] =	ssyncset.done $0x0  }
0x7e: {  	s4 =	simm.s32 $0x600;
	[sflag:s13] =	ssyncadd.s32 $0xFFFFC000  }
0x7f: {  	[tilespmem:s10], [sflag:$0x1] =	stream.indirect.gather [hbm4b:s8+s9], $0x80, s4, s9, $0xb8;
	[tilespmem:$0x1D000] =	vst v63  }
0x80: {  	_ =	swait.ge [sflag:s15], $0x4000  }
0x81: {  	[sflag:s15] =	ssyncset.done $0x0  }
0x82: {  	s6 =	simm.s32 $0xD80;
	[sflag:s15] =	ssyncadd.s32 $0xFFFFC000  }
0x83: {  	[spmem:s2] =	stream.indirect.scatter.add.f32 [tilespmem:s11], [sflag:$0x4], $0x80, s6, s9, $0xb8;
	[tilespmem:$0x1D000] =	vst v63  }
0x84: {  	_ =	swait.ge [sflag:s17], $0x4000  }
0x85: {  	[sflag:s17] =	ssyncset.done $0x0  }
0x86: {  	s7 =	simm.s32 $0x680;
	[sflag:s17] =	ssyncadd.s32 $0xFFFFC000  }
0x87: {  	[tilespmem:s11], [sflag:$0x2] =	stream.indirect.gather [hbm4b:s8+s9], $0x80, s7, s9, $0xb8;
	[tilespmem:$0x1D000] =	vst v63  }
0x88: {  	_ =	swait.ge [sflag:s12], $0x4000  }
0x89: {  	[sflag:s12] =	ssyncset.done $0x0  }
0x8a: {  	s14 =	simm.s32 $0xE00;
	[sflag:s12] =	ssyncadd.s32 $0xFFFFC000  }
0x8b: {  	[spmem:s2] =	stream.indirect.scatter.add.f32 [tilespmem:s10], [sflag:$0x3], $0x80, s14, s9, $0xb8;
	[tilespmem:$0x1D000] =	vst v63  }
0x8c: {  	_ =	swait.ge [sflag:s13], $0x4000  }
0x8d: {  	[sflag:s13] =	ssyncset.done $0x0  }
0x8e: {  	s16 =	simm.s32 $0x700;
	[sflag:s13] =	ssyncadd.s32 $0xFFFFC000  }
0x8f: {  	[tilespmem:s10], [sflag:$0x1] =	stream.indirect.gather [hbm4b:s8+s9], $0x80, s16, s9, $0xb8;
	[tilespmem:$0x1D000] =	vst v63  }
0x90: {  	_ =	swait.ge [sflag:s15], $0x4000  }
0x91: {  	[sflag:s15] =	ssyncset.done $0x0  }
0x92: {  	s18 =	simm.s32 $0xE80;
	[sflag:s15] =	ssyncadd.s32 $0xFFFFC000  }
0x93: {  	[spmem:s2] =	stream.indirect.scatter.add.f32 [tilespmem:s11], [sflag:$0x4], $0x80, s18, s9, $0xb8;
	[tilespmem:$0x1D000] =	vst v63  }
0x94: {  	_ =	swait.ge [sflag:s17], $0x4000  }
0x95: {  	[sflag:s17] =	ssyncset.done $0x0  }
0x96: {  	s19 =	simm.s32 $0x780;
	[sflag:s17] =	ssyncadd.s32 $0xFFFFC000  }
0x97: {  	[tilespmem:s11], [sflag:$0x2] =	stream.indirect.gather [hbm4b:s8+s9], $0x80, s19, s9, $0xb8;
	[tilespmem:$0x1D000] =	vst v63  }
0x98: {  	_ =	swait.ge [sflag:s12], $0x4000  }
0x99: {  	[sflag:s12] =	ssyncset.done $0x0  }
0x9a: {  	s20 =	simm.s32 $0xF00;
	[sflag:s12] =	ssyncadd.s32 $0xFFFFC000  }
0x9b: {  	[spmem:s2] =	stream.indirect.scatter.add.f32 [tilespmem:s10], [sflag:$0x3], $0x80, s20, s9, $0xb8;
	[tilespmem:$0x1D000] =	vst v63  }
0x9c: {  	_ =	swait.ge [sflag:s13], $0x4000  }
0x9d: {  	[sflag:s13] =	ssyncset.done $0x0  }
0x9e: {  	[sflag:s13] =	ssyncadd.s32 $0xFFFFC000  }
0x9f: {  	_ =	swait.ge [sflag:s15], $0x4000  }
0xa0: {  	[sflag:s15] =	ssyncset.done $0x0  }
0xa1: {  	s22 =	simm.s32 $0xF80;
	[sflag:s15] =	ssyncadd.s32 $0xFFFFC000  }
0xa2: {  	[spmem:s2] =	stream.indirect.scatter.add.f32 [tilespmem:s11], [sflag:$0x4], $0x80, s22, s9, $0xb8;
	[tilespmem:$0x1D000] =	vst v63  }
0xa3: {  	_ =	swait.ge [sflag:s17], $0x4000  }
0xa4: {  	[sflag:s17] =	ssyncset.done $0x0  }
0xa5: {  	s26 =	rddreg [dreg:$0x7];
	[sflag:s17] =	ssyncadd.s32 $0xFFFFC000  }
0xa6: {  	[tilespmem:s21], [sflag:$0x5] =	stream.linear.gather [hbm4b:s26+s21], $0x800, $0x38;
	[tilespmem:$0x1D000] =	vst v63  }
0xa7: {  	_ =	swait.ge [sflag:s5], $0x800  }
0xa8: {  	[sflag:s5] =	ssyncset.done $0x0  }
0xa9: {  	s24 =	simm.s32 $0x800;
	s23 =	rddreg [dreg:$0x8];
	[sflag:s5] =	ssyncadd.s32 $0xFFFFF800  }
0xaa: {  	[tilespmem:s24], [sflag:$0x5] =	stream.linear.gather [hbm4b:s23+s21], $0x800, $0x38;
	[tilespmem:$0x1D000] =	vst v63  }
0xab: {  	_ =	swait.ge [sflag:s5], $0x800  }
0xac: {  	[sflag:s5] =	ssyncset.done $0x0  }
0xad: {  	[sflag:s5] =	ssyncadd.s32 $0xFFFFF800  }
0xae: {  	[tilespmem:s10], [sflag:$0x1] =	stream.indirect.gather [hbm4b:s8+s9], $0x80, s21, s9, $0xb8;
	[tilespmem:$0x1D000] =	vst v63  }
0xaf: {  	_ = 	snop  }
0xb0: {  	[tilespmem:s11], [sflag:$0x2] =	stream.indirect.gather [hbm4b:s8+s9], $0x80, s9, s9, $0xb8;
	[tilespmem:$0x1D000] =	vst v63  }
0xb1: {  	_ =	swait.ge [sflag:s12], $0x4000  }
0xb2: {  	[sflag:s12] =	ssyncset.done $0x0  }
0xb3: {  	[sflag:s12] =	ssyncadd.s32 $0xFFFFC000  }
0xb4: {  	[spmem:s2] =	stream.indirect.scatter.add.f32 [tilespmem:s10], [sflag:$0x3], $0x80, s24, s9, $0xb8;
	[tilespmem:$0x1D000] =	vst v63  }
0xb5: {  	_ =	swait.ge [sflag:s13], $0x4000  }
0xb6: {  	[sflag:s13] =	ssyncset.done $0x0  }
0xb7: {  	s25 =	simm.s32 $0x100;
	[sflag:s13] =	ssyncadd.s32 $0xFFFFC000  }
0xb8: {  	[tilespmem:s10], [sflag:$0x1] =	stream.indirect.gather [hbm4b:s8+s9], $0x80, s25, s9, $0xb8;
	[tilespmem:$0x1D000] =	vst v63  }
0xb9: {  	_ =	swait.ge [sflag:s15], $0x4000  }
0xba: {  	[sflag:s15] =	ssyncset.done $0x0  }
0xbb: {  	s1 =	simm.s32 $0x880;
	[sflag:s15] =	ssyncadd.s32 $0xFFFFC000  }
0xbc: {  	[spmem:s2] =	stream.indirect.scatter.add.f32 [tilespmem:s11], [sflag:$0x4], $0x80, s1, s9, $0xb8;
	[tilespmem:$0x1D000] =	vst v63  }
0xbd: {  	_ =	swait.ge [sflag:s17], $0x4000  }
0xbe: {  	[sflag:s17] =	ssyncset.done $0x0  }
0xbf: {  	s3 =	simm.s32 $0x180;
	[sflag:s17] =	ssyncadd.s32 $0xFFFFC000  }
0xc0: {  	[tilespmem:s11], [sflag:$0x2] =	stream.indirect.gather [hbm4b:s8+s9], $0x80, s3, s9, $0xb8;
	[tilespmem:$0x1D000] =	vst v63  }
0xc1: {  	_ =	swait.ge [sflag:s12], $0x4000  }
0xc2: {  	[sflag:s12] =	ssyncset.done $0x0  }
0xc3: {  	s4 =	simm.s32 $0x900;
	[sflag:s12] =	ssyncadd.s32 $0xFFFFC000  }
0xc4: {  	[spmem:s2] =	stream.indirect.scatter.add.f32 [tilespmem:s10], [sflag:$0x3], $0x80, s4, s9, $0xb8;
	[tilespmem:$0x1D000] =	vst v63  }
0xc5: {  	_ =	swait.ge [sflag:s13], $0x4000  }
0xc6: {  	[sflag:s13] =	ssyncset.done $0x0  }
0xc7: {  	s6 =	simm.s32 $0x200;
	[sflag:s13] =	ssyncadd.s32 $0xFFFFC000  }
0xc8: {  	[tilespmem:s10], [sflag:$0x1] =	stream.indirect.gather [hbm4b:s8+s9], $0x80, s6, s9, $0xb8;
	[tilespmem:$0x1D000] =	vst v63  }
0xc9: {  	_ =	swait.ge [sflag:s15], $0x4000  }
0xca: {  	[sflag:s15] =	ssyncset.done $0x0  }
0xcb: {  	s7 =	simm.s32 $0x980;
	[sflag:s15] =	ssyncadd.s32 $0xFFFFC000  }
0xcc: {  	[spmem:s2] =	stream.indirect.scatter.add.f32 [tilespmem:s11], [sflag:$0x4], $0x80, s7, s9, $0xb8;
	[tilespmem:$0x1D000] =	vst v63  }
0xcd: {  	_ =	swait.ge [sflag:s17], $0x4000  }
0xce: {  	[sflag:s17] =	ssyncset.done $0x0  }
0xcf: {  	s14 =	simm.s32 $0x280;
	[sflag:s17] =	ssyncadd.s32 $0xFFFFC000  }
0xd0: {  	[tilespmem:s11], [sflag:$0x2] =	stream.indirect.gather [hbm4b:s8+s9], $0x80, s14, s9, $0xb8;
	[tilespmem:$0x1D000] =	vst v63  }
0xd1: {  	_ =	swait.ge [sflag:s12], $0x4000  }
0xd2: {  	[sflag:s12] =	ssyncset.done $0x0  }
0xd3: {  	s16 =	simm.s32 $0xA00;
	[sflag:s12] =	ssyncadd.s32 $0xFFFFC000  }
0xd4: {  	[spmem:s2] =	stream.indirect.scatter.add.f32 [tilespmem:s10], [sflag:$0x3], $0x80, s16, s9, $0xb8;
	[tilespmem:$0x1D000] =	vst v63  }
0xd5: {  	_ =	swait.ge [sflag:s13], $0x4000  }
0xd6: {  	[sflag:s13] =	ssyncset.done $0x0  }
0xd7: {  	s18 =	simm.s32 $0x300;
	[sflag:s13] =	ssyncadd.s32 $0xFFFFC000  }
0xd8: {  	[tilespmem:s10], [sflag:$0x1] =	stream.indirect.gather [hbm4b:s8+s9], $0x80, s18, s9, $0xb8;
	[tilespmem:$0x1D000] =	vst v63  }
0xd9: {  	_ =	swait.ge [sflag:s15], $0x4000  }
0xda: {  	[sflag:s15] =	ssyncset.done $0x0  }
0xdb: {  	s19 =	simm.s32 $0xA80;
	[sflag:s15] =	ssyncadd.s32 $0xFFFFC000  }
0xdc: {  	[spmem:s2] =	stream.indirect.scatter.add.f32 [tilespmem:s11], [sflag:$0x4], $0x80, s19, s9, $0xb8;
	[tilespmem:$0x1D000] =	vst v63  }
0xdd: {  	_ =	swait.ge [sflag:s17], $0x4000  }
0xde: {  	[sflag:s17] =	ssyncset.done $0x0  }
0xdf: {  	s20 =	simm.s32 $0x380;
	[sflag:s17] =	ssyncadd.s32 $0xFFFFC000  }
0xe0: {  	[tilespmem:s11], [sflag:$0x2] =	stream.indirect.gather [hbm4b:s8+s9], $0x80, s20, s9, $0xb8;
	[tilespmem:$0x1D000] =	vst v63  }
0xe1: {  	_ =	swait.ge [sflag:s12], $0x4000  }
0xe2: {  	[sflag:s12] =	ssyncset.done $0x0  }
0xe3: {  	s22 =	simm.s32 $0xB00;
	[sflag:s12] =	ssyncadd.s32 $0xFFFFC000  }
0xe4: {  	[spmem:s2] =	stream.indirect.scatter.add.f32 [tilespmem:s10], [sflag:$0x3], $0x80, s22, s9, $0xb8;
	[tilespmem:$0x1D000] =	vst v63  }
0xe5: {  	_ =	swait.ge [sflag:s13], $0x4000  }
0xe6: {  	[sflag:s13] =	ssyncset.done $0x0  }
0xe7: {  	s23 =	simm.s32 $0x400;
	[sflag:s13] =	ssyncadd.s32 $0xFFFFC000  }
0xe8: {  	[tilespmem:s10], [sflag:$0x1] =	stream.indirect.gather [hbm4b:s8+s9], $0x80, s23, s9, $0xb8;
	[tilespmem:$0x1D000] =	vst v63  }
0xe9: {  	_ =	swait.ge [sflag:s15], $0x4000  }
0xea: {  	[sflag:s15] =	ssyncset.done $0x0  }
0xeb: {  	s24 =	simm.s32 $0xB80;
	[sflag:s15] =	ssyncadd.s32 $0xFFFFC000  }
0xec: {  	[spmem:s2] =	stream.indirect.scatter.add.f32 [tilespmem:s11], [sflag:$0x4], $0x80, s24, s9, $0xb8;
	[tilespmem:$0x1D000] =	vst v63  }
0xed: {  	_ =	swait.ge [sflag:s17], $0x4000  }
0xee: {  	[sflag:s17] =	ssyncset.done $0x0  }
0xef: {  	s25 =	simm.s32 $0x480;
	[sflag:s17] =	ssyncadd.s32 $0xFFFFC000  }
0xf0: {  	[tilespmem:s11], [sflag:$0x2] =	stream.indirect.gather [hbm4b:s8+s9], $0x80, s25, s9, $0xb8;
	[tilespmem:$0x1D000] =	vst v63  }
0xf1: {  	_ =	swait.ge [sflag:s12], $0x4000  }
0xf2: {  	[sflag:s12] =	ssyncset.done $0x0  }
0xf3: {  	s28 =	simm.s32 $0xC00;
	[sflag:s12] =	ssyncadd.s32 $0xFFFFC000  }
0xf4: {  	[spmem:s2] =	stream.indirect.scatter.add.f32 [tilespmem:s10], [sflag:$0x3], $0x80, s28, s9, $0xb8;
	[tilespmem:$0x1D000] =	vst v63  }
0xf5: {  	_ =	swait.ge [sflag:s13], $0x4000  }
0xf6: {  	[sflag:s13] =	ssyncset.done $0x0  }
0xf7: {  	s29 =	simm.s32 $0x500;
	[sflag:s13] =	ssyncadd.s32 $0xFFFFC000  }
0xf8: {  	[tilespmem:s10], [sflag:$0x1] =	stream.indirect.gather [hbm4b:s8+s9], $0x80, s29, s9, $0xb8;
	[tilespmem:$0x1D000] =	vst v63  }
0xf9: {  	_ =	swait.ge [sflag:s15], $0x4000  }
0xfa: {  	[sflag:s15] =	ssyncset.done $0x0  }
0xfb: {  	s30 =	simm.s32 $0xC80;
	[sflag:s15] =	ssyncadd.s32 $0xFFFFC000  }
0xfc: {  	[spmem:s2] =	stream.indirect.scatter.add.f32 [tilespmem:s11], [sflag:$0x4], $0x80, s30, s9, $0xb8;
	[tilespmem:$0x1D000] =	vst v63  }
0xfd: {  	_ =	swait.ge [sflag:s17], $0x4000  }
0xfe: {  	[sflag:s17] =	ssyncset.done $0x0  }
0xff: {  	s31 =	simm.s32 $0x580;
	[sflag:s17] =	ssyncadd.s32 $0xFFFFC000  }
0x100: {  	[tilespmem:s11], [sflag:$0x2] =	stream.indirect.gather [hbm4b:s8+s9], $0x80, s31, s9, $0xb8;
	[tilespmem:$0x1D000] =	vst v63  }
0x101: {  	_ =	swait.ge [sflag:s12], $0x4000  }
0x102: {  	[sflag:s12] =	ssyncset.done $0x0  }
0x103: {  	s26 =	simm.s32 $0xD00;
	[sflag:s12] =	ssyncadd.s32 $0xFFFFC000  }
0x104: {  	[spmem:s2] =	stream.indirect.scatter.add.f32 [tilespmem:s10], [sflag:$0x3], $0x80, s26, s9, $0xb8;
	[tilespmem:$0x1D000] =	vst v63  }
0x105: {  	_ =	swait.ge [sflag:s13], $0x4000  }
0x106: {  	[sflag:s13] =	ssyncset.done $0x0  }
0x107: {  	s26 =	simm.s32 $0x600;
	[sflag:s13] =	ssyncadd.s32 $0xFFFFC000  }
0x108: {  	[tilespmem:s10], [sflag:$0x1] =	stream.indirect.gather [hbm4b:s8+s9], $0x80, s26, s9, $0xb8;
	[tilespmem:$0x1D000] =	vst v63  }
0x109: {  	_ =	swait.ge [sflag:s15], $0x4000  }
0x10a: {  	[sflag:s15] =	ssyncset.done $0x0  }
0x10b: {  	s26 =	simm.s32 $0xD80;
	[sflag:s15] =	ssyncadd.s32 $0xFFFFC000  }
0x10c: {  	[spmem:s2] =	stream.indirect.scatter.add.f32 [tilespmem:s11], [sflag:$0x4], $0x80, s26, s9, $0xb8;
	[tilespmem:$0x1D000] =	vst v63  }
0x10d: {  	_ =	swait.ge [sflag:s17], $0x4000  }
0x10e: {  	[sflag:s17] =	ssyncset.done $0x0  }
0x10f: {  	s26 =	simm.s32 $0x680;
	[sflag:s17] =	ssyncadd.s32 $0xFFFFC000  }
0x110: {  	[tilespmem:s11], [sflag:$0x2] =	stream.indirect.gather [hbm4b:s8+s9], $0x80, s26, s9, $0xb8;
	[tilespmem:$0x1D000] =	vst v63  }
0x111: {  	_ =	swait.ge [sflag:s12], $0x4000  }
0x112: {  	[sflag:s12] =	ssyncset.done $0x0  }
0x113: {  	s26 =	simm.s32 $0xE00;
	[sflag:s12] =	ssyncadd.s32 $0xFFFFC000  }
0x114: {  	[spmem:s2] =	stream.indirect.scatter.add.f32 [tilespmem:s10], [sflag:$0x3], $0x80, s26, s9, $0xb8;
	[tilespmem:$0x1D000] =	vst v63  }
0x115: {  	_ =	swait.ge [sflag:s13], $0x4000  }
0x116: {  	[sflag:s13] =	ssyncset.done $0x0  }
0x117: {  	s26 =	simm.s32 $0x700;
	[sflag:s13] =	ssyncadd.s32 $0xFFFFC000  }
0x118: {  	[tilespmem:s10], [sflag:$0x1] =	stream.indirect.gather [hbm4b:s8+s9], $0x80, s26, s9, $0xb8;
	[tilespmem:$0x1D000] =	vst v63  }
0x119: {  	_ =	swait.ge [sflag:s15], $0x4000  }
0x11a: {  	[sflag:s15] =	ssyncset.done $0x0  }
0x11b: {  	s26 =	simm.s32 $0xE80;
	[sflag:s15] =	ssyncadd.s32 $0xFFFFC000  }
0x11c: {  	[spmem:s2] =	stream.indirect.scatter.add.f32 [tilespmem:s11], [sflag:$0x4], $0x80, s26, s9, $0xb8;
	[tilespmem:$0x1D000] =	vst v63  }
0x11d: {  	_ =	swait.ge [sflag:s17], $0x4000  }
0x11e: {  	[sflag:s17] =	ssyncset.done $0x0  }
0x11f: {  	s26 =	simm.s32 $0x780;
	[sflag:s17] =	ssyncadd.s32 $0xFFFFC000  }
0x120: {  	[tilespmem:s11], [sflag:$0x2] =	stream.indirect.gather [hbm4b:s8+s9], $0x80, s26, s9, $0xb8;
	[tilespmem:$0x1D000] =	vst v63  }
0x121: {  	_ =	swait.ge [sflag:s12], $0x4000  }
0x122: {  	[sflag:s12] =	ssyncset.done $0x0  }
0x123: {  	s26 =	simm.s32 $0xF00;
	[sflag:s12] =	ssyncadd.s32 $0xFFFFC000  }
0x124: {  	[spmem:s2] =	stream.indirect.scatter.add.f32 [tilespmem:s10], [sflag:$0x3], $0x80, s26, s9, $0xb8;
	[tilespmem:$0x1D000] =	vst v63  }
0x125: {  	_ =	swait.ge [sflag:s13], $0x4000  }
0x126: {  	[sflag:s13] =	ssyncset.done $0x0  }
0x127: {  	[sflag:s13] =	ssyncadd.s32 $0xFFFFC000  }
0x128: {  	_ =	swait.ge [sflag:s15], $0x4000  }
0x129: {  	[sflag:s15] =	ssyncset.done $0x0  }
0x12a: {  	s26 =	simm.s32 $0xF80;
	[sflag:s15] =	ssyncadd.s32 $0xFFFFC000  }
0x12b: {  	[spmem:s2] =	stream.indirect.scatter.add.f32 [tilespmem:s11], [sflag:$0x4], $0x80, s26, s9, $0xb8;
	[tilespmem:$0x1D000] =	vst v63  }
0x12c: {  	_ =	swait.ge [sflag:s17], $0x4000  }
0x12d: {  	[sflag:s17] =	ssyncset.done $0x0  }
0x12e: {  	s26 =	rddreg [dreg:$0x9];
	[sflag:s17] =	ssyncadd.s32 $0xFFFFC000  }
0x12f: {  	[tilespmem:s21], [sflag:$0x5] =	stream.linear.gather [hbm4b:s26+s21], $0x800, $0x38;
	[tilespmem:$0x1D000] =	vst v63  }
0x130: {  	_ =	swait.ge [sflag:s5], $0x800  }
0x131: {  	[sflag:s5] =	ssyncset.done $0x0  }
0x132: {  	s0 =	simm.s32 $0x800;
	s26 =	rddreg [dreg:$0xa];
	[sflag:s5] =	ssyncadd.s32 $0xFFFFF800  }
0x133: {  	[tilespmem:s0], [sflag:$0x5] =	stream.linear.gather [hbm4b:s26+s21], $0x800, $0x38;
	[tilespmem:$0x1D000] =	vst v63  }
0x134: {  	_ =	swait.ge [sflag:s5], $0x800  }
0x135: {  	[sflag:s5] =	ssyncset.done $0x0  }
0x136: {  	[sflag:s5] =	ssyncadd.s32 $0xFFFFF800  }
0x137: {  	[tilespmem:s10], [sflag:$0x1] =	stream.indirect.gather [hbm4b:s8+s9], $0x80, s21, s9, $0xb8;
	[tilespmem:$0x1D000] =	vst v63  }
0x138: {  	_ = 	snop  }
0x139: {  	[tilespmem:s11], [sflag:$0x2] =	stream.indirect.gather [hbm4b:s8+s9], $0x80, s9, s9, $0xb8;
	[tilespmem:$0x1D000] =	vst v63  }
0x13a: {  	_ =	swait.ge [sflag:s12], $0x4000  }
0x13b: {  	[sflag:s12] =	ssyncset.done $0x0  }
0x13c: {  	[sflag:s12] =	ssyncadd.s32 $0xFFFFC000  }
0x13d: {  	[spmem:s2] =	stream.indirect.scatter.add.f32 [tilespmem:s10], [sflag:$0x3], $0x80, s0, s9, $0xb8;
	[tilespmem:$0x1D000] =	vst v63  }
0x13e: {  	_ =	swait.ge [sflag:s13], $0x4000  }
0x13f: {  	[sflag:s13] =	ssyncset.done $0x0  }
0x140: {  	s26 =	simm.s32 $0x100;
	[sflag:s13] =	ssyncadd.s32 $0xFFFFC000  }
0x141: {  	[tilespmem:s10], [sflag:$0x1] =	stream.indirect.gather [hbm4b:s8+s9], $0x80, s26, s9, $0xb8;
	[tilespmem:$0x1D000] =	vst v63  }
0x142: {  	_ =	swait.ge [sflag:s15], $0x4000  }
0x143: {  	[sflag:s15] =	ssyncset.done $0x0  }
0x144: {  	[sflag:s15] =	ssyncadd.s32 $0xFFFFC000  }
0x145: {  	[spmem:s2] =	stream.indirect.scatter.add.f32 [tilespmem:s11], [sflag:$0x4], $0x80, s1, s9, $0xb8;
	[tilespmem:$0x1D000] =	vst v63  }
0x146: {  	_ =	swait.ge [sflag:s17], $0x4000  }
0x147: {  	[sflag:s17] =	ssyncset.done $0x0  }
0x148: {  	[sflag:s17] =	ssyncadd.s32 $0xFFFFC000  }
0x149: {  	[tilespmem:s11], [sflag:$0x2] =	stream.indirect.gather [hbm4b:s8+s9], $0x80, s3, s9, $0xb8;
	[tilespmem:$0x1D000] =	vst v63  }
0x14a: {  	_ =	swait.ge [sflag:s12], $0x4000  }
0x14b: {  	[sflag:s12] =	ssyncset.done $0x0  }
0x14c: {  	[sflag:s12] =	ssyncadd.s32 $0xFFFFC000  }
0x14d: {  	[spmem:s2] =	stream.indirect.scatter.add.f32 [tilespmem:s10], [sflag:$0x3], $0x80, s4, s9, $0xb8;
	[tilespmem:$0x1D000] =	vst v63  }
0x14e: {  	_ =	swait.ge [sflag:s13], $0x4000  }
0x14f: {  	[sflag:s13] =	ssyncset.done $0x0  }
0x150: {  	[sflag:s13] =	ssyncadd.s32 $0xFFFFC000  }
0x151: {  	[tilespmem:s10], [sflag:$0x1] =	stream.indirect.gather [hbm4b:s8+s9], $0x80, s6, s9, $0xb8;
	[tilespmem:$0x1D000] =	vst v63  }
0x152: {  	_ =	swait.ge [sflag:s15], $0x4000  }
0x153: {  	[sflag:s15] =	ssyncset.done $0x0  }
0x154: {  	[sflag:s15] =	ssyncadd.s32 $0xFFFFC000  }
0x155: {  	[spmem:s2] =	stream.indirect.scatter.add.f32 [tilespmem:s11], [sflag:$0x4], $0x80, s7, s9, $0xb8;
	[tilespmem:$0x1D000] =	vst v63  }
0x156: {  	_ =	swait.ge [sflag:s17], $0x4000  }
0x157: {  	[sflag:s17] =	ssyncset.done $0x0  }
0x158: {  	[sflag:s17] =	ssyncadd.s32 $0xFFFFC000  }
0x159: {  	[tilespmem:s11], [sflag:$0x2] =	stream.indirect.gather [hbm4b:s8+s9], $0x80, s14, s9, $0xb8;
	[tilespmem:$0x1D000] =	vst v63  }
0x15a: {  	_ =	swait.ge [sflag:s12], $0x4000  }
0x15b: {  	[sflag:s12] =	ssyncset.done $0x0  }
0x15c: {  	[sflag:s12] =	ssyncadd.s32 $0xFFFFC000  }
0x15d: {  	[spmem:s2] =	stream.indirect.scatter.add.f32 [tilespmem:s10], [sflag:$0x3], $0x80, s16, s9, $0xb8;
	[tilespmem:$0x1D000] =	vst v63  }
0x15e: {  	_ =	swait.ge [sflag:s13], $0x4000  }
0x15f: {  	[sflag:s13] =	ssyncset.done $0x0  }
0x160: {  	[sflag:s13] =	ssyncadd.s32 $0xFFFFC000  }
0x161: {  	[tilespmem:s10], [sflag:$0x1] =	stream.indirect.gather [hbm4b:s8+s9], $0x80, s18, s9, $0xb8;
	[tilespmem:$0x1D000] =	vst v63  }
0x162: {  	_ =	swait.ge [sflag:s15], $0x4000  }
0x163: {  	[sflag:s15] =	ssyncset.done $0x0  }
0x164: {  	[sflag:s15] =	ssyncadd.s32 $0xFFFFC000  }
0x165: {  	[spmem:s2] =	stream.indirect.scatter.add.f32 [tilespmem:s11], [sflag:$0x4], $0x80, s19, s9, $0xb8;
	[tilespmem:$0x1D000] =	vst v63  }
0x166: {  	_ =	swait.ge [sflag:s17], $0x4000  }
0x167: {  	[sflag:s17] =	ssyncset.done $0x0  }
0x168: {  	[sflag:s17] =	ssyncadd.s32 $0xFFFFC000  }
0x169: {  	[tilespmem:s11], [sflag:$0x2] =	stream.indirect.gather [hbm4b:s8+s9], $0x80, s20, s9, $0xb8;
	[tilespmem:$0x1D000] =	vst v63  }
0x16a: {  	_ =	swait.ge [sflag:s12], $0x4000  }
0x16b: {  	[sflag:s12] =	ssyncset.done $0x0  }
0x16c: {  	[sflag:s12] =	ssyncadd.s32 $0xFFFFC000  }
0x16d: {  	[spmem:s2] =	stream.indirect.scatter.add.f32 [tilespmem:s10], [sflag:$0x3], $0x80, s22, s9, $0xb8;
	[tilespmem:$0x1D000] =	vst v63  }
0x16e: {  	_ =	swait.ge [sflag:s13], $0x4000  }
0x16f: {  	[sflag:s13] =	ssyncset.done $0x0  }
0x170: {  	[sflag:s13] =	ssyncadd.s32 $0xFFFFC000  }
0x171: {  	[tilespmem:s10], [sflag:$0x1] =	stream.indirect.gather [hbm4b:s8+s9], $0x80, s23, s9, $0xb8;
	[tilespmem:$0x1D000] =	vst v63  }
0x172: {  	_ =	swait.ge [sflag:s15], $0x4000  }
0x173: {  	[sflag:s15] =	ssyncset.done $0x0  }
0x174: {  	[sflag:s15] =	ssyncadd.s32 $0xFFFFC000  }
0x175: {  	[spmem:s2] =	stream.indirect.scatter.add.f32 [tilespmem:s11], [sflag:$0x4], $0x80, s24, s9, $0xb8;
	[tilespmem:$0x1D000] =	vst v63  }
0x176: {  	_ =	swait.ge [sflag:s17], $0x4000  }
0x177: {  	[sflag:s17] =	ssyncset.done $0x0  }
0x178: {  	[sflag:s17] =	ssyncadd.s32 $0xFFFFC000  }
0x179: {  	[tilespmem:s11], [sflag:$0x2] =	stream.indirect.gather [hbm4b:s8+s9], $0x80, s25, s9, $0xb8;
	[tilespmem:$0x1D000] =	vst v63  }
0x17a: {  	_ =	swait.ge [sflag:s12], $0x4000  }
0x17b: {  	[sflag:s12] =	ssyncset.done $0x0  }
0x17c: {  	[sflag:s12] =	ssyncadd.s32 $0xFFFFC000  }
0x17d: {  	[spmem:s2] =	stream.indirect.scatter.add.f32 [tilespmem:s10], [sflag:$0x3], $0x80, s28, s9, $0xb8;
	[tilespmem:$0x1D000] =	vst v63  }
0x17e: {  	_ =	swait.ge [sflag:s13], $0x4000  }
0x17f: {  	[sflag:s13] =	ssyncset.done $0x0  }
0x180: {  	[sflag:s13] =	ssyncadd.s32 $0xFFFFC000  }
0x181: {  	[tilespmem:s10], [sflag:$0x1] =	stream.indirect.gather [hbm4b:s8+s9], $0x80, s29, s9, $0xb8;
	[tilespmem:$0x1D000] =	vst v63  }
0x182: {  	_ =	swait.ge [sflag:s15], $0x4000  }
0x183: {  	[sflag:s15] =	ssyncset.done $0x0  }
0x184: {  	[sflag:s15] =	ssyncadd.s32 $0xFFFFC000  }
0x185: {  	[spmem:s2] =	stream.indirect.scatter.add.f32 [tilespmem:s11], [sflag:$0x4], $0x80, s30, s9, $0xb8;
	[tilespmem:$0x1D000] =	vst v63  }
0x186: {  	_ =	swait.ge [sflag:s17], $0x4000  }
0x187: {  	[sflag:s17] =	ssyncset.done $0x0  }
0x188: {  	[sflag:s17] =	ssyncadd.s32 $0xFFFFC000  }
0x189: {  	[tilespmem:s11], [sflag:$0x2] =	stream.indirect.gather [hbm4b:s8+s9], $0x80, s31, s9, $0xb8;
	[tilespmem:$0x1D000] =	vst v63  }
0x18a: {  	_ =	swait.ge [sflag:s12], $0x4000  }
0x18b: {  	[sflag:s12] =	ssyncset.done $0x0  }
0x18c: {  	s22 =	simm.s32 $0xD00;
	[sflag:s12] =	ssyncadd.s32 $0xFFFFC000  }
0x18d: {  	[spmem:s2] =	stream.indirect.scatter.add.f32 [tilespmem:s10], [sflag:$0x3], $0x80, s22, s9, $0xb8;
	[tilespmem:$0x1D000] =	vst v63  }
0x18e: {  	_ =	swait.ge [sflag:s13], $0x4000  }
0x18f: {  	[sflag:s13] =	ssyncset.done $0x0  }
0x190: {  	s23 =	simm.s32 $0x600;
	[sflag:s13] =	ssyncadd.s32 $0xFFFFC000  }
0x191: {  	[tilespmem:s10], [sflag:$0x1] =	stream.indirect.gather [hbm4b:s8+s9], $0x80, s23, s9, $0xb8;
	[tilespmem:$0x1D000] =	vst v63  }
0x192: {  	_ =	swait.ge [sflag:s15], $0x4000  }
0x193: {  	[sflag:s15] =	ssyncset.done $0x0  }
0x194: {  	s24 =	simm.s32 $0xD80;
	[sflag:s15] =	ssyncadd.s32 $0xFFFFC000  }
0x195: {  	[spmem:s2] =	stream.indirect.scatter.add.f32 [tilespmem:s11], [sflag:$0x4], $0x80, s24, s9, $0xb8;
	[tilespmem:$0x1D000] =	vst v63  }
0x196: {  	_ =	swait.ge [sflag:s17], $0x4000  }
0x197: {  	[sflag:s17] =	ssyncset.done $0x0  }
0x198: {  	s25 =	simm.s32 $0x680;
	[sflag:s17] =	ssyncadd.s32 $0xFFFFC000  }
0x199: {  	[tilespmem:s11], [sflag:$0x2] =	stream.indirect.gather [hbm4b:s8+s9], $0x80, s25, s9, $0xb8;
	[tilespmem:$0x1D000] =	vst v63  }
0x19a: {  	_ =	swait.ge [sflag:s12], $0x4000  }
0x19b: {  	[sflag:s12] =	ssyncset.done $0x0  }
0x19c: {  	s26 =	simm.s32 $0xE00;
	[sflag:s12] =	ssyncadd.s32 $0xFFFFC000  }
0x19d: {  	[spmem:s2] =	stream.indirect.scatter.add.f32 [tilespmem:s10], [sflag:$0x3], $0x80, s26, s9, $0xb8;
	[tilespmem:$0x1D000] =	vst v63  }
0x19e: {  	_ =	swait.ge [sflag:s13], $0x4000  }
0x19f: {  	[sflag:s13] =	ssyncset.done $0x0  }
0x1a0: {  	s28 =	simm.s32 $0x700;
	[sflag:s13] =	ssyncadd.s32 $0xFFFFC000  }
0x1a1: {  	[tilespmem:s10], [sflag:$0x1] =	stream.indirect.gather [hbm4b:s8+s9], $0x80, s28, s9, $0xb8;
	[tilespmem:$0x1D000] =	vst v63  }
0x1a2: {  	_ =	swait.ge [sflag:s15], $0x4000  }
0x1a3: {  	[sflag:s15] =	ssyncset.done $0x0  }
0x1a4: {  	s29 =	simm.s32 $0xE80;
	[sflag:s15] =	ssyncadd.s32 $0xFFFFC000  }
0x1a5: {  	[spmem:s2] =	stream.indirect.scatter.add.f32 [tilespmem:s11], [sflag:$0x4], $0x80, s29, s9, $0xb8;
	[tilespmem:$0x1D000] =	vst v63  }
0x1a6: {  	_ =	swait.ge [sflag:s17], $0x4000  }
0x1a7: {  	[sflag:s17] =	ssyncset.done $0x0  }
0x1a8: {  	s30 =	simm.s32 $0x780;
	[sflag:s17] =	ssyncadd.s32 $0xFFFFC000  }
0x1a9: {  	[tilespmem:s11], [sflag:$0x2] =	stream.indirect.gather [hbm4b:s8+s9], $0x80, s30, s9, $0xb8;
	[tilespmem:$0x1D000] =	vst v63  }
0x1aa: {  	_ =	swait.ge [sflag:s12], $0x4000  }
0x1ab: {  	[sflag:s12] =	ssyncset.done $0x0  }
0x1ac: {  	s31 =	simm.s32 $0xF00;
	[sflag:s12] =	ssyncadd.s32 $0xFFFFC000  }
0x1ad: {  	[spmem:s2] =	stream.indirect.scatter.add.f32 [tilespmem:s10], [sflag:$0x3], $0x80, s31, s9, $0xb8;
	[tilespmem:$0x1D000] =	vst v63  }
0x1ae: {  	_ =	swait.ge [sflag:s13], $0x4000  }
0x1af: {  	[sflag:s13] =	ssyncset.done $0x0  }
0x1b0: {  	[sflag:s13] =	ssyncadd.s32 $0xFFFFC000  }
0x1b1: {  	_ =	swait.ge [sflag:s15], $0x4000  }
0x1b2: {  	[sflag:s15] =	ssyncset.done $0x0  }
0x1b3: {  	s1 =	simm.s32 $0xF80;
	[sflag:s15] =	ssyncadd.s32 $0xFFFFC000  }
0x1b4: {  	[spmem:s2] =	stream.indirect.scatter.add.f32 [tilespmem:s11], [sflag:$0x4], $0x80, s1, s9, $0xb8;
	[tilespmem:$0x1D000] =	vst v63  }
0x1b5: {  	_ =	swait.ge [sflag:s17], $0x4000  }
0x1b6: {  	[sflag:s17] =	ssyncset.done $0x0  }
0x1b7: {  	s3 =	rddreg [dreg:$0xb];
	[sflag:s17] =	ssyncadd.s32 $0xFFFFC000  }
0x1b8: {  	[tilespmem:s21], [sflag:$0x5] =	stream.linear.gather [hbm4b:s3+s21], $0x800, $0x38;
	[tilespmem:$0x1D000] =	vst v63  }
0x1b9: {  	_ =	swait.ge [sflag:s5], $0x800  }
0x1ba: {  	[sflag:s5] =	ssyncset.done $0x0  }
0x1bb: {  	s6 =	simm.s32 $0x800;
	s4 =	rddreg [dreg:$0xc];
	[sflag:s5] =	ssyncadd.s32 $0xFFFFF800  }
0x1bc: {  	[tilespmem:s6], [sflag:$0x5] =	stream.linear.gather [hbm4b:s4+s21], $0x800, $0x38;
	[tilespmem:$0x1D000] =	vst v63  }
0x1bd: {  	_ =	swait.ge [sflag:s5], $0x800  }
0x1be: {  	[sflag:s5] =	ssyncset.done $0x0  }
0x1bf: {  	[sflag:s5] =	ssyncadd.s32 $0xFFFFF800  }
0x1c0: {  	[tilespmem:s10], [sflag:$0x1] =	stream.indirect.gather [hbm4b:s8+s9], $0x80, s21, s9, $0xb8;
	[tilespmem:$0x1D000] =	vst v63  }
0x1c1: {  	_ = 	snop  }
0x1c2: {  	[tilespmem:s11], [sflag:$0x2] =	stream.indirect.gather [hbm4b:s8+s9], $0x80, s9, s9, $0xb8;
	[tilespmem:$0x1D000] =	vst v63  }
0x1c3: {  	_ =	swait.ge [sflag:s12], $0x4000  }
0x1c4: {  	[sflag:s12] =	ssyncset.done $0x0  }
0x1c5: {  	[sflag:s12] =	ssyncadd.s32 $0xFFFFC000  }
0x1c6: {  	[spmem:s2] =	stream.indirect.scatter.add.f32 [tilespmem:s10], [sflag:$0x3], $0x80, s6, s9, $0xb8;
	[tilespmem:$0x1D000] =	vst v63  }
0x1c7: {  	_ =	swait.ge [sflag:s13], $0x4000  }
0x1c8: {  	[sflag:s13] =	ssyncset.done $0x0  }
0x1c9: {  	s7 =	simm.s32 $0x100;
	[sflag:s13] =	ssyncadd.s32 $0xFFFFC000  }
0x1ca: {  	[tilespmem:s10], [sflag:$0x1] =	stream.indirect.gather [hbm4b:s8+s9], $0x80, s7, s9, $0xb8;
	[tilespmem:$0x1D000] =	vst v63  }
0x1cb: {  	_ =	swait.ge [sflag:s15], $0x4000  }
0x1cc: {  	[sflag:s15] =	ssyncset.done $0x0  }
0x1cd: {  	s1 =	simm.s32 $0x880;
	[sflag:s15] =	ssyncadd.s32 $0xFFFFC000  }
0x1ce: {  	[spmem:s2] =	stream.indirect.scatter.add.f32 [tilespmem:s11], [sflag:$0x4], $0x80, s1, s9, $0xb8;
	[tilespmem:$0x1D000] =	vst v63  }
0x1cf: {  	_ =	swait.ge [sflag:s17], $0x4000  }
0x1d0: {  	[sflag:s17] =	ssyncset.done $0x0  }
0x1d1: {  	s14 =	simm.s32 $0x180;
	[sflag:s17] =	ssyncadd.s32 $0xFFFFC000  }
0x1d2: {  	[tilespmem:s11], [sflag:$0x2] =	stream.indirect.gather [hbm4b:s8+s9], $0x80, s14, s9, $0xb8;
	[tilespmem:$0x1D000] =	vst v63  }
0x1d3: {  	_ =	swait.ge [sflag:s12], $0x4000  }
0x1d4: {  	[sflag:s12] =	ssyncset.done $0x0  }
0x1d5: {  	s3 =	simm.s32 $0x900;
	[sflag:s12] =	ssyncadd.s32 $0xFFFFC000  }
0x1d6: {  	[spmem:s2] =	stream.indirect.scatter.add.f32 [tilespmem:s10], [sflag:$0x3], $0x80, s3, s9, $0xb8;
	[tilespmem:$0x1D000] =	vst v63  }
0x1d7: {  	_ =	swait.ge [sflag:s13], $0x4000  }
0x1d8: {  	[sflag:s13] =	ssyncset.done $0x0  }
0x1d9: {  	s16 =	simm.s32 $0x200;
	[sflag:s13] =	ssyncadd.s32 $0xFFFFC000  }
0x1da: {  	[tilespmem:s10], [sflag:$0x1] =	stream.indirect.gather [hbm4b:s8+s9], $0x80, s16, s9, $0xb8;
	[tilespmem:$0x1D000] =	vst v63  }
0x1db: {  	_ =	swait.ge [sflag:s15], $0x4000  }
0x1dc: {  	[sflag:s15] =	ssyncset.done $0x0  }
0x1dd: {  	s4 =	simm.s32 $0x980;
	[sflag:s15] =	ssyncadd.s32 $0xFFFFC000  }
0x1de: {  	[spmem:s2] =	stream.indirect.scatter.add.f32 [tilespmem:s11], [sflag:$0x4], $0x80, s4, s9, $0xb8;
	[tilespmem:$0x1D000] =	vst v63  }
0x1df: {  	_ =	swait.ge [sflag:s17], $0x4000  }
0x1e0: {  	[sflag:s17] =	ssyncset.done $0x0  }
0x1e1: {  	s19 =	simm.s32 $0x280;
	[sflag:s17] =	ssyncadd.s32 $0xFFFFC000  }
0x1e2: {  	[tilespmem:s11], [sflag:$0x2] =	stream.indirect.gather [hbm4b:s8+s9], $0x80, s19, s9, $0xb8;
	[tilespmem:$0x1D000] =	vst v63  }
0x1e3: {  	_ =	swait.ge [sflag:s12], $0x4000  }
0x1e4: {  	[sflag:s12] =	ssyncset.done $0x0  }
0x1e5: {  	s6 =	simm.s32 $0xA00;
	[sflag:s12] =	ssyncadd.s32 $0xFFFFC000  }
0x1e6: {  	[spmem:s2] =	stream.indirect.scatter.add.f32 [tilespmem:s10], [sflag:$0x3], $0x80, s6, s9, $0xb8;
	[tilespmem:$0x1D000] =	vst v63  }
0x1e7: {  	_ =	swait.ge [sflag:s13], $0x4000  }
0x1e8: {  	[sflag:s13] =	ssyncset.done $0x0  }
0x1e9: {  	s22 =	simm.s32 $0x300;
	[sflag:s13] =	ssyncadd.s32 $0xFFFFC000  }
0x1ea: {  	[tilespmem:s10], [sflag:$0x1] =	stream.indirect.gather [hbm4b:s8+s9], $0x80, s22, s9, $0xb8;
	[tilespmem:$0x1D000] =	vst v63  }
0x1eb: {  	_ =	swait.ge [sflag:s15], $0x4000  }
0x1ec: {  	[sflag:s15] =	ssyncset.done $0x0  }
0x1ed: {  	s7 =	simm.s32 $0xA80;
	[sflag:s15] =	ssyncadd.s32 $0xFFFFC000  }
0x1ee: {  	[spmem:s2] =	stream.indirect.scatter.add.f32 [tilespmem:s11], [sflag:$0x4], $0x80, s7, s9, $0xb8;
	[tilespmem:$0x1D000] =	vst v63  }
0x1ef: {  	_ =	swait.ge [sflag:s17], $0x4000  }
0x1f0: {  	[sflag:s17] =	ssyncset.done $0x0  }
0x1f1: {  	s24 =	simm.s32 $0x380;
	[sflag:s17] =	ssyncadd.s32 $0xFFFFC000  }
0x1f2: {  	[tilespmem:s11], [sflag:$0x2] =	stream.indirect.gather [hbm4b:s8+s9], $0x80, s24, s9, $0xb8;
	[tilespmem:$0x1D000] =	vst v63  }
0x1f3: {  	_ =	swait.ge [sflag:s12], $0x4000  }
0x1f4: {  	[sflag:s12] =	ssyncset.done $0x0  }
0x1f5: {  	s14 =	simm.s32 $0xB00;
	[sflag:s12] =	ssyncadd.s32 $0xFFFFC000  }
0x1f6: {  	[spmem:s2] =	stream.indirect.scatter.add.f32 [tilespmem:s10], [sflag:$0x3], $0x80, s14, s9, $0xb8;
	[tilespmem:$0x1D000] =	vst v63  }
0x1f7: {  	_ =	swait.ge [sflag:s13], $0x4000  }
0x1f8: {  	[sflag:s13] =	ssyncset.done $0x0  }
0x1f9: {  	s26 =	simm.s32 $0x400;
	[sflag:s13] =	ssyncadd.s32 $0xFFFFC000  }
0x1fa: {  	[tilespmem:s10], [sflag:$0x1] =	stream.indirect.gather [hbm4b:s8+s9], $0x80, s26, s9, $0xb8;
	[tilespmem:$0x1D000] =	vst v63  }
0x1fb: {  	_ =	swait.ge [sflag:s15], $0x4000  }
0x1fc: {  	[sflag:s15] =	ssyncset.done $0x0  }
0x1fd: {  	s16 =	simm.s32 $0xB80;
	[sflag:s15] =	ssyncadd.s32 $0xFFFFC000  }
0x1fe: {  	[spmem:s2] =	stream.indirect.scatter.add.f32 [tilespmem:s11], [sflag:$0x4], $0x80, s16, s9, $0xb8;
	[tilespmem:$0x1D000] =	vst v63  }
0x1ff: {  	_ =	swait.ge [sflag:s17], $0x4000  }
0x200: {  	[sflag:s17] =	ssyncset.done $0x0  }
0x201: {  	s28 =	simm.s32 $0x480;
	[sflag:s17] =	ssyncadd.s32 $0xFFFFC000  }
0x202: {  	[tilespmem:s11], [sflag:$0x2] =	stream.indirect.gather [hbm4b:s8+s9], $0x80, s28, s9, $0xb8;
	[tilespmem:$0x1D000] =	vst v63  }
0x203: {  	_ =	swait.ge [sflag:s12], $0x4000  }
0x204: {  	[sflag:s12] =	ssyncset.done $0x0  }
0x205: {  	s29 =	simm.s32 $0xC00;
	[sflag:s12] =	ssyncadd.s32 $0xFFFFC000  }
0x206: {  	[spmem:s2] =	stream.indirect.scatter.add.f32 [tilespmem:s10], [sflag:$0x3], $0x80, s29, s9, $0xb8;
	[tilespmem:$0x1D000] =	vst v63  }
0x207: {  	_ =	swait.ge [sflag:s13], $0x4000  }
0x208: {  	[sflag:s13] =	ssyncset.done $0x0  }
0x209: {  	s30 =	simm.s32 $0x500;
	[sflag:s13] =	ssyncadd.s32 $0xFFFFC000  }
0x20a: {  	[tilespmem:s10], [sflag:$0x1] =	stream.indirect.gather [hbm4b:s8+s9], $0x80, s30, s9, $0xb8;
	[tilespmem:$0x1D000] =	vst v63  }
0x20b: {  	_ =	swait.ge [sflag:s15], $0x4000  }
0x20c: {  	[sflag:s15] =	ssyncset.done $0x0  }
0x20d: {  	s31 =	simm.s32 $0xC80;
	[sflag:s15] =	ssyncadd.s32 $0xFFFFC000  }
0x20e: {  	[spmem:s2] =	stream.indirect.scatter.add.f32 [tilespmem:s11], [sflag:$0x4], $0x80, s31, s9, $0xb8;
	[tilespmem:$0x1D000] =	vst v63  }
0x20f: {  	_ =	swait.ge [sflag:s17], $0x4000  }
0x210: {  	[sflag:s17] =	ssyncset.done $0x0  }
0x211: {  	s26 =	simm.s32 $0x580;
	[sflag:s17] =	ssyncadd.s32 $0xFFFFC000  }
0x212: {  	[tilespmem:s11], [sflag:$0x2] =	stream.indirect.gather [hbm4b:s8+s9], $0x80, s26, s9, $0xb8;
	[tilespmem:$0x1D000] =	vst v63  }
0x213: {  	_ =	swait.ge [sflag:s12], $0x4000  }
0x214: {  	[sflag:s12] =	ssyncset.done $0x0  }
0x215: {  	s26 =	simm.s32 $0xD00;
	[sflag:s12] =	ssyncadd.s32 $0xFFFFC000  }
0x216: {  	[spmem:s2] =	stream.indirect.scatter.add.f32 [tilespmem:s10], [sflag:$0x3], $0x80, s26, s9, $0xb8;
	[tilespmem:$0x1D000] =	vst v63  }
0x217: {  	_ =	swait.ge [sflag:s13], $0x4000  }
0x218: {  	[sflag:s13] =	ssyncset.done $0x0  }
0x219: {  	s26 =	simm.s32 $0x600;
	[sflag:s13] =	ssyncadd.s32 $0xFFFFC000  }
0x21a: {  	[tilespmem:s10], [sflag:$0x1] =	stream.indirect.gather [hbm4b:s8+s9], $0x80, s26, s9, $0xb8;
	[tilespmem:$0x1D000] =	vst v63  }
0x21b: {  	_ =	swait.ge [sflag:s15], $0x4000  }
0x21c: {  	[sflag:s15] =	ssyncset.done $0x0  }
0x21d: {  	s26 =	simm.s32 $0xD80;
	[sflag:s15] =	ssyncadd.s32 $0xFFFFC000  }
0x21e: {  	[spmem:s2] =	stream.indirect.scatter.add.f32 [tilespmem:s11], [sflag:$0x4], $0x80, s26, s9, $0xb8;
	[tilespmem:$0x1D000] =	vst v63  }
0x21f: {  	_ =	swait.ge [sflag:s17], $0x4000  }
0x220: {  	[sflag:s17] =	ssyncset.done $0x0  }
0x221: {  	s26 =	simm.s32 $0x680;
	[sflag:s17] =	ssyncadd.s32 $0xFFFFC000  }
0x222: {  	[tilespmem:s11], [sflag:$0x2] =	stream.indirect.gather [hbm4b:s8+s9], $0x80, s26, s9, $0xb8;
	[tilespmem:$0x1D000] =	vst v63  }
0x223: {  	_ =	swait.ge [sflag:s12], $0x4000  }
0x224: {  	[sflag:s12] =	ssyncset.done $0x0  }
0x225: {  	s26 =	simm.s32 $0xE00;
	[sflag:s12] =	ssyncadd.s32 $0xFFFFC000  }
0x226: {  	[spmem:s2] =	stream.indirect.scatter.add.f32 [tilespmem:s10], [sflag:$0x3], $0x80, s26, s9, $0xb8;
	[tilespmem:$0x1D000] =	vst v63  }
0x227: {  	_ =	swait.ge [sflag:s13], $0x4000  }
0x228: {  	[sflag:s13] =	ssyncset.done $0x0  }
0x229: {  	s26 =	simm.s32 $0x700;
	[sflag:s13] =	ssyncadd.s32 $0xFFFFC000  }
0x22a: {  	[tilespmem:s10], [sflag:$0x1] =	stream.indirect.gather [hbm4b:s8+s9], $0x80, s26, s9, $0xb8;
	[tilespmem:$0x1D000] =	vst v63  }
0x22b: {  	_ =	swait.ge [sflag:s15], $0x4000  }
0x22c: {  	[sflag:s15] =	ssyncset.done $0x0  }
0x22d: {  	s26 =	simm.s32 $0xE80;
	[sflag:s15] =	ssyncadd.s32 $0xFFFFC000  }
0x22e: {  	[spmem:s2] =	stream.indirect.scatter.add.f32 [tilespmem:s11], [sflag:$0x4], $0x80, s26, s9, $0xb8;
	[tilespmem:$0x1D000] =	vst v63  }
0x22f: {  	_ =	swait.ge [sflag:s17], $0x4000  }
0x230: {  	[sflag:s17] =	ssyncset.done $0x0  }
0x231: {  	s26 =	simm.s32 $0x780;
	[sflag:s17] =	ssyncadd.s32 $0xFFFFC000  }
0x232: {  	[tilespmem:s11], [sflag:$0x2] =	stream.indirect.gather [hbm4b:s8+s9], $0x80, s26, s9, $0xb8;
	[tilespmem:$0x1D000] =	vst v63  }
0x233: {  	_ =	swait.ge [sflag:s12], $0x4000  }
0x234: {  	[sflag:s12] =	ssyncset.done $0x0  }
0x235: {  	s26 =	simm.s32 $0xF00;
	[sflag:s12] =	ssyncadd.s32 $0xFFFFC000  }
0x236: {  	[spmem:s2] =	stream.indirect.scatter.add.f32 [tilespmem:s10], [sflag:$0x3], $0x80, s26, s9, $0xb8;
	[tilespmem:$0x1D000] =	vst v63  }
0x237: {  	_ =	swait.ge [sflag:s13], $0x4000  }
0x238: {  	[sflag:s13] =	ssyncset.done $0x0  }
0x239: {  	[sflag:s13] =	ssyncadd.s32 $0xFFFFC000  }
0x23a: {  	_ =	swait.ge [sflag:s15], $0x4000  }
0x23b: {  	[sflag:s15] =	ssyncset.done $0x0  }
0x23c: {  	s26 =	simm.s32 $0xF80;
	[sflag:s15] =	ssyncadd.s32 $0xFFFFC000  }
0x23d: {  	[spmem:s2] =	stream.indirect.scatter.add.f32 [tilespmem:s11], [sflag:$0x4], $0x80, s26, s9, $0xb8;
	[tilespmem:$0x1D000] =	vst v63  }
0x23e: {  	_ =	swait.ge [sflag:s17], $0x4000  }
0x23f: {  	[sflag:s17] =	ssyncset.done $0x0  }
0x240: {  	s26 =	rddreg [dreg:$0xd];
	[sflag:s17] =	ssyncadd.s32 $0xFFFFC000  }
0x241: {  	[tilespmem:s21], [sflag:$0x5] =	stream.linear.gather [hbm4b:s26+s21], $0x800, $0x38;
	[tilespmem:$0x1D000] =	vst v63  }
0x242: {  	_ =	swait.ge [sflag:s5], $0x800  }
0x243: {  	[sflag:s5] =	ssyncset.done $0x0  }
0x244: {  	s0 =	simm.s32 $0x800;
	s26 =	rddreg [dreg:$0xe];
	[sflag:s5] =	ssyncadd.s32 $0xFFFFF800  }
0x245: {  	[tilespmem:s0], [sflag:$0x5] =	stream.linear.gather [hbm4b:s26+s21], $0x800, $0x38;
	[tilespmem:$0x1D000] =	vst v63  }
0x246: {  	_ =	swait.ge [sflag:s5], $0x800  }
0x247: {  	[sflag:s5] =	ssyncset.done $0x0  }
0x248: {  	[sflag:s5] =	ssyncadd.s32 $0xFFFFF800  }
0x249: {  	[tilespmem:s10], [sflag:$0x1] =	stream.indirect.gather [hbm4b:s8+s9], $0x80, s21, s9, $0xb8;
	[tilespmem:$0x1D000] =	vst v63  }
0x24a: {  	_ = 	snop  }
0x24b: {  	[tilespmem:s11], [sflag:$0x2] =	stream.indirect.gather [hbm4b:s8+s9], $0x80, s9, s9, $0xb8;
	[tilespmem:$0x1D000] =	vst v63  }
0x24c: {  	_ =	swait.ge [sflag:s12], $0x4000  }
0x24d: {  	[sflag:s12] =	ssyncset.done $0x0  }
0x24e: {  	[sflag:s12] =	ssyncadd.s32 $0xFFFFC000  }
0x24f: {  	[spmem:s2] =	stream.indirect.scatter.add.f32 [tilespmem:s10], [sflag:$0x3], $0x80, s0, s9, $0xb8;
	[tilespmem:$0x1D000] =	vst v63  }
0x250: {  	_ =	swait.ge [sflag:s13], $0x4000  }
0x251: {  	[sflag:s13] =	ssyncset.done $0x0  }
0x252: {  	s18 =	simm.s32 $0x100;
	[sflag:s13] =	ssyncadd.s32 $0xFFFFC000  }
0x253: {  	[tilespmem:s10], [sflag:$0x1] =	stream.indirect.gather [hbm4b:s8+s9], $0x80, s18, s9, $0xb8;
	[tilespmem:$0x1D000] =	vst v63  }
0x254: {  	_ =	swait.ge [sflag:s15], $0x4000  }
0x255: {  	[sflag:s15] =	ssyncset.done $0x0  }
0x256: {  	[sflag:s15] =	ssyncadd.s32 $0xFFFFC000  }
0x257: {  	[spmem:s2] =	stream.indirect.scatter.add.f32 [tilespmem:s11], [sflag:$0x4], $0x80, s1, s9, $0xb8;
	[tilespmem:$0x1D000] =	vst v63  }
0x258: {  	_ =	swait.ge [sflag:s17], $0x4000  }
0x259: {  	[sflag:s17] =	ssyncset.done $0x0  }
0x25a: {  	s23 =	simm.s32 $0x180;
	[sflag:s17] =	ssyncadd.s32 $0xFFFFC000  }
0x25b: {  	[tilespmem:s11], [sflag:$0x2] =	stream.indirect.gather [hbm4b:s8+s9], $0x80, s23, s9, $0xb8;
	[tilespmem:$0x1D000] =	vst v63  }
0x25c: {  	_ =	swait.ge [sflag:s12], $0x4000  }
0x25d: {  	[sflag:s12] =	ssyncset.done $0x0  }
0x25e: {  	[sflag:s12] =	ssyncadd.s32 $0xFFFFC000  }
0x25f: {  	[spmem:s2] =	stream.indirect.scatter.add.f32 [tilespmem:s10], [sflag:$0x3], $0x80, s3, s9, $0xb8;
	[tilespmem:$0x1D000] =	vst v63  }
0x260: {  	_ =	swait.ge [sflag:s13], $0x4000  }
0x261: {  	[sflag:s13] =	ssyncset.done $0x0  }
0x262: {  	s20 =	simm.s32 $0x200;
	[sflag:s13] =	ssyncadd.s32 $0xFFFFC000  }
0x263: {  	[tilespmem:s10], [sflag:$0x1] =	stream.indirect.gather [hbm4b:s8+s9], $0x80, s20, s9, $0xb8;
	[tilespmem:$0x1D000] =	vst v63  }
0x264: {  	_ =	swait.ge [sflag:s15], $0x4000  }
0x265: {  	[sflag:s15] =	ssyncset.done $0x0  }
0x266: {  	[sflag:s15] =	ssyncadd.s32 $0xFFFFC000  }
0x267: {  	[spmem:s2] =	stream.indirect.scatter.add.f32 [tilespmem:s11], [sflag:$0x4], $0x80, s4, s9, $0xb8;
	[tilespmem:$0x1D000] =	vst v63  }
0x268: {  	_ =	swait.ge [sflag:s17], $0x4000  }
0x269: {  	[sflag:s17] =	ssyncset.done $0x0  }
0x26a: {  	s25 =	simm.s32 $0x280;
	[sflag:s17] =	ssyncadd.s32 $0xFFFFC000  }
0x26b: {  	[tilespmem:s11], [sflag:$0x2] =	stream.indirect.gather [hbm4b:s8+s9], $0x80, s25, s9, $0xb8;
	[tilespmem:$0x1D000] =	vst v63  }
0x26c: {  	_ =	swait.ge [sflag:s12], $0x4000  }
0x26d: {  	[sflag:s12] =	ssyncset.done $0x0  }
0x26e: {  	[sflag:s12] =	ssyncadd.s32 $0xFFFFC000  }
0x26f: {  	[spmem:s2] =	stream.indirect.scatter.add.f32 [tilespmem:s10], [sflag:$0x3], $0x80, s6, s9, $0xb8;
	[tilespmem:$0x1D000] =	vst v63  }
0x270: {  	_ =	swait.ge [sflag:s13], $0x4000  }
0x271: {  	[sflag:s13] =	ssyncset.done $0x0  }
0x272: {  	s19 =	simm.s32 $0x300;
	[sflag:s13] =	ssyncadd.s32 $0xFFFFC000  }
0x273: {  	[tilespmem:s10], [sflag:$0x1] =	stream.indirect.gather [hbm4b:s8+s9], $0x80, s19, s9, $0xb8;
	[tilespmem:$0x1D000] =	vst v63  }
0x274: {  	_ =	swait.ge [sflag:s15], $0x4000  }
0x275: {  	[sflag:s15] =	ssyncset.done $0x0  }
0x276: {  	[sflag:s15] =	ssyncadd.s32 $0xFFFFC000  }
0x277: {  	[spmem:s2] =	stream.indirect.scatter.add.f32 [tilespmem:s11], [sflag:$0x4], $0x80, s7, s9, $0xb8;
	[tilespmem:$0x1D000] =	vst v63  }
0x278: {  	_ =	swait.ge [sflag:s17], $0x4000  }
0x279: {  	[sflag:s17] =	ssyncset.done $0x0  }
0x27a: {  	s22 =	simm.s32 $0x380;
	[sflag:s17] =	ssyncadd.s32 $0xFFFFC000  }
0x27b: {  	[tilespmem:s11], [sflag:$0x2] =	stream.indirect.gather [hbm4b:s8+s9], $0x80, s22, s9, $0xb8;
	[tilespmem:$0x1D000] =	vst v63  }
0x27c: {  	_ =	swait.ge [sflag:s12], $0x4000  }
0x27d: {  	[sflag:s12] =	ssyncset.done $0x0  }
0x27e: {  	[sflag:s12] =	ssyncadd.s32 $0xFFFFC000  }
0x27f: {  	[spmem:s2] =	stream.indirect.scatter.add.f32 [tilespmem:s10], [sflag:$0x3], $0x80, s14, s9, $0xb8;
	[tilespmem:$0x1D000] =	vst v63  }
0x280: {  	_ =	swait.ge [sflag:s13], $0x4000  }
0x281: {  	[sflag:s13] =	ssyncset.done $0x0  }
0x282: {  	s24 =	simm.s32 $0x400;
	[sflag:s13] =	ssyncadd.s32 $0xFFFFC000  }
0x283: {  	[tilespmem:s10], [sflag:$0x1] =	stream.indirect.gather [hbm4b:s8+s9], $0x80, s24, s9, $0xb8;
	[tilespmem:$0x1D000] =	vst v63  }
0x284: {  	_ =	swait.ge [sflag:s15], $0x4000  }
0x285: {  	[sflag:s15] =	ssyncset.done $0x0  }
0x286: {  	[sflag:s15] =	ssyncadd.s32 $0xFFFFC000  }
0x287: {  	[spmem:s2] =	stream.indirect.scatter.add.f32 [tilespmem:s11], [sflag:$0x4], $0x80, s16, s9, $0xb8;
	[tilespmem:$0x1D000] =	vst v63  }
0x288: {  	_ =	swait.ge [sflag:s17], $0x4000  }
0x289: {  	[sflag:s17] =	ssyncset.done $0x0  }
0x28a: {  	s28 =	simm.s32 $0x480;
	[sflag:s17] =	ssyncadd.s32 $0xFFFFC000  }
0x28b: {  	[tilespmem:s11], [sflag:$0x2] =	stream.indirect.gather [hbm4b:s8+s9], $0x80, s28, s9, $0xb8;
	[tilespmem:$0x1D000] =	vst v63  }
0x28c: {  	_ =	swait.ge [sflag:s12], $0x4000  }
0x28d: {  	[sflag:s12] =	ssyncset.done $0x0  }
0x28e: {  	s29 =	simm.s32 $0xC00;
	[sflag:s12] =	ssyncadd.s32 $0xFFFFC000  }
0x28f: {  	[spmem:s2] =	stream.indirect.scatter.add.f32 [tilespmem:s10], [sflag:$0x3], $0x80, s29, s9, $0xb8;
	[tilespmem:$0x1D000] =	vst v63  }
0x290: {  	_ =	swait.ge [sflag:s13], $0x4000  }
0x291: {  	[sflag:s13] =	ssyncset.done $0x0  }
0x292: {  	s30 =	simm.s32 $0x500;
	[sflag:s13] =	ssyncadd.s32 $0xFFFFC000  }
0x293: {  	[tilespmem:s10], [sflag:$0x1] =	stream.indirect.gather [hbm4b:s8+s9], $0x80, s30, s9, $0xb8;
	[tilespmem:$0x1D000] =	vst v63  }
0x294: {  	_ =	swait.ge [sflag:s15], $0x4000  }
0x295: {  	[sflag:s15] =	ssyncset.done $0x0  }
0x296: {  	s31 =	simm.s32 $0xC80;
	[sflag:s15] =	ssyncadd.s32 $0xFFFFC000  }
0x297: {  	[spmem:s2] =	stream.indirect.scatter.add.f32 [tilespmem:s11], [sflag:$0x4], $0x80, s31, s9, $0xb8;
	[tilespmem:$0x1D000] =	vst v63  }
0x298: {  	_ =	swait.ge [sflag:s17], $0x4000  }
0x299: {  	[sflag:s17] =	ssyncset.done $0x0  }
0x29a: {  	s6 =	simm.s32 $0x580;
	[sflag:s17] =	ssyncadd.s32 $0xFFFFC000  }
0x29b: {  	[tilespmem:s11], [sflag:$0x2] =	stream.indirect.gather [hbm4b:s8+s9], $0x80, s6, s9, $0xb8;
	[tilespmem:$0x1D000] =	vst v63  }
0x29c: {  	_ =	swait.ge [sflag:s12], $0x4000  }
0x29d: {  	[sflag:s12] =	ssyncset.done $0x0  }
0x29e: {  	s7 =	simm.s32 $0xD00;
	[sflag:s12] =	ssyncadd.s32 $0xFFFFC000  }
0x29f: {  	[spmem:s2] =	stream.indirect.scatter.add.f32 [tilespmem:s10], [sflag:$0x3], $0x80, s7, s9, $0xb8;
	[tilespmem:$0x1D000] =	vst v63  }
0x2a0: {  	_ =	swait.ge [sflag:s13], $0x4000  }
0x2a1: {  	[sflag:s13] =	ssyncset.done $0x0  }
0x2a2: {  	s14 =	simm.s32 $0x600;
	[sflag:s13] =	ssyncadd.s32 $0xFFFFC000  }
0x2a3: {  	[tilespmem:s10], [sflag:$0x1] =	stream.indirect.gather [hbm4b:s8+s9], $0x80, s14, s9, $0xb8;
	[tilespmem:$0x1D000] =	vst v63  }
0x2a4: {  	_ =	swait.ge [sflag:s15], $0x4000  }
0x2a5: {  	[sflag:s15] =	ssyncset.done $0x0  }
0x2a6: {  	s16 =	simm.s32 $0xD80;
	[sflag:s15] =	ssyncadd.s32 $0xFFFFC000  }
0x2a7: {  	[spmem:s2] =	stream.indirect.scatter.add.f32 [tilespmem:s11], [sflag:$0x4], $0x80, s16, s9, $0xb8;
	[tilespmem:$0x1D000] =	vst v63  }
0x2a8: {  	_ =	swait.ge [sflag:s17], $0x4000  }
0x2a9: {  	[sflag:s17] =	ssyncset.done $0x0  }
0x2aa: {  	s18 =	simm.s32 $0x680;
	[sflag:s17] =	ssyncadd.s32 $0xFFFFC000  }
0x2ab: {  	[tilespmem:s11], [sflag:$0x2] =	stream.indirect.gather [hbm4b:s8+s9], $0x80, s18, s9, $0xb8;
	[tilespmem:$0x1D000] =	vst v63  }
0x2ac: {  	_ =	swait.ge [sflag:s12], $0x4000  }
0x2ad: {  	[sflag:s12] =	ssyncset.done $0x0  }
0x2ae: {  	s19 =	simm.s32 $0xE00;
	[sflag:s12] =	ssyncadd.s32 $0xFFFFC000  }
0x2af: {  	[spmem:s2] =	stream.indirect.scatter.add.f32 [tilespmem:s10], [sflag:$0x3], $0x80, s19, s9, $0xb8;
	[tilespmem:$0x1D000] =	vst v63  }
0x2b0: {  	_ =	swait.ge [sflag:s13], $0x4000  }
0x2b1: {  	[sflag:s13] =	ssyncset.done $0x0  }
0x2b2: {  	s20 =	simm.s32 $0x700;
	[sflag:s13] =	ssyncadd.s32 $0xFFFFC000  }
0x2b3: {  	[tilespmem:s10], [sflag:$0x1] =	stream.indirect.gather [hbm4b:s8+s9], $0x80, s20, s9, $0xb8;
	[tilespmem:$0x1D000] =	vst v63  }
0x2b4: {  	_ =	swait.ge [sflag:s15], $0x4000  }
0x2b5: {  	[sflag:s15] =	ssyncset.done $0x0  }
0x2b6: {  	s22 =	simm.s32 $0xE80;
	[sflag:s15] =	ssyncadd.s32 $0xFFFFC000  }
0x2b7: {  	[spmem:s2] =	stream.indirect.scatter.add.f32 [tilespmem:s11], [sflag:$0x4], $0x80, s22, s9, $0xb8;
	[tilespmem:$0x1D000] =	vst v63  }
0x2b8: {  	_ =	swait.ge [sflag:s17], $0x4000  }
0x2b9: {  	[sflag:s17] =	ssyncset.done $0x0  }
0x2ba: {  	s23 =	simm.s32 $0x780;
	[sflag:s17] =	ssyncadd.s32 $0xFFFFC000  }
0x2bb: {  	[tilespmem:s11], [sflag:$0x2] =	stream.indirect.gather [hbm4b:s8+s9], $0x80, s23, s9, $0xb8;
	[tilespmem:$0x1D000] =	vst v63  }
0x2bc: {  	_ =	swait.ge [sflag:s12], $0x4000  }
0x2bd: {  	[sflag:s12] =	ssyncset.done $0x0  }
0x2be: {  	s24 =	simm.s32 $0xF00;
	[sflag:s12] =	ssyncadd.s32 $0xFFFFC000  }
0x2bf: {  	[spmem:s2] =	stream.indirect.scatter.add.f32 [tilespmem:s10], [sflag:$0x3], $0x80, s24, s9, $0xb8;
	[tilespmem:$0x1D000] =	vst v63  }
0x2c0: {  	_ =	swait.ge [sflag:s13], $0x4000  }
0x2c1: {  	[sflag:s13] =	ssyncset.done $0x0  }
0x2c2: {  	[sflag:s13] =	ssyncadd.s32 $0xFFFFC000  }
0x2c3: {  	_ =	swait.ge [sflag:s15], $0x4000  }
0x2c4: {  	[sflag:s15] =	ssyncset.done $0x0  }
0x2c5: {  	s25 =	simm.s32 $0xF80;
	[sflag:s15] =	ssyncadd.s32 $0xFFFFC000  }
0x2c6: {  	[spmem:s2] =	stream.indirect.scatter.add.f32 [tilespmem:s11], [sflag:$0x4], $0x80, s25, s9, $0xb8;
	[tilespmem:$0x1D000] =	vst v63  }
0x2c7: {  	_ =	swait.ge [sflag:s17], $0x4000  }
0x2c8: {  	[sflag:s17] =	ssyncset.done $0x0  }
0x2c9: {  	[sflag:s17] =	ssyncadd.s32 $0xFFFFC000  }
0x2ca: {  	[bflag:$0x0] =	sbarrier.arrive $0xFFFF  }
0x2cb: {  	s26 =	rddreg [dreg:$0x12]  }
0x2cc: {  	s0 =	ssub.s32 $0x2, s26  }
0x2cd: {  	s29 =	sshrl.u32 s0, $0x1  }
0x2ce: {  	s26 =	ssub.s32 s0, s29  }
0x2cf: {  	s26 =	smax.u32 s26, $0x1  }
0x2d0: {  	p0 =	sne.s32 s26, $0x1  }
.Ltmp0:
0x2d1: {  	s28 =	rddreg [dreg:$0xf];
	(pc) =	sbr.rel @!p0 .LBB2_2-.Ltmp0, $4  }
0x2d2: {  	s30 =	rddreg [dreg:$0x10]  }
0x2d3: {  	s31 =	rddreg [dreg:$0x11]  }
0x2d4: {  	[hbm:s28], [sflag:s30] =	dma.local [spmem:s31], $0x2800  }
0x2d5: {  	_ =	swait.ge [sflag:s5], $0x2800;
	s26 =	sadd.s32 $0xFFFFFFFF, s26  }
.LBB2_1:
0x2d6: {  	s28 =	rddreg [dreg:$0x4]  }
0x2d7: {  	[sflag:s5] =	ssyncset.done $0x0;
	s0 =	rddreg [dreg:$0x10]  }
0x2d8: {  	s1 =	rddreg [dreg:$0x11];
	[sflag:s5] =	ssyncadd.s32 $0xFFFFD800  }
0x2d9: {  	[spmem:s1], [sflag:s0] =	dma.local [hbm:s28], $0x2800  }
0x2da: {  	_ =	swait.ge [sflag:s5], $0x2800  }
0x2db: {  	[sflag:s5] =	ssyncset.done $0x0  }
0x2dc: {  	[sflag:s5] =	ssyncadd.s32 $0xFFFFD800  }
0x2dd: {  	[bflag:$0x0] =	sbarrier.arrive $0xFFFF  }
0x2de: {  	s24 =	rddreg [dreg:$0x5]  }
0x2df: {  	[tilespmem:s21], [sflag:$0x5] =	stream.linear.gather [hbm4b:s24+s21], $0x800, $0x38;
	[tilespmem:$0x1D000] =	vst v63  }
0x2e0: {  	_ =	swait.ge [sflag:s5], $0x800  }
0x2e1: {  	[sflag:s5] =	ssyncset.done $0x0  }
0x2e2: {  	s0 =	simm.s32 $0x800;
	s25 =	rddreg [dreg:$0x6];
	[sflag:s5] =	ssyncadd.s32 $0xFFFFF800  }
0x2e3: {  	[tilespmem:s0], [sflag:$0x5] =	stream.linear.gather [hbm4b:s25+s21], $0x800, $0x38;
	[tilespmem:$0x1D000] =	vst v63  }
0x2e4: {  	_ =	swait.ge [sflag:s5], $0x800  }
0x2e5: {  	[sflag:s5] =	ssyncset.done $0x0  }
0x2e6: {  	[sflag:s5] =	ssyncadd.s32 $0xFFFFF800  }
0x2e7: {  	[tilespmem:s10], [sflag:$0x1] =	stream.indirect.gather [hbm4b:s8+s9], $0x80, s21, s9, $0xb8;
	[tilespmem:$0x1D000] =	vst v63  }
0x2e8: {  	_ = 	snop  }
0x2e9: {  	[tilespmem:s11], [sflag:$0x2] =	stream.indirect.gather [hbm4b:s8+s9], $0x80, s9, s9, $0xb8;
	[tilespmem:$0x1D000] =	vst v63  }
0x2ea: {  	_ =	swait.ge [sflag:s12], $0x4000  }
0x2eb: {  	[sflag:s12] =	ssyncset.done $0x0  }
0x2ec: {  	[sflag:s12] =	ssyncadd.s32 $0xFFFFC000  }
0x2ed: {  	[spmem:s2] =	stream.indirect.scatter.add.f32 [tilespmem:s10], [sflag:$0x3], $0x80, s0, s9, $0xb8;
	[tilespmem:$0x1D000] =	vst v63  }
0x2ee: {  	_ =	swait.ge [sflag:s13], $0x4000  }
0x2ef: {  	[sflag:s13] =	ssyncset.done $0x0  }
0x2f0: {  	s28 =	simm.s32 $0x100;
	[sflag:s13] =	ssyncadd.s32 $0xFFFFC000  }
0x2f1: {  	[tilespmem:s10], [sflag:$0x1] =	stream.indirect.gather [hbm4b:s8+s9], $0x80, s28, s9, $0xb8;
	[tilespmem:$0x1D000] =	vst v63  }
0x2f2: {  	_ =	swait.ge [sflag:s15], $0x4000  }
0x2f3: {  	[sflag:s15] =	ssyncset.done $0x0  }
0x2f4: {  	s29 =	simm.s32 $0x880;
	[sflag:s15] =	ssyncadd.s32 $0xFFFFC000  }
0x2f5: {  	[spmem:s2] =	stream.indirect.scatter.add.f32 [tilespmem:s11], [sflag:$0x4], $0x80, s29, s9, $0xb8;
	[tilespmem:$0x1D000] =	vst v63  }
0x2f6: {  	_ =	swait.ge [sflag:s17], $0x4000  }
0x2f7: {  	[sflag:s17] =	ssyncset.done $0x0  }
0x2f8: {  	s4 =	simm.s32 $0x180;
	[sflag:s17] =	ssyncadd.s32 $0xFFFFC000  }
0x2f9: {  	[tilespmem:s11], [sflag:$0x2] =	stream.indirect.gather [hbm4b:s8+s9], $0x80, s4, s9, $0xb8;
	[tilespmem:$0x1D000] =	vst v63  }
0x2fa: {  	_ =	swait.ge [sflag:s12], $0x4000  }
0x2fb: {  	[sflag:s12] =	ssyncset.done $0x0  }
0x2fc: {  	s30 =	simm.s32 $0x900;
	[sflag:s12] =	ssyncadd.s32 $0xFFFFC000  }
0x2fd: {  	[spmem:s2] =	stream.indirect.scatter.add.f32 [tilespmem:s10], [sflag:$0x3], $0x80, s30, s9, $0xb8;
	[tilespmem:$0x1D000] =	vst v63  }
0x2fe: {  	_ =	swait.ge [sflag:s13], $0x4000  }
0x2ff: {  	[sflag:s13] =	ssyncset.done $0x0  }
0x300: {  	s31 =	simm.s32 $0x200;
	[sflag:s13] =	ssyncadd.s32 $0xFFFFC000  }
0x301: {  	[tilespmem:s10], [sflag:$0x1] =	stream.indirect.gather [hbm4b:s8+s9], $0x80, s31, s9, $0xb8;
	[tilespmem:$0x1D000] =	vst v63  }
0x302: {  	_ =	swait.ge [sflag:s15], $0x4000  }
0x303: {  	[sflag:s15] =	ssyncset.done $0x0  }
0x304: {  	s3 =	simm.s32 $0x980;
	[sflag:s15] =	ssyncadd.s32 $0xFFFFC000  }
0x305: {  	[spmem:s2] =	stream.indirect.scatter.add.f32 [tilespmem:s11], [sflag:$0x4], $0x80, s3, s9, $0xb8;
	[tilespmem:$0x1D000] =	vst v63  }
0x306: {  	_ =	swait.ge [sflag:s17], $0x4000  }
0x307: {  	[sflag:s17] =	ssyncset.done $0x0  }
0x308: {  	s7 =	simm.s32 $0x280;
	[sflag:s17] =	ssyncadd.s32 $0xFFFFC000  }
0x309: {  	[tilespmem:s11], [sflag:$0x2] =	stream.indirect.gather [hbm4b:s8+s9], $0x80, s7, s9, $0xb8;
	[tilespmem:$0x1D000] =	vst v63  }
0x30a: {  	_ =	swait.ge [sflag:s12], $0x4000  }
0x30b: {  	[sflag:s12] =	ssyncset.done $0x0  }
0x30c: {  	s14 =	simm.s32 $0xA00;
	[sflag:s12] =	ssyncadd.s32 $0xFFFFC000  }
0x30d: {  	[spmem:s2] =	stream.indirect.scatter.add.f32 [tilespmem:s10], [sflag:$0x3], $0x80, s14, s9, $0xb8;
	[tilespmem:$0x1D000] =	vst v63  }
0x30e: {  	_ =	swait.ge [sflag:s13], $0x4000  }
0x30f: {  	[sflag:s13] =	ssyncset.done $0x0  }
0x310: {  	s16 =	simm.s32 $0x300;
	[sflag:s13] =	ssyncadd.s32 $0xFFFFC000  }
0x311: {  	[tilespmem:s10], [sflag:$0x1] =	stream.indirect.gather [hbm4b:s8+s9], $0x80, s16, s9, $0xb8;
	[tilespmem:$0x1D000] =	vst v63  }
0x312: {  	_ =	swait.ge [sflag:s15], $0x4000  }
0x313: {  	[sflag:s15] =	ssyncset.done $0x0  }
0x314: {  	s18 =	simm.s32 $0xA80;
	[sflag:s15] =	ssyncadd.s32 $0xFFFFC000  }
0x315: {  	[spmem:s2] =	stream.indirect.scatter.add.f32 [tilespmem:s11], [sflag:$0x4], $0x80, s18, s9, $0xb8;
	[tilespmem:$0x1D000] =	vst v63  }
0x316: {  	_ =	swait.ge [sflag:s17], $0x4000  }
0x317: {  	[sflag:s17] =	ssyncset.done $0x0  }
0x318: {  	s19 =	simm.s32 $0x380;
	[sflag:s17] =	ssyncadd.s32 $0xFFFFC000  }
0x319: {  	[tilespmem:s11], [sflag:$0x2] =	stream.indirect.gather [hbm4b:s8+s9], $0x80, s19, s9, $0xb8;
	[tilespmem:$0x1D000] =	vst v63  }
0x31a: {  	_ =	swait.ge [sflag:s12], $0x4000  }
0x31b: {  	[sflag:s12] =	ssyncset.done $0x0  }
0x31c: {  	s20 =	simm.s32 $0xB00;
	[sflag:s12] =	ssyncadd.s32 $0xFFFFC000  }
0x31d: {  	[spmem:s2] =	stream.indirect.scatter.add.f32 [tilespmem:s10], [sflag:$0x3], $0x80, s20, s9, $0xb8;
	[tilespmem:$0x1D000] =	vst v63  }
0x31e: {  	_ =	swait.ge [sflag:s13], $0x4000  }
0x31f: {  	[sflag:s13] =	ssyncset.done $0x0  }
0x320: {  	s22 =	simm.s32 $0x400;
	[sflag:s13] =	ssyncadd.s32 $0xFFFFC000  }
0x321: {  	[tilespmem:s10], [sflag:$0x1] =	stream.indirect.gather [hbm4b:s8+s9], $0x80, s22, s9, $0xb8;
	[tilespmem:$0x1D000] =	vst v63  }
0x322: {  	_ =	swait.ge [sflag:s15], $0x4000  }
0x323: {  	[sflag:s15] =	ssyncset.done $0x0  }
0x324: {  	s3 =	simm.s32 $0xB80;
	[sflag:s15] =	ssyncadd.s32 $0xFFFFC000  }
0x325: {  	[spmem:s2] =	stream.indirect.scatter.add.f32 [tilespmem:s11], [sflag:$0x4], $0x80, s3, s9, $0xb8;
	[tilespmem:$0x1D000] =	vst v63  }
0x326: {  	_ =	swait.ge [sflag:s17], $0x4000  }
0x327: {  	[sflag:s17] =	ssyncset.done $0x0  }
0x328: {  	s23 =	simm.s32 $0x480;
	[sflag:s17] =	ssyncadd.s32 $0xFFFFC000  }
0x329: {  	[tilespmem:s11], [sflag:$0x2] =	stream.indirect.gather [hbm4b:s8+s9], $0x80, s23, s9, $0xb8;
	[tilespmem:$0x1D000] =	vst v63  }
0x32a: {  	_ =	swait.ge [sflag:s12], $0x4000  }
0x32b: {  	[sflag:s12] =	ssyncset.done $0x0  }
0x32c: {  	s24 =	simm.s32 $0xC00;
	[sflag:s12] =	ssyncadd.s32 $0xFFFFC000  }
0x32d: {  	[spmem:s2] =	stream.indirect.scatter.add.f32 [tilespmem:s10], [sflag:$0x3], $0x80, s24, s9, $0xb8;
	[tilespmem:$0x1D000] =	vst v63  }
0x32e: {  	_ =	swait.ge [sflag:s13], $0x4000  }
0x32f: {  	[sflag:s13] =	ssyncset.done $0x0  }
0x330: {  	s25 =	simm.s32 $0x500;
	[sflag:s13] =	ssyncadd.s32 $0xFFFFC000  }
0x331: {  	[tilespmem:s10], [sflag:$0x1] =	stream.indirect.gather [hbm4b:s8+s9], $0x80, s25, s9, $0xb8;
	[tilespmem:$0x1D000] =	vst v63  }
0x332: {  	_ =	swait.ge [sflag:s15], $0x4000  }
0x333: {  	[sflag:s15] =	ssyncset.done $0x0  }
0x334: {  	s28 =	simm.s32 $0xC80;
	[sflag:s15] =	ssyncadd.s32 $0xFFFFC000  }
0x335: {  	[spmem:s2] =	stream.indirect.scatter.add.f32 [tilespmem:s11], [sflag:$0x4], $0x80, s28, s9, $0xb8;
	[tilespmem:$0x1D000] =	vst v63  }
0x336: {  	_ =	swait.ge [sflag:s17], $0x4000  }
0x337: {  	[sflag:s17] =	ssyncset.done $0x0  }
0x338: {  	s30 =	simm.s32 $0x580;
	[sflag:s17] =	ssyncadd.s32 $0xFFFFC000  }
0x339: {  	[tilespmem:s11], [sflag:$0x2] =	stream.indirect.gather [hbm4b:s8+s9], $0x80, s30, s9, $0xb8;
	[tilespmem:$0x1D000] =	vst v63  }
0x33a: {  	_ =	swait.ge [sflag:s12], $0x4000  }
0x33b: {  	[sflag:s12] =	ssyncset.done $0x0  }
0x33c: {  	s31 =	simm.s32 $0xD00;
	[sflag:s12] =	ssyncadd.s32 $0xFFFFC000  }
0x33d: {  	[spmem:s2] =	stream.indirect.scatter.add.f32 [tilespmem:s10], [sflag:$0x3], $0x80, s31, s9, $0xb8;
	[tilespmem:$0x1D000] =	vst v63  }
0x33e: {  	_ =	swait.ge [sflag:s13], $0x4000  }
0x33f: {  	[sflag:s13] =	ssyncset.done $0x0  }
0x340: {  	s3 =	simm.s32 $0x600;
	[sflag:s13] =	ssyncadd.s32 $0xFFFFC000  }
0x341: {  	[tilespmem:s10], [sflag:$0x1] =	stream.indirect.gather [hbm4b:s8+s9], $0x80, s3, s9, $0xb8;
	[tilespmem:$0x1D000] =	vst v63  }
0x342: {  	_ =	swait.ge [sflag:s15], $0x4000  }
0x343: {  	[sflag:s15] =	ssyncset.done $0x0  }
0x344: {  	s7 =	simm.s32 $0xD80;
	[sflag:s15] =	ssyncadd.s32 $0xFFFFC000  }
0x345: {  	[spmem:s2] =	stream.indirect.scatter.add.f32 [tilespmem:s11], [sflag:$0x4], $0x80, s7, s9, $0xb8;
	[tilespmem:$0x1D000] =	vst v63  }
0x346: {  	_ =	swait.ge [sflag:s17], $0x4000  }
0x347: {  	[sflag:s17] =	ssyncset.done $0x0  }
0x348: {  	s14 =	simm.s32 $0x680;
	[sflag:s17] =	ssyncadd.s32 $0xFFFFC000  }
0x349: {  	[tilespmem:s11], [sflag:$0x2] =	stream.indirect.gather [hbm4b:s8+s9], $0x80, s14, s9, $0xb8;
	[tilespmem:$0x1D000] =	vst v63  }
0x34a: {  	_ =	swait.ge [sflag:s12], $0x4000  }
0x34b: {  	[sflag:s12] =	ssyncset.done $0x0  }
0x34c: {  	s16 =	simm.s32 $0xE00;
	[sflag:s12] =	ssyncadd.s32 $0xFFFFC000  }
0x34d: {  	[spmem:s2] =	stream.indirect.scatter.add.f32 [tilespmem:s10], [sflag:$0x3], $0x80, s16, s9, $0xb8;
	[tilespmem:$0x1D000] =	vst v63  }
0x34e: {  	_ =	swait.ge [sflag:s13], $0x4000  }
0x34f: {  	[sflag:s13] =	ssyncset.done $0x0  }
0x350: {  	s18 =	simm.s32 $0x700;
	[sflag:s13] =	ssyncadd.s32 $0xFFFFC000  }
0x351: {  	[tilespmem:s10], [sflag:$0x1] =	stream.indirect.gather [hbm4b:s8+s9], $0x80, s18, s9, $0xb8;
	[tilespmem:$0x1D000] =	vst v63  }
0x352: {  	_ =	swait.ge [sflag:s15], $0x4000  }
0x353: {  	[sflag:s15] =	ssyncset.done $0x0  }
0x354: {  	s19 =	simm.s32 $0xE80;
	[sflag:s15] =	ssyncadd.s32 $0xFFFFC000  }
0x355: {  	[spmem:s2] =	stream.indirect.scatter.add.f32 [tilespmem:s11], [sflag:$0x4], $0x80, s19, s9, $0xb8;
	[tilespmem:$0x1D000] =	vst v63  }
0x356: {  	_ =	swait.ge [sflag:s17], $0x4000  }
0x357: {  	[sflag:s17] =	ssyncset.done $0x0  }
0x358: {  	s20 =	simm.s32 $0x780;
	[sflag:s17] =	ssyncadd.s32 $0xFFFFC000  }
0x359: {  	[tilespmem:s11], [sflag:$0x2] =	stream.indirect.gather [hbm4b:s8+s9], $0x80, s20, s9, $0xb8;
	[tilespmem:$0x1D000] =	vst v63  }
0x35a: {  	_ =	swait.ge [sflag:s12], $0x4000  }
0x35b: {  	[sflag:s12] =	ssyncset.done $0x0  }
0x35c: {  	s22 =	simm.s32 $0xF00;
	[sflag:s12] =	ssyncadd.s32 $0xFFFFC000  }
0x35d: {  	[spmem:s2] =	stream.indirect.scatter.add.f32 [tilespmem:s10], [sflag:$0x3], $0x80, s22, s9, $0xb8;
	[tilespmem:$0x1D000] =	vst v63  }
0x35e: {  	_ =	swait.ge [sflag:s13], $0x4000  }
0x35f: {  	[sflag:s13] =	ssyncset.done $0x0  }
0x360: {  	[sflag:s13] =	ssyncadd.s32 $0xFFFFC000  }
0x361: {  	_ =	swait.ge [sflag:s15], $0x4000  }
0x362: {  	[sflag:s15] =	ssyncset.done $0x0  }
0x363: {  	s23 =	simm.s32 $0xF80;
	[sflag:s15] =	ssyncadd.s32 $0xFFFFC000  }
0x364: {  	[spmem:s2] =	stream.indirect.scatter.add.f32 [tilespmem:s11], [sflag:$0x4], $0x80, s23, s9, $0xb8;
	[tilespmem:$0x1D000] =	vst v63  }
0x365: {  	_ =	swait.ge [sflag:s17], $0x4000  }
0x366: {  	[sflag:s17] =	ssyncset.done $0x0  }
0x367: {  	s24 =	rddreg [dreg:$0x7];
	[sflag:s17] =	ssyncadd.s32 $0xFFFFC000  }
0x368: {  	[tilespmem:s21], [sflag:$0x5] =	stream.linear.gather [hbm4b:s24+s21], $0x800, $0x38;
	[tilespmem:$0x1D000] =	vst v63  }
0x369: {  	_ =	swait.ge [sflag:s5], $0x800  }
0x36a: {  	[sflag:s5] =	ssyncset.done $0x0  }
0x36b: {  	s25 =	rddreg [dreg:$0x8];
	[sflag:s5] =	ssyncadd.s32 $0xFFFFF800  }
0x36c: {  	[tilespmem:s0], [sflag:$0x5] =	stream.linear.gather [hbm4b:s25+s21], $0x800, $0x38;
	[tilespmem:$0x1D000] =	vst v63  }
0x36d: {  	_ =	swait.ge [sflag:s5], $0x800  }
0x36e: {  	[sflag:s5] =	ssyncset.done $0x0  }
0x36f: {  	[sflag:s5] =	ssyncadd.s32 $0xFFFFF800  }
0x370: {  	[tilespmem:s10], [sflag:$0x1] =	stream.indirect.gather [hbm4b:s8+s9], $0x80, s21, s9, $0xb8;
	[tilespmem:$0x1D000] =	vst v63  }
0x371: {  	_ = 	snop  }
0x372: {  	[tilespmem:s11], [sflag:$0x2] =	stream.indirect.gather [hbm4b:s8+s9], $0x80, s9, s9, $0xb8;
	[tilespmem:$0x1D000] =	vst v63  }
0x373: {  	_ =	swait.ge [sflag:s12], $0x4000  }
0x374: {  	[sflag:s12] =	ssyncset.done $0x0  }
0x375: {  	[sflag:s12] =	ssyncadd.s32 $0xFFFFC000  }
0x376: {  	[spmem:s2] =	stream.indirect.scatter.add.f32 [tilespmem:s10], [sflag:$0x3], $0x80, s0, s9, $0xb8;
	[tilespmem:$0x1D000] =	vst v63  }
0x377: {  	_ =	swait.ge [sflag:s13], $0x4000  }
0x378: {  	[sflag:s13] =	ssyncset.done $0x0  }
0x379: {  	s6 =	simm.s32 $0x100;
	[sflag:s13] =	ssyncadd.s32 $0xFFFFC000  }
0x37a: {  	[tilespmem:s10], [sflag:$0x1] =	stream.indirect.gather [hbm4b:s8+s9], $0x80, s6, s9, $0xb8;
	[tilespmem:$0x1D000] =	vst v63  }
0x37b: {  	_ =	swait.ge [sflag:s15], $0x4000  }
0x37c: {  	[sflag:s15] =	ssyncset.done $0x0  }
0x37d: {  	s3 =	simm.s32 $0x880;
	[sflag:s15] =	ssyncadd.s32 $0xFFFFC000  }
0x37e: {  	[spmem:s2] =	stream.indirect.scatter.add.f32 [tilespmem:s11], [sflag:$0x4], $0x80, s3, s9, $0xb8;
	[tilespmem:$0x1D000] =	vst v63  }
0x37f: {  	_ =	swait.ge [sflag:s17], $0x4000  }
0x380: {  	[sflag:s17] =	ssyncset.done $0x0  }
0x381: {  	s1 =	simm.s32 $0x180;
	[sflag:s17] =	ssyncadd.s32 $0xFFFFC000  }
0x382: {  	[tilespmem:s11], [sflag:$0x2] =	stream.indirect.gather [hbm4b:s8+s9], $0x80, s1, s9, $0xb8;
	[tilespmem:$0x1D000] =	vst v63  }
0x383: {  	_ =	swait.ge [sflag:s12], $0x4000  }
0x384: {  	[sflag:s12] =	ssyncset.done $0x0  }
0x385: {  	s24 =	simm.s32 $0x900;
	[sflag:s12] =	ssyncadd.s32 $0xFFFFC000  }
0x386: {  	[spmem:s2] =	stream.indirect.scatter.add.f32 [tilespmem:s10], [sflag:$0x3], $0x80, s24, s9, $0xb8;
	[tilespmem:$0x1D000] =	vst v63  }
0x387: {  	_ =	swait.ge [sflag:s13], $0x4000  }
0x388: {  	[sflag:s13] =	ssyncset.done $0x0  }
0x389: {  	s25 =	simm.s32 $0x200;
	[sflag:s13] =	ssyncadd.s32 $0xFFFFC000  }
0x38a: {  	[tilespmem:s10], [sflag:$0x1] =	stream.indirect.gather [hbm4b:s8+s9], $0x80, s25, s9, $0xb8;
	[tilespmem:$0x1D000] =	vst v63  }
0x38b: {  	_ =	swait.ge [sflag:s15], $0x4000  }
0x38c: {  	[sflag:s15] =	ssyncset.done $0x0  }
0x38d: {  	s29 =	simm.s32 $0x980;
	[sflag:s15] =	ssyncadd.s32 $0xFFFFC000  }
0x38e: {  	[spmem:s2] =	stream.indirect.scatter.add.f32 [tilespmem:s11], [sflag:$0x4], $0x80, s29, s9, $0xb8;
	[tilespmem:$0x1D000] =	vst v63  }
0x38f: {  	_ =	swait.ge [sflag:s17], $0x4000  }
0x390: {  	[sflag:s17] =	ssyncset.done $0x0  }
0x391: {  	s1 =	simm.s32 $0x280;
	[sflag:s17] =	ssyncadd.s32 $0xFFFFC000  }
0x392: {  	[tilespmem:s11], [sflag:$0x2] =	stream.indirect.gather [hbm4b:s8+s9], $0x80, s1, s9, $0xb8;
	[tilespmem:$0x1D000] =	vst v63  }
0x393: {  	_ =	swait.ge [sflag:s12], $0x4000  }
0x394: {  	[sflag:s12] =	ssyncset.done $0x0  }
0x395: {  	s30 =	simm.s32 $0xA00;
	[sflag:s12] =	ssyncadd.s32 $0xFFFFC000  }
0x396: {  	[spmem:s2] =	stream.indirect.scatter.add.f32 [tilespmem:s10], [sflag:$0x3], $0x80, s30, s9, $0xb8;
	[tilespmem:$0x1D000] =	vst v63  }
0x397: {  	_ =	swait.ge [sflag:s13], $0x4000  }
0x398: {  	[sflag:s13] =	ssyncset.done $0x0  }
0x399: {  	s31 =	simm.s32 $0x300;
	[sflag:s13] =	ssyncadd.s32 $0xFFFFC000  }
0x39a: {  	[tilespmem:s10], [sflag:$0x1] =	stream.indirect.gather [hbm4b:s8+s9], $0x80, s31, s9, $0xb8;
	[tilespmem:$0x1D000] =	vst v63  }
0x39b: {  	_ =	swait.ge [sflag:s15], $0x4000  }
0x39c: {  	[sflag:s15] =	ssyncset.done $0x0  }
0x39d: {  	s6 =	simm.s32 $0xA80;
	[sflag:s15] =	ssyncadd.s32 $0xFFFFC000  }
0x39e: {  	[spmem:s2] =	stream.indirect.scatter.add.f32 [tilespmem:s11], [sflag:$0x4], $0x80, s6, s9, $0xb8;
	[tilespmem:$0x1D000] =	vst v63  }
0x39f: {  	_ =	swait.ge [sflag:s17], $0x4000  }
0x3a0: {  	[sflag:s17] =	ssyncset.done $0x0  }
0x3a1: {  	s7 =	simm.s32 $0x380;
	[sflag:s17] =	ssyncadd.s32 $0xFFFFC000  }
0x3a2: {  	[tilespmem:s11], [sflag:$0x2] =	stream.indirect.gather [hbm4b:s8+s9], $0x80, s7, s9, $0xb8;
	[tilespmem:$0x1D000] =	vst v63  }
0x3a3: {  	_ =	swait.ge [sflag:s12], $0x4000  }
0x3a4: {  	[sflag:s12] =	ssyncset.done $0x0  }
0x3a5: {  	s14 =	simm.s32 $0xB00;
	[sflag:s12] =	ssyncadd.s32 $0xFFFFC000  }
0x3a6: {  	[spmem:s2] =	stream.indirect.scatter.add.f32 [tilespmem:s10], [sflag:$0x3], $0x80, s14, s9, $0xb8;
	[tilespmem:$0x1D000] =	vst v63  }
0x3a7: {  	_ =	swait.ge [sflag:s13], $0x4000  }
0x3a8: {  	[sflag:s13] =	ssyncset.done $0x0  }
0x3a9: {  	s16 =	simm.s32 $0x400;
	[sflag:s13] =	ssyncadd.s32 $0xFFFFC000  }
0x3aa: {  	[tilespmem:s10], [sflag:$0x1] =	stream.indirect.gather [hbm4b:s8+s9], $0x80, s16, s9, $0xb8;
	[tilespmem:$0x1D000] =	vst v63  }
0x3ab: {  	_ =	swait.ge [sflag:s15], $0x4000  }
0x3ac: {  	[sflag:s15] =	ssyncset.done $0x0  }
0x3ad: {  	s18 =	simm.s32 $0xB80;
	[sflag:s15] =	ssyncadd.s32 $0xFFFFC000  }
0x3ae: {  	[spmem:s2] =	stream.indirect.scatter.add.f32 [tilespmem:s11], [sflag:$0x4], $0x80, s18, s9, $0xb8;
	[tilespmem:$0x1D000] =	vst v63  }
0x3af: {  	_ =	swait.ge [sflag:s17], $0x4000  }
0x3b0: {  	[sflag:s17] =	ssyncset.done $0x0  }
0x3b1: {  	s19 =	simm.s32 $0x480;
	[sflag:s17] =	ssyncadd.s32 $0xFFFFC000  }
0x3b2: {  	[tilespmem:s11], [sflag:$0x2] =	stream.indirect.gather [hbm4b:s8+s9], $0x80, s19, s9, $0xb8;
	[tilespmem:$0x1D000] =	vst v63  }
0x3b3: {  	_ =	swait.ge [sflag:s12], $0x4000  }
0x3b4: {  	[sflag:s12] =	ssyncset.done $0x0  }
0x3b5: {  	s29 =	simm.s32 $0xC00;
	[sflag:s12] =	ssyncadd.s32 $0xFFFFC000  }
0x3b6: {  	[spmem:s2] =	stream.indirect.scatter.add.f32 [tilespmem:s10], [sflag:$0x3], $0x80, s29, s9, $0xb8;
	[tilespmem:$0x1D000] =	vst v63  }
0x3b7: {  	_ =	swait.ge [sflag:s13], $0x4000  }
0x3b8: {  	[sflag:s13] =	ssyncset.done $0x0  }
0x3b9: {  	s20 =	simm.s32 $0x500;
	[sflag:s13] =	ssyncadd.s32 $0xFFFFC000  }
0x3ba: {  	[tilespmem:s10], [sflag:$0x1] =	stream.indirect.gather [hbm4b:s8+s9], $0x80, s20, s9, $0xb8;
	[tilespmem:$0x1D000] =	vst v63  }
0x3bb: {  	_ =	swait.ge [sflag:s15], $0x4000  }
0x3bc: {  	[sflag:s15] =	ssyncset.done $0x0  }
0x3bd: {  	s28 =	simm.s32 $0xC80;
	[sflag:s15] =	ssyncadd.s32 $0xFFFFC000  }
0x3be: {  	[spmem:s2] =	stream.indirect.scatter.add.f32 [tilespmem:s11], [sflag:$0x4], $0x80, s28, s9, $0xb8;
	[tilespmem:$0x1D000] =	vst v63  }
0x3bf: {  	_ =	swait.ge [sflag:s17], $0x4000  }
0x3c0: {  	[sflag:s17] =	ssyncset.done $0x0  }
0x3c1: {  	s4 =	simm.s32 $0x580;
	[sflag:s17] =	ssyncadd.s32 $0xFFFFC000  }
0x3c2: {  	[tilespmem:s11], [sflag:$0x2] =	stream.indirect.gather [hbm4b:s8+s9], $0x80, s4, s9, $0xb8;
	[tilespmem:$0x1D000] =	vst v63  }
0x3c3: {  	_ =	swait.ge [sflag:s12], $0x4000  }
0x3c4: {  	[sflag:s12] =	ssyncset.done $0x0  }
0x3c5: {  	s28 =	simm.s32 $0xD00;
	[sflag:s12] =	ssyncadd.s32 $0xFFFFC000  }
0x3c6: {  	[spmem:s2] =	stream.indirect.scatter.add.f32 [tilespmem:s10], [sflag:$0x3], $0x80, s28, s9, $0xb8;
	[tilespmem:$0x1D000] =	vst v63  }
0x3c7: {  	_ =	swait.ge [sflag:s13], $0x4000  }
0x3c8: {  	[sflag:s13] =	ssyncset.done $0x0  }
0x3c9: {  	s28 =	simm.s32 $0x600;
	[sflag:s13] =	ssyncadd.s32 $0xFFFFC000  }
0x3ca: {  	[tilespmem:s10], [sflag:$0x1] =	stream.indirect.gather [hbm4b:s8+s9], $0x80, s28, s9, $0xb8;
	[tilespmem:$0x1D000] =	vst v63  }
0x3cb: {  	_ =	swait.ge [sflag:s15], $0x4000  }
0x3cc: {  	[sflag:s15] =	ssyncset.done $0x0  }
0x3cd: {  	s28 =	simm.s32 $0xD80;
	[sflag:s15] =	ssyncadd.s32 $0xFFFFC000  }
0x3ce: {  	[spmem:s2] =	stream.indirect.scatter.add.f32 [tilespmem:s11], [sflag:$0x4], $0x80, s28, s9, $0xb8;
	[tilespmem:$0x1D000] =	vst v63  }
0x3cf: {  	_ =	swait.ge [sflag:s17], $0x4000  }
0x3d0: {  	[sflag:s17] =	ssyncset.done $0x0  }
0x3d1: {  	s28 =	simm.s32 $0x680;
	[sflag:s17] =	ssyncadd.s32 $0xFFFFC000  }
0x3d2: {  	[tilespmem:s11], [sflag:$0x2] =	stream.indirect.gather [hbm4b:s8+s9], $0x80, s28, s9, $0xb8;
	[tilespmem:$0x1D000] =	vst v63  }
0x3d3: {  	_ =	swait.ge [sflag:s12], $0x4000  }
0x3d4: {  	[sflag:s12] =	ssyncset.done $0x0  }
0x3d5: {  	s28 =	simm.s32 $0xE00;
	[sflag:s12] =	ssyncadd.s32 $0xFFFFC000  }
0x3d6: {  	[spmem:s2] =	stream.indirect.scatter.add.f32 [tilespmem:s10], [sflag:$0x3], $0x80, s28, s9, $0xb8;
	[tilespmem:$0x1D000] =	vst v63  }
0x3d7: {  	_ =	swait.ge [sflag:s13], $0x4000  }
0x3d8: {  	[sflag:s13] =	ssyncset.done $0x0  }
0x3d9: {  	s28 =	simm.s32 $0x700;
	[sflag:s13] =	ssyncadd.s32 $0xFFFFC000  }
0x3da: {  	[tilespmem:s10], [sflag:$0x1] =	stream.indirect.gather [hbm4b:s8+s9], $0x80, s28, s9, $0xb8;
	[tilespmem:$0x1D000] =	vst v63  }
0x3db: {  	_ =	swait.ge [sflag:s15], $0x4000  }
0x3dc: {  	[sflag:s15] =	ssyncset.done $0x0  }
0x3dd: {  	s28 =	simm.s32 $0xE80;
	[sflag:s15] =	ssyncadd.s32 $0xFFFFC000  }
0x3de: {  	[spmem:s2] =	stream.indirect.scatter.add.f32 [tilespmem:s11], [sflag:$0x4], $0x80, s28, s9, $0xb8;
	[tilespmem:$0x1D000] =	vst v63  }
0x3df: {  	_ =	swait.ge [sflag:s17], $0x4000  }
0x3e0: {  	[sflag:s17] =	ssyncset.done $0x0  }
0x3e1: {  	s28 =	simm.s32 $0x780;
	[sflag:s17] =	ssyncadd.s32 $0xFFFFC000  }
0x3e2: {  	[tilespmem:s11], [sflag:$0x2] =	stream.indirect.gather [hbm4b:s8+s9], $0x80, s28, s9, $0xb8;
	[tilespmem:$0x1D000] =	vst v63  }
0x3e3: {  	_ =	swait.ge [sflag:s12], $0x4000  }
0x3e4: {  	[sflag:s12] =	ssyncset.done $0x0  }
0x3e5: {  	s22 =	simm.s32 $0xF00;
	[sflag:s12] =	ssyncadd.s32 $0xFFFFC000  }
0x3e6: {  	[spmem:s2] =	stream.indirect.scatter.add.f32 [tilespmem:s10], [sflag:$0x3], $0x80, s22, s9, $0xb8;
	[tilespmem:$0x1D000] =	vst v63  }
0x3e7: {  	_ =	swait.ge [sflag:s13], $0x4000  }
0x3e8: {  	[sflag:s13] =	ssyncset.done $0x0  }
0x3e9: {  	[sflag:s13] =	ssyncadd.s32 $0xFFFFC000  }
0x3ea: {  	_ =	swait.ge [sflag:s15], $0x4000  }
0x3eb: {  	[sflag:s15] =	ssyncset.done $0x0  }
0x3ec: {  	s23 =	simm.s32 $0xF80;
	[sflag:s15] =	ssyncadd.s32 $0xFFFFC000  }
0x3ed: {  	[spmem:s2] =	stream.indirect.scatter.add.f32 [tilespmem:s11], [sflag:$0x4], $0x80, s23, s9, $0xb8;
	[tilespmem:$0x1D000] =	vst v63  }
0x3ee: {  	_ =	swait.ge [sflag:s17], $0x4000  }
0x3ef: {  	[sflag:s17] =	ssyncset.done $0x0  }
0x3f0: {  	s28 =	rddreg [dreg:$0x9];
	[sflag:s17] =	ssyncadd.s32 $0xFFFFC000  }
0x3f1: {  	[tilespmem:s21], [sflag:$0x5] =	stream.linear.gather [hbm4b:s28+s21], $0x800, $0x38;
	[tilespmem:$0x1D000] =	vst v63  }
0x3f2: {  	_ =	swait.ge [sflag:s5], $0x800  }
0x3f3: {  	[sflag:s5] =	ssyncset.done $0x0  }
0x3f4: {  	s28 =	rddreg [dreg:$0xa];
	[sflag:s5] =	ssyncadd.s32 $0xFFFFF800  }
0x3f5: {  	[tilespmem:s0], [sflag:$0x5] =	stream.linear.gather [hbm4b:s28+s21], $0x800, $0x38;
	[tilespmem:$0x1D000] =	vst v63  }
0x3f6: {  	_ =	swait.ge [sflag:s5], $0x800  }
0x3f7: {  	[sflag:s5] =	ssyncset.done $0x0  }
0x3f8: {  	[sflag:s5] =	ssyncadd.s32 $0xFFFFF800  }
0x3f9: {  	[tilespmem:s10], [sflag:$0x1] =	stream.indirect.gather [hbm4b:s8+s9], $0x80, s21, s9, $0xb8;
	[tilespmem:$0x1D000] =	vst v63  }
0x3fa: {  	_ = 	snop  }
0x3fb: {  	[tilespmem:s11], [sflag:$0x2] =	stream.indirect.gather [hbm4b:s8+s9], $0x80, s9, s9, $0xb8;
	[tilespmem:$0x1D000] =	vst v63  }
0x3fc: {  	_ =	swait.ge [sflag:s12], $0x4000  }
0x3fd: {  	[sflag:s12] =	ssyncset.done $0x0  }
0x3fe: {  	[sflag:s12] =	ssyncadd.s32 $0xFFFFC000  }
0x3ff: {  	[spmem:s2] =	stream.indirect.scatter.add.f32 [tilespmem:s10], [sflag:$0x3], $0x80, s0, s9, $0xb8;
	[tilespmem:$0x1D000] =	vst v63  }
0x400: {  	_ =	swait.ge [sflag:s13], $0x4000  }
0x401: {  	[sflag:s13] =	ssyncset.done $0x0  }
0x402: {  	s28 =	simm.s32 $0x100;
	[sflag:s13] =	ssyncadd.s32 $0xFFFFC000  }
0x403: {  	[tilespmem:s10], [sflag:$0x1] =	stream.indirect.gather [hbm4b:s8+s9], $0x80, s28, s9, $0xb8;
	[tilespmem:$0x1D000] =	vst v63  }
0x404: {  	_ =	swait.ge [sflag:s15], $0x4000  }
0x405: {  	[sflag:s15] =	ssyncset.done $0x0  }
0x406: {  	[sflag:s15] =	ssyncadd.s32 $0xFFFFC000  }
0x407: {  	[spmem:s2] =	stream.indirect.scatter.add.f32 [tilespmem:s11], [sflag:$0x4], $0x80, s3, s9, $0xb8;
	[tilespmem:$0x1D000] =	vst v63  }
0x408: {  	_ =	swait.ge [sflag:s17], $0x4000  }
0x409: {  	[sflag:s17] =	ssyncset.done $0x0  }
0x40a: {  	s28 =	simm.s32 $0x180;
	[sflag:s17] =	ssyncadd.s32 $0xFFFFC000  }
0x40b: {  	[tilespmem:s11], [sflag:$0x2] =	stream.indirect.gather [hbm4b:s8+s9], $0x80, s28, s9, $0xb8;
	[tilespmem:$0x1D000] =	vst v63  }
0x40c: {  	_ =	swait.ge [sflag:s12], $0x4000  }
0x40d: {  	[sflag:s12] =	ssyncset.done $0x0  }
0x40e: {  	[sflag:s12] =	ssyncadd.s32 $0xFFFFC000  }
0x40f: {  	[spmem:s2] =	stream.indirect.scatter.add.f32 [tilespmem:s10], [sflag:$0x3], $0x80, s24, s9, $0xb8;
	[tilespmem:$0x1D000] =	vst v63  }
0x410: {  	_ =	swait.ge [sflag:s13], $0x4000  }
0x411: {  	[sflag:s13] =	ssyncset.done $0x0  }
0x412: {  	[sflag:s13] =	ssyncadd.s32 $0xFFFFC000  }
0x413: {  	[tilespmem:s10], [sflag:$0x1] =	stream.indirect.gather [hbm4b:s8+s9], $0x80, s25, s9, $0xb8;
	[tilespmem:$0x1D000] =	vst v63  }
0x414: {  	_ =	swait.ge [sflag:s15], $0x4000  }
0x415: {  	[sflag:s15] =	ssyncset.done $0x0  }
0x416: {  	s28 =	simm.s32 $0x980;
	[sflag:s15] =	ssyncadd.s32 $0xFFFFC000  }
0x417: {  	[spmem:s2] =	stream.indirect.scatter.add.f32 [tilespmem:s11], [sflag:$0x4], $0x80, s28, s9, $0xb8;
	[tilespmem:$0x1D000] =	vst v63  }
0x418: {  	_ =	swait.ge [sflag:s17], $0x4000  }
0x419: {  	[sflag:s17] =	ssyncset.done $0x0  }
0x41a: {  	[sflag:s17] =	ssyncadd.s32 $0xFFFFC000  }
0x41b: {  	[tilespmem:s11], [sflag:$0x2] =	stream.indirect.gather [hbm4b:s8+s9], $0x80, s1, s9, $0xb8;
	[tilespmem:$0x1D000] =	vst v63  }
0x41c: {  	_ =	swait.ge [sflag:s12], $0x4000  }
0x41d: {  	[sflag:s12] =	ssyncset.done $0x0  }
0x41e: {  	[sflag:s12] =	ssyncadd.s32 $0xFFFFC000  }
0x41f: {  	[spmem:s2] =	stream.indirect.scatter.add.f32 [tilespmem:s10], [sflag:$0x3], $0x80, s30, s9, $0xb8;
	[tilespmem:$0x1D000] =	vst v63  }
0x420: {  	_ =	swait.ge [sflag:s13], $0x4000  }
0x421: {  	[sflag:s13] =	ssyncset.done $0x0  }
0x422: {  	[sflag:s13] =	ssyncadd.s32 $0xFFFFC000  }
0x423: {  	[tilespmem:s10], [sflag:$0x1] =	stream.indirect.gather [hbm4b:s8+s9], $0x80, s31, s9, $0xb8;
	[tilespmem:$0x1D000] =	vst v63  }
0x424: {  	_ =	swait.ge [sflag:s15], $0x4000  }
0x425: {  	[sflag:s15] =	ssyncset.done $0x0  }
0x426: {  	[sflag:s15] =	ssyncadd.s32 $0xFFFFC000  }
0x427: {  	[spmem:s2] =	stream.indirect.scatter.add.f32 [tilespmem:s11], [sflag:$0x4], $0x80, s6, s9, $0xb8;
	[tilespmem:$0x1D000] =	vst v63  }
0x428: {  	_ =	swait.ge [sflag:s17], $0x4000  }
0x429: {  	[sflag:s17] =	ssyncset.done $0x0  }
0x42a: {  	[sflag:s17] =	ssyncadd.s32 $0xFFFFC000  }
0x42b: {  	[tilespmem:s11], [sflag:$0x2] =	stream.indirect.gather [hbm4b:s8+s9], $0x80, s7, s9, $0xb8;
	[tilespmem:$0x1D000] =	vst v63  }
0x42c: {  	_ =	swait.ge [sflag:s12], $0x4000  }
0x42d: {  	[sflag:s12] =	ssyncset.done $0x0  }
0x42e: {  	[sflag:s12] =	ssyncadd.s32 $0xFFFFC000  }
0x42f: {  	[spmem:s2] =	stream.indirect.scatter.add.f32 [tilespmem:s10], [sflag:$0x3], $0x80, s14, s9, $0xb8;
	[tilespmem:$0x1D000] =	vst v63  }
0x430: {  	_ =	swait.ge [sflag:s13], $0x4000  }
0x431: {  	[sflag:s13] =	ssyncset.done $0x0  }
0x432: {  	[sflag:s13] =	ssyncadd.s32 $0xFFFFC000  }
0x433: {  	[tilespmem:s10], [sflag:$0x1] =	stream.indirect.gather [hbm4b:s8+s9], $0x80, s16, s9, $0xb8;
	[tilespmem:$0x1D000] =	vst v63  }
0x434: {  	_ =	swait.ge [sflag:s15], $0x4000  }
0x435: {  	[sflag:s15] =	ssyncset.done $0x0  }
0x436: {  	[sflag:s15] =	ssyncadd.s32 $0xFFFFC000  }
0x437: {  	[spmem:s2] =	stream.indirect.scatter.add.f32 [tilespmem:s11], [sflag:$0x4], $0x80, s18, s9, $0xb8;
	[tilespmem:$0x1D000] =	vst v63  }
0x438: {  	_ =	swait.ge [sflag:s17], $0x4000  }
0x439: {  	[sflag:s17] =	ssyncset.done $0x0  }
0x43a: {  	[sflag:s17] =	ssyncadd.s32 $0xFFFFC000  }
0x43b: {  	[tilespmem:s11], [sflag:$0x2] =	stream.indirect.gather [hbm4b:s8+s9], $0x80, s19, s9, $0xb8;
	[tilespmem:$0x1D000] =	vst v63  }
0x43c: {  	_ =	swait.ge [sflag:s12], $0x4000  }
0x43d: {  	[sflag:s12] =	ssyncset.done $0x0  }
0x43e: {  	[sflag:s12] =	ssyncadd.s32 $0xFFFFC000  }
0x43f: {  	[spmem:s2] =	stream.indirect.scatter.add.f32 [tilespmem:s10], [sflag:$0x3], $0x80, s29, s9, $0xb8;
	[tilespmem:$0x1D000] =	vst v63  }
0x440: {  	_ =	swait.ge [sflag:s13], $0x4000  }
0x441: {  	[sflag:s13] =	ssyncset.done $0x0  }
0x442: {  	[sflag:s13] =	ssyncadd.s32 $0xFFFFC000  }
0x443: {  	[tilespmem:s10], [sflag:$0x1] =	stream.indirect.gather [hbm4b:s8+s9], $0x80, s20, s9, $0xb8;
	[tilespmem:$0x1D000] =	vst v63  }
0x444: {  	_ =	swait.ge [sflag:s15], $0x4000  }
0x445: {  	[sflag:s15] =	ssyncset.done $0x0  }
0x446: {  	s29 =	simm.s32 $0xC80;
	[sflag:s15] =	ssyncadd.s32 $0xFFFFC000  }
0x447: {  	[spmem:s2] =	stream.indirect.scatter.add.f32 [tilespmem:s11], [sflag:$0x4], $0x80, s29, s9, $0xb8;
	[tilespmem:$0x1D000] =	vst v63  }
0x448: {  	_ =	swait.ge [sflag:s17], $0x4000  }
0x449: {  	[sflag:s17] =	ssyncset.done $0x0  }
0x44a: {  	s4 =	simm.s32 $0x580;
	[sflag:s17] =	ssyncadd.s32 $0xFFFFC000  }
0x44b: {  	[tilespmem:s11], [sflag:$0x2] =	stream.indirect.gather [hbm4b:s8+s9], $0x80, s4, s9, $0xb8;
	[tilespmem:$0x1D000] =	vst v63  }
0x44c: {  	_ =	swait.ge [sflag:s12], $0x4000  }
0x44d: {  	[sflag:s12] =	ssyncset.done $0x0  }
0x44e: {  	s28 =	simm.s32 $0xD00;
	[sflag:s12] =	ssyncadd.s32 $0xFFFFC000  }
0x44f: {  	[spmem:s2] =	stream.indirect.scatter.add.f32 [tilespmem:s10], [sflag:$0x3], $0x80, s28, s9, $0xb8;
	[tilespmem:$0x1D000] =	vst v63  }
0x450: {  	_ =	swait.ge [sflag:s13], $0x4000  }
0x451: {  	[sflag:s13] =	ssyncset.done $0x0  }
0x452: {  	s6 =	simm.s32 $0x600;
	[sflag:s13] =	ssyncadd.s32 $0xFFFFC000  }
0x453: {  	[tilespmem:s10], [sflag:$0x1] =	stream.indirect.gather [hbm4b:s8+s9], $0x80, s6, s9, $0xb8;
	[tilespmem:$0x1D000] =	vst v63  }
0x454: {  	_ =	swait.ge [sflag:s15], $0x4000  }
0x455: {  	[sflag:s15] =	ssyncset.done $0x0  }
0x456: {  	s28 =	simm.s32 $0xD80;
	[sflag:s15] =	ssyncadd.s32 $0xFFFFC000  }
0x457: {  	[spmem:s2] =	stream.indirect.scatter.add.f32 [tilespmem:s11], [sflag:$0x4], $0x80, s28, s9, $0xb8;
	[tilespmem:$0x1D000] =	vst v63  }
0x458: {  	_ =	swait.ge [sflag:s17], $0x4000  }
0x459: {  	[sflag:s17] =	ssyncset.done $0x0  }
0x45a: {  	s6 =	simm.s32 $0x680;
	[sflag:s17] =	ssyncadd.s32 $0xFFFFC000  }
0x45b: {  	[tilespmem:s11], [sflag:$0x2] =	stream.indirect.gather [hbm4b:s8+s9], $0x80, s6, s9, $0xb8;
	[tilespmem:$0x1D000] =	vst v63  }
0x45c: {  	_ =	swait.ge [sflag:s12], $0x4000  }
0x45d: {  	[sflag:s12] =	ssyncset.done $0x0  }
0x45e: {  	s28 =	simm.s32 $0xE00;
	[sflag:s12] =	ssyncadd.s32 $0xFFFFC000  }
0x45f: {  	[spmem:s2] =	stream.indirect.scatter.add.f32 [tilespmem:s10], [sflag:$0x3], $0x80, s28, s9, $0xb8;
	[tilespmem:$0x1D000] =	vst v63  }
0x460: {  	_ =	swait.ge [sflag:s13], $0x4000  }
0x461: {  	[sflag:s13] =	ssyncset.done $0x0  }
0x462: {  	s6 =	simm.s32 $0x700;
	[sflag:s13] =	ssyncadd.s32 $0xFFFFC000  }
0x463: {  	[tilespmem:s10], [sflag:$0x1] =	stream.indirect.gather [hbm4b:s8+s9], $0x80, s6, s9, $0xb8;
	[tilespmem:$0x1D000] =	vst v63  }
0x464: {  	_ =	swait.ge [sflag:s15], $0x4000  }
0x465: {  	[sflag:s15] =	ssyncset.done $0x0  }
0x466: {  	s28 =	simm.s32 $0xE80;
	[sflag:s15] =	ssyncadd.s32 $0xFFFFC000  }
0x467: {  	[spmem:s2] =	stream.indirect.scatter.add.f32 [tilespmem:s11], [sflag:$0x4], $0x80, s28, s9, $0xb8;
	[tilespmem:$0x1D000] =	vst v63  }
0x468: {  	_ =	swait.ge [sflag:s17], $0x4000  }
0x469: {  	[sflag:s17] =	ssyncset.done $0x0  }
0x46a: {  	s6 =	simm.s32 $0x780;
	[sflag:s17] =	ssyncadd.s32 $0xFFFFC000  }
0x46b: {  	[tilespmem:s11], [sflag:$0x2] =	stream.indirect.gather [hbm4b:s8+s9], $0x80, s6, s9, $0xb8;
	[tilespmem:$0x1D000] =	vst v63  }
0x46c: {  	_ =	swait.ge [sflag:s12], $0x4000  }
0x46d: {  	[sflag:s12] =	ssyncset.done $0x0  }
0x46e: {  	s22 =	simm.s32 $0xF00;
	[sflag:s12] =	ssyncadd.s32 $0xFFFFC000  }
0x46f: {  	[spmem:s2] =	stream.indirect.scatter.add.f32 [tilespmem:s10], [sflag:$0x3], $0x80, s22, s9, $0xb8;
	[tilespmem:$0x1D000] =	vst v63  }
0x470: {  	_ =	swait.ge [sflag:s13], $0x4000  }
0x471: {  	[sflag:s13] =	ssyncset.done $0x0  }
0x472: {  	[sflag:s13] =	ssyncadd.s32 $0xFFFFC000  }
0x473: {  	_ =	swait.ge [sflag:s15], $0x4000  }
0x474: {  	[sflag:s15] =	ssyncset.done $0x0  }
0x475: {  	s23 =	simm.s32 $0xF80;
	[sflag:s15] =	ssyncadd.s32 $0xFFFFC000  }
0x476: {  	[spmem:s2] =	stream.indirect.scatter.add.f32 [tilespmem:s11], [sflag:$0x4], $0x80, s23, s9, $0xb8;
	[tilespmem:$0x1D000] =	vst v63  }
0x477: {  	_ =	swait.ge [sflag:s17], $0x4000  }
0x478: {  	[sflag:s17] =	ssyncset.done $0x0  }
0x479: {  	s23 =	rddreg [dreg:$0xb];
	[sflag:s17] =	ssyncadd.s32 $0xFFFFC000  }
0x47a: {  	[tilespmem:s21], [sflag:$0x5] =	stream.linear.gather [hbm4b:s23+s21], $0x800, $0x38;
	[tilespmem:$0x1D000] =	vst v63  }
0x47b: {  	_ =	swait.ge [sflag:s5], $0x800  }
0x47c: {  	[sflag:s5] =	ssyncset.done $0x0  }
0x47d: {  	s4 =	rddreg [dreg:$0xc];
	[sflag:s5] =	ssyncadd.s32 $0xFFFFF800  }
0x47e: {  	[tilespmem:s0], [sflag:$0x5] =	stream.linear.gather [hbm4b:s4+s21], $0x800, $0x38;
	[tilespmem:$0x1D000] =	vst v63  }
0x47f: {  	_ =	swait.ge [sflag:s5], $0x800  }
0x480: {  	[sflag:s5] =	ssyncset.done $0x0  }
0x481: {  	[sflag:s5] =	ssyncadd.s32 $0xFFFFF800  }
0x482: {  	[tilespmem:s10], [sflag:$0x1] =	stream.indirect.gather [hbm4b:s8+s9], $0x80, s21, s9, $0xb8;
	[tilespmem:$0x1D000] =	vst v63  }
0x483: {  	_ = 	snop  }
0x484: {  	[tilespmem:s11], [sflag:$0x2] =	stream.indirect.gather [hbm4b:s8+s9], $0x80, s9, s9, $0xb8;
	[tilespmem:$0x1D000] =	vst v63  }
0x485: {  	_ =	swait.ge [sflag:s12], $0x4000  }
0x486: {  	[sflag:s12] =	ssyncset.done $0x0  }
0x487: {  	[sflag:s12] =	ssyncadd.s32 $0xFFFFC000  }
0x488: {  	[spmem:s2] =	stream.indirect.scatter.add.f32 [tilespmem:s10], [sflag:$0x3], $0x80, s0, s9, $0xb8;
	[tilespmem:$0x1D000] =	vst v63  }
0x489: {  	_ =	swait.ge [sflag:s13], $0x4000  }
0x48a: {  	[sflag:s13] =	ssyncset.done $0x0  }
0x48b: {  	s6 =	simm.s32 $0x100;
	[sflag:s13] =	ssyncadd.s32 $0xFFFFC000  }
0x48c: {  	[tilespmem:s10], [sflag:$0x1] =	stream.indirect.gather [hbm4b:s8+s9], $0x80, s6, s9, $0xb8;
	[tilespmem:$0x1D000] =	vst v63  }
0x48d: {  	_ =	swait.ge [sflag:s15], $0x4000  }
0x48e: {  	[sflag:s15] =	ssyncset.done $0x0  }
0x48f: {  	s3 =	simm.s32 $0x880;
	[sflag:s15] =	ssyncadd.s32 $0xFFFFC000  }
0x490: {  	[spmem:s2] =	stream.indirect.scatter.add.f32 [tilespmem:s11], [sflag:$0x4], $0x80, s3, s9, $0xb8;
	[tilespmem:$0x1D000] =	vst v63  }
0x491: {  	_ =	swait.ge [sflag:s17], $0x4000  }
0x492: {  	[sflag:s17] =	ssyncset.done $0x0  }
0x493: {  	s22 =	simm.s32 $0x180;
	[sflag:s17] =	ssyncadd.s32 $0xFFFFC000  }
0x494: {  	[tilespmem:s11], [sflag:$0x2] =	stream.indirect.gather [hbm4b:s8+s9], $0x80, s22, s9, $0xb8;
	[tilespmem:$0x1D000] =	vst v63  }
0x495: {  	_ =	swait.ge [sflag:s12], $0x4000  }
0x496: {  	[sflag:s12] =	ssyncset.done $0x0  }
0x497: {  	s24 =	simm.s32 $0x900;
	[sflag:s12] =	ssyncadd.s32 $0xFFFFC000  }
0x498: {  	[spmem:s2] =	stream.indirect.scatter.add.f32 [tilespmem:s10], [sflag:$0x3], $0x80, s24, s9, $0xb8;
	[tilespmem:$0x1D000] =	vst v63  }
0x499: {  	_ =	swait.ge [sflag:s13], $0x4000  }
0x49a: {  	[sflag:s13] =	ssyncset.done $0x0  }
0x49b: {  	s25 =	simm.s32 $0x200;
	[sflag:s13] =	ssyncadd.s32 $0xFFFFC000  }
0x49c: {  	[tilespmem:s10], [sflag:$0x1] =	stream.indirect.gather [hbm4b:s8+s9], $0x80, s25, s9, $0xb8;
	[tilespmem:$0x1D000] =	vst v63  }
0x49d: {  	_ =	swait.ge [sflag:s15], $0x4000  }
0x49e: {  	[sflag:s15] =	ssyncset.done $0x0  }
0x49f: {  	s25 =	simm.s32 $0x980;
	[sflag:s15] =	ssyncadd.s32 $0xFFFFC000  }
0x4a0: {  	[spmem:s2] =	stream.indirect.scatter.add.f32 [tilespmem:s11], [sflag:$0x4], $0x80, s25, s9, $0xb8;
	[tilespmem:$0x1D000] =	vst v63  }
0x4a1: {  	_ =	swait.ge [sflag:s17], $0x4000  }
0x4a2: {  	[sflag:s17] =	ssyncset.done $0x0  }
0x4a3: {  	s28 =	simm.s32 $0x280;
	[sflag:s17] =	ssyncadd.s32 $0xFFFFC000  }
0x4a4: {  	[tilespmem:s11], [sflag:$0x2] =	stream.indirect.gather [hbm4b:s8+s9], $0x80, s28, s9, $0xb8;
	[tilespmem:$0x1D000] =	vst v63  }
0x4a5: {  	_ =	swait.ge [sflag:s12], $0x4000  }
0x4a6: {  	[sflag:s12] =	ssyncset.done $0x0  }
0x4a7: {  	s30 =	simm.s32 $0xA00;
	[sflag:s12] =	ssyncadd.s32 $0xFFFFC000  }
0x4a8: {  	[spmem:s2] =	stream.indirect.scatter.add.f32 [tilespmem:s10], [sflag:$0x3], $0x80, s30, s9, $0xb8;
	[tilespmem:$0x1D000] =	vst v63  }
0x4a9: {  	_ =	swait.ge [sflag:s13], $0x4000  }
0x4aa: {  	[sflag:s13] =	ssyncset.done $0x0  }
0x4ab: {  	s31 =	simm.s32 $0x300;
	[sflag:s13] =	ssyncadd.s32 $0xFFFFC000  }
0x4ac: {  	[tilespmem:s10], [sflag:$0x1] =	stream.indirect.gather [hbm4b:s8+s9], $0x80, s31, s9, $0xb8;
	[tilespmem:$0x1D000] =	vst v63  }
0x4ad: {  	_ =	swait.ge [sflag:s15], $0x4000  }
0x4ae: {  	[sflag:s15] =	ssyncset.done $0x0  }
0x4af: {  	s31 =	simm.s32 $0xA80;
	[sflag:s15] =	ssyncadd.s32 $0xFFFFC000  }
0x4b0: {  	[spmem:s2] =	stream.indirect.scatter.add.f32 [tilespmem:s11], [sflag:$0x4], $0x80, s31, s9, $0xb8;
	[tilespmem:$0x1D000] =	vst v63  }
0x4b1: {  	_ =	swait.ge [sflag:s17], $0x4000  }
0x4b2: {  	[sflag:s17] =	ssyncset.done $0x0  }
0x4b3: {  	s7 =	simm.s32 $0x380;
	[sflag:s17] =	ssyncadd.s32 $0xFFFFC000  }
0x4b4: {  	[tilespmem:s11], [sflag:$0x2] =	stream.indirect.gather [hbm4b:s8+s9], $0x80, s7, s9, $0xb8;
	[tilespmem:$0x1D000] =	vst v63  }
0x4b5: {  	_ =	swait.ge [sflag:s12], $0x4000  }
0x4b6: {  	[sflag:s12] =	ssyncset.done $0x0  }
0x4b7: {  	s14 =	simm.s32 $0xB00;
	[sflag:s12] =	ssyncadd.s32 $0xFFFFC000  }
0x4b8: {  	[spmem:s2] =	stream.indirect.scatter.add.f32 [tilespmem:s10], [sflag:$0x3], $0x80, s14, s9, $0xb8;
	[tilespmem:$0x1D000] =	vst v63  }
0x4b9: {  	_ =	swait.ge [sflag:s13], $0x4000  }
0x4ba: {  	[sflag:s13] =	ssyncset.done $0x0  }
0x4bb: {  	s16 =	simm.s32 $0x400;
	[sflag:s13] =	ssyncadd.s32 $0xFFFFC000  }
0x4bc: {  	[tilespmem:s10], [sflag:$0x1] =	stream.indirect.gather [hbm4b:s8+s9], $0x80, s16, s9, $0xb8;
	[tilespmem:$0x1D000] =	vst v63  }
0x4bd: {  	_ =	swait.ge [sflag:s15], $0x4000  }
0x4be: {  	[sflag:s15] =	ssyncset.done $0x0  }
0x4bf: {  	s18 =	simm.s32 $0xB80;
	[sflag:s15] =	ssyncadd.s32 $0xFFFFC000  }
0x4c0: {  	[spmem:s2] =	stream.indirect.scatter.add.f32 [tilespmem:s11], [sflag:$0x4], $0x80, s18, s9, $0xb8;
	[tilespmem:$0x1D000] =	vst v63  }
0x4c1: {  	_ =	swait.ge [sflag:s17], $0x4000  }
0x4c2: {  	[sflag:s17] =	ssyncset.done $0x0  }
0x4c3: {  	s19 =	simm.s32 $0x480;
	[sflag:s17] =	ssyncadd.s32 $0xFFFFC000  }
0x4c4: {  	[tilespmem:s11], [sflag:$0x2] =	stream.indirect.gather [hbm4b:s8+s9], $0x80, s19, s9, $0xb8;
	[tilespmem:$0x1D000] =	vst v63  }
0x4c5: {  	_ =	swait.ge [sflag:s12], $0x4000  }
0x4c6: {  	[sflag:s12] =	ssyncset.done $0x0  }
0x4c7: {  	s1 =	simm.s32 $0xC00;
	[sflag:s12] =	ssyncadd.s32 $0xFFFFC000  }
0x4c8: {  	[spmem:s2] =	stream.indirect.scatter.add.f32 [tilespmem:s10], [sflag:$0x3], $0x80, s1, s9, $0xb8;
	[tilespmem:$0x1D000] =	vst v63  }
0x4c9: {  	_ =	swait.ge [sflag:s13], $0x4000  }
0x4ca: {  	[sflag:s13] =	ssyncset.done $0x0  }
0x4cb: {  	s20 =	simm.s32 $0x500;
	[sflag:s13] =	ssyncadd.s32 $0xFFFFC000  }
0x4cc: {  	[tilespmem:s10], [sflag:$0x1] =	stream.indirect.gather [hbm4b:s8+s9], $0x80, s20, s9, $0xb8;
	[tilespmem:$0x1D000] =	vst v63  }
0x4cd: {  	_ =	swait.ge [sflag:s15], $0x4000  }
0x4ce: {  	[sflag:s15] =	ssyncset.done $0x0  }
0x4cf: {  	s28 =	simm.s32 $0xC80;
	[sflag:s15] =	ssyncadd.s32 $0xFFFFC000  }
0x4d0: {  	[spmem:s2] =	stream.indirect.scatter.add.f32 [tilespmem:s11], [sflag:$0x4], $0x80, s28, s9, $0xb8;
	[tilespmem:$0x1D000] =	vst v63  }
0x4d1: {  	_ =	swait.ge [sflag:s17], $0x4000  }
0x4d2: {  	[sflag:s17] =	ssyncset.done $0x0  }
0x4d3: {  	s29 =	simm.s32 $0x580;
	[sflag:s17] =	ssyncadd.s32 $0xFFFFC000  }
0x4d4: {  	[tilespmem:s11], [sflag:$0x2] =	stream.indirect.gather [hbm4b:s8+s9], $0x80, s29, s9, $0xb8;
	[tilespmem:$0x1D000] =	vst v63  }
0x4d5: {  	_ =	swait.ge [sflag:s12], $0x4000  }
0x4d6: {  	[sflag:s12] =	ssyncset.done $0x0  }
0x4d7: {  	s29 =	simm.s32 $0xD00;
	[sflag:s12] =	ssyncadd.s32 $0xFFFFC000  }
0x4d8: {  	[spmem:s2] =	stream.indirect.scatter.add.f32 [tilespmem:s10], [sflag:$0x3], $0x80, s29, s9, $0xb8;
	[tilespmem:$0x1D000] =	vst v63  }
0x4d9: {  	_ =	swait.ge [sflag:s13], $0x4000  }
0x4da: {  	[sflag:s13] =	ssyncset.done $0x0  }
0x4db: {  	s28 =	simm.s32 $0x600;
	[sflag:s13] =	ssyncadd.s32 $0xFFFFC000  }
0x4dc: {  	[tilespmem:s10], [sflag:$0x1] =	stream.indirect.gather [hbm4b:s8+s9], $0x80, s28, s9, $0xb8;
	[tilespmem:$0x1D000] =	vst v63  }
0x4dd: {  	_ =	swait.ge [sflag:s15], $0x4000  }
0x4de: {  	[sflag:s15] =	ssyncset.done $0x0  }
0x4df: {  	s28 =	simm.s32 $0xD80;
	[sflag:s15] =	ssyncadd.s32 $0xFFFFC000  }
0x4e0: {  	[spmem:s2] =	stream.indirect.scatter.add.f32 [tilespmem:s11], [sflag:$0x4], $0x80, s28, s9, $0xb8;
	[tilespmem:$0x1D000] =	vst v63  }
0x4e1: {  	_ =	swait.ge [sflag:s17], $0x4000  }
0x4e2: {  	[sflag:s17] =	ssyncset.done $0x0  }
0x4e3: {  	s28 =	simm.s32 $0x680;
	[sflag:s17] =	ssyncadd.s32 $0xFFFFC000  }
0x4e4: {  	[tilespmem:s11], [sflag:$0x2] =	stream.indirect.gather [hbm4b:s8+s9], $0x80, s28, s9, $0xb8;
	[tilespmem:$0x1D000] =	vst v63  }
0x4e5: {  	_ =	swait.ge [sflag:s12], $0x4000  }
0x4e6: {  	[sflag:s12] =	ssyncset.done $0x0  }
0x4e7: {  	s28 =	simm.s32 $0xE00;
	[sflag:s12] =	ssyncadd.s32 $0xFFFFC000  }
0x4e8: {  	[spmem:s2] =	stream.indirect.scatter.add.f32 [tilespmem:s10], [sflag:$0x3], $0x80, s28, s9, $0xb8;
	[tilespmem:$0x1D000] =	vst v63  }
0x4e9: {  	_ =	swait.ge [sflag:s13], $0x4000  }
0x4ea: {  	[sflag:s13] =	ssyncset.done $0x0  }
0x4eb: {  	s28 =	simm.s32 $0x700;
	[sflag:s13] =	ssyncadd.s32 $0xFFFFC000  }
0x4ec: {  	[tilespmem:s10], [sflag:$0x1] =	stream.indirect.gather [hbm4b:s8+s9], $0x80, s28, s9, $0xb8;
	[tilespmem:$0x1D000] =	vst v63  }
0x4ed: {  	_ =	swait.ge [sflag:s15], $0x4000  }
0x4ee: {  	[sflag:s15] =	ssyncset.done $0x0  }
0x4ef: {  	s28 =	simm.s32 $0xE80;
	[sflag:s15] =	ssyncadd.s32 $0xFFFFC000  }
0x4f0: {  	[spmem:s2] =	stream.indirect.scatter.add.f32 [tilespmem:s11], [sflag:$0x4], $0x80, s28, s9, $0xb8;
	[tilespmem:$0x1D000] =	vst v63  }
0x4f1: {  	_ =	swait.ge [sflag:s17], $0x4000  }
0x4f2: {  	[sflag:s17] =	ssyncset.done $0x0  }
0x4f3: {  	s28 =	simm.s32 $0x780;
	[sflag:s17] =	ssyncadd.s32 $0xFFFFC000  }
0x4f4: {  	[tilespmem:s11], [sflag:$0x2] =	stream.indirect.gather [hbm4b:s8+s9], $0x80, s28, s9, $0xb8;
	[tilespmem:$0x1D000] =	vst v63  }
0x4f5: {  	_ =	swait.ge [sflag:s12], $0x4000  }
0x4f6: {  	[sflag:s12] =	ssyncset.done $0x0  }
0x4f7: {  	s28 =	simm.s32 $0xF00;
	[sflag:s12] =	ssyncadd.s32 $0xFFFFC000  }
0x4f8: {  	[spmem:s2] =	stream.indirect.scatter.add.f32 [tilespmem:s10], [sflag:$0x3], $0x80, s28, s9, $0xb8;
	[tilespmem:$0x1D000] =	vst v63  }
0x4f9: {  	_ =	swait.ge [sflag:s13], $0x4000  }
0x4fa: {  	[sflag:s13] =	ssyncset.done $0x0  }
0x4fb: {  	[sflag:s13] =	ssyncadd.s32 $0xFFFFC000  }
0x4fc: {  	_ =	swait.ge [sflag:s15], $0x4000  }
0x4fd: {  	[sflag:s15] =	ssyncset.done $0x0  }
0x4fe: {  	s28 =	simm.s32 $0xF80;
	[sflag:s15] =	ssyncadd.s32 $0xFFFFC000  }
0x4ff: {  	[spmem:s2] =	stream.indirect.scatter.add.f32 [tilespmem:s11], [sflag:$0x4], $0x80, s28, s9, $0xb8;
	[tilespmem:$0x1D000] =	vst v63  }
0x500: {  	_ =	swait.ge [sflag:s17], $0x4000  }
0x501: {  	[sflag:s17] =	ssyncset.done $0x0  }
0x502: {  	s28 =	rddreg [dreg:$0xd];
	[sflag:s17] =	ssyncadd.s32 $0xFFFFC000  }
0x503: {  	[tilespmem:s21], [sflag:$0x5] =	stream.linear.gather [hbm4b:s28+s21], $0x800, $0x38;
	[tilespmem:$0x1D000] =	vst v63  }
0x504: {  	_ =	swait.ge [sflag:s5], $0x800  }
0x505: {  	[sflag:s5] =	ssyncset.done $0x0  }
0x506: {  	s28 =	rddreg [dreg:$0xe];
	[sflag:s5] =	ssyncadd.s32 $0xFFFFF800  }
0x507: {  	[tilespmem:s0], [sflag:$0x5] =	stream.linear.gather [hbm4b:s28+s21], $0x800, $0x38;
	[tilespmem:$0x1D000] =	vst v63  }
0x508: {  	_ =	swait.ge [sflag:s5], $0x800  }
0x509: {  	[sflag:s5] =	ssyncset.done $0x0  }
0x50a: {  	[sflag:s5] =	ssyncadd.s32 $0xFFFFF800  }
0x50b: {  	[tilespmem:s10], [sflag:$0x1] =	stream.indirect.gather [hbm4b:s8+s9], $0x80, s21, s9, $0xb8;
	[tilespmem:$0x1D000] =	vst v63  }
0x50c: {  	_ = 	snop  }
0x50d: {  	[tilespmem:s11], [sflag:$0x2] =	stream.indirect.gather [hbm4b:s8+s9], $0x80, s9, s9, $0xb8;
	[tilespmem:$0x1D000] =	vst v63  }
0x50e: {  	_ =	swait.ge [sflag:s12], $0x4000  }
0x50f: {  	[sflag:s12] =	ssyncset.done $0x0  }
0x510: {  	[sflag:s12] =	ssyncadd.s32 $0xFFFFC000  }
0x511: {  	[spmem:s2] =	stream.indirect.scatter.add.f32 [tilespmem:s10], [sflag:$0x3], $0x80, s0, s9, $0xb8;
	[tilespmem:$0x1D000] =	vst v63  }
0x512: {  	_ =	swait.ge [sflag:s13], $0x4000  }
0x513: {  	[sflag:s13] =	ssyncset.done $0x0  }
0x514: {  	s28 =	simm.s32 $0x100;
	[sflag:s13] =	ssyncadd.s32 $0xFFFFC000  }
0x515: {  	[tilespmem:s10], [sflag:$0x1] =	stream.indirect.gather [hbm4b:s8+s9], $0x80, s28, s9, $0xb8;
	[tilespmem:$0x1D000] =	vst v63  }
0x516: {  	_ =	swait.ge [sflag:s15], $0x4000  }
0x517: {  	[sflag:s15] =	ssyncset.done $0x0  }
0x518: {  	s23 =	simm.s32 $0x880;
	[sflag:s15] =	ssyncadd.s32 $0xFFFFC000  }
0x519: {  	[spmem:s2] =	stream.indirect.scatter.add.f32 [tilespmem:s11], [sflag:$0x4], $0x80, s23, s9, $0xb8;
	[tilespmem:$0x1D000] =	vst v63  }
0x51a: {  	_ =	swait.ge [sflag:s17], $0x4000  }
0x51b: {  	[sflag:s17] =	ssyncset.done $0x0  }
0x51c: {  	s22 =	simm.s32 $0x180;
	[sflag:s17] =	ssyncadd.s32 $0xFFFFC000  }
0x51d: {  	[tilespmem:s11], [sflag:$0x2] =	stream.indirect.gather [hbm4b:s8+s9], $0x80, s22, s9, $0xb8;
	[tilespmem:$0x1D000] =	vst v63  }
0x51e: {  	_ =	swait.ge [sflag:s12], $0x4000  }
0x51f: {  	[sflag:s12] =	ssyncset.done $0x0  }
0x520: {  	s3 =	simm.s32 $0x900;
	[sflag:s12] =	ssyncadd.s32 $0xFFFFC000  }
0x521: {  	[spmem:s2] =	stream.indirect.scatter.add.f32 [tilespmem:s10], [sflag:$0x3], $0x80, s3, s9, $0xb8;
	[tilespmem:$0x1D000] =	vst v63  }
0x522: {  	_ =	swait.ge [sflag:s13], $0x4000  }
0x523: {  	[sflag:s13] =	ssyncset.done $0x0  }
0x524: {  	s24 =	simm.s32 $0x200;
	[sflag:s13] =	ssyncadd.s32 $0xFFFFC000  }
0x525: {  	[tilespmem:s10], [sflag:$0x1] =	stream.indirect.gather [hbm4b:s8+s9], $0x80, s24, s9, $0xb8;
	[tilespmem:$0x1D000] =	vst v63  }
0x526: {  	_ =	swait.ge [sflag:s15], $0x4000  }
0x527: {  	[sflag:s15] =	ssyncset.done $0x0  }
0x528: {  	s3 =	simm.s32 $0x980;
	[sflag:s15] =	ssyncadd.s32 $0xFFFFC000  }
0x529: {  	[spmem:s2] =	stream.indirect.scatter.add.f32 [tilespmem:s11], [sflag:$0x4], $0x80, s3, s9, $0xb8;
	[tilespmem:$0x1D000] =	vst v63  }
0x52a: {  	_ =	swait.ge [sflag:s17], $0x4000  }
0x52b: {  	[sflag:s17] =	ssyncset.done $0x0  }
0x52c: {  	s4 =	simm.s32 $0x280;
	[sflag:s17] =	ssyncadd.s32 $0xFFFFC000  }
0x52d: {  	[tilespmem:s11], [sflag:$0x2] =	stream.indirect.gather [hbm4b:s8+s9], $0x80, s4, s9, $0xb8;
	[tilespmem:$0x1D000] =	vst v63  }
0x52e: {  	_ =	swait.ge [sflag:s12], $0x4000  }
0x52f: {  	[sflag:s12] =	ssyncset.done $0x0  }
0x530: {  	s6 =	simm.s32 $0xA00;
	[sflag:s12] =	ssyncadd.s32 $0xFFFFC000  }
0x531: {  	[spmem:s2] =	stream.indirect.scatter.add.f32 [tilespmem:s10], [sflag:$0x3], $0x80, s6, s9, $0xb8;
	[tilespmem:$0x1D000] =	vst v63  }
0x532: {  	_ =	swait.ge [sflag:s13], $0x4000  }
0x533: {  	[sflag:s13] =	ssyncset.done $0x0  }
0x534: {  	s30 =	simm.s32 $0x300;
	[sflag:s13] =	ssyncadd.s32 $0xFFFFC000  }
0x535: {  	[tilespmem:s10], [sflag:$0x1] =	stream.indirect.gather [hbm4b:s8+s9], $0x80, s30, s9, $0xb8;
	[tilespmem:$0x1D000] =	vst v63  }
0x536: {  	_ =	swait.ge [sflag:s15], $0x4000  }
0x537: {  	[sflag:s15] =	ssyncset.done $0x0  }
0x538: {  	s31 =	simm.s32 $0xA80;
	[sflag:s15] =	ssyncadd.s32 $0xFFFFC000  }
0x539: {  	[spmem:s2] =	stream.indirect.scatter.add.f32 [tilespmem:s11], [sflag:$0x4], $0x80, s31, s9, $0xb8;
	[tilespmem:$0x1D000] =	vst v63  }
0x53a: {  	_ =	swait.ge [sflag:s17], $0x4000  }
0x53b: {  	[sflag:s17] =	ssyncset.done $0x0  }
0x53c: {  	s7 =	simm.s32 $0x380;
	[sflag:s17] =	ssyncadd.s32 $0xFFFFC000  }
0x53d: {  	[tilespmem:s11], [sflag:$0x2] =	stream.indirect.gather [hbm4b:s8+s9], $0x80, s7, s9, $0xb8;
	[tilespmem:$0x1D000] =	vst v63  }
0x53e: {  	_ =	swait.ge [sflag:s12], $0x4000  }
0x53f: {  	[sflag:s12] =	ssyncset.done $0x0  }
0x540: {  	s14 =	simm.s32 $0xB00;
	[sflag:s12] =	ssyncadd.s32 $0xFFFFC000  }
0x541: {  	[spmem:s2] =	stream.indirect.scatter.add.f32 [tilespmem:s10], [sflag:$0x3], $0x80, s14, s9, $0xb8;
	[tilespmem:$0x1D000] =	vst v63  }
0x542: {  	_ =	swait.ge [sflag:s13], $0x4000  }
0x543: {  	[sflag:s13] =	ssyncset.done $0x0  }
0x544: {  	s16 =	simm.s32 $0x400;
	[sflag:s13] =	ssyncadd.s32 $0xFFFFC000  }
0x545: {  	[tilespmem:s10], [sflag:$0x1] =	stream.indirect.gather [hbm4b:s8+s9], $0x80, s16, s9, $0xb8;
	[tilespmem:$0x1D000] =	vst v63  }
0x546: {  	_ =	swait.ge [sflag:s15], $0x4000  }
0x547: {  	[sflag:s15] =	ssyncset.done $0x0  }
0x548: {  	s18 =	simm.s32 $0xB80;
	[sflag:s15] =	ssyncadd.s32 $0xFFFFC000  }
0x549: {  	[spmem:s2] =	stream.indirect.scatter.add.f32 [tilespmem:s11], [sflag:$0x4], $0x80, s18, s9, $0xb8;
	[tilespmem:$0x1D000] =	vst v63  }
0x54a: {  	_ =	swait.ge [sflag:s17], $0x4000  }
0x54b: {  	[sflag:s17] =	ssyncset.done $0x0  }
0x54c: {  	s19 =	simm.s32 $0x480;
	[sflag:s17] =	ssyncadd.s32 $0xFFFFC000  }
0x54d: {  	[tilespmem:s11], [sflag:$0x2] =	stream.indirect.gather [hbm4b:s8+s9], $0x80, s19, s9, $0xb8;
	[tilespmem:$0x1D000] =	vst v63  }
0x54e: {  	_ =	swait.ge [sflag:s12], $0x4000  }
0x54f: {  	[sflag:s12] =	ssyncset.done $0x0  }
0x550: {  	s25 =	simm.s32 $0xC00;
	[sflag:s12] =	ssyncadd.s32 $0xFFFFC000  }
0x551: {  	[spmem:s2] =	stream.indirect.scatter.add.f32 [tilespmem:s10], [sflag:$0x3], $0x80, s25, s9, $0xb8;
	[tilespmem:$0x1D000] =	vst v63  }
0x552: {  	_ =	swait.ge [sflag:s13], $0x4000  }
0x553: {  	[sflag:s13] =	ssyncset.done $0x0  }
0x554: {  	s1 =	simm.s32 $0x500;
	[sflag:s13] =	ssyncadd.s32 $0xFFFFC000  }
0x555: {  	[tilespmem:s10], [sflag:$0x1] =	stream.indirect.gather [hbm4b:s8+s9], $0x80, s1, s9, $0xb8;
	[tilespmem:$0x1D000] =	vst v63  }
0x556: {  	_ =	swait.ge [sflag:s15], $0x4000  }
0x557: {  	[sflag:s15] =	ssyncset.done $0x0  }
0x558: {  	s14 =	simm.s32 $0xC80;
	[sflag:s15] =	ssyncadd.s32 $0xFFFFC000  }
0x559: {  	[spmem:s2] =	stream.indirect.scatter.add.f32 [tilespmem:s11], [sflag:$0x4], $0x80, s14, s9, $0xb8;
	[tilespmem:$0x1D000] =	vst v63  }
0x55a: {  	_ =	swait.ge [sflag:s17], $0x4000  }
0x55b: {  	[sflag:s17] =	ssyncset.done $0x0  }
0x55c: {  	s20 =	simm.s32 $0x580;
	[sflag:s17] =	ssyncadd.s32 $0xFFFFC000  }
0x55d: {  	[tilespmem:s11], [sflag:$0x2] =	stream.indirect.gather [hbm4b:s8+s9], $0x80, s20, s9, $0xb8;
	[tilespmem:$0x1D000] =	vst v63  }
0x55e: {  	_ =	swait.ge [sflag:s12], $0x4000  }
0x55f: {  	[sflag:s12] =	ssyncset.done $0x0  }
0x560: {  	s29 =	simm.s32 $0xD00;
	[sflag:s12] =	ssyncadd.s32 $0xFFFFC000  }
0x561: {  	[spmem:s2] =	stream.indirect.scatter.add.f32 [tilespmem:s10], [sflag:$0x3], $0x80, s29, s9, $0xb8;
	[tilespmem:$0x1D000] =	vst v63  }
0x562: {  	_ =	swait.ge [sflag:s13], $0x4000  }
0x563: {  	[sflag:s13] =	ssyncset.done $0x0  }
0x564: {  	s16 =	simm.s32 $0x600;
	[sflag:s13] =	ssyncadd.s32 $0xFFFFC000  }
0x565: {  	[tilespmem:s10], [sflag:$0x1] =	stream.indirect.gather [hbm4b:s8+s9], $0x80, s16, s9, $0xb8;
	[tilespmem:$0x1D000] =	vst v63  }
0x566: {  	_ =	swait.ge [sflag:s15], $0x4000  }
0x567: {  	[sflag:s15] =	ssyncset.done $0x0  }
0x568: {  	s18 =	simm.s32 $0xD80;
	[sflag:s15] =	ssyncadd.s32 $0xFFFFC000  }
0x569: {  	[spmem:s2] =	stream.indirect.scatter.add.f32 [tilespmem:s11], [sflag:$0x4], $0x80, s18, s9, $0xb8;
	[tilespmem:$0x1D000] =	vst v63  }
0x56a: {  	_ =	swait.ge [sflag:s17], $0x4000  }
0x56b: {  	[sflag:s17] =	ssyncset.done $0x0  }
0x56c: {  	s19 =	simm.s32 $0x680;
	[sflag:s17] =	ssyncadd.s32 $0xFFFFC000  }
0x56d: {  	[tilespmem:s11], [sflag:$0x2] =	stream.indirect.gather [hbm4b:s8+s9], $0x80, s19, s9, $0xb8;
	[tilespmem:$0x1D000] =	vst v63  }
0x56e: {  	_ =	swait.ge [sflag:s12], $0x4000  }
0x56f: {  	[sflag:s12] =	ssyncset.done $0x0  }
0x570: {  	s20 =	simm.s32 $0xE00;
	[sflag:s12] =	ssyncadd.s32 $0xFFFFC000  }
0x571: {  	[spmem:s2] =	stream.indirect.scatter.add.f32 [tilespmem:s10], [sflag:$0x3], $0x80, s20, s9, $0xb8;
	[tilespmem:$0x1D000] =	vst v63  }
0x572: {  	_ =	swait.ge [sflag:s13], $0x4000  }
0x573: {  	[sflag:s13] =	ssyncset.done $0x0  }
0x574: {  	s22 =	simm.s32 $0x700;
	[sflag:s13] =	ssyncadd.s32 $0xFFFFC000  }
0x575: {  	[tilespmem:s10], [sflag:$0x1] =	stream.indirect.gather [hbm4b:s8+s9], $0x80, s22, s9, $0xb8;
	[tilespmem:$0x1D000] =	vst v63  }
0x576: {  	_ =	swait.ge [sflag:s15], $0x4000  }
0x577: {  	[sflag:s15] =	ssyncset.done $0x0  }
0x578: {  	s23 =	simm.s32 $0xE80;
	[sflag:s15] =	ssyncadd.s32 $0xFFFFC000  }
0x579: {  	[spmem:s2] =	stream.indirect.scatter.add.f32 [tilespmem:s11], [sflag:$0x4], $0x80, s23, s9, $0xb8;
	[tilespmem:$0x1D000] =	vst v63  }
0x57a: {  	_ =	swait.ge [sflag:s17], $0x4000  }
0x57b: {  	[sflag:s17] =	ssyncset.done $0x0  }
0x57c: {  	s24 =	simm.s32 $0x780;
	[sflag:s17] =	ssyncadd.s32 $0xFFFFC000  }
0x57d: {  	[tilespmem:s11], [sflag:$0x2] =	stream.indirect.gather [hbm4b:s8+s9], $0x80, s24, s9, $0xb8;
	[tilespmem:$0x1D000] =	vst v63  }
0x57e: {  	_ =	swait.ge [sflag:s12], $0x4000  }
0x57f: {  	[sflag:s12] =	ssyncset.done $0x0  }
0x580: {  	s25 =	simm.s32 $0xF00;
	[sflag:s12] =	ssyncadd.s32 $0xFFFFC000  }
0x581: {  	[spmem:s2] =	stream.indirect.scatter.add.f32 [tilespmem:s10], [sflag:$0x3], $0x80, s25, s9, $0xb8;
	[tilespmem:$0x1D000] =	vst v63  }
0x582: {  	_ =	swait.ge [sflag:s13], $0x4000  }
0x583: {  	[sflag:s13] =	ssyncset.done $0x0  }
0x584: {  	[sflag:s13] =	ssyncadd.s32 $0xFFFFC000  }
0x585: {  	_ =	swait.ge [sflag:s15], $0x4000  }
0x586: {  	[sflag:s15] =	ssyncset.done $0x0  }
0x587: {  	s28 =	simm.s32 $0xF80;
	[sflag:s15] =	ssyncadd.s32 $0xFFFFC000  }
0x588: {  	[spmem:s2] =	stream.indirect.scatter.add.f32 [tilespmem:s11], [sflag:$0x4], $0x80, s28, s9, $0xb8;
	[tilespmem:$0x1D000] =	vst v63  }
0x589: {  	_ =	swait.ge [sflag:s17], $0x4000  }
0x58a: {  	[sflag:s17] =	ssyncset.done $0x0  }
0x58b: {  	[sflag:s17] =	ssyncadd.s32 $0xFFFFC000  }
0x58c: {  	p0 =	sne.s32 s26, $0x1;
	[bflag:$0x0] =	sbarrier.arrive $0xFFFF  }
.Ltmp1:
0x58d: {  	s29 =	rddreg [dreg:$0xf];
	(pc) =	sbr.rel @p0 .LBB2_1-.Ltmp1, $4  }
0x58e: {  	s30 =	rddreg [dreg:$0x11]  }
0x58f: {  	s31 =	rddreg [dreg:$0x10]  }
0x590: {  	[hbm:s29], [sflag:s31] =	dma.local [spmem:s30], $0x2800  }
0x591: {  	s26 =	sadd.s32 $0xFFFFFFFF, s26;
	_ =	swait.ge [sflag:s5], $0x2800  }
.LBB2_2:
0x592: {  	[sflag:s5] =	ssyncset.done $0x0  }
0x593: {  	[sflag:s5] =	ssyncadd.s32 $0xFFFFD800  }
0x594: {  	_ =	sfence.sel $0x180000  }
0x595: {  	[bflag:$0x0] =	sbarrier.arrive $0xFFFF  }
0x596: {  	_ =	strace $0x9000004D  }
0x597: {  	s0 =	stileid.u32;
	[bflag:$0x2] =	sbarrier.arrive $0xFFFF  }
0x598: {  	p0 =	sne.s32 s0, $0x0;
	s0 =	rddreg [dreg:$0x3]  }
0x599: {  	s0 =	sadd.s32 @!p0 $0x100000, s0  }
0x59a: {  	[sflag:s0] =	ssyncadd.tile.s32 @!p0 $0x1;
	_ =	shalt  }
.Lfunc_end2:
_tile_overlayer_lowered:
.L_overlay_start_2:
0x59b: {  	(tag) =	ssettag $0x2  }
0x59c: {  	s0 =	rddreg [dreg:$0x0];
	s2 =	stileid.u32  }
0x59d: {  	s1 =	rddreg [dreg:$0x1];
	p0 =	sne.s32 s2, $0x0  }
0x59e: {  	s3 =	rddreg [dreg:$0x2];
	[bflag:$0x3] =	sbarrier.arrive $0xFFFF;
	s2 =	simm.s32 @!p0 $0x1C05  }
0x59f: {  	[timem:s3], [sflag:s2] =	dma.local @!p0 [hbm:s0], s1  }
0x5a0: {  	s0 =	simm.s32 @!p0 $0x5  }
0x5a1: {  	_ =	swait.ge @!p0 [sflag:s0], s1  }
0x5a2: {  	s1 =	ssub.s32 @!p0 $0x0, s1;
	[sflag:s0] =	ssyncset.done @!p0 $0x0  }
0x5a3: {  	[sflag:s0] =	ssyncadd.s32 @!p0 s1  }
0x5a4: {  	[bflag:$0x3] =	sbarrier.arrive $0xFFFF  }
0x5a5: {  	_ =	shalt  }

// kernel: kernel.8.cloned.1.call-start
scs
__scs_entry_jumppad:
0x0: {  	(pc) =	sbr.rel $0x88, $3  }
0x1: {  	(tag) =	ssettag $0x0;
	lr =	simm.s32 $0x1  }
0x2: {  	[smem:$0x3F9B] =	sst lr;
	_ =	strace $0xD0000000  }
0x3: {  	_ = 	snop  }
0x4: {  	_ = 	snop  }
0x5: {  	_ = 	snop  }
0x6: {  	_ = 	snop  }
0x7: {  	_ = 	snop  }
__scs_overlays_trampoline_lowered:
0x8: {  	[smem:$0x3FAA] =	sst s0  }
0x9: {  	[smem:$0x3FAB] =	sst s1  }
0xa: {  	[smem:$0x3FAC] =	sst s2  }
0xb: {  	[smem:$0x3FAD] =	sst s3  }
0xc: {  	[smem:$0x3FAE] =	sst s4  }
0xd: {  	[smem:$0x3FAF] =	sst s5  }
0xe: {  	[smem:$0x3FB0] =	sst s6  }
0xf: {  	[smem:$0x3FB1] =	sst s7  }
0x10: {  	[smem:$0x3FB2] =	sst s8  }
0x11: {  	[smem:$0x3FB3] =	sst s9;
	s0 =	simm.s32 @!p0 $0x0  }
0x12: {  	s1 =	sld [smem:$0x3F99];
	s0 =	simm.s32 @p0 $0x1  }
0x13: {  	[smem:$0x3FB4] =	sst s0;
	s0 =	simm.s32 @!p1 $0x0  }
0x14: {  	s2 =	sld [smem:$0x3F98];
	s0 =	simm.s32 @p1 $0x1  }
0x15: {  	[smem:$0x3FB5] =	sst s0;
	s0 =	simm.s32 @!p2 $0x0  }
0x16: {  	s3 =	sld [smem:$0x3FDB];
	s0 =	simm.s32 @p2 $0x1  }
0x17: {  	s4 =	simm.s32 $0x1BF5;
	[smem:$0x3FB7] =	sst s0  }
0x18: {  	s0 =	sld [smem:$0x3F9A];
	_ =	swait.ge [sflag:s4], $0x0  }
0x19: {  	s7 =	sld [smem:$0x3F9B]  }
0x1a: {  	s8 =	sadd.s32 $0xFFFFE003, lr  }
0x1b: {  	s9 =	sadd.s32 $0xFFFFFEF7, lr;
	s5 =	simm.s32 $0xFFFFFFFF;
	p2 =	slt.u32 s8, $0xFFFFF086  }
0x1c: {  	p1 =	slt.u32 s9, $0xF7A;
	s5 =	simm.s32 @!p2 $0x0  }
0x1d: {  	s5 =	simm.s32 @p1 $0x1;
	p0 =	seq.s32 s7, s2  }
0x1e: {  	s7 =	smul.u32 @!p0 $0xF7A, s2;
	p2 =	seq.s32 @!p0 s5, $0x0  }
0x1f: {  	s9 =	smul.u32 $0xF7A, s1;
	s8 =	simm.s32 @!p0 $0x1BF5;
	p2 =	por !p2, p0  }
0x20: {  	[sflag:s8] =	ssyncset.s32 @!p0 $0xFFFFF086;
	s6 =	sadd.s32 @!p0 s3, s7;
	s7 =	simm.s32 @!p0 $0x108  }
0x21: {  	s3 =	sadd.s32 s3, s9;
	s6 =	sadd.s32 @!p0 $0x88, s6;
	s7 =	simm.s32 @p2 $0x1082  }
0x22: {  	[simem:s7], [sflag:s8] =	dma.local @!p0 [hbm:s6], $0xF7A  }
0x23: {  	s9 =	sor.u32 $0xD0000000, s2;
	s6 =	simm.s32 $0x108;
	_ =	swait.ge @!p0 [sflag:s8], $0x0  }
0x24: {  	s3 =	sadd.s32 $0x88, s3;
	s6 =	simm.s32 @!p1 $0x1082;
	[sflag:s4] =	ssyncset.s32 $0xFFFFF086  }
0x25: {  	[simem:s6], [sflag:s4] =	dma.local [hbm:s3], $0xF7A  }
0x26: {  	[smem:$0x3F9B] =	sst s1;
	(tag) =	ssettag s2;
	_ =	strace s9  }
0x27: {  	s1 =	sld [smem:$0x3FAB]  }
0x28: {  	s2 =	sld [smem:$0x3FAC]  }
0x29: {  	s4 =	sld [smem:$0x3FAE]  }
0x2a: {  	p0 =	seq.s32 s5, $0x0;
	s5 =	sld [smem:$0x3FAF]  }
0x2b: {  	s6 =	sld [smem:$0x3FB0]  }
0x2c: {  	s7 =	sld [smem:$0x3FB1]  }
0x2d: {  	s3 =	simm.s32 $0x108;
	s8 =	sld [smem:$0x3FB2]  }
0x2e: {  	s3 =	simm.s32 @!p0 $0x1082;
	s9 =	sld [smem:$0x3FB3]  }
0x2f: {  	lr =	sadd.s32 s0, s3;
	s0 =	sld [smem:$0x3FAA]  }
0x30: {  	s3 =	sld [smem:$0x3FAD]  }
0x31: {  	[smem:$0x3FB6] =	sst s10  }
0x32: {  	s10 =	sld [smem:$0x3FB4];
	_ =	sdelay $0x3  }
0x33: {  	p0 =	seq.s32 s10, $0x1;
	s10 =	sld [smem:$0x3FB6];
	_ =	sdelay $0x3  }
0x34: {  	[smem:$0x3FB6] =	sst s10  }
0x35: {  	s10 =	sld [smem:$0x3FB5];
	_ =	sdelay $0x3  }
0x36: {  	p1 =	seq.s32 s10, $0x1;
	s10 =	sld [smem:$0x3FB6];
	_ =	sdelay $0x3  }
0x37: {  	[smem:$0x3FB6] =	sst s10  }
0x38: {  	s10 =	sld [smem:$0x3FB7]  }
0x39: {  	_ = 	snop;
	(pc) =	sbr.ind lr, $3  }
0x3a: {  	_ = 	snop  }
0x3b: {  	_ = 	snop  }
0x3c: {  	p2 =	seq.s32 s10, $0x1;
	s10 =	sld [smem:$0x3FB6]  }
0x3d: {  	_ =	shalt  }
0x3e: {  	_ =	shalt  }
0x3f: {  	_ =	shalt  }
0x40: {  	_ =	shalt  }
0x41: {  	_ =	shalt  }
0x42: {  	_ =	shalt  }
0x43: {  	_ =	shalt  }
0x44: {  	_ =	shalt  }
0x45: {  	_ =	shalt  }
0x46: {  	_ =	shalt  }
0x47: {  	_ =	shalt  }
0x48: {  	_ =	shalt  }
0x49: {  	_ =	shalt  }
0x4a: {  	_ =	shalt  }
0x4b: {  	_ =	shalt  }
0x4c: {  	_ =	shalt  }
0x4d: {  	_ =	shalt  }
0x4e: {  	_ =	shalt  }
0x4f: {  	_ =	shalt  }
0x50: {  	_ =	shalt  }
0x51: {  	_ =	shalt  }
0x52: {  	_ =	shalt  }
0x53: {  	_ =	shalt  }
0x54: {  	_ =	shalt  }
0x55: {  	_ =	shalt  }
0x56: {  	_ =	shalt  }
0x57: {  	_ =	shalt  }
0x58: {  	_ =	shalt  }
0x59: {  	_ =	shalt  }
0x5a: {  	_ =	shalt  }
0x5b: {  	_ =	shalt  }
0x5c: {  	_ =	shalt  }
0x5d: {  	_ =	shalt  }
0x5e: {  	_ =	shalt  }
0x5f: {  	_ =	shalt  }
0x60: {  	_ =	shalt  }
0x61: {  	_ =	shalt  }
0x62: {  	_ =	shalt  }
0x63: {  	_ =	shalt  }
0x64: {  	_ =	shalt  }
0x65: {  	_ =	shalt  }
0x66: {  	_ =	shalt  }
0x67: {  	_ =	shalt  }
0x68: {  	_ =	shalt  }
0x69: {  	_ =	shalt  }
0x6a: {  	_ =	shalt  }
0x6b: {  	_ =	shalt  }
0x6c: {  	_ =	shalt  }
0x6d: {  	_ =	shalt  }
0x6e: {  	_ =	shalt  }
0x6f: {  	_ =	shalt  }
0x70: {  	_ =	shalt  }
0x71: {  	_ =	shalt  }
0x72: {  	_ =	shalt  }
0x73: {  	_ =	shalt  }
0x74: {  	_ =	shalt  }
0x75: {  	_ =	shalt  }
0x76: {  	_ =	shalt  }
0x77: {  	_ =	shalt  }
0x78: {  	_ =	shalt  }
0x79: {  	_ =	shalt  }
0x7a: {  	_ =	shalt  }
0x7b: {  	_ =	shalt  }
0x7c: {  	_ =	shalt  }
0x7d: {  	_ =	shalt  }
0x7e: {  	_ =	shalt  }
0x7f: {  	_ =	shalt  }
0x80: {  	_ =	shalt  }
0x81: {  	_ =	shalt  }
0x82: {  	_ =	shalt  }
0x83: {  	_ =	shalt  }
0x84: {  	_ =	shalt  }
0x85: {  	_ =	shalt  }
0x86: {  	_ =	shalt  }
0x87: {  	_ =	shalt  }
.Lfunc_end0:
.L_simem_size_0:
called_computation_lowered:
.L_overlay_start_0:
0x88: {  	s2 =	sld [smem:$0x3FD9]  }
0x89: {  	s3 =	sld [smem:$0x3FFE];
	_ =	sdelay $0x1  }
0x8a: {  	s1 =	srdreg.scid  }
0x8b: {  	s0 =	sand.u32 $0x1, s1  }
0x8c: {  	s17 =	sshll.u32 s0, $0xA;
	s2 =	sadd.s32 s3, s2  }
0x8d: {  	s2 =	sadd.s32 s2, s17  }
0x8e: {  	[smem:$0x3FC2] =	sst s2  }
0x8f: {  	_ = 	snop  }
0x90: {  	s2 =	sld [smem:$0x3FD0];
	(tm) =	ssettm $0x1  }
0x91: {  	s18 =	sld [smem:$0x3FFB];
	_ =	sdelay $0x3  }
0x92: {  	_ =	strace s18  }
0x93: {  	s3 =	sld [smem:$0x3FFC];
	_ =	sdelay $0x3  }
0x94: {  	_ =	strace s3  }
0x95: {  	s3 =	sld [smem:$0x3FFD];
	_ =	sdelay $0x3  }
0x96: {  	_ =	strace s3  }
0x97: {  	_ =	strace $0x8FFFFFFF  }
0x98: {  	s19 =	sld [smem:$0x3FDB];
	_ =	sdelay $0x1  }
0x99: {  	s4 =	simm.s32 $_scs_section_size  }
0x9a: {  	s5 =	simm.s32 $_size__tile_overlayer_lowered;
	s6 =	simm.s32 $_tile_overlayer_lowered  }
0x9b: {  	s22 =	simm.s32 $0x1BFF;
	s21 =	sshll.u32 s6, $0x1;
	s3 =	sadd.s32 s4, s19  }
0x9c: {  	s7 =	simm.s32 $0x0;
	s20 =	sshll.u32 s5, $0x1;
	s5 =	sadd.s32 s21, s3  }
0x9d: {  	[timem:s7], [sflag:s22] =	dma.local [hbm:s5], s20  }
0x9e: {  	_ =	swait.ge [sflag:s22], s20  }
0x9f: {  	s4 =	ssub.s32 $0x0, s20;
	[sflag:s22] =	ssyncset.done $0x0  }
0xa0: {  	[sflag:s22] =	ssyncadd.s32 s4;
	_ =	sdelay $0x1  }
0xa1: {  	s23 =	simm.s32 $0x1B8B  }
0xa2: {  	_ =	swait.ge [sflag:s23], $0x1  }
0xa3: {  	[sflag:s23] =	ssyncset.done $0x0  }
0xa4: {  	s25 =	simm.s32 $0x1B8E;
	s24 =	sld [smem:$0x3FFE];
	[sflag:s23] =	ssyncadd.s32 $0xFFFFFFFF  }
0xa5: {  	s26 =	simm.s32 $execute0_lowered;
	[smem:$0x3FD2] =	sst s25  }
0xa6: {  	s5 =	sshll.u32 s26, $0x1;
	_ =	strace $0x80000046;
	[dreg:$0x1] =	wrdreg $0xFFFFFFFF  }
0xa7: {  	s28 =	simm.s32 $_size_execute0_lowered;
	s3 =	sadd.s32 s3, s5;
	[dreg:$0x0] =	wrdreg $0x0  }
0xa8: {  	s5 =	sshll.u32 s28, $0x1;
	[dreg:$0x2] =	wrdreg s3  }
0xa9: {  	[dreg:$0x3] =	wrdreg s5  }
0xaa: {  	[dreg:$0x4] =	wrdreg $0xC0  }
0xab: {  	_ =	task [dreg:s7], $0x5FFFF  }
0xac: {  	[dreg:$0x1] =	wrdreg $0xFFFFFFFF  }
0xad: {  	[dreg:$0x0] =	wrdreg $0x60  }
0xae: {  	[dreg:$0x2] =	wrdreg s2  }
0xaf: {  	[dreg:$0x3] =	wrdreg s24  }
0xb0: {  	[dreg:$0x4] =	wrdreg $0x28800  }
0xb1: {  	[dreg:$0x5] =	wrdreg $0x9  }
0xb2: {  	_ =	task.clear_ibuf [dreg:s7], $0x6FFFF;
	_ =	strace $0x90000046  }
0xb3: {  	s29 =	simm.s32 $0x9;
	_ =	strace $0x80000048  }
0xb4: {  	_ =	swait.ge [sflag:s29], $0x1  }
0xb5: {  	[sflag:s29] =	ssyncadd.s32 $0xFFFFFFFF  }
0xb6: {  	_ =	strace $0x90000048  }
0xb7: {  	_ =	sfence  }
0xb8: {  	s30 =	sld [smem:$0x0];
	_ =	sdelay $0x2  }
0xb9: {  	s31 =	sshll.u32 s1, $0xD;
	s1 =	sshrl.u32 s1, $0x2  }
0xba: {  	s3 =	sand.u32 $0x4000, s31;
	s1 =	sadd.s32 s1, s30  }
0xbb: {  	s0 =	sor.u32 s3, s0;
	s1 =	sshll.u32 s1, $0x11  }
0xbc: {  	s0 =	sor.u32 s1, s0  }
0xbd: {  	s0 =	sadd.s32 $0x8F2B, s0  }
0xbe: {  	[sflag:s0] =	ssyncadd.remote.s32 $0x1  }
0xbf: {  	_ =	sfence.sel $0xFFFF  }
0xc0: {  	[dreg:$0x0] =	wrdreg $0xFFFFFFFF;
	(pc) =	sbr.abs _section_cstart, $3  }
0xc1: {  	[dreg:$0x1] =	wrdreg $0xFFFFFFFF  }
0xc2: {  	_ =	task.clear_ibuf [dreg:s7], $0x2FFFF;
	_ =	strace $0x9FFFFFFF  }
0xc3: {  	(tm) =	ssettm $0x7FFFFFFF  }
tec
execute0_lowered:
.L_overlay_start_1:
0x0: {  	(tag) =	ssettag $0x1  }
0x1: {  	s7 =	rddreg [dreg:$0x0]  }
0x2: {  	s6 =	rddreg [dreg:$0x1]  }
0x3: {  	s2 =	rddreg [dreg:$0x2]  }
0x4: {  	s0 =	rddreg [dreg:$0x3];
	s4 =	srdreg.scid  }
0x5: {  	s1 =	stileid.u32;
	s3 =	simm.s32 $0x0;
	s13 =	simm.s32 $0x80  }
0x6: {  	s14 =	simm.s32 $0x20;
	s15 =	simm.s32 $0x10;
	s16 =	simm.s32 $0x0  }
0x7: {  	s8 =	sand.u32 $0x1, s4;
	s5 =	smul.u32 $0x500, s1;
	[smem:$0x7FF] =	sst s3  }
0x8: {  	s4 =	sadd.s32 $0xC800, s6;
	s10 =	sshll.u32 s1, $0x1;
	s12 =	smul.u32 $0xA00, s1  }
0x9: {  	s31 =	sshll.u32 s1, $0x6;
	s9 =	sshll.u32 s8, $0x7;
	_ =	strace $0x80000047  }
0xa: {  	s11 =	ssub.s32 $0x2, s8;
	s8 =	sor.u32 s8, s10;
	s9 =	sor.u32 s9, s5  }
0xb: {  	s5 =	sadd.s32 $0xC600, s6;
	s28 =	sshrl.u32 s11, $0x1;
	s8 =	smul.u32 $0x500, s8  }
0xc: {  	s30 =	sshrl.u32 s12, $0x2;
	s9 =	sshrl.u32 s9, $0x3;
	s29 =	ssub.s32 s11, s28  }
0xd: {  	s12 =	sadd.s32 s30, s2;
	s11 =	simm.s32 $0x1;
	s9 =	sadd.s32 s9, s6  }
0xe: {  	s6 =	sor.u32 $0x1C01, s31;
	s7 =	sadd.s32 s7, s8;
	s10 =	sshrl.u32 s12, $0x3  }
0xf: {  	s12 =	simm.s32 $0x2800;
	s8 =	sadd.s32 $0xCA00, s9;
	s9 =	smax.u32 s29, $0x1  }
.LBB2_1:
0x10: {  	[spmem:s10], [sflag:s6] =	dma.local [hbm:s5], $0x50  }
0x11: {  	_ =	swait.ge [sflag:s11], $0x50  }
0x12: {  	[sflag:s11] =	ssyncset.done $0x0  }
0x13: {  	[sflag:s11] =	ssyncadd.s32 $0xFFFFFFB0  }
0x14: {  	[tilespmem:s3], [sflag:$0x1] =	stream.linear.gather [hbm4b:s7+s3], $0x2800, $0x38;
	[tilespmem:$0x2B00] =	vst v63  }
0x15: {  	_ =	swait.ge [sflag:s11], $0x2800  }
0x16: {  	[sflag:s11] =	ssyncset.done $0x0  }
0x17: {  	[sflag:s11] =	ssyncadd.s32 $0xFFFFD800  }
0x18: {  	[tilespmem:s12], [sflag:$0x1] =	stream.linear.gather [hbm4b:s4+s3], $0x80, $0x38;
	[tilespmem:$0x2B00] =	vst v63  }
0x19: {  	_ =	swait.ge [sflag:s11], $0x80  }
0x1a: {  	[sflag:s11] =	ssyncset.done $0x0  }
0x1b: {  	[sflag:s11] =	ssyncadd.s32 $0xFFFFFF80  }
0x1c: {  	s17 =	simm.s32 $0x0;
	[bflag:$0x0] =	sbarrier.arrive $0xFFFF  }
0x1d: {  	[spmem:s2] =	stream.indirect.scatter.add.f32 [tilespmem:s12], [sflag:$0x1], $0x1, s17, s13, $0xb8;
	[tilespmem:$0x2B00] =	vst v63  }
0x1e: {  	_ =	swait.ge [sflag:s11], $0x80  }
0x1f: {  	s17 =	simm.s32 $0x200;
	[sflag:s11] =	ssyncset.done $0x0  }
.LBB2_2:
0x20: {  	s18 =	sshra.s32 s17, $0x2;
	[sflag:s11] =	ssyncadd.s32 $0xFFFFFF80;
	p0 =	sne.s32 s17, $0x9E00  }
0x21: {  	[spmem:s2] =	stream.indirect.scatter.add.f32 [tilespmem:s12], [sflag:$0x1], $0x1, s18, s13, $0xb8;
	[tilespmem:$0x2B00] =	vst v63  }
.Ltmp0:
0x22: {  	_ = 	snop;
	(pc) =	sbr.rel @p0 .LBB2_2-.Ltmp0, $4  }
0x23: {  	_ = 	snop  }
0x24: {  	s17 =	sadd.s32 $0x200, s17  }
0x25: {  	_ =	swait.ge [sflag:s11], $0x80  }
0x26: {  	[sflag:s11] =	ssyncset.done $0x0  }
0x27: {  	s16 =	sadd.s32 $0x1, s16  }
0x28: {  	[sflag:s11] =	ssyncadd.s32 $0xFFFFFF80;
	p0 =	sne.s32 s16, s9  }
.Ltmp1:
0x29: {  	[bflag:$0x0] =	sbarrier.arrive $0xFFFF;
	(pc) =	sbr.rel @p0 .LBB2_1-.Ltmp1, $4  }
0x2a: {  	[hbm:s8@s14], [sflag:s6] =	dma.strided [spmem:s10@s15], $0x50, s11, $0x10   }
0x2b: {  	_ =	swait.ge [sflag:s11], $0x50  }
0x2c: {  	[sflag:s11] =	ssyncset.done $0x0  }
0x2d: {  	[sflag:s11] =	ssyncadd.s32 $0xFFFFFFB0  }
0x2e: {  	_ =	sfence.sel $0x180000  }
0x2f: {  	[bflag:$0x0] =	sbarrier.arrive $0xFFFF  }
0x30: {  	p0 =	sne.s32 s1, $0x0;
	_ =	strace $0x90000047  }
0x31: {  	s0 =	sadd.s32 @!p0 $0x100000, s0;
	[bflag:$0x2] =	sbarrier.arrive $0xFFFF  }
0x32: {  	[sflag:s0] =	ssyncadd.tile.s32 @!p0 $0x1;
	_ =	shalt  }
.Lfunc_end2:
_tile_overlayer_lowered:
.L_overlay_start_2:
0x33: {  	(tag) =	ssettag $0x2  }
0x34: {  	s0 =	rddreg [dreg:$0x0];
	s2 =	stileid.u32  }
0x35: {  	s1 =	rddreg [dreg:$0x1];
	p0 =	sne.s32 s2, $0x0  }
0x36: {  	s3 =	rddreg [dreg:$0x2];
	[bflag:$0x3] =	sbarrier.arrive $0xFFFF;
	s2 =	simm.s32 @!p0 $0x1C01  }
0x37: {  	[timem:s3], [sflag:s2] =	dma.local @!p0 [hbm:s0], s1  }
0x38: {  	s0 =	simm.s32 @!p0 $0x1  }
0x39: {  	_ =	swait.ge @!p0 [sflag:s0], s1  }
0x3a: {  	s1 =	ssub.s32 @!p0 $0x0, s1;
	[sflag:s0] =	ssyncset.done @!p0 $0x0  }
0x3b: {  	[sflag:s0] =	ssyncadd.s32 @!p0 s1  }
0x3c: {  	[bflag:$0x3] =	sbarrier.arrive $0xFFFF  }
0x3d: {  	_ =	shalt  }

</sc_bundles>
